<compile_context>
chip_gen: v7x
topology: tpu7x:2x2x1
jax: 0.10.2.dev20260603
libtpu: 0.0.44.dev20260713+nightly
codegen_flags: <defaults>
</compile_context>

<pallas_src>
import functools

import jax
import jax.numpy as jnp
from jax import lax
from jax.experimental import pallas as pl
from jax.experimental.pallas import tpu as pltpu
from jax.experimental.pallas import tpu_sc as plsc

N = 10000
E = 320000
D = 128
H = 3
OUT = 128
ATTN_NEG_SLOPE = 0.2
ACT_NEG_SLOPE = 0.01

NC = 2
NS = 16
LANES = 16

HALF = (H * OUT) // NC
TCB = 1000

KA = 80
EPT_A = E // (NC * NS)
NCH_A = EPT_A // KA
RPT = N // NS
ZRA = 25

KB = 16
SKB = 80
EPT_B = E // NS
NSCH_B = EPT_B // SKB
ZRB = 5


def _tc1_body(x_ref, w_ref, alr_ref, z_ref, elr_ref):
    z = jnp.dot(x_ref[...], w_ref[...], preferred_element_type=jnp.float32, precision=lax.Precision.HIGHEST)
    z_ref[...] = z
    elr_ref[...] = jnp.dot(z, alr_ref[...], preferred_element_type=jnp.float32, precision=lax.Precision.HIGHEST)


def _tc1(x, W, ALR):
    return pl.pallas_call(
        _tc1_body,
        grid=(N // TCB,),
        in_specs=[
            pl.BlockSpec((TCB, D), lambda i: (i, 0)),
            pl.BlockSpec((D, H * OUT), lambda i: (0, 0)),
            pl.BlockSpec((H * OUT, LANES), lambda i: (0, 0)),
        ],
        out_specs=[
            pl.BlockSpec((TCB, H * OUT), lambda i: (i, 0)),
            pl.BlockSpec((TCB, LANES), lambda i: (i, 0)),
        ],
        out_shape=[
            jax.ShapeDtypeStruct((N, H * OUT), jnp.float32),
            jax.ShapeDtypeStruct((N, LANES), jnp.float32),
        ],
    )(x, W, ALR)


def _sca_body(elr, src, dst, w_out, s_out,
              srcb, dstb, elsrc, erdst, wstage, stail, accs, sem):
    c = lax.axis_index("c")
    t = lax.axis_index("s")
    row0 = t * RPT

    for r in range(KA):
        stail[r, pl.ds(0, LANES)] = jnp.zeros((LANES,), jnp.float32)

    def zcopy(j, _):
        pltpu.sync_copy(stail.at[pl.ds(0, ZRA)],
                        accs.at[pl.ds(row0 + j * ZRA, ZRA)])
        return 0
    lax.fori_loop(0, RPT // ZRA, zcopy, 0)
    plsc.subcore_barrier()

    base = c * (NS * EPT_A) + t * EPT_A
    rows0 = lax.iota(jnp.int32, LANES)
    czero = jnp.zeros((LANES,), jnp.int32)

    def chunk(j, _):
        e0 = base + j * KA
        pltpu.sync_copy(src.at[pl.ds(e0, KA)], srcb)
        pltpu.sync_copy(dst.at[pl.ds(e0, KA)], dstb)
        pltpu.async_copy(elr.at[srcb], elsrc, sem).wait()
        pltpu.async_copy(elr.at[dstb], erdst, sem).wait()
        for v in range(KA // LANES):
            rows = rows0 + (v * LANES)
            for h in range(H):
                el = plsc.load_gather(elsrc, [rows, czero + h])
                er = plsc.load_gather(erdst, [rows, czero + (H + h)])
                e = el + er
                e = jnp.where(e >= 0.0, e, e * ATTN_NEG_SLOPE)
                w = jnp.exp(e)
                plsc.store_scatter(wstage, [rows, czero + h], w)
                plsc.store_scatter(stail, [rows, czero + h], w)
        pltpu.sync_copy(wstage, w_out.at[pl.ds(e0, KA)])
        for v in range(KA // LANES):
            dv = dstb[pl.ds(v * LANES, LANES)]
            pltpu.sync_copy(stail.at[pl.ds(v * LANES, LANES)],
                            accs.at[dv], add=True)
        return 0
    lax.fori_loop(0, NCH_A, chunk, 0)
    plsc.subcore_barrier()

    pltpu.sync_copy(accs.at[pl.ds(row0, RPT)],
                    s_out.at[c, pl.ds(row0, RPT)])


def _sc_weights(elr, src, dst):
    mesh = plsc.VectorSubcoreMesh(
        core_axis_name="c", subcore_axis_name="s",
        num_cores=NC, num_subcores=NS)
    kfn = functools.partial(
        pl.kernel,
        mesh=mesh,
        compiler_params=pltpu.CompilerParams(
            use_tc_tiling_on_sc=False, needs_layout_passes=False),
        out_type=[
            jax.ShapeDtypeStruct((E, 4), jnp.float32),
            jax.ShapeDtypeStruct((NC, N, LANES), jnp.float32),
        ],
        scratch_types=[
            pltpu.VMEM((KA,), jnp.int32),
            pltpu.VMEM((KA,), jnp.int32),
            pltpu.VMEM((KA, LANES), jnp.float32),
            pltpu.VMEM((KA, LANES), jnp.float32),
            pltpu.VMEM((KA, 4), jnp.float32),
            pltpu.VMEM((KA, LANES), jnp.float32),
            pltpu.VMEM_SHARED((N, LANES), jnp.float32),
            pltpu.SemaphoreType.DMA,
        ],
    )(_sca_body)
    return kfn(elr, src, dst)


def _scb_body(z2, src, dst, w4, acc_out,
              srcb, dstb, wch, zrows, outr, zbuf, acc, sem0, sem1, sems_out):
    c = lax.axis_index("c")
    t = lax.axis_index("s")
    row0 = t * RPT
    sems = (sem0, sem1)

    for r in range(ZRB):
        for k in range(HALF // LANES):
            zbuf[r, pl.ds(k * LANES, LANES)] = jnp.zeros((LANES,), jnp.float32)

    def zcopy(j, _):
        pltpu.sync_copy(zbuf, acc.at[pl.ds(row0 + j * ZRB, ZRB)])
        return 0
    lax.fori_loop(0, RPT // ZRB, zcopy, 0)
    plsc.subcore_barrier()

    def zoutr(r, _):
        for k in range(HALF // LANES):
            outr[r, pl.ds(k * LANES, LANES)] = jnp.zeros((LANES,), jnp.float32)
        return 0
    lax.fori_loop(0, KB, zoutr, 0)
    base = t * EPT_B
    czero = jnp.zeros((LANES,), jnp.int32)
    rows16 = lax.iota(jnp.int32, LANES)
    pltpu.async_copy(outr, acc.at[czero], sems_out, add=True)
    bnd = 8 - 4 * c

    def gather(ci):
        return pltpu.async_copy(
            z2.at[srcb.at[pl.ds(ci * KB, KB)]],
            zrows.at[ci % 2], sems[ci % 2])

    def superchunk(j, _):
        e0 = base + j * SKB
        pltpu.sync_copy(src.at[pl.ds(e0, SKB)], srcb)
        pltpu.sync_copy(dst.at[pl.ds(e0, SKB)], dstb)
        pltpu.sync_copy(w4.at[pl.ds(e0, SKB)], wch)
        for v in range(SKB // LANES):
            sl = pl.ds(v * LANES, LANES)
            srcb[sl] = srcb[sl] * 2 + c
        descs = {0: gather(0)}
        for ci in range(SKB // KB):
            if ci + 1 < SKB // KB:
                descs[ci + 1] = gather(ci + 1)
            descs[ci].wait()
            dv = dstb[pl.ds(ci * KB, KB)]
            pltpu.make_async_copy(outr, acc.at[dv], sems_out).wait()

            def edge(i, _):
                ii = czero + (ci * KB + i)
                wlo = plsc.load_gather(wch, [ii, czero + c])
                whi = plsc.load_gather(wch, [ii, czero + (c + 1)])
                for r in range(HALF // LANES):
                    zv = zrows[ci % 2, i, pl.ds(r * LANES, LANES)]
                    wv = jnp.where(r < bnd, wlo, whi)
                    outr[i, pl.ds(r * LANES, LANES)] = zv * wv
                return 0
            lax.fori_loop(0, KB, edge, 0)
            pltpu.async_copy(outr, acc.at[dv], sems_out, add=True)
        return 0
    lax.fori_loop(0, NSCH_B, superchunk, 0)
    pltpu.make_async_copy(outr, acc.at[czero], sems_out).wait()
    plsc.subcore_barrier()

    pltpu.sync_copy(acc.at[pl.ds(row0, RPT)],
                    acc_out.at[c, pl.ds(row0, RPT)])


def _sc_aggregate(z2, src, dst, w4):
    mesh = plsc.VectorSubcoreMesh(
        core_axis_name="c", subcore_axis_name="s",
        num_cores=NC, num_subcores=NS)
    kfn = functools.partial(
        pl.kernel,
        mesh=mesh,
        compiler_params=pltpu.CompilerParams(
            use_tc_tiling_on_sc=False, needs_layout_passes=False),
        out_type=jax.ShapeDtypeStruct((NC, N, HALF), jnp.float32),
        scratch_types=[
            pltpu.VMEM((SKB,), jnp.int32),
            pltpu.VMEM((SKB,), jnp.int32),
            pltpu.VMEM((SKB, 4), jnp.float32),
            pltpu.VMEM((2, KB, HALF), jnp.float32),
            pltpu.VMEM((KB, HALF), jnp.float32),
            pltpu.VMEM((ZRB, HALF), jnp.float32),
            pltpu.VMEM_SHARED((N, HALF), jnp.float32),
            pltpu.SemaphoreType.DMA,
            pltpu.SemaphoreType.DMA,
            pltpu.SemaphoreType.DMA,
        ],
    )(_scb_body)
    return kfn(z2, src, dst, w4)


def _tc2_body(a0_ref, a1_ref, s0_ref, s1_ref, wl_ref, bl_ref, out_ref):
    a0 = a0_ref[...]
    a1 = a1_ref[...]
    s = s0_ref[:, 0:H] + s1_ref[:, 0:H]
    sinv = 1.0 / (s + 1e-9)

    def act(p):
        return jnp.where(p >= 0.0, p, p * ACT_NEG_SLOPE)

    p0 = act(a0[:, 0:128] * sinv[:, 0:1])
    p1a = act(a0[:, 128:192] * sinv[:, 1:2])
    p1b = act(a1[:, 0:64] * sinv[:, 1:2])
    p2 = act(a1[:, 64:192] * sinv[:, 2:3])
    acc = jnp.dot(p0, wl_ref[0:128, :], preferred_element_type=jnp.float32, precision=lax.Precision.HIGHEST)
    acc += jnp.dot(p1a, wl_ref[128:192, :], preferred_element_type=jnp.float32, precision=lax.Precision.HIGHEST)
    acc += jnp.dot(p1b, wl_ref[192:256, :], preferred_element_type=jnp.float32, precision=lax.Precision.HIGHEST)
    acc += jnp.dot(p2, wl_ref[256:384, :], preferred_element_type=jnp.float32, precision=lax.Precision.HIGHEST)
    out_ref[...] = acc + bl_ref[...]


def _tc2(acc0, acc1, s0, s1, Wlin, blin2):
    return pl.pallas_call(
        _tc2_body,
        grid=(N // TCB,),
        in_specs=[
            pl.BlockSpec((TCB, HALF), lambda i: (i, 0)),
            pl.BlockSpec((TCB, HALF), lambda i: (i, 0)),
            pl.BlockSpec((TCB, LANES), lambda i: (i, 0)),
            pl.BlockSpec((TCB, LANES), lambda i: (i, 0)),
            pl.BlockSpec((H * OUT, OUT), lambda i: (0, 0)),
            pl.BlockSpec((1, OUT), lambda i: (0, 0)),
        ],
        out_specs=pl.BlockSpec((TCB, OUT), lambda i: (i, 0)),
        out_shape=jax.ShapeDtypeStruct((N, OUT), jnp.float32),
    )(acc0, acc1, s0, s1, Wlin, blin2)


def kernel(x, edge_index, emb_dict, W, attn_l, attn_r, Wlin, blin):
    src = edge_index[0]
    dst = edge_index[1]

    ALR = jnp.zeros((H * OUT, LANES), jnp.float32)
    for h in range(H):
        ALR = ALR.at[h * OUT:(h + 1) * OUT, h].set(attn_l[h])
        ALR = ALR.at[h * OUT:(h + 1) * OUT, H + h].set(attn_r[h])

    z, elr = _tc1(x, W, ALR)
    z2 = z.reshape(NC * N, HALF)
    w4, s_parts = _sc_weights(elr, src, dst)
    accs = _sc_aggregate(z2, src, dst, w4)
    out = _tc2(accs[0], accs[1], s_parts[0], s_parts[1],
               Wlin, blin.reshape(1, OUT))
    return out

# --- scband reference (transcript-rebuilt; emitter-appended) ---
"""Pipeline reference for scband-gatencoder-11862699671797 (READ-ONLY COPY).

The authoritative reference and input builder live on the scoring server;
editing this copy changes nothing except your own understanding.
"""

import jax, jax.numpy as jnp
import numpy as np

N = 10000
E = 320000
D = 128
H = 3
OUT = 128
ATTN_NEG_SLOPE = 0.2
ACT_NEG_SLOPE = 0.01


def setup_inputs(seed: int = 0) -> dict:
    key = jax.random.key(seed)
    ks = jax.random.split(key, 8)
    x = jax.random.normal(ks[0], (N, D), dtype=jnp.float32)
    edge_index = jax.random.randint(ks[1], (2, E), 0, N, dtype=jnp.int32)
    # learned parameters (GATConv fc, attn_l, attn_r; final linear)
    W = jax.random.normal(ks[2], (D, H * OUT), dtype=jnp.float32) * 0.05
    attn_l = jax.random.normal(ks[3], (H, OUT), dtype=jnp.float32) * 0.05
    attn_r = jax.random.normal(ks[4], (H, OUT), dtype=jnp.float32) * 0.05
    Wlin = jax.random.normal(ks[5], (H * OUT, OUT), dtype=jnp.float32) * 0.05
    blin = jnp.zeros((OUT,), dtype=jnp.float32)
    emb_dict = 0  # unused on the homogeneous-graph path
    return {"x": x, "edge_index": edge_index, "emb_dict": emb_dict,
            "W": W, "attn_l": attn_l, "attn_r": attn_r,
            "Wlin": Wlin, "blin": blin}


def reference(x, edge_index, emb_dict, W, attn_l, attn_r, Wlin, blin):
    src = edge_index[0]
    dst = edge_index[1]
    # GATConv layer (DGL-style, single layer, num_heads=3)
    z = (x @ W).reshape(N, H, OUT)                       # [N, H, OUT]
    el = jnp.sum(z * attn_l[None, :, :], axis=-1)        # [N, H]
    er = jnp.sum(z * attn_r[None, :, :], axis=-1)        # [N, H]
    e = jax.nn.leaky_relu(el[src] + er[dst], ATTN_NEG_SLOPE)  # [E, H]
    # edge softmax over incoming edges of each dst node
    m = jax.ops.segment_max(e, dst, num_segments=N)      # [N, H]
    m = jnp.where(jnp.isfinite(m), m, 0.0)
    ex = jnp.exp(e - m[dst])                             # [E, H]
    s = jax.ops.segment_sum(ex, dst, num_segments=N)     # [N, H]
    alpha = ex / (s[dst] + 1e-9)                         # [E, H]
    msg = z[src] * alpha[:, :, None]                     # [E, H, OUT]
    h = jax.ops.segment_sum(msg, dst, num_segments=N)    # [N, H, OUT]
    h = jax.nn.leaky_relu(h, ACT_NEG_SLOPE)              # layer activation
    h = h.reshape(N, H * OUT)
    out = h @ Wlin + blin                                # final linear
    return out

if __name__ == "__main__":
    import jax
    _d = setup_inputs()
    print(jax.jit(kernel)(*tuple(_d.values())))

</pallas_src>

<mosaic_0001>
#map = affine_map<(d0, d1) -> (0, 0)>
#map1 = affine_map<(d0, d1) -> (0)>
#map2 = affine_map<(d0, d1) -> (0, 0, 0)>
module attributes {stable_mosaic.version = 14 : i64} {
  func.func @_scb_body(%arg0: i32, %arg1: i32, %arg2: memref<20000x192xf32, #tpu.memory_space<hbm>>, %arg3: memref<320000xi32, #tpu.memory_space<hbm>>, %arg4: memref<320000xi32, #tpu.memory_space<hbm>>, %arg5: memref<320000x4xf32, #tpu.memory_space<hbm>>, %arg6: memref<2x10000x192xf32, #tpu.memory_space<hbm>>, %arg7: memref<80xi32, #tpu.memory_space<vmem>>, %arg8: memref<80xi32, #tpu.memory_space<vmem>>, %arg9: memref<80x4xf32, #tpu.memory_space<vmem>>, %arg10: memref<2x16x192xf32, #tpu.memory_space<vmem>>, %arg11: memref<16x192xf32, #tpu.memory_space<vmem>>, %arg12: memref<5x192xf32, #tpu.memory_space<vmem>>, %arg13: memref<10000x192xf32, #tpu.memory_space<vmem_shared>>, %arg14: memref<!tpu.dma_semaphore, #tpu.memory_space<semaphore_mem>>, %arg15: memref<!tpu.dma_semaphore, #tpu.memory_space<semaphore_mem>>, %arg16: memref<!tpu.dma_semaphore, #tpu.memory_space<semaphore_mem>>) attributes {dimension_semantics = [#tpu.dimension_semantics<core_parallel>, #tpu.dimension_semantics<subcore_parallel>], iteration_bounds = array<i64: 2, 16>, scalar_prefetch = 0 : i64, scratch_operands = 10 : i64, tpu.core_type = #tpu.core_type<sc_vector_subcore>, window_params = [{transform_indices = #map}, {transform_indices = #map1}, {transform_indices = #map1}, {transform_indices = #map}, {transform_indices = #map2}]} {
    %mul3A = arith.constant 625 : i32
    %mul3A_0 = arith.muli %arg1, %mul3A : i32
    %broadcast_in_dim3A = arith.constant 0.000000e+00 : f32
    %broadcast_in_dim3A_1 = vector.broadcast %broadcast_in_dim3A : f32 to vector<16xf32>
    %swap3A = arith.constant 0 : i32
    %swap3A_2 = arith.index_cast %swap3A : i32 to index
    %swap3A_3 = arith.constant 0 : index
    %swap3A_4 = tpu.vector_load %arg12[%swap3A_2, %swap3A_3] {strides = array<i32>} : memref<5x192xf32, #tpu.memory_space<vmem>>, vector<16xf32>,
    tpu.vector_store %arg12[%swap3A_2, %swap3A_3], %broadcast_in_dim3A_1 {strides = array<i32>} : memref<5x192xf32, #tpu.memory_space<vmem>>, vector<16xf32>,
    %broadcast_in_dim3A_5 = arith.constant 0.000000e+00 : f32
    %broadcast_in_dim3A_6 = vector.broadcast %broadcast_in_dim3A_5 : f32 to vector<16xf32>
    %swap3A_7 = arith.constant 0 : i32
    %swap3A_8 = arith.index_cast %swap3A_7 : i32 to index
    %swap3A_9 = arith.constant 16 : index
    %swap3A_10 = tpu.vector_load %arg12[%swap3A_8, %swap3A_9] {strides = array<i32>} : memref<5x192xf32, #tpu.memory_space<vmem>>, vector<16xf32>,
    tpu.vector_store %arg12[%swap3A_8, %swap3A_9], %broadcast_in_dim3A_6 {strides = array<i32>} : memref<5x192xf32, #tpu.memory_space<vmem>>, vector<16xf32>,
    %broadcast_in_dim3A_11 = arith.constant 0.000000e+00 : f32
    %broadcast_in_dim3A_12 = vector.broadcast %broadcast_in_dim3A_11 : f32 to vector<16xf32>
    %swap3A_13 = arith.constant 0 : i32
    %swap3A_14 = arith.index_cast %swap3A_13 : i32 to index
    %swap3A_15 = arith.constant 32 : index
    %swap3A_16 = tpu.vector_load %arg12[%swap3A_14, %swap3A_15] {strides = array<i32>} : memref<5x192xf32, #tpu.memory_space<vmem>>, vector<16xf32>,
    tpu.vector_store %arg12[%swap3A_14, %swap3A_15], %broadcast_in_dim3A_12 {strides = array<i32>} : memref<5x192xf32, #tpu.memory_space<vmem>>, vector<16xf32>,
    %broadcast_in_dim3A_17 = arith.constant 0.000000e+00 : f32
    %broadcast_in_dim3A_18 = vector.broadcast %broadcast_in_dim3A_17 : f32 to vector<16xf32>
    %swap3A_19 = arith.constant 0 : i32
    %swap3A_20 = arith.index_cast %swap3A_19 : i32 to index
    %swap3A_21 = arith.constant 48 : index
    %swap3A_22 = tpu.vector_load %arg12[%swap3A_20, %swap3A_21] {strides = array<i32>} : memref<5x192xf32, #tpu.memory_space<vmem>>, vector<16xf32>,
    tpu.vector_store %arg12[%swap3A_20, %swap3A_21], %broadcast_in_dim3A_18 {strides = array<i32>} : memref<5x192xf32, #tpu.memory_space<vmem>>, vector<16xf32>,
    %broadcast_in_dim3A_23 = arith.constant 0.000000e+00 : f32
    %broadcast_in_dim3A_24 = vector.broadcast %broadcast_in_dim3A_23 : f32 to vector<16xf32>
    %swap3A_25 = arith.constant 0 : i32
    %swap3A_26 = arith.index_cast %swap3A_25 : i32 to index
    %swap3A_27 = arith.constant 64 : index
    %swap3A_28 = tpu.vector_load %arg12[%swap3A_26, %swap3A_27] {strides = array<i32>} : memref<5x192xf32, #tpu.memory_space<vmem>>, vector<16xf32>,
    tpu.vector_store %arg12[%swap3A_26, %swap3A_27], %broadcast_in_dim3A_24 {strides = array<i32>} : memref<5x192xf32, #tpu.memory_space<vmem>>, vector<16xf32>,
    %broadcast_in_dim3A_29 = arith.constant 0.000000e+00 : f32
    %broadcast_in_dim3A_30 = vector.broadcast %broadcast_in_dim3A_29 : f32 to vector<16xf32>
    %swap3A_31 = arith.constant 0 : i32
    %swap3A_32 = arith.index_cast %swap3A_31 : i32 to index
    %swap3A_33 = arith.constant 80 : index
    %swap3A_34 = tpu.vector_load %arg12[%swap3A_32, %swap3A_33] {strides = array<i32>} : memref<5x192xf32, #tpu.memory_space<vmem>>, vector<16xf32>,
    tpu.vector_store %arg12[%swap3A_32, %swap3A_33], %broadcast_in_dim3A_30 {strides = array<i32>} : memref<5x192xf32, #tpu.memory_space<vmem>>, vector<16xf32>,
    %broadcast_in_dim3A_35 = arith.constant 0.000000e+00 : f32
    %broadcast_in_dim3A_36 = vector.broadcast %broadcast_in_dim3A_35 : f32 to vector<16xf32>
    %swap3A_37 = arith.constant 0 : i32
    %swap3A_38 = arith.index_cast %swap3A_37 : i32 to index
    %swap3A_39 = arith.constant 96 : index
    %swap3A_40 = tpu.vector_load %arg12[%swap3A_38, %swap3A_39] {strides = array<i32>} : memref<5x192xf32, #tpu.memory_space<vmem>>, vector<16xf32>,
    tpu.vector_store %arg12[%swap3A_38, %swap3A_39], %broadcast_in_dim3A_36 {strides = array<i32>} : memref<5x192xf32, #tpu.memory_space<vmem>>, vector<16xf32>,
    %broadcast_in_dim3A_41 = arith.constant 0.000000e+00 : f32
    %broadcast_in_dim3A_42 = vector.broadcast %broadcast_in_dim3A_41 : f32 to vector<16xf32>
    %swap3A_43 = arith.constant 0 : i32
    %swap3A_44 = arith.index_cast %swap3A_43 : i32 to index
    %swap3A_45 = arith.constant 112 : index
    %swap3A_46 = tpu.vector_load %arg12[%swap3A_44, %swap3A_45] {strides = array<i32>} : memref<5x192xf32, #tpu.memory_space<vmem>>, vector<16xf32>,
    tpu.vector_store %arg12[%swap3A_44, %swap3A_45], %broadcast_in_dim3A_42 {strides = array<i32>} : memref<5x192xf32, #tpu.memory_space<vmem>>, vector<16xf32>,
    %broadcast_in_dim3A_47 = arith.constant 0.000000e+00 : f32
    %broadcast_in_dim3A_48 = vector.broadcast %broadcast_in_dim3A_47 : f32 to vector<16xf32>
    %swap3A_49 = arith.constant 0 : i32
    %swap3A_50 = arith.index_cast %swap3A_49 : i32 to index
    %swap3A_51 = arith.constant 128 : index
    %swap3A_52 = tpu.vector_load %arg12[%swap3A_50, %swap3A_51] {strides = array<i32>} : memref<5x192xf32, #tpu.memory_space<vmem>>, vector<16xf32>,
    tpu.vector_store %arg12[%swap3A_50, %swap3A_51], %broadcast_in_dim3A_48 {strides = array<i32>} : memref<5x192xf32, #tpu.memory_space<vmem>>, vector<16xf32>,
    %broadcast_in_dim3A_53 = arith.constant 0.000000e+00 : f32
    %broadcast_in_dim3A_54 = vector.broadcast %broadcast_in_dim3A_53 : f32 to vector<16xf32>
    %swap3A_55 = arith.constant 0 : i32
    %swap3A_56 = arith.index_cast %swap3A_55 : i32 to index
    %swap3A_57 = arith.constant 144 : index
    %swap3A_58 = tpu.vector_load %arg12[%swap3A_56, %swap3A_57] {strides = array<i32>} : memref<5x192xf32, #tpu.memory_space<vmem>>, vector<16xf32>,
    tpu.vector_store %arg12[%swap3A_56, %swap3A_57], %broadcast_in_dim3A_54 {strides = array<i32>} : memref<5x192xf32, #tpu.memory_space<vmem>>, vector<16xf32>,
    %broadcast_in_dim3A_59 = arith.constant 0.000000e+00 : f32
    %broadcast_in_dim3A_60 = vector.broadcast %broadcast_in_dim3A_59 : f32 to vector<16xf32>
    %swap3A_61 = arith.constant 0 : i32
    %swap3A_62 = arith.index_cast %swap3A_61 : i32 to index
    %swap3A_63 = arith.constant 160 : index
    %swap3A_64 = tpu.vector_load %arg12[%swap3A_62, %swap3A_63] {strides = array<i32>} : memref<5x192xf32, #tpu.memory_space<vmem>>, vector<16xf32>,
    tpu.vector_store %arg12[%swap3A_62, %swap3A_63], %broadcast_in_dim3A_60 {strides = array<i32>} : memref<5x192xf32, #tpu.memory_space<vmem>>, vector<16xf32>,
    %broadcast_in_dim3A_65 = arith.constant 0.000000e+00 : f32
    %broadcast_in_dim3A_66 = vector.broadcast %broadcast_in_dim3A_65 : f32 to vector<16xf32>
    %swap3A_67 = arith.constant 0 : i32
    %swap3A_68 = arith.index_cast %swap3A_67 : i32 to index
    %swap3A_69 = arith.constant 176 : index
    %swap3A_70 = tpu.vector_load %arg12[%swap3A_68, %swap3A_69] {strides = array<i32>} : memref<5x192xf32, #tpu.memory_space<vmem>>, vector<16xf32>,
    tpu.vector_store %arg12[%swap3A_68, %swap3A_69], %broadcast_in_dim3A_66 {strides = array<i32>} : memref<5x192xf32, #tpu.memory_space<vmem>>, vector<16xf32>,
    %broadcast_in_dim3A_71 = arith.constant 0.000000e+00 : f32
    %broadcast_in_dim3A_72 = vector.broadcast %broadcast_in_dim3A_71 : f32 to vector<16xf32>
    %swap3A_73 = arith.constant 1 : i32
    %swap3A_74 = arith.index_cast %swap3A_73 : i32 to index
    %swap3A_75 = arith.constant 0 : index
    %swap3A_76 = tpu.vector_load %arg12[%swap3A_74, %swap3A_75] {strides = array<i32>} : memref<5x192xf32, #tpu.memory_space<vmem>>, vector<16xf32>,
    tpu.vector_store %arg12[%swap3A_74, %swap3A_75], %broadcast_in_dim3A_72 {strides = array<i32>} : memref<5x192xf32, #tpu.memory_space<vmem>>, vector<16xf32>,
    %broadcast_in_dim3A_77 = arith.constant 0.000000e+00 : f32
    %broadcast_in_dim3A_78 = vector.broadcast %broadcast_in_dim3A_77 : f32 to vector<16xf32>
    %swap3A_79 = arith.constant 1 : i32
    %swap3A_80 = arith.index_cast %swap3A_79 : i32 to index
    %swap3A_81 = arith.constant 16 : index
    %swap3A_82 = tpu.vector_load %arg12[%swap3A_80, %swap3A_81] {strides = array<i32>} : memref<5x192xf32, #tpu.memory_space<vmem>>, vector<16xf32>,
    tpu.vector_store %arg12[%swap3A_80, %swap3A_81], %broadcast_in_dim3A_78 {strides = array<i32>} : memref<5x192xf32, #tpu.memory_space<vmem>>, vector<16xf32>,
    %broadcast_in_dim3A_83 = arith.constant 0.000000e+00 : f32
    %broadcast_in_dim3A_84 = vector.broadcast %broadcast_in_dim3A_83 : f32 to vector<16xf32>
    %swap3A_85 = arith.constant 1 : i32
    %swap3A_86 = arith.index_cast %swap3A_85 : i32 to index
    %swap3A_87 = arith.constant 32 : index
    %swap3A_88 = tpu.vector_load %arg12[%swap3A_86, %swap3A_87] {strides = array<i32>} : memref<5x192xf32, #tpu.memory_space<vmem>>, vector<16xf32>,
    tpu.vector_store %arg12[%swap3A_86, %swap3A_87], %broadcast_in_dim3A_84 {strides = array<i32>} : memref<5x192xf32, #tpu.memory_space<vmem>>, vector<16xf32>,
    %broadcast_in_dim3A_89 = arith.constant 0.000000e+00 : f32
    %broadcast_in_dim3A_90 = vector.broadcast %broadcast_in_dim3A_89 : f32 to vector<16xf32>
    %swap3A_91 = arith.constant 1 : i32
    %swap3A_92 = arith.index_cast %swap3A_91 : i32 to index
    %swap3A_93 = arith.constant 48 : index
    %swap3A_94 = tpu.vector_load %arg12[%swap3A_92, %swap3A_93] {strides = array<i32>} : memref<5x192xf32, #tpu.memory_space<vmem>>, vector<16xf32>,
    tpu.vector_store %arg12[%swap3A_92, %swap3A_93], %broadcast_in_dim3A_90 {strides = array<i32>} : memref<5x192xf32, #tpu.memory_space<vmem>>, vector<16xf32>,
    %broadcast_in_dim3A_95 = arith.constant 0.000000e+00 : f32
    %broadcast_in_dim3A_96 = vector.broadcast %broadcast_in_dim3A_95 : f32 to vector<16xf32>
    %swap3A_97 = arith.constant 1 : i32
    %swap3A_98 = arith.index_cast %swap3A_97 : i32 to index
    %swap3A_99 = arith.constant 64 : index
    %swap3A_100 = tpu.vector_load %arg12[%swap3A_98, %swap3A_99] {strides = array<i32>} : memref<5x192xf32, #tpu.memory_space<vmem>>, vector<16xf32>,
    tpu.vector_store %arg12[%swap3A_98, %swap3A_99], %broadcast_in_dim3A_96 {strides = array<i32>} : memref<5x192xf32, #tpu.memory_space<vmem>>, vector<16xf32>,
    %broadcast_in_dim3A_101 = arith.constant 0.000000e+00 : f32
    %broadcast_in_dim3A_102 = vector.broadcast %broadcast_in_dim3A_101 : f32 to vector<16xf32>
    %swap3A_103 = arith.constant 1 : i32
    %swap3A_104 = arith.index_cast %swap3A_103 : i32 to index
    %swap3A_105 = arith.constant 80 : index
    %swap3A_106 = tpu.vector_load %arg12[%swap3A_104, %swap3A_105] {strides = array<i32>} : memref<5x192xf32, #tpu.memory_space<vmem>>, vector<16xf32>,
    tpu.vector_store %arg12[%swap3A_104, %swap3A_105], %broadcast_in_dim3A_102 {strides = array<i32>} : memref<5x192xf32, #tpu.memory_space<vmem>>, vector<16xf32>,
    %broadcast_in_dim3A_107 = arith.constant 0.000000e+00 : f32
    %broadcast_in_dim3A_108 = vector.broadcast %broadcast_in_dim3A_107 : f32 to vector<16xf32>
    %swap3A_109 = arith.constant 1 : i32
    %swap3A_110 = arith.index_cast %swap3A_109 : i32 to index
    %swap3A_111 = arith.constant 96 : index
    %swap3A_112 = tpu.vector_load %arg12[%swap3A_110, %swap3A_111] {strides = array<i32>} : memref<5x192xf32, #tpu.memory_space<vmem>>, vector<16xf32>,
    tpu.vector_store %arg12[%swap3A_110, %swap3A_111], %broadcast_in_dim3A_108 {strides = array<i32>} : memref<5x192xf32, #tpu.memory_space<vmem>>, vector<16xf32>,
    %broadcast_in_dim3A_113 = arith.constant 0.000000e+00 : f32
    %broadcast_in_dim3A_114 = vector.broadcast %broadcast_in_dim3A_113 : f32 to vector<16xf32>
    %swap3A_115 = arith.constant 1 : i32
    %swap3A_116 = arith.index_cast %swap3A_115 : i32 to index
    %swap3A_117 = arith.constant 112 : index
    %swap3A_118 = tpu.vector_load %arg12[%swap3A_116, %swap3A_117] {strides = array<i32>} : memref<5x192xf32, #tpu.memory_space<vmem>>, vector<16xf32>,
    tpu.vector_store %arg12[%swap3A_116, %swap3A_117], %broadcast_in_dim3A_114 {strides = array<i32>} : memref<5x192xf32, #tpu.memory_space<vmem>>, vector<16xf32>,
    %broadcast_in_dim3A_119 = arith.constant 0.000000e+00 : f32
    %broadcast_in_dim3A_120 = vector.broadcast %broadcast_in_dim3A_119 : f32 to vector<16xf32>
    %swap3A_121 = arith.constant 1 : i32
    %swap3A_122 = arith.index_cast %swap3A_121 : i32 to index
    %swap3A_123 = arith.constant 128 : index
    %swap3A_124 = tpu.vector_load %arg12[%swap3A_122, %swap3A_123] {strides = array<i32>} : memref<5x192xf32, #tpu.memory_space<vmem>>, vector<16xf32>,
    tpu.vector_store %arg12[%swap3A_122, %swap3A_123], %broadcast_in_dim3A_120 {strides = array<i32>} : memref<5x192xf32, #tpu.memory_space<vmem>>, vector<16xf32>,
    %broadcast_in_dim3A_125 = arith.constant 0.000000e+00 : f32
    %broadcast_in_dim3A_126 = vector.broadcast %broadcast_in_dim3A_125 : f32 to vector<16xf32>
    %swap3A_127 = arith.constant 1 : i32
    %swap3A_128 = arith.index_cast %swap3A_127 : i32 to index
    %swap3A_129 = arith.constant 144 : index
    %swap3A_130 = tpu.vector_load %arg12[%swap3A_128, %swap3A_129] {strides = array<i32>} : memref<5x192xf32, #tpu.memory_space<vmem>>, vector<16xf32>,
    tpu.vector_store %arg12[%swap3A_128, %swap3A_129], %broadcast_in_dim3A_126 {strides = array<i32>} : memref<5x192xf32, #tpu.memory_space<vmem>>, vector<16xf32>,
    %broadcast_in_dim3A_131 = arith.constant 0.000000e+00 : f32
    %broadcast_in_dim3A_132 = vector.broadcast %broadcast_in_dim3A_131 : f32 to vector<16xf32>
    %swap3A_133 = arith.constant 1 : i32
    %swap3A_134 = arith.index_cast %swap3A_133 : i32 to index
    %swap3A_135 = arith.constant 160 : index
    %swap3A_136 = tpu.vector_load %arg12[%swap3A_134, %swap3A_135] {strides = array<i32>} : memref<5x192xf32, #tpu.memory_space<vmem>>, vector<16xf32>,
    tpu.vector_store %arg12[%swap3A_134, %swap3A_135], %broadcast_in_dim3A_132 {strides = array<i32>} : memref<5x192xf32, #tpu.memory_space<vmem>>, vector<16xf32>,
    %broadcast_in_dim3A_137 = arith.constant 0.000000e+00 : f32
    %broadcast_in_dim3A_138 = vector.broadcast %broadcast_in_dim3A_137 : f32 to vector<16xf32>
    %swap3A_139 = arith.constant 1 : i32
    %swap3A_140 = arith.index_cast %swap3A_139 : i32 to index
    %swap3A_141 = arith.constant 176 : index
    %swap3A_142 = tpu.vector_load %arg12[%swap3A_140, %swap3A_141] {strides = array<i32>} : memref<5x192xf32, #tpu.memory_space<vmem>>, vector<16xf32>,
    tpu.vector_store %arg12[%swap3A_140, %swap3A_141], %broadcast_in_dim3A_138 {strides = array<i32>} : memref<5x192xf32, #tpu.memory_space<vmem>>, vector<16xf32>,
    %broadcast_in_dim3A_143 = arith.constant 0.000000e+00 : f32
    %broadcast_in_dim3A_144 = vector.broadcast %broadcast_in_dim3A_143 : f32 to vector<16xf32>
    %swap3A_145 = arith.constant 2 : i32
    %swap3A_146 = arith.index_cast %swap3A_145 : i32 to index
    %swap3A_147 = arith.constant 0 : index
    %swap3A_148 = tpu.vector_load %arg12[%swap3A_146, %swap3A_147] {strides = array<i32>} : memref<5x192xf32, #tpu.memory_space<vmem>>, vector<16xf32>,
    tpu.vector_store %arg12[%swap3A_146, %swap3A_147], %broadcast_in_dim3A_144 {strides = array<i32>} : memref<5x192xf32, #tpu.memory_space<vmem>>, vector<16xf32>,
    %broadcast_in_dim3A_149 = arith.constant 0.000000e+00 : f32
    %broadcast_in_dim3A_150 = vector.broadcast %broadcast_in_dim3A_149 : f32 to vector<16xf32>
    %swap3A_151 = arith.constant 2 : i32
    %swap3A_152 = arith.index_cast %swap3A_151 : i32 to index
    %swap3A_153 = arith.constant 16 : index
    %swap3A_154 = tpu.vector_load %arg12[%swap3A_152, %swap3A_153] {strides = array<i32>} : memref<5x192xf32, #tpu.memory_space<vmem>>, vector<16xf32>,
    tpu.vector_store %arg12[%swap3A_152, %swap3A_153], %broadcast_in_dim3A_150 {strides = array<i32>} : memref<5x192xf32, #tpu.memory_space<vmem>>, vector<16xf32>,
    %broadcast_in_dim3A_155 = arith.constant 0.000000e+00 : f32
    %broadcast_in_dim3A_156 = vector.broadcast %broadcast_in_dim3A_155 : f32 to vector<16xf32>
    %swap3A_157 = arith.constant 2 : i32
    %swap3A_158 = arith.index_cast %swap3A_157 : i32 to index
    %swap3A_159 = arith.constant 32 : index
    %swap3A_160 = tpu.vector_load %arg12[%swap3A_158, %swap3A_159] {strides = array<i32>} : memref<5x192xf32, #tpu.memory_space<vmem>>, vector<16xf32>,
    tpu.vector_store %arg12[%swap3A_158, %swap3A_159], %broadcast_in_dim3A_156 {strides = array<i32>} : memref<5x192xf32, #tpu.memory_space<vmem>>, vector<16xf32>,
    %broadcast_in_dim3A_161 = arith.constant 0.000000e+00 : f32
    %broadcast_in_dim3A_162 = vector.broadcast %broadcast_in_dim3A_161 : f32 to vector<16xf32>
    %swap3A_163 = arith.constant 2 : i32
    %swap3A_164 = arith.index_cast %swap3A_163 : i32 to index
    %swap3A_165 = arith.constant 48 : index
    %swap3A_166 = tpu.vector_load %arg12[%swap3A_164, %swap3A_165] {strides = array<i32>} : memref<5x192xf32, #tpu.memory_space<vmem>>, vector<16xf32>,
    tpu.vector_store %arg12[%swap3A_164, %swap3A_165], %broadcast_in_dim3A_162 {strides = array<i32>} : memref<5x192xf32, #tpu.memory_space<vmem>>, vector<16xf32>,
    %broadcast_in_dim3A_167 = arith.constant 0.000000e+00 : f32
    %broadcast_in_dim3A_168 = vector.broadcast %broadcast_in_dim3A_167 : f32 to vector<16xf32>
    %swap3A_169 = arith.constant 2 : i32
    %swap3A_170 = arith.index_cast %swap3A_169 : i32 to index
    %swap3A_171 = arith.constant 64 : index
    %swap3A_172 = tpu.vector_load %arg12[%swap3A_170, %swap3A_171] {strides = array<i32>} : memref<5x192xf32, #tpu.memory_space<vmem>>, vector<16xf32>,
    tpu.vector_store %arg12[%swap3A_170, %swap3A_171], %broadcast_in_dim3A_168 {strides = array<i32>} : memref<5x192xf32, #tpu.memory_space<vmem>>, vector<16xf32>,
    %broadcast_in_dim3A_173 = arith.constant 0.000000e+00 : f32
    %broadcast_in_dim3A_174 = vector.broadcast %broadcast_in_dim3A_173 : f32 to vector<16xf32>
    %swap3A_175 = arith.constant 2 : i32
    %swap3A_176 = arith.index_cast %swap3A_175 : i32 to index
    %swap3A_177 = arith.constant 80 : index
    %swap3A_178 = tpu.vector_load %arg12[%swap3A_176, %swap3A_177] {strides = array<i32>} : memref<5x192xf32, #tpu.memory_space<vmem>>, vector<16xf32>,
    tpu.vector_store %arg12[%swap3A_176, %swap3A_177], %broadcast_in_dim3A_174 {strides = array<i32>} : memref<5x192xf32, #tpu.memory_space<vmem>>, vector<16xf32>,
    %broadcast_in_dim3A_179 = arith.constant 0.000000e+00 : f32
    %broadcast_in_dim3A_180 = vector.broadcast %broadcast_in_dim3A_179 : f32 to vector<16xf32>
    %swap3A_181 = arith.constant 2 : i32
    %swap3A_182 = arith.index_cast %swap3A_181 : i32 to index
    %swap3A_183 = arith.constant 96 : index
    %swap3A_184 = tpu.vector_load %arg12[%swap3A_182, %swap3A_183] {strides = array<i32>} : memref<5x192xf32, #tpu.memory_space<vmem>>, vector<16xf32>,
    tpu.vector_store %arg12[%swap3A_182, %swap3A_183], %broadcast_in_dim3A_180 {strides = array<i32>} : memref<5x192xf32, #tpu.memory_space<vmem>>, vector<16xf32>,
    %broadcast_in_dim3A_185 = arith.constant 0.000000e+00 : f32
    %broadcast_in_dim3A_186 = vector.broadcast %broadcast_in_dim3A_185 : f32 to vector<16xf32>
    %swap3A_187 = arith.constant 2 : i32
    %swap3A_188 = arith.index_cast %swap3A_187 : i32 to index
    %swap3A_189 = arith.constant 112 : index
    %swap3A_190 = tpu.vector_load %arg12[%swap3A_188, %swap3A_189] {strides = array<i32>} : memref<5x192xf32, #tpu.memory_space<vmem>>, vector<16xf32>,
    tpu.vector_store %arg12[%swap3A_188, %swap3A_189], %broadcast_in_dim3A_186 {strides = array<i32>} : memref<5x192xf32, #tpu.memory_space<vmem>>, vector<16xf32>,
    %broadcast_in_dim3A_191 = arith.constant 0.000000e+00 : f32
    %broadcast_in_dim3A_192 = vector.broadcast %broadcast_in_dim3A_191 : f32 to vector<16xf32>
    %swap3A_193 = arith.constant 2 : i32
    %swap3A_194 = arith.index_cast %swap3A_193 : i32 to index
    %swap3A_195 = arith.constant 128 : index
    %swap3A_196 = tpu.vector_load %arg12[%swap3A_194, %swap3A_195] {strides = array<i32>} : memref<5x192xf32, #tpu.memory_space<vmem>>, vector<16xf32>,
    tpu.vector_store %arg12[%swap3A_194, %swap3A_195], %broadcast_in_dim3A_192 {strides = array<i32>} : memref<5x192xf32, #tpu.memory_space<vmem>>, vector<16xf32>,
    %broadcast_in_dim3A_197 = arith.constant 0.000000e+00 : f32
    %broadcast_in_dim3A_198 = vector.broadcast %broadcast_in_dim3A_197 : f32 to vector<16xf32>
    %swap3A_199 = arith.constant 2 : i32
    %swap3A_200 = arith.index_cast %swap3A_199 : i32 to index
    %swap3A_201 = arith.constant 144 : index
    %swap3A_202 = tpu.vector_load %arg12[%swap3A_200, %swap3A_201] {strides = array<i32>} : memref<5x192xf32, #tpu.memory_space<vmem>>, vector<16xf32>,
    tpu.vector_store %arg12[%swap3A_200, %swap3A_201], %broadcast_in_dim3A_198 {strides = array<i32>} : memref<5x192xf32, #tpu.memory_space<vmem>>, vector<16xf32>,
    %broadcast_in_dim3A_203 = arith.constant 0.000000e+00 : f32
    %broadcast_in_dim3A_204 = vector.broadcast %broadcast_in_dim3A_203 : f32 to vector<16xf32>
    %swap3A_205 = arith.constant 2 : i32
    %swap3A_206 = arith.index_cast %swap3A_205 : i32 to index
    %swap3A_207 = arith.constant 160 : index
    %swap3A_208 = tpu.vector_load %arg12[%swap3A_206, %swap3A_207] {strides = array<i32>} : memref<5x192xf32, #tpu.memory_space<vmem>>, vector<16xf32>,
    tpu.vector_store %arg12[%swap3A_206, %swap3A_207], %broadcast_in_dim3A_204 {strides = array<i32>} : memref<5x192xf32, #tpu.memory_space<vmem>>, vector<16xf32>,
    %broadcast_in_dim3A_209 = arith.constant 0.000000e+00 : f32
    %broadcast_in_dim3A_210 = vector.broadcast %broadcast_in_dim3A_209 : f32 to vector<16xf32>
    %swap3A_211 = arith.constant 2 : i32
    %swap3A_212 = arith.index_cast %swap3A_211 : i32 to index
    %swap3A_213 = arith.constant 176 : index
    %swap3A_214 = tpu.vector_load %arg12[%swap3A_212, %swap3A_213] {strides = array<i32>} : memref<5x192xf32, #tpu.memory_space<vmem>>, vector<16xf32>,
    tpu.vector_store %arg12[%swap3A_212, %swap3A_213], %broadcast_in_dim3A_210 {strides = array<i32>} : memref<5x192xf32, #tpu.memory_space<vmem>>, vector<16xf32>,
    %broadcast_in_dim3A_215 = arith.constant 0.000000e+00 : f32
    %broadcast_in_dim3A_216 = vector.broadcast %broadcast_in_dim3A_215 : f32 to vector<16xf32>
    %swap3A_217 = arith.constant 3 : i32
    %swap3A_218 = arith.index_cast %swap3A_217 : i32 to index
    %swap3A_219 = arith.constant 0 : index
    %swap3A_220 = tpu.vector_load %arg12[%swap3A_218, %swap3A_219] {strides = array<i32>} : memref<5x192xf32, #tpu.memory_space<vmem>>, vector<16xf32>,
    tpu.vector_store %arg12[%swap3A_218, %swap3A_219], %broadcast_in_dim3A_216 {strides = array<i32>} : memref<5x192xf32, #tpu.memory_space<vmem>>, vector<16xf32>,
    %broadcast_in_dim3A_221 = arith.constant 0.000000e+00 : f32
    %broadcast_in_dim3A_222 = vector.broadcast %broadcast_in_dim3A_221 : f32 to vector<16xf32>
    %swap3A_223 = arith.constant 3 : i32
    %swap3A_224 = arith.index_cast %swap3A_223 : i32 to index
    %swap3A_225 = arith.constant 16 : index
    %swap3A_226 = tpu.vector_load %arg12[%swap3A_224, %swap3A_225] {strides = array<i32>} : memref<5x192xf32, #tpu.memory_space<vmem>>, vector<16xf32>,
    tpu.vector_store %arg12[%swap3A_224, %swap3A_225], %broadcast_in_dim3A_222 {strides = array<i32>} : memref<5x192xf32, #tpu.memory_space<vmem>>, vector<16xf32>,
    %broadcast_in_dim3A_227 = arith.constant 0.000000e+00 : f32
    %broadcast_in_dim3A_228 = vector.broadcast %broadcast_in_dim3A_227 : f32 to vector<16xf32>
    %swap3A_229 = arith.constant 3 : i32
    %swap3A_230 = arith.index_cast %swap3A_229 : i32 to index
    %swap3A_231 = arith.constant 32 : index
    %swap3A_232 = tpu.vector_load %arg12[%swap3A_230, %swap3A_231] {strides = array<i32>} : memref<5x192xf32, #tpu.memory_space<vmem>>, vector<16xf32>,
    tpu.vector_store %arg12[%swap3A_230, %swap3A_231], %broadcast_in_dim3A_228 {strides = array<i32>} : memref<5x192xf32, #tpu.memory_space<vmem>>, vector<16xf32>,
    %broadcast_in_dim3A_233 = arith.constant 0.000000e+00 : f32
    %broadcast_in_dim3A_234 = vector.broadcast %broadcast_in_dim3A_233 : f32 to vector<16xf32>
    %swap3A_235 = arith.constant 3 : i32
    %swap3A_236 = arith.index_cast %swap3A_235 : i32 to index
    %swap3A_237 = arith.constant 48 : index
    %swap3A_238 = tpu.vector_load %arg12[%swap3A_236, %swap3A_237] {strides = array<i32>} : memref<5x192xf32, #tpu.memory_space<vmem>>, vector<16xf32>,
    tpu.vector_store %arg12[%swap3A_236, %swap3A_237], %broadcast_in_dim3A_234 {strides = array<i32>} : memref<5x192xf32, #tpu.memory_space<vmem>>, vector<16xf32>,
    %broadcast_in_dim3A_239 = arith.constant 0.000000e+00 : f32
    %broadcast_in_dim3A_240 = vector.broadcast %broadcast_in_dim3A_239 : f32 to vector<16xf32>
    %swap3A_241 = arith.constant 3 : i32
    %swap3A_242 = arith.index_cast %swap3A_241 : i32 to index
    %swap3A_243 = arith.constant 64 : index
    %swap3A_244 = tpu.vector_load %arg12[%swap3A_242, %swap3A_243] {strides = array<i32>} : memref<5x192xf32, #tpu.memory_space<vmem>>, vector<16xf32>,
    tpu.vector_store %arg12[%swap3A_242, %swap3A_243], %broadcast_in_dim3A_240 {strides = array<i32>} : memref<5x192xf32, #tpu.memory_space<vmem>>, vector<16xf32>,
    %broadcast_in_dim3A_245 = arith.constant 0.000000e+00 : f32
    %broadcast_in_dim3A_246 = vector.broadcast %broadcast_in_dim3A_245 : f32 to vector<16xf32>
    %swap3A_247 = arith.constant 3 : i32
    %swap3A_248 = arith.index_cast %swap3A_247 : i32 to index
    %swap3A_249 = arith.constant 80 : index
    %swap3A_250 = tpu.vector_load %arg12[%swap3A_248, %swap3A_249] {strides = array<i32>} : memref<5x192xf32, #tpu.memory_space<vmem>>, vector<16xf32>,
    tpu.vector_store %arg12[%swap3A_248, %swap3A_249], %broadcast_in_dim3A_246 {strides = array<i32>} : memref<5x192xf32, #tpu.memory_space<vmem>>, vector<16xf32>,
    %broadcast_in_dim3A_251 = arith.constant 0.000000e+00 : f32
    %broadcast_in_dim3A_252 = vector.broadcast %broadcast_in_dim3A_251 : f32 to vector<16xf32>
    %swap3A_253 = arith.constant 3 : i32
    %swap3A_254 = arith.index_cast %swap3A_253 : i32 to index
    %swap3A_255 = arith.constant 96 : index
    %swap3A_256 = tpu.vector_load %arg12[%swap3A_254, %swap3A_255] {strides = array<i32>} : memref<5x192xf32, #tpu.memory_space<vmem>>, vector<16xf32>,
    tpu.vector_store %arg12[%swap3A_254, %swap3A_255], %broadcast_in_dim3A_252 {strides = array<i32>} : memref<5x192xf32, #tpu.memory_space<vmem>>, vector<16xf32>,
    %broadcast_in_dim3A_257 = arith.constant 0.000000e+00 : f32
    %broadcast_in_dim3A_258 = vector.broadcast %broadcast_in_dim3A_257 : f32 to vector<16xf32>
    %swap3A_259 = arith.constant 3 : i32
    %swap3A_260 = arith.index_cast %swap3A_259 : i32 to index
    %swap3A_261 = arith.constant 112 : index
    %swap3A_262 = tpu.vector_load %arg12[%swap3A_260, %swap3A_261] {strides = array<i32>} : memref<5x192xf32, #tpu.memory_space<vmem>>, vector<16xf32>,
    tpu.vector_store %arg12[%swap3A_260, %swap3A_261], %broadcast_in_dim3A_258 {strides = array<i32>} : memref<5x192xf32, #tpu.memory_space<vmem>>, vector<16xf32>,
    %broadcast_in_dim3A_263 = arith.constant 0.000000e+00 : f32
    %broadcast_in_dim3A_264 = vector.broadcast %broadcast_in_dim3A_263 : f32 to vector<16xf32>
    %swap3A_265 = arith.constant 3 : i32
    %swap3A_266 = arith.index_cast %swap3A_265 : i32 to index
    %swap3A_267 = arith.constant 128 : index
    %swap3A_268 = tpu.vector_load %arg12[%swap3A_266, %swap3A_267] {strides = array<i32>} : memref<5x192xf32, #tpu.memory_space<vmem>>, vector<16xf32>,
    tpu.vector_store %arg12[%swap3A_266, %swap3A_267], %broadcast_in_dim3A_264 {strides = array<i32>} : memref<5x192xf32, #tpu.memory_space<vmem>>, vector<16xf32>,
    %broadcast_in_dim3A_269 = arith.constant 0.000000e+00 : f32
    %broadcast_in_dim3A_270 = vector.broadcast %broadcast_in_dim3A_269 : f32 to vector<16xf32>
    %swap3A_271 = arith.constant 3 : i32
    %swap3A_272 = arith.index_cast %swap3A_271 : i32 to index
    %swap3A_273 = arith.constant 144 : index
    %swap3A_274 = tpu.vector_load %arg12[%swap3A_272, %swap3A_273] {strides = array<i32>} : memref<5x192xf32, #tpu.memory_space<vmem>>, vector<16xf32>,
    tpu.vector_store %arg12[%swap3A_272, %swap3A_273], %broadcast_in_dim3A_270 {strides = array<i32>} : memref<5x192xf32, #tpu.memory_space<vmem>>, vector<16xf32>,
    %broadcast_in_dim3A_275 = arith.constant 0.000000e+00 : f32
    %broadcast_in_dim3A_276 = vector.broadcast %broadcast_in_dim3A_275 : f32 to vector<16xf32>
    %swap3A_277 = arith.constant 3 : i32
    %swap3A_278 = arith.index_cast %swap3A_277 : i32 to index
    %swap3A_279 = arith.constant 160 : index
    %swap3A_280 = tpu.vector_load %arg12[%swap3A_278, %swap3A_279] {strides = array<i32>} : memref<5x192xf32, #tpu.memory_space<vmem>>, vector<16xf32>,
    tpu.vector_store %arg12[%swap3A_278, %swap3A_279], %broadcast_in_dim3A_276 {strides = array<i32>} : memref<5x192xf32, #tpu.memory_space<vmem>>, vector<16xf32>,
    %broadcast_in_dim3A_281 = arith.constant 0.000000e+00 : f32
    %broadcast_in_dim3A_282 = vector.broadcast %broadcast_in_dim3A_281 : f32 to vector<16xf32>
    %swap3A_283 = arith.constant 3 : i32
    %swap3A_284 = arith.index_cast %swap3A_283 : i32 to index
    %swap3A_285 = arith.constant 176 : index
    %swap3A_286 = tpu.vector_load %arg12[%swap3A_284, %swap3A_285] {strides = array<i32>} : memref<5x192xf32, #tpu.memory_space<vmem>>, vector<16xf32>,
    tpu.vector_store %arg12[%swap3A_284, %swap3A_285], %broadcast_in_dim3A_282 {strides = array<i32>} : memref<5x192xf32, #tpu.memory_space<vmem>>, vector<16xf32>,
    %broadcast_in_dim3A_287 = arith.constant 0.000000e+00 : f32
    %broadcast_in_dim3A_288 = vector.broadcast %broadcast_in_dim3A_287 : f32 to vector<16xf32>
    %swap3A_289 = arith.constant 4 : i32
    %swap3A_290 = arith.index_cast %swap3A_289 : i32 to index
    %swap3A_291 = arith.constant 0 : index
    %swap3A_292 = tpu.vector_load %arg12[%swap3A_290, %swap3A_291] {strides = array<i32>} : memref<5x192xf32, #tpu.memory_space<vmem>>, vector<16xf32>,
    tpu.vector_store %arg12[%swap3A_290, %swap3A_291], %broadcast_in_dim3A_288 {strides = array<i32>} : memref<5x192xf32, #tpu.memory_space<vmem>>, vector<16xf32>,
    %broadcast_in_dim3A_293 = arith.constant 0.000000e+00 : f32
    %broadcast_in_dim3A_294 = vector.broadcast %broadcast_in_dim3A_293 : f32 to vector<16xf32>
    %swap3A_295 = arith.constant 4 : i32
    %swap3A_296 = arith.index_cast %swap3A_295 : i32 to index
    %swap3A_297 = arith.constant 16 : index
    %swap3A_298 = tpu.vector_load %arg12[%swap3A_296, %swap3A_297] {strides = array<i32>} : memref<5x192xf32, #tpu.memory_space<vmem>>, vector<16xf32>,
    tpu.vector_store %arg12[%swap3A_296, %swap3A_297], %broadcast_in_dim3A_294 {strides = array<i32>} : memref<5x192xf32, #tpu.memory_space<vmem>>, vector<16xf32>,
    %broadcast_in_dim3A_299 = arith.constant 0.000000e+00 : f32
    %broadcast_in_dim3A_300 = vector.broadcast %broadcast_in_dim3A_299 : f32 to vector<16xf32>
    %swap3A_301 = arith.constant 4 : i32
    %swap3A_302 = arith.index_cast %swap3A_301 : i32 to index
    %swap3A_303 = arith.constant 32 : index
    %swap3A_304 = tpu.vector_load %arg12[%swap3A_302, %swap3A_303] {strides = array<i32>} : memref<5x192xf32, #tpu.memory_space<vmem>>, vector<16xf32>,
    tpu.vector_store %arg12[%swap3A_302, %swap3A_303], %broadcast_in_dim3A_300 {strides = array<i32>} : memref<5x192xf32, #tpu.memory_space<vmem>>, vector<16xf32>,
    %broadcast_in_dim3A_305 = arith.constant 0.000000e+00 : f32
    %broadcast_in_dim3A_306 = vector.broadcast %broadcast_in_dim3A_305 : f32 to vector<16xf32>
    %swap3A_307 = arith.constant 4 : i32
    %swap3A_308 = arith.index_cast %swap3A_307 : i32 to index
    %swap3A_309 = arith.constant 48 : index
    %swap3A_310 = tpu.vector_load %arg12[%swap3A_308, %swap3A_309] {strides = array<i32>} : memref<5x192xf32, #tpu.memory_space<vmem>>, vector<16xf32>,
    tpu.vector_store %arg12[%swap3A_308, %swap3A_309], %broadcast_in_dim3A_306 {strides = array<i32>} : memref<5x192xf32, #tpu.memory_space<vmem>>, vector<16xf32>,
    %broadcast_in_dim3A_311 = arith.constant 0.000000e+00 : f32
    %broadcast_in_dim3A_312 = vector.broadcast %broadcast_in_dim3A_311 : f32 to vector<16xf32>
    %swap3A_313 = arith.constant 4 : i32
    %swap3A_314 = arith.index_cast %swap3A_313 : i32 to index
    %swap3A_315 = arith.constant 64 : index
    %swap3A_316 = tpu.vector_load %arg12[%swap3A_314, %swap3A_315] {strides = array<i32>} : memref<5x192xf32, #tpu.memory_space<vmem>>, vector<16xf32>,
    tpu.vector_store %arg12[%swap3A_314, %swap3A_315], %broadcast_in_dim3A_312 {strides = array<i32>} : memref<5x192xf32, #tpu.memory_space<vmem>>, vector<16xf32>,
    %broadcast_in_dim3A_317 = arith.constant 0.000000e+00 : f32
    %broadcast_in_dim3A_318 = vector.broadcast %broadcast_in_dim3A_317 : f32 to vector<16xf32>
    %swap3A_319 = arith.constant 4 : i32
    %swap3A_320 = arith.index_cast %swap3A_319 : i32 to index
    %swap3A_321 = arith.constant 80 : index
    %swap3A_322 = tpu.vector_load %arg12[%swap3A_320, %swap3A_321] {strides = array<i32>} : memref<5x192xf32, #tpu.memory_space<vmem>>, vector<16xf32>,
    tpu.vector_store %arg12[%swap3A_320, %swap3A_321], %broadcast_in_dim3A_318 {strides = array<i32>} : memref<5x192xf32, #tpu.memory_space<vmem>>, vector<16xf32>,
    %broadcast_in_dim3A_323 = arith.constant 0.000000e+00 : f32
    %broadcast_in_dim3A_324 = vector.broadcast %broadcast_in_dim3A_323 : f32 to vector<16xf32>
    %swap3A_325 = arith.constant 4 : i32
    %swap3A_326 = arith.index_cast %swap3A_325 : i32 to index
    %swap3A_327 = arith.constant 96 : index
    %swap3A_328 = tpu.vector_load %arg12[%swap3A_326, %swap3A_327] {strides = array<i32>} : memref<5x192xf32, #tpu.memory_space<vmem>>, vector<16xf32>,
    tpu.vector_store %arg12[%swap3A_326, %swap3A_327], %broadcast_in_dim3A_324 {strides = array<i32>} : memref<5x192xf32, #tpu.memory_space<vmem>>, vector<16xf32>,
    %broadcast_in_dim3A_329 = arith.constant 0.000000e+00 : f32
    %broadcast_in_dim3A_330 = vector.broadcast %broadcast_in_dim3A_329 : f32 to vector<16xf32>
    %swap3A_331 = arith.constant 4 : i32
    %swap3A_332 = arith.index_cast %swap3A_331 : i32 to index
    %swap3A_333 = arith.constant 112 : index
    %swap3A_334 = tpu.vector_load %arg12[%swap3A_332, %swap3A_333] {strides = array<i32>} : memref<5x192xf32, #tpu.memory_space<vmem>>, vector<16xf32>,
    tpu.vector_store %arg12[%swap3A_332, %swap3A_333], %broadcast_in_dim3A_330 {strides = array<i32>} : memref<5x192xf32, #tpu.memory_space<vmem>>, vector<16xf32>,
    %broadcast_in_dim3A_335 = arith.constant 0.000000e+00 : f32
    %broadcast_in_dim3A_336 = vector.broadcast %broadcast_in_dim3A_335 : f32 to vector<16xf32>
    %swap3A_337 = arith.constant 4 : i32
    %swap3A_338 = arith.index_cast %swap3A_337 : i32 to index
    %swap3A_339 = arith.constant 128 : index
    %swap3A_340 = tpu.vector_load %arg12[%swap3A_338, %swap3A_339] {strides = array<i32>} : memref<5x192xf32, #tpu.memory_space<vmem>>, vector<16xf32>,
    tpu.vector_store %arg12[%swap3A_338, %swap3A_339], %broadcast_in_dim3A_336 {strides = array<i32>} : memref<5x192xf32, #tpu.memory_space<vmem>>, vector<16xf32>,
    %broadcast_in_dim3A_341 = arith.constant 0.000000e+00 : f32
    %broadcast_in_dim3A_342 = vector.broadcast %broadcast_in_dim3A_341 : f32 to vector<16xf32>
    %swap3A_343 = arith.constant 4 : i32
    %swap3A_344 = arith.index_cast %swap3A_343 : i32 to index
    %swap3A_345 = arith.constant 144 : index
    %swap3A_346 = tpu.vector_load %arg12[%swap3A_344, %swap3A_345] {strides = array<i32>} : memref<5x192xf32, #tpu.memory_space<vmem>>, vector<16xf32>,
    tpu.vector_store %arg12[%swap3A_344, %swap3A_345], %broadcast_in_dim3A_342 {strides = array<i32>} : memref<5x192xf32, #tpu.memory_space<vmem>>, vector<16xf32>,
    %broadcast_in_dim3A_347 = arith.constant 0.000000e+00 : f32
    %broadcast_in_dim3A_348 = vector.broadcast %broadcast_in_dim3A_347 : f32 to vector<16xf32>
    %swap3A_349 = arith.constant 4 : i32
    %swap3A_350 = arith.index_cast %swap3A_349 : i32 to index
    %swap3A_351 = arith.constant 160 : index
    %swap3A_352 = tpu.vector_load %arg12[%swap3A_350, %swap3A_351] {strides = array<i32>} : memref<5x192xf32, #tpu.memory_space<vmem>>, vector<16xf32>,
    tpu.vector_store %arg12[%swap3A_350, %swap3A_351], %broadcast_in_dim3A_348 {strides = array<i32>} : memref<5x192xf32, #tpu.memory_space<vmem>>, vector<16xf32>,
    %broadcast_in_dim3A_353 = arith.constant 0.000000e+00 : f32
    %broadcast_in_dim3A_354 = vector.broadcast %broadcast_in_dim3A_353 : f32 to vector<16xf32>
    %swap3A_355 = arith.constant 4 : i32
    %swap3A_356 = arith.index_cast %swap3A_355 : i32 to index
    %swap3A_357 = arith.constant 176 : index
    %swap3A_358 = tpu.vector_load %arg12[%swap3A_356, %swap3A_357] {strides = array<i32>} : memref<5x192xf32, #tpu.memory_space<vmem>>, vector<16xf32>,
    tpu.vector_store %arg12[%swap3A_356, %swap3A_357], %broadcast_in_dim3A_354 {strides = array<i32>} : memref<5x192xf32, #tpu.memory_space<vmem>>, vector<16xf32>,
    %scan3A = arith.constant 0 : i32
    %scan3A_359 = arith.constant 0 : i32
    %scan3A_360 = arith.constant 125 : i32
    %scan3A_361 = arith.addi %scan3A_359, %scan3A_360 : i32
    %scan3A_362 = arith.constant 1 : i32
    %scan3A_363 = scf.for %scan3A_391 = %scan3A_359 to %scan3A_361 step %scan3A_362 iter_args(%scan3A_392 = %scan3A) -> (i32)  : i32 {
      %mul3A_393 = arith.constant 5 : i32
      %mul3A_394 = arith.muli %scan3A_391, %mul3A_393 : i32
      %add3A = arith.addi %mul3A_0, %mul3A_394 : i32
      "tpu.region"() ({
        %run_scoped3A = tpu.sem_alloc : memref<!tpu.dma_semaphore, #tpu.memory_space<semaphore_mem>>
        %dma_start3A_396 = arith.constant 0 : i32
        %dma_start3A_397 = tpu.memref_slice %arg13[%add3A, %dma_start3A_396] : memref<10000x192xf32, #tpu.memory_space<vmem_shared>> -> memref<5x192xf32, #tpu.memory_space<vmem_shared>>
        %dma_start3A_398 = arith.constant 0 : i32
        %dma_start3A_399 = tpu.memref_slice %arg13[%add3A, %dma_start3A_398] : memref<10000x192xf32, #tpu.memory_space<vmem_shared>> -> memref<5x192xf32, #tpu.memory_space<vmem_shared>>
        tpu.enqueue_dma source(%arg12 : memref<5x192xf32, #tpu.memory_space<vmem>>) target(%dma_start3A_399 : memref<5x192xf32, #tpu.memory_space<vmem_shared>>) target_semaphore(%run_scoped3A : memref<!tpu.dma_semaphore, #tpu.memory_space<semaphore_mem>>)
        %dma_wait3A_400 = arith.constant 0 : i32
        %dma_wait3A_401 = tpu.memref_slice %arg13[%add3A, %dma_wait3A_400] : memref<10000x192xf32, #tpu.memory_space<vmem_shared>> -> memref<5x192xf32, #tpu.memory_space<vmem_shared>>
        %dma_wait3A_402 = arith.constant 0 : i32
        %dma_wait3A_403 = tpu.memref_slice %arg13[%add3A, %dma_wait3A_402] : memref<10000x192xf32, #tpu.memory_space<vmem_shared>> -> memref<5x192xf32, #tpu.memory_space<vmem_shared>>
        tpu.wait_dma2 semaphore(%run_scoped3A : memref<!tpu.dma_semaphore, #tpu.memory_space<semaphore_mem>>) src(%arg12 : memref<5x192xf32, #tpu.memory_space<vmem>>) dst(%dma_wait3A_403 : memref<5x192xf32, #tpu.memory_space<vmem_shared>>)
        tpu.yield
      }) : () -> ()
      %scan3A_395 = arith.constant 0 : i32
      scf.yield %scan3A_395 : i32
    }
    %scan3A_364 = arith.constant 125 : i32
    %barrier3A = arith.constant 0 : index
    tpu.barrier barrier_id(%barrier3A)
    %scan3A_365 = arith.constant 0 : i32
    %scan3A_366 = arith.constant 0 : i32
    %scan3A_367 = arith.constant 16 : i32
    %scan3A_368 = arith.addi %scan3A_366, %scan3A_367 : i32
    %scan3A_369 = arith.constant 1 : i32
    %scan3A_370 = scf.for %scan3A_391 = %scan3A_366 to %scan3A_368 step %scan3A_369 iter_args(%scan3A_392 = %scan3A_365) -> (i32)  : i32 {
      %broadcast_in_dim3A_393 = arith.constant 0.000000e+00 : f32
      %broadcast_in_dim3A_394 = vector.broadcast %broadcast_in_dim3A_393 : f32 to vector<16xf32>
      %swap3A_395 = arith.index_cast %scan3A_391 : i32 to index
      %swap3A_396 = arith.constant 0 : index
      %swap3A_397 = tpu.vector_load %arg11[%swap3A_395, %swap3A_396] {strides = array<i32>} : memref<16x192xf32, #tpu.memory_space<vmem>>, vector<16xf32>,
      tpu.vector_store %arg11[%swap3A_395, %swap3A_396], %broadcast_in_dim3A_394 {strides = array<i32>} : memref<16x192xf32, #tpu.memory_space<vmem>>, vector<16xf32>,
      %broadcast_in_dim3A_398 = arith.constant 0.000000e+00 : f32
      %broadcast_in_dim3A_399 = vector.broadcast %broadcast_in_dim3A_398 : f32 to vector<16xf32>
      %swap3A_400 = arith.index_cast %scan3A_391 : i32 to index
      %swap3A_401 = arith.constant 16 : index
      %swap3A_402 = tpu.vector_load %arg11[%swap3A_400, %swap3A_401] {strides = array<i32>} : memref<16x192xf32, #tpu.memory_space<vmem>>, vector<16xf32>,
      tpu.vector_store %arg11[%swap3A_400, %swap3A_401], %broadcast_in_dim3A_399 {strides = array<i32>} : memref<16x192xf32, #tpu.memory_space<vmem>>, vector<16xf32>,
      %broadcast_in_dim3A_403 = arith.constant 0.000000e+00 : f32
      %broadcast_in_dim3A_404 = vector.broadcast %broadcast_in_dim3A_403 : f32 to vector<16xf32>
      %swap3A_405 = arith.index_cast %scan3A_391 : i32 to index
      %swap3A_406 = arith.constant 32 : index
      %swap3A_407 = tpu.vector_load %arg11[%swap3A_405, %swap3A_406] {strides = array<i32>} : memref<16x192xf32, #tpu.memory_space<vmem>>, vector<16xf32>,
      tpu.vector_store %arg11[%swap3A_405, %swap3A_406], %broadcast_in_dim3A_404 {strides = array<i32>} : memref<16x192xf32, #tpu.memory_space<vmem>>, vector<16xf32>,
      %broadcast_in_dim3A_408 = arith.constant 0.000000e+00 : f32
      %broadcast_in_dim3A_409 = vector.broadcast %broadcast_in_dim3A_408 : f32 to vector<16xf32>
      %swap3A_410 = arith.index_cast %scan3A_391 : i32 to index
      %swap3A_411 = arith.constant 48 : index
      %swap3A_412 = tpu.vector_load %arg11[%swap3A_410, %swap3A_411] {strides = array<i32>} : memref<16x192xf32, #tpu.memory_space<vmem>>, vector<16xf32>,
      tpu.vector_store %arg11[%swap3A_410, %swap3A_411], %broadcast_in_dim3A_409 {strides = array<i32>} : memref<16x192xf32, #tpu.memory_space<vmem>>, vector<16xf32>,
      %broadcast_in_dim3A_413 = arith.constant 0.000000e+00 : f32
      %broadcast_in_dim3A_414 = vector.broadcast %broadcast_in_dim3A_413 : f32 to vector<16xf32>
      %swap3A_415 = arith.index_cast %scan3A_391 : i32 to index
      %swap3A_416 = arith.constant 64 : index
      %swap3A_417 = tpu.vector_load %arg11[%swap3A_415, %swap3A_416] {strides = array<i32>} : memref<16x192xf32, #tpu.memory_space<vmem>>, vector<16xf32>,
      tpu.vector_store %arg11[%swap3A_415, %swap3A_416], %broadcast_in_dim3A_414 {strides = array<i32>} : memref<16x192xf32, #tpu.memory_space<vmem>>, vector<16xf32>,
      %broadcast_in_dim3A_418 = arith.constant 0.000000e+00 : f32
      %broadcast_in_dim3A_419 = vector.broadcast %broadcast_in_dim3A_418 : f32 to vector<16xf32>
      %swap3A_420 = arith.index_cast %scan3A_391 : i32 to index
      %swap3A_421 = arith.constant 80 : index
      %swap3A_422 = tpu.vector_load %arg11[%swap3A_420, %swap3A_421] {strides = array<i32>} : memref<16x192xf32, #tpu.memory_space<vmem>>, vector<16xf32>,
      tpu.vector_store %arg11[%swap3A_420, %swap3A_421], %broadcast_in_dim3A_419 {strides = array<i32>} : memref<16x192xf32, #tpu.memory_space<vmem>>, vector<16xf32>,
      %broadcast_in_dim3A_423 = arith.constant 0.000000e+00 : f32
      %broadcast_in_dim3A_424 = vector.broadcast %broadcast_in_dim3A_423 : f32 to vector<16xf32>
      %swap3A_425 = arith.index_cast %scan3A_391 : i32 to index
      %swap3A_426 = arith.constant 96 : index
      %swap3A_427 = tpu.vector_load %arg11[%swap3A_425, %swap3A_426] {strides = array<i32>} : memref<16x192xf32, #tpu.memory_space<vmem>>, vector<16xf32>,
      tpu.vector_store %arg11[%swap3A_425, %swap3A_426], %broadcast_in_dim3A_424 {strides = array<i32>} : memref<16x192xf32, #tpu.memory_space<vmem>>, vector<16xf32>,
      %broadcast_in_dim3A_428 = arith.constant 0.000000e+00 : f32
      %broadcast_in_dim3A_429 = vector.broadcast %broadcast_in_dim3A_428 : f32 to vector<16xf32>
      %swap3A_430 = arith.index_cast %scan3A_391 : i32 to index
      %swap3A_431 = arith.constant 112 : index
      %swap3A_432 = tpu.vector_load %arg11[%swap3A_430, %swap3A_431] {strides = array<i32>} : memref<16x192xf32, #tpu.memory_space<vmem>>, vector<16xf32>,
      tpu.vector_store %arg11[%swap3A_430, %swap3A_431], %broadcast_in_dim3A_429 {strides = array<i32>} : memref<16x192xf32, #tpu.memory_space<vmem>>, vector<16xf32>,
      %broadcast_in_dim3A_433 = arith.constant 0.000000e+00 : f32
      %broadcast_in_dim3A_434 = vector.broadcast %broadcast_in_dim3A_433 : f32 to vector<16xf32>
      %swap3A_435 = arith.index_cast %scan3A_391 : i32 to index
      %swap3A_436 = arith.constant 128 : index
      %swap3A_437 = tpu.vector_load %arg11[%swap3A_435, %swap3A_436] {strides = array<i32>} : memref<16x192xf32, #tpu.memory_space<vmem>>, vector<16xf32>,
      tpu.vector_store %arg11[%swap3A_435, %swap3A_436], %broadcast_in_dim3A_434 {strides = array<i32>} : memref<16x192xf32, #tpu.memory_space<vmem>>, vector<16xf32>,
      %broadcast_in_dim3A_438 = arith.constant 0.000000e+00 : f32
      %broadcast_in_dim3A_439 = vector.broadcast %broadcast_in_dim3A_438 : f32 to vector<16xf32>
      %swap3A_440 = arith.index_cast %scan3A_391 : i32 to index
      %swap3A_441 = arith.constant 144 : index
      %swap3A_442 = tpu.vector_load %arg11[%swap3A_440, %swap3A_441] {strides = array<i32>} : memref<16x192xf32, #tpu.memory_space<vmem>>, vector<16xf32>,
      tpu.vector_store %arg11[%swap3A_440, %swap3A_441], %broadcast_in_dim3A_439 {strides = array<i32>} : memref<16x192xf32, #tpu.memory_space<vmem>>, vector<16xf32>,
      %broadcast_in_dim3A_443 = arith.constant 0.000000e+00 : f32
      %broadcast_in_dim3A_444 = vector.broadcast %broadcast_in_dim3A_443 : f32 to vector<16xf32>
      %swap3A_445 = arith.index_cast %scan3A_391 : i32 to index
      %swap3A_446 = arith.constant 160 : index
      %swap3A_447 = tpu.vector_load %arg11[%swap3A_445, %swap3A_446] {strides = array<i32>} : memref<16x192xf32, #tpu.memory_space<vmem>>, vector<16xf32>,
      tpu.vector_store %arg11[%swap3A_445, %swap3A_446], %broadcast_in_dim3A_444 {strides = array<i32>} : memref<16x192xf32, #tpu.memory_space<vmem>>, vector<16xf32>,
      %broadcast_in_dim3A_448 = arith.constant 0.000000e+00 : f32
      %broadcast_in_dim3A_449 = vector.broadcast %broadcast_in_dim3A_448 : f32 to vector<16xf32>
      %swap3A_450 = arith.index_cast %scan3A_391 : i32 to index
      %swap3A_451 = arith.constant 176 : index
      %swap3A_452 = tpu.vector_load %arg11[%swap3A_450, %swap3A_451] {strides = array<i32>} : memref<16x192xf32, #tpu.memory_space<vmem>>, vector<16xf32>,
      tpu.vector_store %arg11[%swap3A_450, %swap3A_451], %broadcast_in_dim3A_449 {strides = array<i32>} : memref<16x192xf32, #tpu.memory_space<vmem>>, vector<16xf32>,
      %scan3A_453 = arith.constant 0 : i32
      scf.yield %scan3A_453 : i32
    }
    %scan3A_371 = arith.constant 16 : i32
    %mul3A_372 = arith.constant 20000 : i32
    %mul3A_373 = arith.muli %arg1, %mul3A_372 : i32
    %broadcast_in_dim3A_374 = arith.constant 0 : i32
    %broadcast_in_dim3A_375 = vector.broadcast %broadcast_in_dim3A_374 : i32 to vector<16xi32>
    %iota3A = tpu.iota {dimensions = array<i32: 0>} : vector<16xi32>
    %dma_start3A = arith.constant 0 : i32
    %dma_start3A_376 = arith.constant 0 : i32
    %dma_start3A_377 = tpu.memref_slice %arg13[%dma_start3A, %dma_start3A_376] : memref<10000x192xf32, #tpu.memory_space<vmem_shared>> -> memref<10000x192xf32, #tpu.memory_space<vmem_shared>>
    tpu.enqueue_indirect_dma source(%arg11 : memref<16x192xf32, #tpu.memory_space<vmem>>) target(%dma_start3A_377 : memref<10000x192xf32, #tpu.memory_space<vmem_shared>>) offsets(%broadcast_in_dim3A_375 : vector<16xi32>) semaphore(%arg16 : memref<!tpu.dma_semaphore, #tpu.memory_space<semaphore_mem>>) {add = true}
    %mul3A_378 = arith.constant 4 : i32
    %mul3A_379 = arith.muli %mul3A_378, %arg0 : i32
    %sub3A = arith.constant 8 : i32
    %sub3A_380 = arith.subi %sub3A, %mul3A_379 : i32
    %scan3A_381 = arith.constant 0 : i32
    %scan3A_382 = arith.constant 0 : i32
    %scan3A_383 = arith.constant 250 : i32
    %scan3A_384 = arith.addi %scan3A_382, %scan3A_383 : i32
    %scan3A_385 = arith.constant 1 : i32
    %scan3A_386 = scf.for %scan3A_391 = %scan3A_382 to %scan3A_384 step %scan3A_385 iter_args(%scan3A_392 = %scan3A_381) -> (i32)  : i32 {
      %mul3A_393 = arith.constant 80 : i32
      %mul3A_394 = arith.muli %scan3A_391, %mul3A_393 : i32
      %add3A = arith.addi %mul3A_373, %mul3A_394 : i32
      "tpu.region"() ({
        %run_scoped3A = tpu.sem_alloc : memref<!tpu.dma_semaphore, #tpu.memory_space<semaphore_mem>>
        %dma_start3A_615 = tpu.memref_slice %arg3[%add3A] : memref<320000xi32, #tpu.memory_space<hbm>> -> memref<80xi32, #tpu.memory_space<hbm>>
        %dma_start3A_616 = tpu.memref_slice %arg3[%add3A] : memref<320000xi32, #tpu.memory_space<hbm>> -> memref<80xi32, #tpu.memory_space<hbm>>
        tpu.enqueue_dma source(%dma_start3A_616 : memref<80xi32, #tpu.memory_space<hbm>>) target(%arg7 : memref<80xi32, #tpu.memory_space<vmem>>) target_semaphore(%run_scoped3A : memref<!tpu.dma_semaphore, #tpu.memory_space<semaphore_mem>>)
        %dma_wait3A_617 = tpu.memref_slice %arg3[%add3A] : memref<320000xi32, #tpu.memory_space<hbm>> -> memref<80xi32, #tpu.memory_space<hbm>>
        %dma_wait3A_618 = tpu.memref_slice %arg3[%add3A] : memref<320000xi32, #tpu.memory_space<hbm>> -> memref<80xi32, #tpu.memory_space<hbm>>
        tpu.wait_dma2 semaphore(%run_scoped3A : memref<!tpu.dma_semaphore, #tpu.memory_space<semaphore_mem>>) src(%dma_wait3A_618 : memref<80xi32, #tpu.memory_space<hbm>>) dst(%arg7 : memref<80xi32, #tpu.memory_space<vmem>>)
        tpu.yield
      }) : () -> ()
      "tpu.region"() ({
        %run_scoped3A = tpu.sem_alloc : memref<!tpu.dma_semaphore, #tpu.memory_space<semaphore_mem>>
        %dma_start3A_615 = tpu.memref_slice %arg4[%add3A] : memref<320000xi32, #tpu.memory_space<hbm>> -> memref<80xi32, #tpu.memory_space<hbm>>
        %dma_start3A_616 = tpu.memref_slice %arg4[%add3A] : memref<320000xi32, #tpu.memory_space<hbm>> -> memref<80xi32, #tpu.memory_space<hbm>>
        tpu.enqueue_dma source(%dma_start3A_616 : memref<80xi32, #tpu.memory_space<hbm>>) target(%arg8 : memref<80xi32, #tpu.memory_space<vmem>>) target_semaphore(%run_scoped3A : memref<!tpu.dma_semaphore, #tpu.memory_space<semaphore_mem>>)
        %dma_wait3A_617 = tpu.memref_slice %arg4[%add3A] : memref<320000xi32, #tpu.memory_space<hbm>> -> memref<80xi32, #tpu.memory_space<hbm>>
        %dma_wait3A_618 = tpu.memref_slice %arg4[%add3A] : memref<320000xi32, #tpu.memory_space<hbm>> -> memref<80xi32, #tpu.memory_space<hbm>>
        tpu.wait_dma2 semaphore(%run_scoped3A : memref<!tpu.dma_semaphore, #tpu.memory_space<semaphore_mem>>) src(%dma_wait3A_618 : memref<80xi32, #tpu.memory_space<hbm>>) dst(%arg8 : memref<80xi32, #tpu.memory_space<vmem>>)
        tpu.yield
      }) : () -> ()
      "tpu.region"() ({
        %run_scoped3A = tpu.sem_alloc : memref<!tpu.dma_semaphore, #tpu.memory_space<semaphore_mem>>
        %dma_start3A_615 = arith.constant 0 : i32
        %dma_start3A_616 = tpu.memref_slice %arg5[%add3A, %dma_start3A_615] : memref<320000x4xf32, #tpu.memory_space<hbm>> -> memref<80x4xf32, #tpu.memory_space<hbm>>
        %dma_start3A_617 = arith.constant 0 : i32
        %dma_start3A_618 = tpu.memref_slice %arg5[%add3A, %dma_start3A_617] : memref<320000x4xf32, #tpu.memory_space<hbm>> -> memref<80x4xf32, #tpu.memory_space<hbm>>
        tpu.enqueue_dma source(%dma_start3A_618 : memref<80x4xf32, #tpu.memory_space<hbm>>) target(%arg9 : memref<80x4xf32, #tpu.memory_space<vmem>>) target_semaphore(%run_scoped3A : memref<!tpu.dma_semaphore, #tpu.memory_space<semaphore_mem>>)
        %dma_wait3A_619 = arith.constant 0 : i32
        %dma_wait3A_620 = tpu.memref_slice %arg5[%add3A, %dma_wait3A_619] : memref<320000x4xf32, #tpu.memory_space<hbm>> -> memref<80x4xf32, #tpu.memory_space<hbm>>
        %dma_wait3A_621 = arith.constant 0 : i32
        %dma_wait3A_622 = tpu.memref_slice %arg5[%add3A, %dma_wait3A_621] : memref<320000x4xf32, #tpu.memory_space<hbm>> -> memref<80x4xf32, #tpu.memory_space<hbm>>
        tpu.wait_dma2 semaphore(%run_scoped3A : memref<!tpu.dma_semaphore, #tpu.memory_space<semaphore_mem>>) src(%dma_wait3A_622 : memref<80x4xf32, #tpu.memory_space<hbm>>) dst(%arg9 : memref<80x4xf32, #tpu.memory_space<vmem>>)
        tpu.yield
      }) : () -> ()
      %get3A = arith.constant 0 : index
      %get3A_395 = tpu.vector_load %arg7[%get3A] {strides = array<i32>} : memref<80xi32, #tpu.memory_space<vmem>>, vector<16xi32>,
      %mul3A_396 = arith.constant 2 : i32
      %mul3A_397 = vector.broadcast %mul3A_396 : i32 to vector<16xi32>
      %mul3A_398 = arith.muli %get3A_395, %mul3A_397 : vector<16xi32>
      %add3A_399 = vector.broadcast %arg0 : i32 to vector<16xi32>
      %add3A_400 = arith.addi %mul3A_398, %add3A_399 : vector<16xi32>
      %swap3A_401 = arith.constant 0 : index
      %swap3A_402 = tpu.vector_load %arg7[%swap3A_401] {strides = array<i32>} : memref<80xi32, #tpu.memory_space<vmem>>, vector<16xi32>,
      tpu.vector_store %arg7[%swap3A_401], %add3A_400 {strides = array<i32>} : memref<80xi32, #tpu.memory_space<vmem>>, vector<16xi32>,
      %get3A_403 = arith.constant 16 : index
      %get3A_404 = tpu.vector_load %arg7[%get3A_403] {strides = array<i32>} : memref<80xi32, #tpu.memory_space<vmem>>, vector<16xi32>,
      %mul3A_405 = arith.constant 2 : i32
      %mul3A_406 = vector.broadcast %mul3A_405 : i32 to vector<16xi32>
      %mul3A_407 = arith.muli %get3A_404, %mul3A_406 : vector<16xi32>
      %add3A_408 = vector.broadcast %arg0 : i32 to vector<16xi32>
      %add3A_409 = arith.addi %mul3A_407, %add3A_408 : vector<16xi32>
      %swap3A_410 = arith.constant 16 : index
      %swap3A_411 = tpu.vector_load %arg7[%swap3A_410] {strides = array<i32>} : memref<80xi32, #tpu.memory_space<vmem>>, vector<16xi32>,
      tpu.vector_store %arg7[%swap3A_410], %add3A_409 {strides = array<i32>} : memref<80xi32, #tpu.memory_space<vmem>>, vector<16xi32>,
      %get3A_412 = arith.constant 32 : index
      %get3A_413 = tpu.vector_load %arg7[%get3A_412] {strides = array<i32>} : memref<80xi32, #tpu.memory_space<vmem>>, vector<16xi32>,
      %mul3A_414 = arith.constant 2 : i32
      %mul3A_415 = vector.broadcast %mul3A_414 : i32 to vector<16xi32>
      %mul3A_416 = arith.muli %get3A_413, %mul3A_415 : vector<16xi32>
      %add3A_417 = vector.broadcast %arg0 : i32 to vector<16xi32>
      %add3A_418 = arith.addi %mul3A_416, %add3A_417 : vector<16xi32>
      %swap3A_419 = arith.constant 32 : index
      %swap3A_420 = tpu.vector_load %arg7[%swap3A_419] {strides = array<i32>} : memref<80xi32, #tpu.memory_space<vmem>>, vector<16xi32>,
      tpu.vector_store %arg7[%swap3A_419], %add3A_418 {strides = array<i32>} : memref<80xi32, #tpu.memory_space<vmem>>, vector<16xi32>,
      %get3A_421 = arith.constant 48 : index
      %get3A_422 = tpu.vector_load %arg7[%get3A_421] {strides = array<i32>} : memref<80xi32, #tpu.memory_space<vmem>>, vector<16xi32>,
      %mul3A_423 = arith.constant 2 : i32
      %mul3A_424 = vector.broadcast %mul3A_423 : i32 to vector<16xi32>
      %mul3A_425 = arith.muli %get3A_422, %mul3A_424 : vector<16xi32>
      %add3A_426 = vector.broadcast %arg0 : i32 to vector<16xi32>
      %add3A_427 = arith.addi %mul3A_425, %add3A_426 : vector<16xi32>
      %swap3A_428 = arith.constant 48 : index
      %swap3A_429 = tpu.vector_load %arg7[%swap3A_428] {strides = array<i32>} : memref<80xi32, #tpu.memory_space<vmem>>, vector<16xi32>,
      tpu.vector_store %arg7[%swap3A_428], %add3A_427 {strides = array<i32>} : memref<80xi32, #tpu.memory_space<vmem>>, vector<16xi32>,
      %get3A_430 = arith.constant 64 : index
      %get3A_431 = tpu.vector_load %arg7[%get3A_430] {strides = array<i32>} : memref<80xi32, #tpu.memory_space<vmem>>, vector<16xi32>,
      %mul3A_432 = arith.constant 2 : i32
      %mul3A_433 = vector.broadcast %mul3A_432 : i32 to vector<16xi32>
      %mul3A_434 = arith.muli %get3A_431, %mul3A_433 : vector<16xi32>
      %add3A_435 = vector.broadcast %arg0 : i32 to vector<16xi32>
      %add3A_436 = arith.addi %mul3A_434, %add3A_435 : vector<16xi32>
      %swap3A_437 = arith.constant 64 : index
      %swap3A_438 = tpu.vector_load %arg7[%swap3A_437] {strides = array<i32>} : memref<80xi32, #tpu.memory_space<vmem>>, vector<16xi32>,
      tpu.vector_store %arg7[%swap3A_437], %add3A_436 {strides = array<i32>} : memref<80xi32, #tpu.memory_space<vmem>>, vector<16xi32>,
      %dma_start3A_439 = arith.constant 0 : i32
      %dma_start3A_440 = arith.constant 0 : i32
      %dma_start3A_441 = arith.constant 0 : i32
      %dma_start3A_442 = tpu.memref_slice %arg10[%dma_start3A_439, %dma_start3A_440, %dma_start3A_441] : memref<2x16x192xf32, #tpu.memory_space<vmem>> -> memref<1x16x192xf32, #tpu.memory_space<vmem>>
      %dma_start3A_443 = tpu.memref_squeeze %dma_start3A_442 : memref<1x16x192xf32, #tpu.memory_space<vmem>> -> memref<16x192xf32, #tpu.memory_space<vmem>>
      %dma_start3A_444 = arith.constant 0 : i32
      %dma_start3A_445 = tpu.memref_slice %arg7[%dma_start3A_444] : memref<80xi32, #tpu.memory_space<vmem>> -> memref<16xi32, #tpu.memory_space<vmem>>
      %dma_start3A_446 = arith.constant 0 : i32
      %dma_start3A_447 = arith.constant 0 : i32
      %dma_start3A_448 = tpu.memref_slice %arg2[%dma_start3A_446, %dma_start3A_447] : memref<20000x192xf32, #tpu.memory_space<hbm>> -> memref<20000x192xf32, #tpu.memory_space<hbm>>
      tpu.enqueue_indirect_dma source(%dma_start3A_448 : memref<20000x192xf32, #tpu.memory_space<hbm>>) target(%dma_start3A_443 : memref<16x192xf32, #tpu.memory_space<vmem>>) offsets(%dma_start3A_445 : memref<16xi32, #tpu.memory_space<vmem>>) semaphore(%arg14 : memref<!tpu.dma_semaphore, #tpu.memory_space<semaphore_mem>>)
      %dma_start3A_449 = arith.constant 1 : i32
      %dma_start3A_450 = arith.constant 0 : i32
      %dma_start3A_451 = arith.constant 0 : i32
      %dma_start3A_452 = tpu.memref_slice %arg10[%dma_start3A_449, %dma_start3A_450, %dma_start3A_451] : memref<2x16x192xf32, #tpu.memory_space<vmem>> -> memref<1x16x192xf32, #tpu.memory_space<vmem>>
      %dma_start3A_453 = tpu.memref_squeeze %dma_start3A_452 : memref<1x16x192xf32, #tpu.memory_space<vmem>> -> memref<16x192xf32, #tpu.memory_space<vmem>>
      %dma_start3A_454 = arith.constant 16 : i32
      %dma_start3A_455 = tpu.memref_slice %arg7[%dma_start3A_454] : memref<80xi32, #tpu.memory_space<vmem>> -> memref<16xi32, #tpu.memory_space<vmem>>
      %dma_start3A_456 = arith.constant 0 : i32
      %dma_start3A_457 = arith.constant 0 : i32
      %dma_start3A_458 = tpu.memref_slice %arg2[%dma_start3A_456, %dma_start3A_457] : memref<20000x192xf32, #tpu.memory_space<hbm>> -> memref<20000x192xf32, #tpu.memory_space<hbm>>
      tpu.enqueue_indirect_dma source(%dma_start3A_458 : memref<20000x192xf32, #tpu.memory_space<hbm>>) target(%dma_start3A_453 : memref<16x192xf32, #tpu.memory_space<vmem>>) offsets(%dma_start3A_455 : memref<16xi32, #tpu.memory_space<vmem>>) semaphore(%arg15 : memref<!tpu.dma_semaphore, #tpu.memory_space<semaphore_mem>>)
      %dma_wait3A_459 = arith.constant 0 : i32
      %dma_wait3A_460 = arith.constant 0 : i32
      %dma_wait3A_461 = arith.constant 0 : i32
      %dma_wait3A_462 = tpu.memref_slice %arg10[%dma_wait3A_459, %dma_wait3A_460, %dma_wait3A_461] : memref<2x16x192xf32, #tpu.memory_space<vmem>> -> memref<1x16x192xf32, #tpu.memory_space<vmem>>
      %dma_wait3A_463 = tpu.memref_squeeze %dma_wait3A_462 : memref<1x16x192xf32, #tpu.memory_space<vmem>> -> memref<16x192xf32, #tpu.memory_space<vmem>>
      %dma_wait3A_464 = arith.constant 0 : i32
      %dma_wait3A_465 = tpu.memref_slice %arg7[%dma_wait3A_464] : memref<80xi32, #tpu.memory_space<vmem>> -> memref<16xi32, #tpu.memory_space<vmem>>
      %dma_wait3A_466 = arith.constant 0 : i32
      %dma_wait3A_467 = arith.constant 0 : i32
      %dma_wait3A_468 = tpu.memref_slice %arg2[%dma_wait3A_466, %dma_wait3A_467] : memref<20000x192xf32, #tpu.memory_space<hbm>> -> memref<20000x192xf32, #tpu.memory_space<hbm>>
      tpu.wait_indirect_dma semaphore(%arg14 : memref<!tpu.dma_semaphore, #tpu.memory_space<semaphore_mem>>) src(%dma_wait3A_468 : memref<20000x192xf32, #tpu.memory_space<hbm>>) dst(%dma_wait3A_463 : memref<16x192xf32, #tpu.memory_space<vmem>>)
      %get3A_469 = arith.constant 0 : index
      %get3A_470 = tpu.vector_load %arg8[%get3A_469] {strides = array<i32>} : memref<80xi32, #tpu.memory_space<vmem>>, vector<16xi32>,
      %dma_wait3A_471 = arith.constant 0 : i32
      %dma_wait3A_472 = arith.constant 0 : i32
      %dma_wait3A_473 = tpu.memref_slice %arg13[%dma_wait3A_471, %dma_wait3A_472] : memref<10000x192xf32, #tpu.memory_space<vmem_shared>> -> memref<10000x192xf32, #tpu.memory_space<vmem_shared>>
      tpu.wait_indirect_dma semaphore(%arg16 : memref<!tpu.dma_semaphore, #tpu.memory_space<semaphore_mem>>) src(%arg11 : memref<16x192xf32, #tpu.memory_space<vmem>>) dst(%dma_wait3A_473 : memref<10000x192xf32, #tpu.memory_space<vmem_shared>>)
      %scan3A_474 = arith.constant 0 : i32
      %scan3A_475 = arith.constant 0 : i32
      %scan3A_476 = arith.constant 16 : i32
      %scan3A_477 = arith.addi %scan3A_475, %scan3A_476 : i32
      %scan3A_478 = arith.constant 1 : i32
      %scan3A_479 = scf.for %scan3A_615 = %scan3A_475 to %scan3A_477 step %scan3A_478 iter_args(%scan3A_616 = %scan3A_474) -> (i32)  : i32 {
        %add3A_617 = arith.constant 0 : i32
        %add3A_618 = arith.addi %add3A_617, %scan3A_615 : i32
        %add3A_619 = vector.broadcast %add3A_618 : i32 to vector<16xi32>
        %add3A_620 = arith.addi %broadcast_in_dim3A_375, %add3A_619 : vector<16xi32>
        %add3A_621 = vector.broadcast %arg0 : i32 to vector<16xi32>
        %add3A_622 = arith.addi %broadcast_in_dim3A_375, %add3A_621 : vector<16xi32>
        %gather3A = tpu.vector_load_idx %arg9[%add3A_620, %add3A_622] : memref<80x4xf32, #tpu.memory_space<vmem>>[vector<16xi32>, vector<16xi32>], vector<16xf32>,
        %add3A_623 = arith.constant 1 : i32
        %add3A_624 = arith.addi %arg0, %add3A_623 : i32
        %add3A_625 = vector.broadcast %add3A_624 : i32 to vector<16xi32>
        %add3A_626 = arith.addi %broadcast_in_dim3A_375, %add3A_625 : vector<16xi32>
        %gather3A_627 = tpu.vector_load_idx %arg9[%add3A_620, %add3A_626] : memref<80x4xf32, #tpu.memory_space<vmem>>[vector<16xi32>, vector<16xi32>], vector<16xf32>,
        %get3A_628 = arith.constant 0 : i32
        %get3A_629 = arith.index_cast %get3A_628 : i32 to index
        %get3A_630 = arith.index_cast %scan3A_615 : i32 to index
        %get3A_631 = arith.constant 0 : index
        %get3A_632 = tpu.vector_load %arg10[%get3A_629, %get3A_630, %get3A_631] {strides = array<i32>} : memref<2x16x192xf32, #tpu.memory_space<vmem>>, vector<16xf32>,
        %gt3A = arith.constant 0 : i32
        %gt3A_633 = arith.cmpi sgt, %sub3A_380, %gt3A : i32
        %select_n3A = arith.select %gt3A_633, %gather3A, %gather3A_627 : vector<16xf32>
        %mul3A_634 = arith.mulf %get3A_632, %select_n3A : vector<16xf32>
        %swap3A_635 = arith.index_cast %scan3A_615 : i32 to index
        %swap3A_636 = arith.constant 0 : index
        %swap3A_637 = tpu.vector_load %arg11[%swap3A_635, %swap3A_636] {strides = array<i32>} : memref<16x192xf32, #tpu.memory_space<vmem>>, vector<16xf32>,
        tpu.vector_store %arg11[%swap3A_635, %swap3A_636], %mul3A_634 {strides = array<i32>} : memref<16x192xf32, #tpu.memory_space<vmem>>, vector<16xf32>,
        %get3A_638 = arith.constant 0 : i32
        %get3A_639 = arith.index_cast %get3A_638 : i32 to index
        %get3A_640 = arith.index_cast %scan3A_615 : i32 to index
        %get3A_641 = arith.constant 16 : index
        %get3A_642 = tpu.vector_load %arg10[%get3A_639, %get3A_640, %get3A_641] {strides = array<i32>} : memref<2x16x192xf32, #tpu.memory_space<vmem>>, vector<16xf32>,
        %gt3A_643 = arith.constant 1 : i32
        %gt3A_644 = arith.cmpi sgt, %sub3A_380, %gt3A_643 : i32
        %select_n3A_645 = arith.select %gt3A_644, %gather3A, %gather3A_627 : vector<16xf32>
        %mul3A_646 = arith.mulf %get3A_642, %select_n3A_645 : vector<16xf32>
        %swap3A_647 = arith.index_cast %scan3A_615 : i32 to index
        %swap3A_648 = arith.constant 16 : index
        %swap3A_649 = tpu.vector_load %arg11[%swap3A_647, %swap3A_648] {strides = array<i32>} : memref<16x192xf32, #tpu.memory_space<vmem>>, vector<16xf32>,
        tpu.vector_store %arg11[%swap3A_647, %swap3A_648], %mul3A_646 {strides = array<i32>} : memref<16x192xf32, #tpu.memory_space<vmem>>, vector<16xf32>,
        %get3A_650 = arith.constant 0 : i32
        %get3A_651 = arith.index_cast %get3A_650 : i32 to index
        %get3A_652 = arith.index_cast %scan3A_615 : i32 to index
        %get3A_653 = arith.constant 32 : index
        %get3A_654 = tpu.vector_load %arg10[%get3A_651, %get3A_652, %get3A_653] {strides = array<i32>} : memref<2x16x192xf32, #tpu.memory_space<vmem>>, vector<16xf32>,
        %gt3A_655 = arith.constant 2 : i32
        %gt3A_656 = arith.cmpi sgt, %sub3A_380, %gt3A_655 : i32
        %select_n3A_657 = arith.select %gt3A_656, %gather3A, %gather3A_627 : vector<16xf32>
        %mul3A_658 = arith.mulf %get3A_654, %select_n3A_657 : vector<16xf32>
        %swap3A_659 = arith.index_cast %scan3A_615 : i32 to index
        %swap3A_660 = arith.constant 32 : index
        %swap3A_661 = tpu.vector_load %arg11[%swap3A_659, %swap3A_660] {strides = array<i32>} : memref<16x192xf32, #tpu.memory_space<vmem>>, vector<16xf32>,
        tpu.vector_store %arg11[%swap3A_659, %swap3A_660], %mul3A_658 {strides = array<i32>} : memref<16x192xf32, #tpu.memory_space<vmem>>, vector<16xf32>,
        %get3A_662 = arith.constant 0 : i32
        %get3A_663 = arith.index_cast %get3A_662 : i32 to index
        %get3A_664 = arith.index_cast %scan3A_615 : i32 to index
        %get3A_665 = arith.constant 48 : index
        %get3A_666 = tpu.vector_load %arg10[%get3A_663, %get3A_664, %get3A_665] {strides = array<i32>} : memref<2x16x192xf32, #tpu.memory_space<vmem>>, vector<16xf32>,
        %gt3A_667 = arith.constant 3 : i32
        %gt3A_668 = arith.cmpi sgt, %sub3A_380, %gt3A_667 : i32
        %select_n3A_669 = arith.select %gt3A_668, %gather3A, %gather3A_627 : vector<16xf32>
        %mul3A_670 = arith.mulf %get3A_666, %select_n3A_669 : vector<16xf32>
        %swap3A_671 = arith.index_cast %scan3A_615 : i32 to index
        %swap3A_672 = arith.constant 48 : index
        %swap3A_673 = tpu.vector_load %arg11[%swap3A_671, %swap3A_672] {strides = array<i32>} : memref<16x192xf32, #tpu.memory_space<vmem>>, vector<16xf32>,
        tpu.vector_store %arg11[%swap3A_671, %swap3A_672], %mul3A_670 {strides = array<i32>} : memref<16x192xf32, #tpu.memory_space<vmem>>, vector<16xf32>,
        %get3A_674 = arith.constant 0 : i32
        %get3A_675 = arith.index_cast %get3A_674 : i32 to index
        %get3A_676 = arith.index_cast %scan3A_615 : i32 to index
        %get3A_677 = arith.constant 64 : index
        %get3A_678 = tpu.vector_load %arg10[%get3A_675, %get3A_676, %get3A_677] {strides = array<i32>} : memref<2x16x192xf32, #tpu.memory_space<vmem>>, vector<16xf32>,
        %gt3A_679 = arith.constant 4 : i32
        %gt3A_680 = arith.cmpi sgt, %sub3A_380, %gt3A_679 : i32
        %select_n3A_681 = arith.select %gt3A_680, %gather3A, %gather3A_627 : vector<16xf32>
        %mul3A_682 = arith.mulf %get3A_678, %select_n3A_681 : vector<16xf32>
        %swap3A_683 = arith.index_cast %scan3A_615 : i32 to index
        %swap3A_684 = arith.constant 64 : index
        %swap3A_685 = tpu.vector_load %arg11[%swap3A_683, %swap3A_684] {strides = array<i32>} : memref<16x192xf32, #tpu.memory_space<vmem>>, vector<16xf32>,
        tpu.vector_store %arg11[%swap3A_683, %swap3A_684], %mul3A_682 {strides = array<i32>} : memref<16x192xf32, #tpu.memory_space<vmem>>, vector<16xf32>,
        %get3A_686 = arith.constant 0 : i32
        %get3A_687 = arith.index_cast %get3A_686 : i32 to index
        %get3A_688 = arith.index_cast %scan3A_615 : i32 to index
        %get3A_689 = arith.constant 80 : index
        %get3A_690 = tpu.vector_load %arg10[%get3A_687, %get3A_688, %get3A_689] {strides = array<i32>} : memref<2x16x192xf32, #tpu.memory_space<vmem>>, vector<16xf32>,
        %gt3A_691 = arith.constant 5 : i32
        %gt3A_692 = arith.cmpi sgt, %sub3A_380, %gt3A_691 : i32
        %select_n3A_693 = arith.select %gt3A_692, %gather3A, %gather3A_627 : vector<16xf32>
        %mul3A_694 = arith.mulf %get3A_690, %select_n3A_693 : vector<16xf32>
        %swap3A_695 = arith.index_cast %scan3A_615 : i32 to index
        %swap3A_696 = arith.constant 80 : index
        %swap3A_697 = tpu.vector_load %arg11[%swap3A_695, %swap3A_696] {strides = array<i32>} : memref<16x192xf32, #tpu.memory_space<vmem>>, vector<16xf32>,
        tpu.vector_store %arg11[%swap3A_695, %swap3A_696], %mul3A_694 {strides = array<i32>} : memref<16x192xf32, #tpu.memory_space<vmem>>, vector<16xf32>,
        %get3A_698 = arith.constant 0 : i32
        %get3A_699 = arith.index_cast %get3A_698 : i32 to index
        %get3A_700 = arith.index_cast %scan3A_615 : i32 to index
        %get3A_701 = arith.constant 96 : index
        %get3A_702 = tpu.vector_load %arg10[%get3A_699, %get3A_700, %get3A_701] {strides = array<i32>} : memref<2x16x192xf32, #tpu.memory_space<vmem>>, vector<16xf32>,
        %gt3A_703 = arith.constant 6 : i32
        %gt3A_704 = arith.cmpi sgt, %sub3A_380, %gt3A_703 : i32
        %select_n3A_705 = arith.select %gt3A_704, %gather3A, %gather3A_627 : vector<16xf32>
        %mul3A_706 = arith.mulf %get3A_702, %select_n3A_705 : vector<16xf32>
        %swap3A_707 = arith.index_cast %scan3A_615 : i32 to index
        %swap3A_708 = arith.constant 96 : index
        %swap3A_709 = tpu.vector_load %arg11[%swap3A_707, %swap3A_708] {strides = array<i32>} : memref<16x192xf32, #tpu.memory_space<vmem>>, vector<16xf32>,
        tpu.vector_store %arg11[%swap3A_707, %swap3A_708], %mul3A_706 {strides = array<i32>} : memref<16x192xf32, #tpu.memory_space<vmem>>, vector<16xf32>,
        %get3A_710 = arith.constant 0 : i32
        %get3A_711 = arith.index_cast %get3A_710 : i32 to index
        %get3A_712 = arith.index_cast %scan3A_615 : i32 to index
        %get3A_713 = arith.constant 112 : index
        %get3A_714 = tpu.vector_load %arg10[%get3A_711, %get3A_712, %get3A_713] {strides = array<i32>} : memref<2x16x192xf32, #tpu.memory_space<vmem>>, vector<16xf32>,
        %gt3A_715 = arith.constant 7 : i32
        %gt3A_716 = arith.cmpi sgt, %sub3A_380, %gt3A_715 : i32
        %select_n3A_717 = arith.select %gt3A_716, %gather3A, %gather3A_627 : vector<16xf32>
        %mul3A_718 = arith.mulf %get3A_714, %select_n3A_717 : vector<16xf32>
        %swap3A_719 = arith.index_cast %scan3A_615 : i32 to index
        %swap3A_720 = arith.constant 112 : index
        %swap3A_721 = tpu.vector_load %arg11[%swap3A_719, %swap3A_720] {strides = array<i32>} : memref<16x192xf32, #tpu.memory_space<vmem>>, vector<16xf32>,
        tpu.vector_store %arg11[%swap3A_719, %swap3A_720], %mul3A_718 {strides = array<i32>} : memref<16x192xf32, #tpu.memory_space<vmem>>, vector<16xf32>,
        %get3A_722 = arith.constant 0 : i32
        %get3A_723 = arith.index_cast %get3A_722 : i32 to index
        %get3A_724 = arith.index_cast %scan3A_615 : i32 to index
        %get3A_725 = arith.constant 128 : index
        %get3A_726 = tpu.vector_load %arg10[%get3A_723, %get3A_724, %get3A_725] {strides = array<i32>} : memref<2x16x192xf32, #tpu.memory_space<vmem>>, vector<16xf32>,
        %gt3A_727 = arith.constant 8 : i32
        %gt3A_728 = arith.cmpi sgt, %sub3A_380, %gt3A_727 : i32
        %select_n3A_729 = arith.select %gt3A_728, %gather3A, %gather3A_627 : vector<16xf32>
        %mul3A_730 = arith.mulf %get3A_726, %select_n3A_729 : vector<16xf32>
        %swap3A_731 = arith.index_cast %scan3A_615 : i32 to index
        %swap3A_732 = arith.constant 128 : index
        %swap3A_733 = tpu.vector_load %arg11[%swap3A_731, %swap3A_732] {strides = array<i32>} : memref<16x192xf32, #tpu.memory_space<vmem>>, vector<16xf32>,
        tpu.vector_store %arg11[%swap3A_731, %swap3A_732], %mul3A_730 {strides = array<i32>} : memref<16x192xf32, #tpu.memory_space<vmem>>, vector<16xf32>,
        %get3A_734 = arith.constant 0 : i32
        %get3A_735 = arith.index_cast %get3A_734 : i32 to index
        %get3A_736 = arith.index_cast %scan3A_615 : i32 to index
        %get3A_737 = arith.constant 144 : index
        %get3A_738 = tpu.vector_load %arg10[%get3A_735, %get3A_736, %get3A_737] {strides = array<i32>} : memref<2x16x192xf32, #tpu.memory_space<vmem>>, vector<16xf32>,
        %gt3A_739 = arith.constant 9 : i32
        %gt3A_740 = arith.cmpi sgt, %sub3A_380, %gt3A_739 : i32
        %select_n3A_741 = arith.select %gt3A_740, %gather3A, %gather3A_627 : vector<16xf32>
        %mul3A_742 = arith.mulf %get3A_738, %select_n3A_741 : vector<16xf32>
        %swap3A_743 = arith.index_cast %scan3A_615 : i32 to index
        %swap3A_744 = arith.constant 144 : index
        %swap3A_745 = tpu.vector_load %arg11[%swap3A_743, %swap3A_744] {strides = array<i32>} : memref<16x192xf32, #tpu.memory_space<vmem>>, vector<16xf32>,
        tpu.vector_store %arg11[%swap3A_743, %swap3A_744], %mul3A_742 {strides = array<i32>} : memref<16x192xf32, #tpu.memory_space<vmem>>, vector<16xf32>,
        %get3A_746 = arith.constant 0 : i32
        %get3A_747 = arith.index_cast %get3A_746 : i32 to index
        %get3A_748 = arith.index_cast %scan3A_615 : i32 to index
        %get3A_749 = arith.constant 160 : index
        %get3A_750 = tpu.vector_load %arg10[%get3A_747, %get3A_748, %get3A_749] {strides = array<i32>} : memref<2x16x192xf32, #tpu.memory_space<vmem>>, vector<16xf32>,
        %gt3A_751 = arith.constant 10 : i32
        %gt3A_752 = arith.cmpi sgt, %sub3A_380, %gt3A_751 : i32
        %select_n3A_753 = arith.select %gt3A_752, %gather3A, %gather3A_627 : vector<16xf32>
        %mul3A_754 = arith.mulf %get3A_750, %select_n3A_753 : vector<16xf32>
        %swap3A_755 = arith.index_cast %scan3A_615 : i32 to index
        %swap3A_756 = arith.constant 160 : index
        %swap3A_757 = tpu.vector_load %arg11[%swap3A_755, %swap3A_756] {strides = array<i32>} : memref<16x192xf32, #tpu.memory_space<vmem>>, vector<16xf32>,
        tpu.vector_store %arg11[%swap3A_755, %swap3A_756], %mul3A_754 {strides = array<i32>} : memref<16x192xf32, #tpu.memory_space<vmem>>, vector<16xf32>,
        %get3A_758 = arith.constant 0 : i32
        %get3A_759 = arith.index_cast %get3A_758 : i32 to index
        %get3A_760 = arith.index_cast %scan3A_615 : i32 to index
        %get3A_761 = arith.constant 176 : index
        %get3A_762 = tpu.vector_load %arg10[%get3A_759, %get3A_760, %get3A_761] {strides = array<i32>} : memref<2x16x192xf32, #tpu.memory_space<vmem>>, vector<16xf32>,
        %gt3A_763 = arith.constant 11 : i32
        %gt3A_764 = arith.cmpi sgt, %sub3A_380, %gt3A_763 : i32
        %select_n3A_765 = arith.select %gt3A_764, %gather3A, %gather3A_627 : vector<16xf32>
        %mul3A_766 = arith.mulf %get3A_762, %select_n3A_765 : vector<16xf32>
        %swap3A_767 = arith.index_cast %scan3A_615 : i32 to index
        %swap3A_768 = arith.constant 176 : index
        %swap3A_769 = tpu.vector_load %arg11[%swap3A_767, %swap3A_768] {strides = array<i32>} : memref<16x192xf32, #tpu.memory_space<vmem>>, vector<16xf32>,
        tpu.vector_store %arg11[%swap3A_767, %swap3A_768], %mul3A_766 {strides = array<i32>} : memref<16x192xf32, #tpu.memory_space<vmem>>, vector<16xf32>,
        %scan3A_770 = arith.constant 0 : i32
        scf.yield %scan3A_770 : i32
      }
      %scan3A_480 = arith.constant 16 : i32
      %dma_start3A_481 = arith.constant 0 : i32
      %dma_start3A_482 = arith.constant 0 : i32
      %dma_start3A_483 = tpu.memref_slice %arg13[%dma_start3A_481, %dma_start3A_482] : memref<10000x192xf32, #tpu.memory_space<vmem_shared>> -> memref<10000x192xf32, #tpu.memory_space<vmem_shared>>
      tpu.enqueue_indirect_dma source(%arg11 : memref<16x192xf32, #tpu.memory_space<vmem>>) target(%dma_start3A_483 : memref<10000x192xf32, #tpu.memory_space<vmem_shared>>) offsets(%get3A_470 : vector<16xi32>) semaphore(%arg16 : memref<!tpu.dma_semaphore, #tpu.memory_space<semaphore_mem>>) {add = true}
      %dma_start3A_484 = arith.constant 0 : i32
      %dma_start3A_485 = arith.constant 0 : i32
      %dma_start3A_486 = arith.constant 0 : i32
      %dma_start3A_487 = tpu.memref_slice %arg10[%dma_start3A_484, %dma_start3A_485, %dma_start3A_486] : memref<2x16x192xf32, #tpu.memory_space<vmem>> -> memref<1x16x192xf32, #tpu.memory_space<vmem>>
      %dma_start3A_488 = tpu.memref_squeeze %dma_start3A_487 : memref<1x16x192xf32, #tpu.memory_space<vmem>> -> memref<16x192xf32, #tpu.memory_space<vmem>>
      %dma_start3A_489 = arith.constant 32 : i32
      %dma_start3A_490 = tpu.memref_slice %arg7[%dma_start3A_489] : memref<80xi32, #tpu.memory_space<vmem>> -> memref<16xi32, #tpu.memory_space<vmem>>
      %dma_start3A_491 = arith.constant 0 : i32
      %dma_start3A_492 = arith.constant 0 : i32
      %dma_start3A_493 = tpu.memref_slice %arg2[%dma_start3A_491, %dma_start3A_492] : memref<20000x192xf32, #tpu.memory_space<hbm>> -> memref<20000x192xf32, #tpu.memory_space<hbm>>
      tpu.enqueue_indirect_dma source(%dma_start3A_493 : memref<20000x192xf32, #tpu.memory_space<hbm>>) target(%dma_start3A_488 : memref<16x192xf32, #tpu.memory_space<vmem>>) offsets(%dma_start3A_490 : memref<16xi32, #tpu.memory_space<vmem>>) semaphore(%arg14 : memref<!tpu.dma_semaphore, #tpu.memory_space<semaphore_mem>>)
      %dma_wait3A_494 = arith.constant 1 : i32
      %dma_wait3A_495 = arith.constant 0 : i32
      %dma_wait3A_496 = arith.constant 0 : i32
      %dma_wait3A_497 = tpu.memref_slice %arg10[%dma_wait3A_494, %dma_wait3A_495, %dma_wait3A_496] : memref<2x16x192xf32, #tpu.memory_space<vmem>> -> memref<1x16x192xf32, #tpu.memory_space<vmem>>
      %dma_wait3A_498 = tpu.memref_squeeze %dma_wait3A_497 : memref<1x16x192xf32, #tpu.memory_space<vmem>> -> memref<16x192xf32, #tpu.memory_space<vmem>>
      %dma_wait3A_499 = arith.constant 16 : i32
      %dma_wait3A_500 = tpu.memref_slice %arg7[%dma_wait3A_499] : memref<80xi32, #tpu.memory_space<vmem>> -> memref<16xi32, #tpu.memory_space<vmem>>
      %dma_wait3A_501 = arith.constant 0 : i32
      %dma_wait3A_502 = arith.constant 0 : i32
      %dma_wait3A_503 = tpu.memref_slice %arg2[%dma_wait3A_501, %dma_wait3A_502] : memref<20000x192xf32, #tpu.memory_space<hbm>> -> memref<20000x192xf32, #tpu.memory_space<hbm>>
      tpu.wait_indirect_dma semaphore(%arg15 : memref<!tpu.dma_semaphore, #tpu.memory_space<semaphore_mem>>) src(%dma_wait3A_503 : memref<20000x192xf32, #tpu.memory_space<hbm>>) dst(%dma_wait3A_498 : memref<16x192xf32, #tpu.memory_space<vmem>>)
      %get3A_504 = arith.constant 16 : index
      %get3A_505 = tpu.vector_load %arg8[%get3A_504] {strides = array<i32>} : memref<80xi32, #tpu.memory_space<vmem>>, vector<16xi32>,
      %dma_wait3A_506 = arith.constant 0 : i32
      %dma_wait3A_507 = arith.constant 0 : i32
      %dma_wait3A_508 = tpu.memref_slice %arg13[%dma_wait3A_506, %dma_wait3A_507] : memref<10000x192xf32, #tpu.memory_space<vmem_shared>> -> memref<10000x192xf32, #tpu.memory_space<vmem_shared>>
      tpu.wait_indirect_dma semaphore(%arg16 : memref<!tpu.dma_semaphore, #tpu.memory_space<semaphore_mem>>) src(%arg11 : memref<16x192xf32, #tpu.memory_space<vmem>>) dst(%dma_wait3A_508 : memref<10000x192xf32, #tpu.memory_space<vmem_shared>>)
      %scan3A_509 = arith.constant 0 : i32
      %scan3A_510 = arith.constant 0 : i32
      %scan3A_511 = arith.constant 16 : i32
      %scan3A_512 = arith.addi %scan3A_510, %scan3A_511 : i32
      %scan3A_513 = arith.constant 1 : i32
      %scan3A_514 = scf.for %scan3A_615 = %scan3A_510 to %scan3A_512 step %scan3A_513 iter_args(%scan3A_616 = %scan3A_509) -> (i32)  : i32 {
        %add3A_617 = arith.constant 16 : i32
        %add3A_618 = arith.addi %add3A_617, %scan3A_615 : i32
        %add3A_619 = vector.broadcast %add3A_618 : i32 to vector<16xi32>
        %add3A_620 = arith.addi %broadcast_in_dim3A_375, %add3A_619 : vector<16xi32>
        %add3A_621 = vector.broadcast %arg0 : i32 to vector<16xi32>
        %add3A_622 = arith.addi %broadcast_in_dim3A_375, %add3A_621 : vector<16xi32>
        %gather3A = tpu.vector_load_idx %arg9[%add3A_620, %add3A_622] : memref<80x4xf32, #tpu.memory_space<vmem>>[vector<16xi32>, vector<16xi32>], vector<16xf32>,
        %add3A_623 = arith.constant 1 : i32
        %add3A_624 = arith.addi %arg0, %add3A_623 : i32
        %add3A_625 = vector.broadcast %add3A_624 : i32 to vector<16xi32>
        %add3A_626 = arith.addi %broadcast_in_dim3A_375, %add3A_625 : vector<16xi32>
        %gather3A_627 = tpu.vector_load_idx %arg9[%add3A_620, %add3A_626] : memref<80x4xf32, #tpu.memory_space<vmem>>[vector<16xi32>, vector<16xi32>], vector<16xf32>,
        %get3A_628 = arith.constant 1 : i32
        %get3A_629 = arith.index_cast %get3A_628 : i32 to index
        %get3A_630 = arith.index_cast %scan3A_615 : i32 to index
        %get3A_631 = arith.constant 0 : index
        %get3A_632 = tpu.vector_load %arg10[%get3A_629, %get3A_630, %get3A_631] {strides = array<i32>} : memref<2x16x192xf32, #tpu.memory_space<vmem>>, vector<16xf32>,
        %gt3A = arith.constant 0 : i32
        %gt3A_633 = arith.cmpi sgt, %sub3A_380, %gt3A : i32
        %select_n3A = arith.select %gt3A_633, %gather3A, %gather3A_627 : vector<16xf32>
        %mul3A_634 = arith.mulf %get3A_632, %select_n3A : vector<16xf32>
        %swap3A_635 = arith.index_cast %scan3A_615 : i32 to index
        %swap3A_636 = arith.constant 0 : index
        %swap3A_637 = tpu.vector_load %arg11[%swap3A_635, %swap3A_636] {strides = array<i32>} : memref<16x192xf32, #tpu.memory_space<vmem>>, vector<16xf32>,
        tpu.vector_store %arg11[%swap3A_635, %swap3A_636], %mul3A_634 {strides = array<i32>} : memref<16x192xf32, #tpu.memory_space<vmem>>, vector<16xf32>,
        %get3A_638 = arith.constant 1 : i32
        %get3A_639 = arith.index_cast %get3A_638 : i32 to index
        %get3A_640 = arith.index_cast %scan3A_615 : i32 to index
        %get3A_641 = arith.constant 16 : index
        %get3A_642 = tpu.vector_load %arg10[%get3A_639, %get3A_640, %get3A_641] {strides = array<i32>} : memref<2x16x192xf32, #tpu.memory_space<vmem>>, vector<16xf32>,
        %gt3A_643 = arith.constant 1 : i32
        %gt3A_644 = arith.cmpi sgt, %sub3A_380, %gt3A_643 : i32
        %select_n3A_645 = arith.select %gt3A_644, %gather3A, %gather3A_627 : vector<16xf32>
        %mul3A_646 = arith.mulf %get3A_642, %select_n3A_645 : vector<16xf32>
        %swap3A_647 = arith.index_cast %scan3A_615 : i32 to index
        %swap3A_648 = arith.constant 16 : index
        %swap3A_649 = tpu.vector_load %arg11[%swap3A_647, %swap3A_648] {strides = array<i32>} : memref<16x192xf32, #tpu.memory_space<vmem>>, vector<16xf32>,
        tpu.vector_store %arg11[%swap3A_647, %swap3A_648], %mul3A_646 {strides = array<i32>} : memref<16x192xf32, #tpu.memory_space<vmem>>, vector<16xf32>,
        %get3A_650 = arith.constant 1 : i32
        %get3A_651 = arith.index_cast %get3A_650 : i32 to index
        %get3A_652 = arith.index_cast %scan3A_615 : i32 to index
        %get3A_653 = arith.constant 32 : index
        %get3A_654 = tpu.vector_load %arg10[%get3A_651, %get3A_652, %get3A_653] {strides = array<i32>} : memref<2x16x192xf32, #tpu.memory_space<vmem>>, vector<16xf32>,
        %gt3A_655 = arith.constant 2 : i32
        %gt3A_656 = arith.cmpi sgt, %sub3A_380, %gt3A_655 : i32
        %select_n3A_657 = arith.select %gt3A_656, %gather3A, %gather3A_627 : vector<16xf32>
        %mul3A_658 = arith.mulf %get3A_654, %select_n3A_657 : vector<16xf32>
        %swap3A_659 = arith.index_cast %scan3A_615 : i32 to index
        %swap3A_660 = arith.constant 32 : index
        %swap3A_661 = tpu.vector_load %arg11[%swap3A_659, %swap3A_660] {strides = array<i32>} : memref<16x192xf32, #tpu.memory_space<vmem>>, vector<16xf32>,
        tpu.vector_store %arg11[%swap3A_659, %swap3A_660], %mul3A_658 {strides = array<i32>} : memref<16x192xf32, #tpu.memory_space<vmem>>, vector<16xf32>,
        %get3A_662 = arith.constant 1 : i32
        %get3A_663 = arith.index_cast %get3A_662 : i32 to index
        %get3A_664 = arith.index_cast %scan3A_615 : i32 to index
        %get3A_665 = arith.constant 48 : index
        %get3A_666 = tpu.vector_load %arg10[%get3A_663, %get3A_664, %get3A_665] {strides = array<i32>} : memref<2x16x192xf32, #tpu.memory_space<vmem>>, vector<16xf32>,
        %gt3A_667 = arith.constant 3 : i32
        %gt3A_668 = arith.cmpi sgt, %sub3A_380, %gt3A_667 : i32
        %select_n3A_669 = arith.select %gt3A_668, %gather3A, %gather3A_627 : vector<16xf32>
        %mul3A_670 = arith.mulf %get3A_666, %select_n3A_669 : vector<16xf32>
        %swap3A_671 = arith.index_cast %scan3A_615 : i32 to index
        %swap3A_672 = arith.constant 48 : index
        %swap3A_673 = tpu.vector_load %arg11[%swap3A_671, %swap3A_672] {strides = array<i32>} : memref<16x192xf32, #tpu.memory_space<vmem>>, vector<16xf32>,
        tpu.vector_store %arg11[%swap3A_671, %swap3A_672], %mul3A_670 {strides = array<i32>} : memref<16x192xf32, #tpu.memory_space<vmem>>, vector<16xf32>,
        %get3A_674 = arith.constant 1 : i32
        %get3A_675 = arith.index_cast %get3A_674 : i32 to index
        %get3A_676 = arith.index_cast %scan3A_615 : i32 to index
        %get3A_677 = arith.constant 64 : index
        %get3A_678 = tpu.vector_load %arg10[%get3A_675, %get3A_676, %get3A_677] {strides = array<i32>} : memref<2x16x192xf32, #tpu.memory_space<vmem>>, vector<16xf32>,
        %gt3A_679 = arith.constant 4 : i32
        %gt3A_680 = arith.cmpi sgt, %sub3A_380, %gt3A_679 : i32
        %select_n3A_681 = arith.select %gt3A_680, %gather3A, %gather3A_627 : vector<16xf32>
        %mul3A_682 = arith.mulf %get3A_678, %select_n3A_681 : vector<16xf32>
        %swap3A_683 = arith.index_cast %scan3A_615 : i32 to index
        %swap3A_684 = arith.constant 64 : index
        %swap3A_685 = tpu.vector_load %arg11[%swap3A_683, %swap3A_684] {strides = array<i32>} : memref<16x192xf32, #tpu.memory_space<vmem>>, vector<16xf32>,
        tpu.vector_store %arg11[%swap3A_683, %swap3A_684], %mul3A_682 {strides = array<i32>} : memref<16x192xf32, #tpu.memory_space<vmem>>, vector<16xf32>,
        %get3A_686 = arith.constant 1 : i32
        %get3A_687 = arith.index_cast %get3A_686 : i32 to index
        %get3A_688 = arith.index_cast %scan3A_615 : i32 to index
        %get3A_689 = arith.constant 80 : index
        %get3A_690 = tpu.vector_load %arg10[%get3A_687, %get3A_688, %get3A_689] {strides = array<i32>} : memref<2x16x192xf32, #tpu.memory_space<vmem>>, vector<16xf32>,
        %gt3A_691 = arith.constant 5 : i32
        %gt3A_692 = arith.cmpi sgt, %sub3A_380, %gt3A_691 : i32
        %select_n3A_693 = arith.select %gt3A_692, %gather3A, %gather3A_627 : vector<16xf32>
        %mul3A_694 = arith.mulf %get3A_690, %select_n3A_693 : vector<16xf32>
        %swap3A_695 = arith.index_cast %scan3A_615 : i32 to index
        %swap3A_696 = arith.constant 80 : index
        %swap3A_697 = tpu.vector_load %arg11[%swap3A_695, %swap3A_696] {strides = array<i32>} : memref<16x192xf32, #tpu.memory_space<vmem>>, vector<16xf32>,
        tpu.vector_store %arg11[%swap3A_695, %swap3A_696], %mul3A_694 {strides = array<i32>} : memref<16x192xf32, #tpu.memory_space<vmem>>, vector<16xf32>,
        %get3A_698 = arith.constant 1 : i32
        %get3A_699 = arith.index_cast %get3A_698 : i32 to index
        %get3A_700 = arith.index_cast %scan3A_615 : i32 to index
        %get3A_701 = arith.constant 96 : index
        %get3A_702 = tpu.vector_load %arg10[%get3A_699, %get3A_700, %get3A_701] {strides = array<i32>} : memref<2x16x192xf32, #tpu.memory_space<vmem>>, vector<16xf32>,
        %gt3A_703 = arith.constant 6 : i32
        %gt3A_704 = arith.cmpi sgt, %sub3A_380, %gt3A_703 : i32
        %select_n3A_705 = arith.select %gt3A_704, %gather3A, %gather3A_627 : vector<16xf32>
        %mul3A_706 = arith.mulf %get3A_702, %select_n3A_705 : vector<16xf32>
        %swap3A_707 = arith.index_cast %scan3A_615 : i32 to index
        %swap3A_708 = arith.constant 96 : index
        %swap3A_709 = tpu.vector_load %arg11[%swap3A_707, %swap3A_708] {strides = array<i32>} : memref<16x192xf32, #tpu.memory_space<vmem>>, vector<16xf32>,
        tpu.vector_store %arg11[%swap3A_707, %swap3A_708], %mul3A_706 {strides = array<i32>} : memref<16x192xf32, #tpu.memory_space<vmem>>, vector<16xf32>,
        %get3A_710 = arith.constant 1 : i32
        %get3A_711 = arith.index_cast %get3A_710 : i32 to index
        %get3A_712 = arith.index_cast %scan3A_615 : i32 to index
        %get3A_713 = arith.constant 112 : index
        %get3A_714 = tpu.vector_load %arg10[%get3A_711, %get3A_712, %get3A_713] {strides = array<i32>} : memref<2x16x192xf32, #tpu.memory_space<vmem>>, vector<16xf32>,
        %gt3A_715 = arith.constant 7 : i32
        %gt3A_716 = arith.cmpi sgt, %sub3A_380, %gt3A_715 : i32
        %select_n3A_717 = arith.select %gt3A_716, %gather3A, %gather3A_627 : vector<16xf32>
        %mul3A_718 = arith.mulf %get3A_714, %select_n3A_717 : vector<16xf32>
        %swap3A_719 = arith.index_cast %scan3A_615 : i32 to index
        %swap3A_720 = arith.constant 112 : index
        %swap3A_721 = tpu.vector_load %arg11[%swap3A_719, %swap3A_720] {strides = array<i32>} : memref<16x192xf32, #tpu.memory_space<vmem>>, vector<16xf32>,
        tpu.vector_store %arg11[%swap3A_719, %swap3A_720], %mul3A_718 {strides = array<i32>} : memref<16x192xf32, #tpu.memory_space<vmem>>, vector<16xf32>,
        %get3A_722 = arith.constant 1 : i32
        %get3A_723 = arith.index_cast %get3A_722 : i32 to index
        %get3A_724 = arith.index_cast %scan3A_615 : i32 to index
        %get3A_725 = arith.constant 128 : index
        %get3A_726 = tpu.vector_load %arg10[%get3A_723, %get3A_724, %get3A_725] {strides = array<i32>} : memref<2x16x192xf32, #tpu.memory_space<vmem>>, vector<16xf32>,
        %gt3A_727 = arith.constant 8 : i32
        %gt3A_728 = arith.cmpi sgt, %sub3A_380, %gt3A_727 : i32
        %select_n3A_729 = arith.select %gt3A_728, %gather3A, %gather3A_627 : vector<16xf32>
        %mul3A_730 = arith.mulf %get3A_726, %select_n3A_729 : vector<16xf32>
        %swap3A_731 = arith.index_cast %scan3A_615 : i32 to index
        %swap3A_732 = arith.constant 128 : index
        %swap3A_733 = tpu.vector_load %arg11[%swap3A_731, %swap3A_732] {strides = array<i32>} : memref<16x192xf32, #tpu.memory_space<vmem>>, vector<16xf32>,
        tpu.vector_store %arg11[%swap3A_731, %swap3A_732], %mul3A_730 {strides = array<i32>} : memref<16x192xf32, #tpu.memory_space<vmem>>, vector<16xf32>,
        %get3A_734 = arith.constant 1 : i32
        %get3A_735 = arith.index_cast %get3A_734 : i32 to index
        %get3A_736 = arith.index_cast %scan3A_615 : i32 to index
        %get3A_737 = arith.constant 144 : index
        %get3A_738 = tpu.vector_load %arg10[%get3A_735, %get3A_736, %get3A_737] {strides = array<i32>} : memref<2x16x192xf32, #tpu.memory_space<vmem>>, vector<16xf32>,
        %gt3A_739 = arith.constant 9 : i32
        %gt3A_740 = arith.cmpi sgt, %sub3A_380, %gt3A_739 : i32
        %select_n3A_741 = arith.select %gt3A_740, %gather3A, %gather3A_627 : vector<16xf32>
        %mul3A_742 = arith.mulf %get3A_738, %select_n3A_741 : vector<16xf32>
        %swap3A_743 = arith.index_cast %scan3A_615 : i32 to index
        %swap3A_744 = arith.constant 144 : index
        %swap3A_745 = tpu.vector_load %arg11[%swap3A_743, %swap3A_744] {strides = array<i32>} : memref<16x192xf32, #tpu.memory_space<vmem>>, vector<16xf32>,
        tpu.vector_store %arg11[%swap3A_743, %swap3A_744], %mul3A_742 {strides = array<i32>} : memref<16x192xf32, #tpu.memory_space<vmem>>, vector<16xf32>,
        %get3A_746 = arith.constant 1 : i32
        %get3A_747 = arith.index_cast %get3A_746 : i32 to index
        %get3A_748 = arith.index_cast %scan3A_615 : i32 to index
        %get3A_749 = arith.constant 160 : index
        %get3A_750 = tpu.vector_load %arg10[%get3A_747, %get3A_748, %get3A_749] {strides = array<i32>} : memref<2x16x192xf32, #tpu.memory_space<vmem>>, vector<16xf32>,
        %gt3A_751 = arith.constant 10 : i32
        %gt3A_752 = arith.cmpi sgt, %sub3A_380, %gt3A_751 : i32
        %select_n3A_753 = arith.select %gt3A_752, %gather3A, %gather3A_627 : vector<16xf32>
        %mul3A_754 = arith.mulf %get3A_750, %select_n3A_753 : vector<16xf32>
        %swap3A_755 = arith.index_cast %scan3A_615 : i32 to index
        %swap3A_756 = arith.constant 160 : index
        %swap3A_757 = tpu.vector_load %arg11[%swap3A_755, %swap3A_756] {strides = array<i32>} : memref<16x192xf32, #tpu.memory_space<vmem>>, vector<16xf32>,
        tpu.vector_store %arg11[%swap3A_755, %swap3A_756], %mul3A_754 {strides = array<i32>} : memref<16x192xf32, #tpu.memory_space<vmem>>, vector<16xf32>,
        %get3A_758 = arith.constant 1 : i32
        %get3A_759 = arith.index_cast %get3A_758 : i32 to index
        %get3A_760 = arith.index_cast %scan3A_615 : i32 to index
        %get3A_761 = arith.constant 176 : index
        %get3A_762 = tpu.vector_load %arg10[%get3A_759, %get3A_760, %get3A_761] {strides = array<i32>} : memref<2x16x192xf32, #tpu.memory_space<vmem>>, vector<16xf32>,
        %gt3A_763 = arith.constant 11 : i32
        %gt3A_764 = arith.cmpi sgt, %sub3A_380, %gt3A_763 : i32
        %select_n3A_765 = arith.select %gt3A_764, %gather3A, %gather3A_627 : vector<16xf32>
        %mul3A_766 = arith.mulf %get3A_762, %select_n3A_765 : vector<16xf32>
        %swap3A_767 = arith.index_cast %scan3A_615 : i32 to index
        %swap3A_768 = arith.constant 176 : index
        %swap3A_769 = tpu.vector_load %arg11[%swap3A_767, %swap3A_768] {strides = array<i32>} : memref<16x192xf32, #tpu.memory_space<vmem>>, vector<16xf32>,
        tpu.vector_store %arg11[%swap3A_767, %swap3A_768], %mul3A_766 {strides = array<i32>} : memref<16x192xf32, #tpu.memory_space<vmem>>, vector<16xf32>,
        %scan3A_770 = arith.constant 0 : i32
        scf.yield %scan3A_770 : i32
      }
      %scan3A_515 = arith.constant 16 : i32
      %dma_start3A_516 = arith.constant 0 : i32
      %dma_start3A_517 = arith.constant 0 : i32
      %dma_start3A_518 = tpu.memref_slice %arg13[%dma_start3A_516, %dma_start3A_517] : memref<10000x192xf32, #tpu.memory_space<vmem_shared>> -> memref<10000x192xf32, #tpu.memory_space<vmem_shared>>
      tpu.enqueue_indirect_dma source(%arg11 : memref<16x192xf32, #tpu.memory_space<vmem>>) target(%dma_start3A_518 : memref<10000x192xf32, #tpu.memory_space<vmem_shared>>) offsets(%get3A_505 : vector<16xi32>) semaphore(%arg16 : memref<!tpu.dma_semaphore, #tpu.memory_space<semaphore_mem>>) {add = true}
      %dma_start3A_519 = arith.constant 1 : i32
      %dma_start3A_520 = arith.constant 0 : i32
      %dma_start3A_521 = arith.constant 0 : i32
      %dma_start3A_522 = tpu.memref_slice %arg10[%dma_start3A_519, %dma_start3A_520, %dma_start3A_521] : memref<2x16x192xf32, #tpu.memory_space<vmem>> -> memref<1x16x192xf32, #tpu.memory_space<vmem>>
      %dma_start3A_523 = tpu.memref_squeeze %dma_start3A_522 : memref<1x16x192xf32, #tpu.memory_space<vmem>> -> memref<16x192xf32, #tpu.memory_space<vmem>>
      %dma_start3A_524 = arith.constant 48 : i32
      %dma_start3A_525 = tpu.memref_slice %arg7[%dma_start3A_524] : memref<80xi32, #tpu.memory_space<vmem>> -> memref<16xi32, #tpu.memory_space<vmem>>
      %dma_start3A_526 = arith.constant 0 : i32
      %dma_start3A_527 = arith.constant 0 : i32
      %dma_start3A_528 = tpu.memref_slice %arg2[%dma_start3A_526, %dma_start3A_527] : memref<20000x192xf32, #tpu.memory_space<hbm>> -> memref<20000x192xf32, #tpu.memory_space<hbm>>
      tpu.enqueue_indirect_dma source(%dma_start3A_528 : memref<20000x192xf32, #tpu.memory_space<hbm>>) target(%dma_start3A_523 : memref<16x192xf32, #tpu.memory_space<vmem>>) offsets(%dma_start3A_525 : memref<16xi32, #tpu.memory_space<vmem>>) semaphore(%arg15 : memref<!tpu.dma_semaphore, #tpu.memory_space<semaphore_mem>>)
      %dma_wait3A_529 = arith.constant 0 : i32
      %dma_wait3A_530 = arith.constant 0 : i32
      %dma_wait3A_531 = arith.constant 0 : i32
      %dma_wait3A_532 = tpu.memref_slice %arg10[%dma_wait3A_529, %dma_wait3A_530, %dma_wait3A_531] : memref<2x16x192xf32, #tpu.memory_space<vmem>> -> memref<1x16x192xf32, #tpu.memory_space<vmem>>
      %dma_wait3A_533 = tpu.memref_squeeze %dma_wait3A_532 : memref<1x16x192xf32, #tpu.memory_space<vmem>> -> memref<16x192xf32, #tpu.memory_space<vmem>>
      %dma_wait3A_534 = arith.constant 32 : i32
      %dma_wait3A_535 = tpu.memref_slice %arg7[%dma_wait3A_534] : memref<80xi32, #tpu.memory_space<vmem>> -> memref<16xi32, #tpu.memory_space<vmem>>
      %dma_wait3A_536 = arith.constant 0 : i32
      %dma_wait3A_537 = arith.constant 0 : i32
      %dma_wait3A_538 = tpu.memref_slice %arg2[%dma_wait3A_536, %dma_wait3A_537] : memref<20000x192xf32, #tpu.memory_space<hbm>> -> memref<20000x192xf32, #tpu.memory_space<hbm>>
      tpu.wait_indirect_dma semaphore(%arg14 : memref<!tpu.dma_semaphore, #tpu.memory_space<semaphore_mem>>) src(%dma_wait3A_538 : memref<20000x192xf32, #tpu.memory_space<hbm>>) dst(%dma_wait3A_533 : memref<16x192xf32, #tpu.memory_space<vmem>>)
      %get3A_539 = arith.constant 32 : index
      %get3A_540 = tpu.vector_load %arg8[%get3A_539] {strides = array<i32>} : memref<80xi32, #tpu.memory_space<vmem>>, vector<16xi32>,
      %dma_wait3A_541 = arith.constant 0 : i32
      %dma_wait3A_542 = arith.constant 0 : i32
      %dma_wait3A_543 = tpu.memref_slice %arg13[%dma_wait3A_541, %dma_wait3A_542] : memref<10000x192xf32, #tpu.memory_space<vmem_shared>> -> memref<10000x192xf32, #tpu.memory_space<vmem_shared>>
      tpu.wait_indirect_dma semaphore(%arg16 : memref<!tpu.dma_semaphore, #tpu.memory_space<semaphore_mem>>) src(%arg11 : memref<16x192xf32, #tpu.memory_space<vmem>>) dst(%dma_wait3A_543 : memref<10000x192xf32, #tpu.memory_space<vmem_shared>>)
      %scan3A_544 = arith.constant 0 : i32
      %scan3A_545 = arith.constant 0 : i32
      %scan3A_546 = arith.constant 16 : i32
      %scan3A_547 = arith.addi %scan3A_545, %scan3A_546 : i32
      %scan3A_548 = arith.constant 1 : i32
      %scan3A_549 = scf.for %scan3A_615 = %scan3A_545 to %scan3A_547 step %scan3A_548 iter_args(%scan3A_616 = %scan3A_544) -> (i32)  : i32 {
        %add3A_617 = arith.constant 32 : i32
        %add3A_618 = arith.addi %add3A_617, %scan3A_615 : i32
        %add3A_619 = vector.broadcast %add3A_618 : i32 to vector<16xi32>
        %add3A_620 = arith.addi %broadcast_in_dim3A_375, %add3A_619 : vector<16xi32>
        %add3A_621 = vector.broadcast %arg0 : i32 to vector<16xi32>
        %add3A_622 = arith.addi %broadcast_in_dim3A_375, %add3A_621 : vector<16xi32>
        %gather3A = tpu.vector_load_idx %arg9[%add3A_620, %add3A_622] : memref<80x4xf32, #tpu.memory_space<vmem>>[vector<16xi32>, vector<16xi32>], vector<16xf32>,
        %add3A_623 = arith.constant 1 : i32
        %add3A_624 = arith.addi %arg0, %add3A_623 : i32
        %add3A_625 = vector.broadcast %add3A_624 : i32 to vector<16xi32>
        %add3A_626 = arith.addi %broadcast_in_dim3A_375, %add3A_625 : vector<16xi32>
        %gather3A_627 = tpu.vector_load_idx %arg9[%add3A_620, %add3A_626] : memref<80x4xf32, #tpu.memory_space<vmem>>[vector<16xi32>, vector<16xi32>], vector<16xf32>,
        %get3A_628 = arith.constant 0 : i32
        %get3A_629 = arith.index_cast %get3A_628 : i32 to index
        %get3A_630 = arith.index_cast %scan3A_615 : i32 to index
        %get3A_631 = arith.constant 0 : index
        %get3A_632 = tpu.vector_load %arg10[%get3A_629, %get3A_630, %get3A_631] {strides = array<i32>} : memref<2x16x192xf32, #tpu.memory_space<vmem>>, vector<16xf32>,
        %gt3A = arith.constant 0 : i32
        %gt3A_633 = arith.cmpi sgt, %sub3A_380, %gt3A : i32
        %select_n3A = arith.select %gt3A_633, %gather3A, %gather3A_627 : vector<16xf32>
        %mul3A_634 = arith.mulf %get3A_632, %select_n3A : vector<16xf32>
        %swap3A_635 = arith.index_cast %scan3A_615 : i32 to index
        %swap3A_636 = arith.constant 0 : index
        %swap3A_637 = tpu.vector_load %arg11[%swap3A_635, %swap3A_636] {strides = array<i32>} : memref<16x192xf32, #tpu.memory_space<vmem>>, vector<16xf32>,
        tpu.vector_store %arg11[%swap3A_635, %swap3A_636], %mul3A_634 {strides = array<i32>} : memref<16x192xf32, #tpu.memory_space<vmem>>, vector<16xf32>,
        %get3A_638 = arith.constant 0 : i32
        %get3A_639 = arith.index_cast %get3A_638 : i32 to index
        %get3A_640 = arith.index_cast %scan3A_615 : i32 to index
        %get3A_641 = arith.constant 16 : index
        %get3A_642 = tpu.vector_load %arg10[%get3A_639, %get3A_640, %get3A_641] {strides = array<i32>} : memref<2x16x192xf32, #tpu.memory_space<vmem>>, vector<16xf32>,
        %gt3A_643 = arith.constant 1 : i32
        %gt3A_644 = arith.cmpi sgt, %sub3A_380, %gt3A_643 : i32
        %select_n3A_645 = arith.select %gt3A_644, %gather3A, %gather3A_627 : vector<16xf32>
        %mul3A_646 = arith.mulf %get3A_642, %select_n3A_645 : vector<16xf32>
        %swap3A_647 = arith.index_cast %scan3A_615 : i32 to index
        %swap3A_648 = arith.constant 16 : index
        %swap3A_649 = tpu.vector_load %arg11[%swap3A_647, %swap3A_648] {strides = array<i32>} : memref<16x192xf32, #tpu.memory_space<vmem>>, vector<16xf32>,
        tpu.vector_store %arg11[%swap3A_647, %swap3A_648], %mul3A_646 {strides = array<i32>} : memref<16x192xf32, #tpu.memory_space<vmem>>, vector<16xf32>,
        %get3A_650 = arith.constant 0 : i32
        %get3A_651 = arith.index_cast %get3A_650 : i32 to index
        %get3A_652 = arith.index_cast %scan3A_615 : i32 to index
        %get3A_653 = arith.constant 32 : index
        %get3A_654 = tpu.vector_load %arg10[%get3A_651, %get3A_652, %get3A_653] {strides = array<i32>} : memref<2x16x192xf32, #tpu.memory_space<vmem>>, vector<16xf32>,
        %gt3A_655 = arith.constant 2 : i32
        %gt3A_656 = arith.cmpi sgt, %sub3A_380, %gt3A_655 : i32
        %select_n3A_657 = arith.select %gt3A_656, %gather3A, %gather3A_627 : vector<16xf32>
        %mul3A_658 = arith.mulf %get3A_654, %select_n3A_657 : vector<16xf32>
        %swap3A_659 = arith.index_cast %scan3A_615 : i32 to index
        %swap3A_660 = arith.constant 32 : index
        %swap3A_661 = tpu.vector_load %arg11[%swap3A_659, %swap3A_660] {strides = array<i32>} : memref<16x192xf32, #tpu.memory_space<vmem>>, vector<16xf32>,
        tpu.vector_store %arg11[%swap3A_659, %swap3A_660], %mul3A_658 {strides = array<i32>} : memref<16x192xf32, #tpu.memory_space<vmem>>, vector<16xf32>,
        %get3A_662 = arith.constant 0 : i32
        %get3A_663 = arith.index_cast %get3A_662 : i32 to index
        %get3A_664 = arith.index_cast %scan3A_615 : i32 to index
        %get3A_665 = arith.constant 48 : index
        %get3A_666 = tpu.vector_load %arg10[%get3A_663, %get3A_664, %get3A_665] {strides = array<i32>} : memref<2x16x192xf32, #tpu.memory_space<vmem>>, vector<16xf32>,
        %gt3A_667 = arith.constant 3 : i32
        %gt3A_668 = arith.cmpi sgt, %sub3A_380, %gt3A_667 : i32
        %select_n3A_669 = arith.select %gt3A_668, %gather3A, %gather3A_627 : vector<16xf32>
        %mul3A_670 = arith.mulf %get3A_666, %select_n3A_669 : vector<16xf32>
        %swap3A_671 = arith.index_cast %scan3A_615 : i32 to index
        %swap3A_672 = arith.constant 48 : index
        %swap3A_673 = tpu.vector_load %arg11[%swap3A_671, %swap3A_672] {strides = array<i32>} : memref<16x192xf32, #tpu.memory_space<vmem>>, vector<16xf32>,
        tpu.vector_store %arg11[%swap3A_671, %swap3A_672], %mul3A_670 {strides = array<i32>} : memref<16x192xf32, #tpu.memory_space<vmem>>, vector<16xf32>,
        %get3A_674 = arith.constant 0 : i32
        %get3A_675 = arith.index_cast %get3A_674 : i32 to index
        %get3A_676 = arith.index_cast %scan3A_615 : i32 to index
        %get3A_677 = arith.constant 64 : index
        %get3A_678 = tpu.vector_load %arg10[%get3A_675, %get3A_676, %get3A_677] {strides = array<i32>} : memref<2x16x192xf32, #tpu.memory_space<vmem>>, vector<16xf32>,
        %gt3A_679 = arith.constant 4 : i32
        %gt3A_680 = arith.cmpi sgt, %sub3A_380, %gt3A_679 : i32
        %select_n3A_681 = arith.select %gt3A_680, %gather3A, %gather3A_627 : vector<16xf32>
        %mul3A_682 = arith.mulf %get3A_678, %select_n3A_681 : vector<16xf32>
        %swap3A_683 = arith.index_cast %scan3A_615 : i32 to index
        %swap3A_684 = arith.constant 64 : index
        %swap3A_685 = tpu.vector_load %arg11[%swap3A_683, %swap3A_684] {strides = array<i32>} : memref<16x192xf32, #tpu.memory_space<vmem>>, vector<16xf32>,
        tpu.vector_store %arg11[%swap3A_683, %swap3A_684], %mul3A_682 {strides = array<i32>} : memref<16x192xf32, #tpu.memory_space<vmem>>, vector<16xf32>,
        %get3A_686 = arith.constant 0 : i32
        %get3A_687 = arith.index_cast %get3A_686 : i32 to index
        %get3A_688 = arith.index_cast %scan3A_615 : i32 to index
        %get3A_689 = arith.constant 80 : index
        %get3A_690 = tpu.vector_load %arg10[%get3A_687, %get3A_688, %get3A_689] {strides = array<i32>} : memref<2x16x192xf32, #tpu.memory_space<vmem>>, vector<16xf32>,
        %gt3A_691 = arith.constant 5 : i32
        %gt3A_692 = arith.cmpi sgt, %sub3A_380, %gt3A_691 : i32
        %select_n3A_693 = arith.select %gt3A_692, %gather3A, %gather3A_627 : vector<16xf32>
        %mul3A_694 = arith.mulf %get3A_690, %select_n3A_693 : vector<16xf32>
        %swap3A_695 = arith.index_cast %scan3A_615 : i32 to index
        %swap3A_696 = arith.constant 80 : index
        %swap3A_697 = tpu.vector_load %arg11[%swap3A_695, %swap3A_696] {strides = array<i32>} : memref<16x192xf32, #tpu.memory_space<vmem>>, vector<16xf32>,
        tpu.vector_store %arg11[%swap3A_695, %swap3A_696], %mul3A_694 {strides = array<i32>} : memref<16x192xf32, #tpu.memory_space<vmem>>, vector<16xf32>,
        %get3A_698 = arith.constant 0 : i32
        %get3A_699 = arith.index_cast %get3A_698 : i32 to index
        %get3A_700 = arith.index_cast %scan3A_615 : i32 to index
        %get3A_701 = arith.constant 96 : index
        %get3A_702 = tpu.vector_load %arg10[%get3A_699, %get3A_700, %get3A_701] {strides = array<i32>} : memref<2x16x192xf32, #tpu.memory_space<vmem>>, vector<16xf32>,
        %gt3A_703 = arith.constant 6 : i32
        %gt3A_704 = arith.cmpi sgt, %sub3A_380, %gt3A_703 : i32
        %select_n3A_705 = arith.select %gt3A_704, %gather3A, %gather3A_627 : vector<16xf32>
        %mul3A_706 = arith.mulf %get3A_702, %select_n3A_705 : vector<16xf32>
        %swap3A_707 = arith.index_cast %scan3A_615 : i32 to index
        %swap3A_708 = arith.constant 96 : index
        %swap3A_709 = tpu.vector_load %arg11[%swap3A_707, %swap3A_708] {strides = array<i32>} : memref<16x192xf32, #tpu.memory_space<vmem>>, vector<16xf32>,
        tpu.vector_store %arg11[%swap3A_707, %swap3A_708], %mul3A_706 {strides = array<i32>} : memref<16x192xf32, #tpu.memory_space<vmem>>, vector<16xf32>,
        %get3A_710 = arith.constant 0 : i32
        %get3A_711 = arith.index_cast %get3A_710 : i32 to index
        %get3A_712 = arith.index_cast %scan3A_615 : i32 to index
        %get3A_713 = arith.constant 112 : index
        %get3A_714 = tpu.vector_load %arg10[%get3A_711, %get3A_712, %get3A_713] {strides = array<i32>} : memref<2x16x192xf32, #tpu.memory_space<vmem>>, vector<16xf32>,
        %gt3A_715 = arith.constant 7 : i32
        %gt3A_716 = arith.cmpi sgt, %sub3A_380, %gt3A_715 : i32
        %select_n3A_717 = arith.select %gt3A_716, %gather3A, %gather3A_627 : vector<16xf32>
        %mul3A_718 = arith.mulf %get3A_714, %select_n3A_717 : vector<16xf32>
        %swap3A_719 = arith.index_cast %scan3A_615 : i32 to index
        %swap3A_720 = arith.constant 112 : index
        %swap3A_721 = tpu.vector_load %arg11[%swap3A_719, %swap3A_720] {strides = array<i32>} : memref<16x192xf32, #tpu.memory_space<vmem>>, vector<16xf32>,
        tpu.vector_store %arg11[%swap3A_719, %swap3A_720], %mul3A_718 {strides = array<i32>} : memref<16x192xf32, #tpu.memory_space<vmem>>, vector<16xf32>,
        %get3A_722 = arith.constant 0 : i32
        %get3A_723 = arith.index_cast %get3A_722 : i32 to index
        %get3A_724 = arith.index_cast %scan3A_615 : i32 to index
        %get3A_725 = arith.constant 128 : index
        %get3A_726 = tpu.vector_load %arg10[%get3A_723, %get3A_724, %get3A_725] {strides = array<i32>} : memref<2x16x192xf32, #tpu.memory_space<vmem>>, vector<16xf32>,
        %gt3A_727 = arith.constant 8 : i32
        %gt3A_728 = arith.cmpi sgt, %sub3A_380, %gt3A_727 : i32
        %select_n3A_729 = arith.select %gt3A_728, %gather3A, %gather3A_627 : vector<16xf32>
        %mul3A_730 = arith.mulf %get3A_726, %select_n3A_729 : vector<16xf32>
        %swap3A_731 = arith.index_cast %scan3A_615 : i32 to index
        %swap3A_732 = arith.constant 128 : index
        %swap3A_733 = tpu.vector_load %arg11[%swap3A_731, %swap3A_732] {strides = array<i32>} : memref<16x192xf32, #tpu.memory_space<vmem>>, vector<16xf32>,
        tpu.vector_store %arg11[%swap3A_731, %swap3A_732], %mul3A_730 {strides = array<i32>} : memref<16x192xf32, #tpu.memory_space<vmem>>, vector<16xf32>,
        %get3A_734 = arith.constant 0 : i32
        %get3A_735 = arith.index_cast %get3A_734 : i32 to index
        %get3A_736 = arith.index_cast %scan3A_615 : i32 to index
        %get3A_737 = arith.constant 144 : index
        %get3A_738 = tpu.vector_load %arg10[%get3A_735, %get3A_736, %get3A_737] {strides = array<i32>} : memref<2x16x192xf32, #tpu.memory_space<vmem>>, vector<16xf32>,
        %gt3A_739 = arith.constant 9 : i32
        %gt3A_740 = arith.cmpi sgt, %sub3A_380, %gt3A_739 : i32
        %select_n3A_741 = arith.select %gt3A_740, %gather3A, %gather3A_627 : vector<16xf32>
        %mul3A_742 = arith.mulf %get3A_738, %select_n3A_741 : vector<16xf32>
        %swap3A_743 = arith.index_cast %scan3A_615 : i32 to index
        %swap3A_744 = arith.constant 144 : index
        %swap3A_745 = tpu.vector_load %arg11[%swap3A_743, %swap3A_744] {strides = array<i32>} : memref<16x192xf32, #tpu.memory_space<vmem>>, vector<16xf32>,
        tpu.vector_store %arg11[%swap3A_743, %swap3A_744], %mul3A_742 {strides = array<i32>} : memref<16x192xf32, #tpu.memory_space<vmem>>, vector<16xf32>,
        %get3A_746 = arith.constant 0 : i32
        %get3A_747 = arith.index_cast %get3A_746 : i32 to index
        %get3A_748 = arith.index_cast %scan3A_615 : i32 to index
        %get3A_749 = arith.constant 160 : index
        %get3A_750 = tpu.vector_load %arg10[%get3A_747, %get3A_748, %get3A_749] {strides = array<i32>} : memref<2x16x192xf32, #tpu.memory_space<vmem>>, vector<16xf32>,
        %gt3A_751 = arith.constant 10 : i32
        %gt3A_752 = arith.cmpi sgt, %sub3A_380, %gt3A_751 : i32
        %select_n3A_753 = arith.select %gt3A_752, %gather3A, %gather3A_627 : vector<16xf32>
        %mul3A_754 = arith.mulf %get3A_750, %select_n3A_753 : vector<16xf32>
        %swap3A_755 = arith.index_cast %scan3A_615 : i32 to index
        %swap3A_756 = arith.constant 160 : index
        %swap3A_757 = tpu.vector_load %arg11[%swap3A_755, %swap3A_756] {strides = array<i32>} : memref<16x192xf32, #tpu.memory_space<vmem>>, vector<16xf32>,
        tpu.vector_store %arg11[%swap3A_755, %swap3A_756], %mul3A_754 {strides = array<i32>} : memref<16x192xf32, #tpu.memory_space<vmem>>, vector<16xf32>,
        %get3A_758 = arith.constant 0 : i32
        %get3A_759 = arith.index_cast %get3A_758 : i32 to index
        %get3A_760 = arith.index_cast %scan3A_615 : i32 to index
        %get3A_761 = arith.constant 176 : index
        %get3A_762 = tpu.vector_load %arg10[%get3A_759, %get3A_760, %get3A_761] {strides = array<i32>} : memref<2x16x192xf32, #tpu.memory_space<vmem>>, vector<16xf32>,
        %gt3A_763 = arith.constant 11 : i32
        %gt3A_764 = arith.cmpi sgt, %sub3A_380, %gt3A_763 : i32
        %select_n3A_765 = arith.select %gt3A_764, %gather3A, %gather3A_627 : vector<16xf32>
        %mul3A_766 = arith.mulf %get3A_762, %select_n3A_765 : vector<16xf32>
        %swap3A_767 = arith.index_cast %scan3A_615 : i32 to index
        %swap3A_768 = arith.constant 176 : index
        %swap3A_769 = tpu.vector_load %arg11[%swap3A_767, %swap3A_768] {strides = array<i32>} : memref<16x192xf32, #tpu.memory_space<vmem>>, vector<16xf32>,
        tpu.vector_store %arg11[%swap3A_767, %swap3A_768], %mul3A_766 {strides = array<i32>} : memref<16x192xf32, #tpu.memory_space<vmem>>, vector<16xf32>,
        %scan3A_770 = arith.constant 0 : i32
        scf.yield %scan3A_770 : i32
      }
      %scan3A_550 = arith.constant 16 : i32
      %dma_start3A_551 = arith.constant 0 : i32
      %dma_start3A_552 = arith.constant 0 : i32
      %dma_start3A_553 = tpu.memref_slice %arg13[%dma_start3A_551, %dma_start3A_552] : memref<10000x192xf32, #tpu.memory_space<vmem_shared>> -> memref<10000x192xf32, #tpu.memory_space<vmem_shared>>
      tpu.enqueue_indirect_dma source(%arg11 : memref<16x192xf32, #tpu.memory_space<vmem>>) target(%dma_start3A_553 : memref<10000x192xf32, #tpu.memory_space<vmem_shared>>) offsets(%get3A_540 : vector<16xi32>) semaphore(%arg16 : memref<!tpu.dma_semaphore, #tpu.memory_space<semaphore_mem>>) {add = true}
      %dma_start3A_554 = arith.constant 0 : i32
      %dma_start3A_555 = arith.constant 0 : i32
      %dma_start3A_556 = arith.constant 0 : i32
      %dma_start3A_557 = tpu.memref_slice %arg10[%dma_start3A_554, %dma_start3A_555, %dma_start3A_556] : memref<2x16x192xf32, #tpu.memory_space<vmem>> -> memref<1x16x192xf32, #tpu.memory_space<vmem>>
      %dma_start3A_558 = tpu.memref_squeeze %dma_start3A_557 : memref<1x16x192xf32, #tpu.memory_space<vmem>> -> memref<16x192xf32, #tpu.memory_space<vmem>>
      %dma_start3A_559 = arith.constant 64 : i32
      %dma_start3A_560 = tpu.memref_slice %arg7[%dma_start3A_559] : memref<80xi32, #tpu.memory_space<vmem>> -> memref<16xi32, #tpu.memory_space<vmem>>
      %dma_start3A_561 = arith.constant 0 : i32
      %dma_start3A_562 = arith.constant 0 : i32
      %dma_start3A_563 = tpu.memref_slice %arg2[%dma_start3A_561, %dma_start3A_562] : memref<20000x192xf32, #tpu.memory_space<hbm>> -> memref<20000x192xf32, #tpu.memory_space<hbm>>
      tpu.enqueue_indirect_dma source(%dma_start3A_563 : memref<20000x192xf32, #tpu.memory_space<hbm>>) target(%dma_start3A_558 : memref<16x192xf32, #tpu.memory_space<vmem>>) offsets(%dma_start3A_560 : memref<16xi32, #tpu.memory_space<vmem>>) semaphore(%arg14 : memref<!tpu.dma_semaphore, #tpu.memory_space<semaphore_mem>>)
      %dma_wait3A_564 = arith.constant 1 : i32
      %dma_wait3A_565 = arith.constant 0 : i32
      %dma_wait3A_566 = arith.constant 0 : i32
      %dma_wait3A_567 = tpu.memref_slice %arg10[%dma_wait3A_564, %dma_wait3A_565, %dma_wait3A_566] : memref<2x16x192xf32, #tpu.memory_space<vmem>> -> memref<1x16x192xf32, #tpu.memory_space<vmem>>
      %dma_wait3A_568 = tpu.memref_squeeze %dma_wait3A_567 : memref<1x16x192xf32, #tpu.memory_space<vmem>> -> memref<16x192xf32, #tpu.memory_space<vmem>>
      %dma_wait3A_569 = arith.constant 48 : i32
      %dma_wait3A_570 = tpu.memref_slice %arg7[%dma_wait3A_569] : memref<80xi32, #tpu.memory_space<vmem>> -> memref<16xi32, #tpu.memory_space<vmem>>
      %dma_wait3A_571 = arith.constant 0 : i32
      %dma_wait3A_572 = arith.constant 0 : i32
      %dma_wait3A_573 = tpu.memref_slice %arg2[%dma_wait3A_571, %dma_wait3A_572] : memref<20000x192xf32, #tpu.memory_space<hbm>> -> memref<20000x192xf32, #tpu.memory_space<hbm>>
      tpu.wait_indirect_dma semaphore(%arg15 : memref<!tpu.dma_semaphore, #tpu.memory_space<semaphore_mem>>) src(%dma_wait3A_573 : memref<20000x192xf32, #tpu.memory_space<hbm>>) dst(%dma_wait3A_568 : memref<16x192xf32, #tpu.memory_space<vmem>>)
      %get3A_574 = arith.constant 48 : index
      %get3A_575 = tpu.vector_load %arg8[%get3A_574] {strides = array<i32>} : memref<80xi32, #tpu.memory_space<vmem>>, vector<16xi32>,
      %dma_wait3A_576 = arith.constant 0 : i32
      %dma_wait3A_577 = arith.constant 0 : i32
      %dma_wait3A_578 = tpu.memref_slice %arg13[%dma_wait3A_576, %dma_wait3A_577] : memref<10000x192xf32, #tpu.memory_space<vmem_shared>> -> memref<10000x192xf32, #tpu.memory_space<vmem_shared>>
      tpu.wait_indirect_dma semaphore(%arg16 : memref<!tpu.dma_semaphore, #tpu.memory_space<semaphore_mem>>) src(%arg11 : memref<16x192xf32, #tpu.memory_space<vmem>>) dst(%dma_wait3A_578 : memref<10000x192xf32, #tpu.memory_space<vmem_shared>>)
      %scan3A_579 = arith.constant 0 : i32
      %scan3A_580 = arith.constant 0 : i32
      %scan3A_581 = arith.constant 16 : i32
      %scan3A_582 = arith.addi %scan3A_580, %scan3A_581 : i32
      %scan3A_583 = arith.constant 1 : i32
      %scan3A_584 = scf.for %scan3A_615 = %scan3A_580 to %scan3A_582 step %scan3A_583 iter_args(%scan3A_616 = %scan3A_579) -> (i32)  : i32 {
        %add3A_617 = arith.constant 48 : i32
        %add3A_618 = arith.addi %add3A_617, %scan3A_615 : i32
        %add3A_619 = vector.broadcast %add3A_618 : i32 to vector<16xi32>
        %add3A_620 = arith.addi %broadcast_in_dim3A_375, %add3A_619 : vector<16xi32>
        %add3A_621 = vector.broadcast %arg0 : i32 to vector<16xi32>
        %add3A_622 = arith.addi %broadcast_in_dim3A_375, %add3A_621 : vector<16xi32>
        %gather3A = tpu.vector_load_idx %arg9[%add3A_620, %add3A_622] : memref<80x4xf32, #tpu.memory_space<vmem>>[vector<16xi32>, vector<16xi32>], vector<16xf32>,
        %add3A_623 = arith.constant 1 : i32
        %add3A_624 = arith.addi %arg0, %add3A_623 : i32
        %add3A_625 = vector.broadcast %add3A_624 : i32 to vector<16xi32>
        %add3A_626 = arith.addi %broadcast_in_dim3A_375, %add3A_625 : vector<16xi32>
        %gather3A_627 = tpu.vector_load_idx %arg9[%add3A_620, %add3A_626] : memref<80x4xf32, #tpu.memory_space<vmem>>[vector<16xi32>, vector<16xi32>], vector<16xf32>,
        %get3A_628 = arith.constant 1 : i32
        %get3A_629 = arith.index_cast %get3A_628 : i32 to index
        %get3A_630 = arith.index_cast %scan3A_615 : i32 to index
        %get3A_631 = arith.constant 0 : index
        %get3A_632 = tpu.vector_load %arg10[%get3A_629, %get3A_630, %get3A_631] {strides = array<i32>} : memref<2x16x192xf32, #tpu.memory_space<vmem>>, vector<16xf32>,
        %gt3A = arith.constant 0 : i32
        %gt3A_633 = arith.cmpi sgt, %sub3A_380, %gt3A : i32
        %select_n3A = arith.select %gt3A_633, %gather3A, %gather3A_627 : vector<16xf32>
        %mul3A_634 = arith.mulf %get3A_632, %select_n3A : vector<16xf32>
        %swap3A_635 = arith.index_cast %scan3A_615 : i32 to index
        %swap3A_636 = arith.constant 0 : index
        %swap3A_637 = tpu.vector_load %arg11[%swap3A_635, %swap3A_636] {strides = array<i32>} : memref<16x192xf32, #tpu.memory_space<vmem>>, vector<16xf32>,
        tpu.vector_store %arg11[%swap3A_635, %swap3A_636], %mul3A_634 {strides = array<i32>} : memref<16x192xf32, #tpu.memory_space<vmem>>, vector<16xf32>,
        %get3A_638 = arith.constant 1 : i32
        %get3A_639 = arith.index_cast %get3A_638 : i32 to index
        %get3A_640 = arith.index_cast %scan3A_615 : i32 to index
        %get3A_641 = arith.constant 16 : index
        %get3A_642 = tpu.vector_load %arg10[%get3A_639, %get3A_640, %get3A_641] {strides = array<i32>} : memref<2x16x192xf32, #tpu.memory_space<vmem>>, vector<16xf32>,
        %gt3A_643 = arith.constant 1 : i32
        %gt3A_644 = arith.cmpi sgt, %sub3A_380, %gt3A_643 : i32
        %select_n3A_645 = arith.select %gt3A_644, %gather3A, %gather3A_627 : vector<16xf32>
        %mul3A_646 = arith.mulf %get3A_642, %select_n3A_645 : vector<16xf32>
        %swap3A_647 = arith.index_cast %scan3A_615 : i32 to index
        %swap3A_648 = arith.constant 16 : index
        %swap3A_649 = tpu.vector_load %arg11[%swap3A_647, %swap3A_648] {strides = array<i32>} : memref<16x192xf32, #tpu.memory_space<vmem>>, vector<16xf32>,
        tpu.vector_store %arg11[%swap3A_647, %swap3A_648], %mul3A_646 {strides = array<i32>} : memref<16x192xf32, #tpu.memory_space<vmem>>, vector<16xf32>,
        %get3A_650 = arith.constant 1 : i32
        %get3A_651 = arith.index_cast %get3A_650 : i32 to index
        %get3A_652 = arith.index_cast %scan3A_615 : i32 to index
        %get3A_653 = arith.constant 32 : index
        %get3A_654 = tpu.vector_load %arg10[%get3A_651, %get3A_652, %get3A_653] {strides = array<i32>} : memref<2x16x192xf32, #tpu.memory_space<vmem>>, vector<16xf32>,
        %gt3A_655 = arith.constant 2 : i32
        %gt3A_656 = arith.cmpi sgt, %sub3A_380, %gt3A_655 : i32
        %select_n3A_657 = arith.select %gt3A_656, %gather3A, %gather3A_627 : vector<16xf32>
        %mul3A_658 = arith.mulf %get3A_654, %select_n3A_657 : vector<16xf32>
        %swap3A_659 = arith.index_cast %scan3A_615 : i32 to index
        %swap3A_660 = arith.constant 32 : index
        %swap3A_661 = tpu.vector_load %arg11[%swap3A_659, %swap3A_660] {strides = array<i32>} : memref<16x192xf32, #tpu.memory_space<vmem>>, vector<16xf32>,
        tpu.vector_store %arg11[%swap3A_659, %swap3A_660], %mul3A_658 {strides = array<i32>} : memref<16x192xf32, #tpu.memory_space<vmem>>, vector<16xf32>,
        %get3A_662 = arith.constant 1 : i32
        %get3A_663 = arith.index_cast %get3A_662 : i32 to index
        %get3A_664 = arith.index_cast %scan3A_615 : i32 to index
        %get3A_665 = arith.constant 48 : index
        %get3A_666 = tpu.vector_load %arg10[%get3A_663, %get3A_664, %get3A_665] {strides = array<i32>} : memref<2x16x192xf32, #tpu.memory_space<vmem>>, vector<16xf32>,
        %gt3A_667 = arith.constant 3 : i32
        %gt3A_668 = arith.cmpi sgt, %sub3A_380, %gt3A_667 : i32
        %select_n3A_669 = arith.select %gt3A_668, %gather3A, %gather3A_627 : vector<16xf32>
        %mul3A_670 = arith.mulf %get3A_666, %select_n3A_669 : vector<16xf32>
        %swap3A_671 = arith.index_cast %scan3A_615 : i32 to index
        %swap3A_672 = arith.constant 48 : index
        %swap3A_673 = tpu.vector_load %arg11[%swap3A_671, %swap3A_672] {strides = array<i32>} : memref<16x192xf32, #tpu.memory_space<vmem>>, vector<16xf32>,
        tpu.vector_store %arg11[%swap3A_671, %swap3A_672], %mul3A_670 {strides = array<i32>} : memref<16x192xf32, #tpu.memory_space<vmem>>, vector<16xf32>,
        %get3A_674 = arith.constant 1 : i32
        %get3A_675 = arith.index_cast %get3A_674 : i32 to index
        %get3A_676 = arith.index_cast %scan3A_615 : i32 to index
        %get3A_677 = arith.constant 64 : index
        %get3A_678 = tpu.vector_load %arg10[%get3A_675, %get3A_676, %get3A_677] {strides = array<i32>} : memref<2x16x192xf32, #tpu.memory_space<vmem>>, vector<16xf32>,
        %gt3A_679 = arith.constant 4 : i32
        %gt3A_680 = arith.cmpi sgt, %sub3A_380, %gt3A_679 : i32
        %select_n3A_681 = arith.select %gt3A_680, %gather3A, %gather3A_627 : vector<16xf32>
        %mul3A_682 = arith.mulf %get3A_678, %select_n3A_681 : vector<16xf32>
        %swap3A_683 = arith.index_cast %scan3A_615 : i32 to index
        %swap3A_684 = arith.constant 64 : index
        %swap3A_685 = tpu.vector_load %arg11[%swap3A_683, %swap3A_684] {strides = array<i32>} : memref<16x192xf32, #tpu.memory_space<vmem>>, vector<16xf32>,
        tpu.vector_store %arg11[%swap3A_683, %swap3A_684], %mul3A_682 {strides = array<i32>} : memref<16x192xf32, #tpu.memory_space<vmem>>, vector<16xf32>,
        %get3A_686 = arith.constant 1 : i32
        %get3A_687 = arith.index_cast %get3A_686 : i32 to index
        %get3A_688 = arith.index_cast %scan3A_615 : i32 to index
        %get3A_689 = arith.constant 80 : index
        %get3A_690 = tpu.vector_load %arg10[%get3A_687, %get3A_688, %get3A_689] {strides = array<i32>} : memref<2x16x192xf32, #tpu.memory_space<vmem>>, vector<16xf32>,
        %gt3A_691 = arith.constant 5 : i32
        %gt3A_692 = arith.cmpi sgt, %sub3A_380, %gt3A_691 : i32
        %select_n3A_693 = arith.select %gt3A_692, %gather3A, %gather3A_627 : vector<16xf32>
        %mul3A_694 = arith.mulf %get3A_690, %select_n3A_693 : vector<16xf32>
        %swap3A_695 = arith.index_cast %scan3A_615 : i32 to index
        %swap3A_696 = arith.constant 80 : index
        %swap3A_697 = tpu.vector_load %arg11[%swap3A_695, %swap3A_696] {strides = array<i32>} : memref<16x192xf32, #tpu.memory_space<vmem>>, vector<16xf32>,
        tpu.vector_store %arg11[%swap3A_695, %swap3A_696], %mul3A_694 {strides = array<i32>} : memref<16x192xf32, #tpu.memory_space<vmem>>, vector<16xf32>,
        %get3A_698 = arith.constant 1 : i32
        %get3A_699 = arith.index_cast %get3A_698 : i32 to index
        %get3A_700 = arith.index_cast %scan3A_615 : i32 to index
        %get3A_701 = arith.constant 96 : index
        %get3A_702 = tpu.vector_load %arg10[%get3A_699, %get3A_700, %get3A_701] {strides = array<i32>} : memref<2x16x192xf32, #tpu.memory_space<vmem>>, vector<16xf32>,
        %gt3A_703 = arith.constant 6 : i32
        %gt3A_704 = arith.cmpi sgt, %sub3A_380, %gt3A_703 : i32
        %select_n3A_705 = arith.select %gt3A_704, %gather3A, %gather3A_627 : vector<16xf32>
        %mul3A_706 = arith.mulf %get3A_702, %select_n3A_705 : vector<16xf32>
        %swap3A_707 = arith.index_cast %scan3A_615 : i32 to index
        %swap3A_708 = arith.constant 96 : index
        %swap3A_709 = tpu.vector_load %arg11[%swap3A_707, %swap3A_708] {strides = array<i32>} : memref<16x192xf32, #tpu.memory_space<vmem>>, vector<16xf32>,
        tpu.vector_store %arg11[%swap3A_707, %swap3A_708], %mul3A_706 {strides = array<i32>} : memref<16x192xf32, #tpu.memory_space<vmem>>, vector<16xf32>,
        %get3A_710 = arith.constant 1 : i32
        %get3A_711 = arith.index_cast %get3A_710 : i32 to index
        %get3A_712 = arith.index_cast %scan3A_615 : i32 to index
        %get3A_713 = arith.constant 112 : index
        %get3A_714 = tpu.vector_load %arg10[%get3A_711, %get3A_712, %get3A_713] {strides = array<i32>} : memref<2x16x192xf32, #tpu.memory_space<vmem>>, vector<16xf32>,
        %gt3A_715 = arith.constant 7 : i32
        %gt3A_716 = arith.cmpi sgt, %sub3A_380, %gt3A_715 : i32
        %select_n3A_717 = arith.select %gt3A_716, %gather3A, %gather3A_627 : vector<16xf32>
        %mul3A_718 = arith.mulf %get3A_714, %select_n3A_717 : vector<16xf32>
        %swap3A_719 = arith.index_cast %scan3A_615 : i32 to index
        %swap3A_720 = arith.constant 112 : index
        %swap3A_721 = tpu.vector_load %arg11[%swap3A_719, %swap3A_720] {strides = array<i32>} : memref<16x192xf32, #tpu.memory_space<vmem>>, vector<16xf32>,
        tpu.vector_store %arg11[%swap3A_719, %swap3A_720], %mul3A_718 {strides = array<i32>} : memref<16x192xf32, #tpu.memory_space<vmem>>, vector<16xf32>,
        %get3A_722 = arith.constant 1 : i32
        %get3A_723 = arith.index_cast %get3A_722 : i32 to index
        %get3A_724 = arith.index_cast %scan3A_615 : i32 to index
        %get3A_725 = arith.constant 128 : index
        %get3A_726 = tpu.vector_load %arg10[%get3A_723, %get3A_724, %get3A_725] {strides = array<i32>} : memref<2x16x192xf32, #tpu.memory_space<vmem>>, vector<16xf32>,
        %gt3A_727 = arith.constant 8 : i32
        %gt3A_728 = arith.cmpi sgt, %sub3A_380, %gt3A_727 : i32
        %select_n3A_729 = arith.select %gt3A_728, %gather3A, %gather3A_627 : vector<16xf32>
        %mul3A_730 = arith.mulf %get3A_726, %select_n3A_729 : vector<16xf32>
        %swap3A_731 = arith.index_cast %scan3A_615 : i32 to index
        %swap3A_732 = arith.constant 128 : index
        %swap3A_733 = tpu.vector_load %arg11[%swap3A_731, %swap3A_732] {strides = array<i32>} : memref<16x192xf32, #tpu.memory_space<vmem>>, vector<16xf32>,
        tpu.vector_store %arg11[%swap3A_731, %swap3A_732], %mul3A_730 {strides = array<i32>} : memref<16x192xf32, #tpu.memory_space<vmem>>, vector<16xf32>,
        %get3A_734 = arith.constant 1 : i32
        %get3A_735 = arith.index_cast %get3A_734 : i32 to index
        %get3A_736 = arith.index_cast %scan3A_615 : i32 to index
        %get3A_737 = arith.constant 144 : index
        %get3A_738 = tpu.vector_load %arg10[%get3A_735, %get3A_736, %get3A_737] {strides = array<i32>} : memref<2x16x192xf32, #tpu.memory_space<vmem>>, vector<16xf32>,
        %gt3A_739 = arith.constant 9 : i32
        %gt3A_740 = arith.cmpi sgt, %sub3A_380, %gt3A_739 : i32
        %select_n3A_741 = arith.select %gt3A_740, %gather3A, %gather3A_627 : vector<16xf32>
        %mul3A_742 = arith.mulf %get3A_738, %select_n3A_741 : vector<16xf32>
        %swap3A_743 = arith.index_cast %scan3A_615 : i32 to index
        %swap3A_744 = arith.constant 144 : index
        %swap3A_745 = tpu.vector_load %arg11[%swap3A_743, %swap3A_744] {strides = array<i32>} : memref<16x192xf32, #tpu.memory_space<vmem>>, vector<16xf32>,
        tpu.vector_store %arg11[%swap3A_743, %swap3A_744], %mul3A_742 {strides = array<i32>} : memref<16x192xf32, #tpu.memory_space<vmem>>, vector<16xf32>,
        %get3A_746 = arith.constant 1 : i32
        %get3A_747 = arith.index_cast %get3A_746 : i32 to index
        %get3A_748 = arith.index_cast %scan3A_615 : i32 to index
        %get3A_749 = arith.constant 160 : index
        %get3A_750 = tpu.vector_load %arg10[%get3A_747, %get3A_748, %get3A_749] {strides = array<i32>} : memref<2x16x192xf32, #tpu.memory_space<vmem>>, vector<16xf32>,
        %gt3A_751 = arith.constant 10 : i32
        %gt3A_752 = arith.cmpi sgt, %sub3A_380, %gt3A_751 : i32
        %select_n3A_753 = arith.select %gt3A_752, %gather3A, %gather3A_627 : vector<16xf32>
        %mul3A_754 = arith.mulf %get3A_750, %select_n3A_753 : vector<16xf32>
        %swap3A_755 = arith.index_cast %scan3A_615 : i32 to index
        %swap3A_756 = arith.constant 160 : index
        %swap3A_757 = tpu.vector_load %arg11[%swap3A_755, %swap3A_756] {strides = array<i32>} : memref<16x192xf32, #tpu.memory_space<vmem>>, vector<16xf32>,
        tpu.vector_store %arg11[%swap3A_755, %swap3A_756], %mul3A_754 {strides = array<i32>} : memref<16x192xf32, #tpu.memory_space<vmem>>, vector<16xf32>,
        %get3A_758 = arith.constant 1 : i32
        %get3A_759 = arith.index_cast %get3A_758 : i32 to index
        %get3A_760 = arith.index_cast %scan3A_615 : i32 to index
        %get3A_761 = arith.constant 176 : index
        %get3A_762 = tpu.vector_load %arg10[%get3A_759, %get3A_760, %get3A_761] {strides = array<i32>} : memref<2x16x192xf32, #tpu.memory_space<vmem>>, vector<16xf32>,
        %gt3A_763 = arith.constant 11 : i32
        %gt3A_764 = arith.cmpi sgt, %sub3A_380, %gt3A_763 : i32
        %select_n3A_765 = arith.select %gt3A_764, %gather3A, %gather3A_627 : vector<16xf32>
        %mul3A_766 = arith.mulf %get3A_762, %select_n3A_765 : vector<16xf32>
        %swap3A_767 = arith.index_cast %scan3A_615 : i32 to index
        %swap3A_768 = arith.constant 176 : index
        %swap3A_769 = tpu.vector_load %arg11[%swap3A_767, %swap3A_768] {strides = array<i32>} : memref<16x192xf32, #tpu.memory_space<vmem>>, vector<16xf32>,
        tpu.vector_store %arg11[%swap3A_767, %swap3A_768], %mul3A_766 {strides = array<i32>} : memref<16x192xf32, #tpu.memory_space<vmem>>, vector<16xf32>,
        %scan3A_770 = arith.constant 0 : i32
        scf.yield %scan3A_770 : i32
      }
      %scan3A_585 = arith.constant 16 : i32
      %dma_start3A_586 = arith.constant 0 : i32
      %dma_start3A_587 = arith.constant 0 : i32
      %dma_start3A_588 = tpu.memref_slice %arg13[%dma_start3A_586, %dma_start3A_587] : memref<10000x192xf32, #tpu.memory_space<vmem_shared>> -> memref<10000x192xf32, #tpu.memory_space<vmem_shared>>
      tpu.enqueue_indirect_dma source(%arg11 : memref<16x192xf32, #tpu.memory_space<vmem>>) target(%dma_start3A_588 : memref<10000x192xf32, #tpu.memory_space<vmem_shared>>) offsets(%get3A_575 : vector<16xi32>) semaphore(%arg16 : memref<!tpu.dma_semaphore, #tpu.memory_space<semaphore_mem>>) {add = true}
      %dma_wait3A_589 = arith.constant 0 : i32
      %dma_wait3A_590 = arith.constant 0 : i32
      %dma_wait3A_591 = arith.constant 0 : i32
      %dma_wait3A_592 = tpu.memref_slice %arg10[%dma_wait3A_589, %dma_wait3A_590, %dma_wait3A_591] : memref<2x16x192xf32, #tpu.memory_space<vmem>> -> memref<1x16x192xf32, #tpu.memory_space<vmem>>
      %dma_wait3A_593 = tpu.memref_squeeze %dma_wait3A_592 : memref<1x16x192xf32, #tpu.memory_space<vmem>> -> memref<16x192xf32, #tpu.memory_space<vmem>>
      %dma_wait3A_594 = arith.constant 64 : i32
      %dma_wait3A_595 = tpu.memref_slice %arg7[%dma_wait3A_594] : memref<80xi32, #tpu.memory_space<vmem>> -> memref<16xi32, #tpu.memory_space<vmem>>
      %dma_wait3A_596 = arith.constant 0 : i32
      %dma_wait3A_597 = arith.constant 0 : i32
      %dma_wait3A_598 = tpu.memref_slice %arg2[%dma_wait3A_596, %dma_wait3A_597] : memref<20000x192xf32, #tpu.memory_space<hbm>> -> memref<20000x192xf32, #tpu.memory_space<hbm>>
      tpu.wait_indirect_dma semaphore(%arg14 : memref<!tpu.dma_semaphore, #tpu.memory_space<semaphore_mem>>) src(%dma_wait3A_598 : memref<20000x192xf32, #tpu.memory_space<hbm>>) dst(%dma_wait3A_593 : memref<16x192xf32, #tpu.memory_space<vmem>>)
      %get3A_599 = arith.constant 64 : index
      %get3A_600 = tpu.vector_load %arg8[%get3A_599] {strides = array<i32>} : memref<80xi32, #tpu.memory_space<vmem>>, vector<16xi32>,
      %dma_wait3A_601 = arith.constant 0 : i32
      %dma_wait3A_602 = arith.constant 0 : i32
      %dma_wait3A_603 = tpu.memref_slice %arg13[%dma_wait3A_601, %dma_wait3A_602] : memref<10000x192xf32, #tpu.memory_space<vmem_shared>> -> memref<10000x192xf32, #tpu.memory_space<vmem_shared>>
      tpu.wait_indirect_dma semaphore(%arg16 : memref<!tpu.dma_semaphore, #tpu.memory_space<semaphore_mem>>) src(%arg11 : memref<16x192xf32, #tpu.memory_space<vmem>>) dst(%dma_wait3A_603 : memref<10000x192xf32, #tpu.memory_space<vmem_shared>>)
      %scan3A_604 = arith.constant 0 : i32
      %scan3A_605 = arith.constant 0 : i32
      %scan3A_606 = arith.constant 16 : i32
      %scan3A_607 = arith.addi %scan3A_605, %scan3A_606 : i32
      %scan3A_608 = arith.constant 1 : i32
      %scan3A_609 = scf.for %scan3A_615 = %scan3A_605 to %scan3A_607 step %scan3A_608 iter_args(%scan3A_616 = %scan3A_604) -> (i32)  : i32 {
        %add3A_617 = arith.constant 64 : i32
        %add3A_618 = arith.addi %add3A_617, %scan3A_615 : i32
        %add3A_619 = vector.broadcast %add3A_618 : i32 to vector<16xi32>
        %add3A_620 = arith.addi %broadcast_in_dim3A_375, %add3A_619 : vector<16xi32>
        %add3A_621 = vector.broadcast %arg0 : i32 to vector<16xi32>
        %add3A_622 = arith.addi %broadcast_in_dim3A_375, %add3A_621 : vector<16xi32>
        %gather3A = tpu.vector_load_idx %arg9[%add3A_620, %add3A_622] : memref<80x4xf32, #tpu.memory_space<vmem>>[vector<16xi32>, vector<16xi32>], vector<16xf32>,
        %add3A_623 = arith.constant 1 : i32
        %add3A_624 = arith.addi %arg0, %add3A_623 : i32
        %add3A_625 = vector.broadcast %add3A_624 : i32 to vector<16xi32>
        %add3A_626 = arith.addi %broadcast_in_dim3A_375, %add3A_625 : vector<16xi32>
        %gather3A_627 = tpu.vector_load_idx %arg9[%add3A_620, %add3A_626] : memref<80x4xf32, #tpu.memory_space<vmem>>[vector<16xi32>, vector<16xi32>], vector<16xf32>,
        %get3A_628 = arith.constant 0 : i32
        %get3A_629 = arith.index_cast %get3A_628 : i32 to index
        %get3A_630 = arith.index_cast %scan3A_615 : i32 to index
        %get3A_631 = arith.constant 0 : index
        %get3A_632 = tpu.vector_load %arg10[%get3A_629, %get3A_630, %get3A_631] {strides = array<i32>} : memref<2x16x192xf32, #tpu.memory_space<vmem>>, vector<16xf32>,
        %gt3A = arith.constant 0 : i32
        %gt3A_633 = arith.cmpi sgt, %sub3A_380, %gt3A : i32
        %select_n3A = arith.select %gt3A_633, %gather3A, %gather3A_627 : vector<16xf32>
        %mul3A_634 = arith.mulf %get3A_632, %select_n3A : vector<16xf32>
        %swap3A_635 = arith.index_cast %scan3A_615 : i32 to index
        %swap3A_636 = arith.constant 0 : index
        %swap3A_637 = tpu.vector_load %arg11[%swap3A_635, %swap3A_636] {strides = array<i32>} : memref<16x192xf32, #tpu.memory_space<vmem>>, vector<16xf32>,
        tpu.vector_store %arg11[%swap3A_635, %swap3A_636], %mul3A_634 {strides = array<i32>} : memref<16x192xf32, #tpu.memory_space<vmem>>, vector<16xf32>,
        %get3A_638 = arith.constant 0 : i32
        %get3A_639 = arith.index_cast %get3A_638 : i32 to index
        %get3A_640 = arith.index_cast %scan3A_615 : i32 to index
        %get3A_641 = arith.constant 16 : index
        %get3A_642 = tpu.vector_load %arg10[%get3A_639, %get3A_640, %get3A_641] {strides = array<i32>} : memref<2x16x192xf32, #tpu.memory_space<vmem>>, vector<16xf32>,
        %gt3A_643 = arith.constant 1 : i32
        %gt3A_644 = arith.cmpi sgt, %sub3A_380, %gt3A_643 : i32
        %select_n3A_645 = arith.select %gt3A_644, %gather3A, %gather3A_627 : vector<16xf32>
        %mul3A_646 = arith.mulf %get3A_642, %select_n3A_645 : vector<16xf32>
        %swap3A_647 = arith.index_cast %scan3A_615 : i32 to index
        %swap3A_648 = arith.constant 16 : index
        %swap3A_649 = tpu.vector_load %arg11[%swap3A_647, %swap3A_648] {strides = array<i32>} : memref<16x192xf32, #tpu.memory_space<vmem>>, vector<16xf32>,
        tpu.vector_store %arg11[%swap3A_647, %swap3A_648], %mul3A_646 {strides = array<i32>} : memref<16x192xf32, #tpu.memory_space<vmem>>, vector<16xf32>,
        %get3A_650 = arith.constant 0 : i32
        %get3A_651 = arith.index_cast %get3A_650 : i32 to index
        %get3A_652 = arith.index_cast %scan3A_615 : i32 to index
        %get3A_653 = arith.constant 32 : index
        %get3A_654 = tpu.vector_load %arg10[%get3A_651, %get3A_652, %get3A_653] {strides = array<i32>} : memref<2x16x192xf32, #tpu.memory_space<vmem>>, vector<16xf32>,
        %gt3A_655 = arith.constant 2 : i32
        %gt3A_656 = arith.cmpi sgt, %sub3A_380, %gt3A_655 : i32
        %select_n3A_657 = arith.select %gt3A_656, %gather3A, %gather3A_627 : vector<16xf32>
        %mul3A_658 = arith.mulf %get3A_654, %select_n3A_657 : vector<16xf32>
        %swap3A_659 = arith.index_cast %scan3A_615 : i32 to index
        %swap3A_660 = arith.constant 32 : index
        %swap3A_661 = tpu.vector_load %arg11[%swap3A_659, %swap3A_660] {strides = array<i32>} : memref<16x192xf32, #tpu.memory_space<vmem>>, vector<16xf32>,
        tpu.vector_store %arg11[%swap3A_659, %swap3A_660], %mul3A_658 {strides = array<i32>} : memref<16x192xf32, #tpu.memory_space<vmem>>, vector<16xf32>,
        %get3A_662 = arith.constant 0 : i32
        %get3A_663 = arith.index_cast %get3A_662 : i32 to index
        %get3A_664 = arith.index_cast %scan3A_615 : i32 to index
        %get3A_665 = arith.constant 48 : index
        %get3A_666 = tpu.vector_load %arg10[%get3A_663, %get3A_664, %get3A_665] {strides = array<i32>} : memref<2x16x192xf32, #tpu.memory_space<vmem>>, vector<16xf32>,
        %gt3A_667 = arith.constant 3 : i32
        %gt3A_668 = arith.cmpi sgt, %sub3A_380, %gt3A_667 : i32
        %select_n3A_669 = arith.select %gt3A_668, %gather3A, %gather3A_627 : vector<16xf32>
        %mul3A_670 = arith.mulf %get3A_666, %select_n3A_669 : vector<16xf32>
        %swap3A_671 = arith.index_cast %scan3A_615 : i32 to index
        %swap3A_672 = arith.constant 48 : index
        %swap3A_673 = tpu.vector_load %arg11[%swap3A_671, %swap3A_672] {strides = array<i32>} : memref<16x192xf32, #tpu.memory_space<vmem>>, vector<16xf32>,
        tpu.vector_store %arg11[%swap3A_671, %swap3A_672], %mul3A_670 {strides = array<i32>} : memref<16x192xf32, #tpu.memory_space<vmem>>, vector<16xf32>,
        %get3A_674 = arith.constant 0 : i32
        %get3A_675 = arith.index_cast %get3A_674 : i32 to index
        %get3A_676 = arith.index_cast %scan3A_615 : i32 to index
        %get3A_677 = arith.constant 64 : index
        %get3A_678 = tpu.vector_load %arg10[%get3A_675, %get3A_676, %get3A_677] {strides = array<i32>} : memref<2x16x192xf32, #tpu.memory_space<vmem>>, vector<16xf32>,
        %gt3A_679 = arith.constant 4 : i32
        %gt3A_680 = arith.cmpi sgt, %sub3A_380, %gt3A_679 : i32
        %select_n3A_681 = arith.select %gt3A_680, %gather3A, %gather3A_627 : vector<16xf32>
        %mul3A_682 = arith.mulf %get3A_678, %select_n3A_681 : vector<16xf32>
        %swap3A_683 = arith.index_cast %scan3A_615 : i32 to index
        %swap3A_684 = arith.constant 64 : index
        %swap3A_685 = tpu.vector_load %arg11[%swap3A_683, %swap3A_684] {strides = array<i32>} : memref<16x192xf32, #tpu.memory_space<vmem>>, vector<16xf32>,
        tpu.vector_store %arg11[%swap3A_683, %swap3A_684], %mul3A_682 {strides = array<i32>} : memref<16x192xf32, #tpu.memory_space<vmem>>, vector<16xf32>,
        %get3A_686 = arith.constant 0 : i32
        %get3A_687 = arith.index_cast %get3A_686 : i32 to index
        %get3A_688 = arith.index_cast %scan3A_615 : i32 to index
        %get3A_689 = arith.constant 80 : index
        %get3A_690 = tpu.vector_load %arg10[%get3A_687, %get3A_688, %get3A_689] {strides = array<i32>} : memref<2x16x192xf32, #tpu.memory_space<vmem>>, vector<16xf32>,
        %gt3A_691 = arith.constant 5 : i32
        %gt3A_692 = arith.cmpi sgt, %sub3A_380, %gt3A_691 : i32
        %select_n3A_693 = arith.select %gt3A_692, %gather3A, %gather3A_627 : vector<16xf32>
        %mul3A_694 = arith.mulf %get3A_690, %select_n3A_693 : vector<16xf32>
        %swap3A_695 = arith.index_cast %scan3A_615 : i32 to index
        %swap3A_696 = arith.constant 80 : index
        %swap3A_697 = tpu.vector_load %arg11[%swap3A_695, %swap3A_696] {strides = array<i32>} : memref<16x192xf32, #tpu.memory_space<vmem>>, vector<16xf32>,
        tpu.vector_store %arg11[%swap3A_695, %swap3A_696], %mul3A_694 {strides = array<i32>} : memref<16x192xf32, #tpu.memory_space<vmem>>, vector<16xf32>,
        %get3A_698 = arith.constant 0 : i32
        %get3A_699 = arith.index_cast %get3A_698 : i32 to index
        %get3A_700 = arith.index_cast %scan3A_615 : i32 to index
        %get3A_701 = arith.constant 96 : index
        %get3A_702 = tpu.vector_load %arg10[%get3A_699, %get3A_700, %get3A_701] {strides = array<i32>} : memref<2x16x192xf32, #tpu.memory_space<vmem>>, vector<16xf32>,
        %gt3A_703 = arith.constant 6 : i32
        %gt3A_704 = arith.cmpi sgt, %sub3A_380, %gt3A_703 : i32
        %select_n3A_705 = arith.select %gt3A_704, %gather3A, %gather3A_627 : vector<16xf32>
        %mul3A_706 = arith.mulf %get3A_702, %select_n3A_705 : vector<16xf32>
        %swap3A_707 = arith.index_cast %scan3A_615 : i32 to index
        %swap3A_708 = arith.constant 96 : index
        %swap3A_709 = tpu.vector_load %arg11[%swap3A_707, %swap3A_708] {strides = array<i32>} : memref<16x192xf32, #tpu.memory_space<vmem>>, vector<16xf32>,
        tpu.vector_store %arg11[%swap3A_707, %swap3A_708], %mul3A_706 {strides = array<i32>} : memref<16x192xf32, #tpu.memory_space<vmem>>, vector<16xf32>,
        %get3A_710 = arith.constant 0 : i32
        %get3A_711 = arith.index_cast %get3A_710 : i32 to index
        %get3A_712 = arith.index_cast %scan3A_615 : i32 to index
        %get3A_713 = arith.constant 112 : index
        %get3A_714 = tpu.vector_load %arg10[%get3A_711, %get3A_712, %get3A_713] {strides = array<i32>} : memref<2x16x192xf32, #tpu.memory_space<vmem>>, vector<16xf32>,
        %gt3A_715 = arith.constant 7 : i32
        %gt3A_716 = arith.cmpi sgt, %sub3A_380, %gt3A_715 : i32
        %select_n3A_717 = arith.select %gt3A_716, %gather3A, %gather3A_627 : vector<16xf32>
        %mul3A_718 = arith.mulf %get3A_714, %select_n3A_717 : vector<16xf32>
        %swap3A_719 = arith.index_cast %scan3A_615 : i32 to index
        %swap3A_720 = arith.constant 112 : index
        %swap3A_721 = tpu.vector_load %arg11[%swap3A_719, %swap3A_720] {strides = array<i32>} : memref<16x192xf32, #tpu.memory_space<vmem>>, vector<16xf32>,
        tpu.vector_store %arg11[%swap3A_719, %swap3A_720], %mul3A_718 {strides = array<i32>} : memref<16x192xf32, #tpu.memory_space<vmem>>, vector<16xf32>,
        %get3A_722 = arith.constant 0 : i32
        %get3A_723 = arith.index_cast %get3A_722 : i32 to index
        %get3A_724 = arith.index_cast %scan3A_615 : i32 to index
        %get3A_725 = arith.constant 128 : index
        %get3A_726 = tpu.vector_load %arg10[%get3A_723, %get3A_724, %get3A_725] {strides = array<i32>} : memref<2x16x192xf32, #tpu.memory_space<vmem>>, vector<16xf32>,
        %gt3A_727 = arith.constant 8 : i32
        %gt3A_728 = arith.cmpi sgt, %sub3A_380, %gt3A_727 : i32
        %select_n3A_729 = arith.select %gt3A_728, %gather3A, %gather3A_627 : vector<16xf32>
        %mul3A_730 = arith.mulf %get3A_726, %select_n3A_729 : vector<16xf32>
        %swap3A_731 = arith.index_cast %scan3A_615 : i32 to index
        %swap3A_732 = arith.constant 128 : index
        %swap3A_733 = tpu.vector_load %arg11[%swap3A_731, %swap3A_732] {strides = array<i32>} : memref<16x192xf32, #tpu.memory_space<vmem>>, vector<16xf32>,
        tpu.vector_store %arg11[%swap3A_731, %swap3A_732], %mul3A_730 {strides = array<i32>} : memref<16x192xf32, #tpu.memory_space<vmem>>, vector<16xf32>,
        %get3A_734 = arith.constant 0 : i32
        %get3A_735 = arith.index_cast %get3A_734 : i32 to index
        %get3A_736 = arith.index_cast %scan3A_615 : i32 to index
        %get3A_737 = arith.constant 144 : index
        %get3A_738 = tpu.vector_load %arg10[%get3A_735, %get3A_736, %get3A_737] {strides = array<i32>} : memref<2x16x192xf32, #tpu.memory_space<vmem>>, vector<16xf32>,
        %gt3A_739 = arith.constant 9 : i32
        %gt3A_740 = arith.cmpi sgt, %sub3A_380, %gt3A_739 : i32
        %select_n3A_741 = arith.select %gt3A_740, %gather3A, %gather3A_627 : vector<16xf32>
        %mul3A_742 = arith.mulf %get3A_738, %select_n3A_741 : vector<16xf32>
        %swap3A_743 = arith.index_cast %scan3A_615 : i32 to index
        %swap3A_744 = arith.constant 144 : index
        %swap3A_745 = tpu.vector_load %arg11[%swap3A_743, %swap3A_744] {strides = array<i32>} : memref<16x192xf32, #tpu.memory_space<vmem>>, vector<16xf32>,
        tpu.vector_store %arg11[%swap3A_743, %swap3A_744], %mul3A_742 {strides = array<i32>} : memref<16x192xf32, #tpu.memory_space<vmem>>, vector<16xf32>,
        %get3A_746 = arith.constant 0 : i32
        %get3A_747 = arith.index_cast %get3A_746 : i32 to index
        %get3A_748 = arith.index_cast %scan3A_615 : i32 to index
        %get3A_749 = arith.constant 160 : index
        %get3A_750 = tpu.vector_load %arg10[%get3A_747, %get3A_748, %get3A_749] {strides = array<i32>} : memref<2x16x192xf32, #tpu.memory_space<vmem>>, vector<16xf32>,
        %gt3A_751 = arith.constant 10 : i32
        %gt3A_752 = arith.cmpi sgt, %sub3A_380, %gt3A_751 : i32
        %select_n3A_753 = arith.select %gt3A_752, %gather3A, %gather3A_627 : vector<16xf32>
        %mul3A_754 = arith.mulf %get3A_750, %select_n3A_753 : vector<16xf32>
        %swap3A_755 = arith.index_cast %scan3A_615 : i32 to index
        %swap3A_756 = arith.constant 160 : index
        %swap3A_757 = tpu.vector_load %arg11[%swap3A_755, %swap3A_756] {strides = array<i32>} : memref<16x192xf32, #tpu.memory_space<vmem>>, vector<16xf32>,
        tpu.vector_store %arg11[%swap3A_755, %swap3A_756], %mul3A_754 {strides = array<i32>} : memref<16x192xf32, #tpu.memory_space<vmem>>, vector<16xf32>,
        %get3A_758 = arith.constant 0 : i32
        %get3A_759 = arith.index_cast %get3A_758 : i32 to index
        %get3A_760 = arith.index_cast %scan3A_615 : i32 to index
        %get3A_761 = arith.constant 176 : index
        %get3A_762 = tpu.vector_load %arg10[%get3A_759, %get3A_760, %get3A_761] {strides = array<i32>} : memref<2x16x192xf32, #tpu.memory_space<vmem>>, vector<16xf32>,
        %gt3A_763 = arith.constant 11 : i32
        %gt3A_764 = arith.cmpi sgt, %sub3A_380, %gt3A_763 : i32
        %select_n3A_765 = arith.select %gt3A_764, %gather3A, %gather3A_627 : vector<16xf32>
        %mul3A_766 = arith.mulf %get3A_762, %select_n3A_765 : vector<16xf32>
        %swap3A_767 = arith.index_cast %scan3A_615 : i32 to index
        %swap3A_768 = arith.constant 176 : index
        %swap3A_769 = tpu.vector_load %arg11[%swap3A_767, %swap3A_768] {strides = array<i32>} : memref<16x192xf32, #tpu.memory_space<vmem>>, vector<16xf32>,
        tpu.vector_store %arg11[%swap3A_767, %swap3A_768], %mul3A_766 {strides = array<i32>} : memref<16x192xf32, #tpu.memory_space<vmem>>, vector<16xf32>,
        %scan3A_770 = arith.constant 0 : i32
        scf.yield %scan3A_770 : i32
      }
      %scan3A_610 = arith.constant 16 : i32
      %dma_start3A_611 = arith.constant 0 : i32
      %dma_start3A_612 = arith.constant 0 : i32
      %dma_start3A_613 = tpu.memref_slice %arg13[%dma_start3A_611, %dma_start3A_612] : memref<10000x192xf32, #tpu.memory_space<vmem_shared>> -> memref<10000x192xf32, #tpu.memory_space<vmem_shared>>
      tpu.enqueue_indirect_dma source(%arg11 : memref<16x192xf32, #tpu.memory_space<vmem>>) target(%dma_start3A_613 : memref<10000x192xf32, #tpu.memory_space<vmem_shared>>) offsets(%get3A_600 : vector<16xi32>) semaphore(%arg16 : memref<!tpu.dma_semaphore, #tpu.memory_space<semaphore_mem>>) {add = true}
      %scan3A_614 = arith.constant 0 : i32
      scf.yield %scan3A_614 : i32
    }
    %scan3A_387 = arith.constant 250 : i32
    %dma_wait3A = arith.constant 0 : i32
    %dma_wait3A_388 = arith.constant 0 : i32
    %dma_wait3A_389 = tpu.memref_slice %arg13[%dma_wait3A, %dma_wait3A_388] : memref<10000x192xf32, #tpu.memory_space<vmem_shared>> -> memref<10000x192xf32, #tpu.memory_space<vmem_shared>>
    tpu.wait_indirect_dma semaphore(%arg16 : memref<!tpu.dma_semaphore, #tpu.memory_space<semaphore_mem>>) src(%arg11 : memref<16x192xf32, #tpu.memory_space<vmem>>) dst(%dma_wait3A_389 : memref<10000x192xf32, #tpu.memory_space<vmem_shared>>)
    %barrier3A_390 = arith.constant 0 : index
    tpu.barrier barrier_id(%barrier3A_390)
    "tpu.region"() ({
      %run_scoped3A = tpu.sem_alloc : memref<!tpu.dma_semaphore, #tpu.memory_space<semaphore_mem>>
      %dma_start3A_391 = arith.constant 0 : i32
      %dma_start3A_392 = tpu.memref_slice %arg6[%arg0, %mul3A_0, %dma_start3A_391] : memref<2x10000x192xf32, #tpu.memory_space<hbm>> -> memref<1x625x192xf32, #tpu.memory_space<hbm>>
      %dma_start3A_393 = tpu.memref_squeeze %dma_start3A_392 : memref<1x625x192xf32, #tpu.memory_space<hbm>> -> memref<625x192xf32, #tpu.memory_space<hbm>>
      %dma_start3A_394 = arith.constant 0 : i32
      %dma_start3A_395 = tpu.memref_slice %arg13[%mul3A_0, %dma_start3A_394] : memref<10000x192xf32, #tpu.memory_space<vmem_shared>> -> memref<625x192xf32, #tpu.memory_space<vmem_shared>>
      tpu.enqueue_dma source(%dma_start3A_395 : memref<625x192xf32, #tpu.memory_space<vmem_shared>>) target(%dma_start3A_393 : memref<625x192xf32, #tpu.memory_space<hbm>>) target_semaphore(%run_scoped3A : memref<!tpu.dma_semaphore, #tpu.memory_space<semaphore_mem>>)
      %dma_wait3A_396 = arith.constant 0 : i32
      %dma_wait3A_397 = tpu.memref_slice %arg6[%arg0, %mul3A_0, %dma_wait3A_396] : memref<2x10000x192xf32, #tpu.memory_space<hbm>> -> memref<1x625x192xf32, #tpu.memory_space<hbm>>
      %dma_wait3A_398 = tpu.memref_squeeze %dma_wait3A_397 : memref<1x625x192xf32, #tpu.memory_space<hbm>> -> memref<625x192xf32, #tpu.memory_space<hbm>>
      %dma_wait3A_399 = arith.constant 0 : i32
      %dma_wait3A_400 = tpu.memref_slice %arg13[%mul3A_0, %dma_wait3A_399] : memref<10000x192xf32, #tpu.memory_space<vmem_shared>> -> memref<625x192xf32, #tpu.memory_space<vmem_shared>>
      tpu.wait_dma2 semaphore(%run_scoped3A : memref<!tpu.dma_semaphore, #tpu.memory_space<semaphore_mem>>) src(%dma_wait3A_400 : memref<625x192xf32, #tpu.memory_space<vmem_shared>>) dst(%dma_wait3A_398 : memref<625x192xf32, #tpu.memory_space<hbm>>)
      tpu.yield
    }) : () -> ()
    return
  }
}

#map = affine_map<(d0, d1) -> (0, 0)>
#map1 = affine_map<(d0, d1) -> (0)>
#map2 = affine_map<(d0, d1) -> (0, 0, 0)>
module attributes {stable_mosaic.version = 14 : i64} {
  func.func @_sca_body(%arg0: i32, %arg1: i32, %arg2: memref<10000x16xf32, #tpu.memory_space<hbm>>, %arg3: memref<320000xi32, #tpu.memory_space<hbm>>, %arg4: memref<320000xi32, #tpu.memory_space<hbm>>, %arg5: memref<320000x4xf32, #tpu.memory_space<hbm>>, %arg6: memref<2x10000x16xf32, #tpu.memory_space<hbm>>, %arg7: memref<80xi32, #tpu.memory_space<vmem>>, %arg8: memref<80xi32, #tpu.memory_space<vmem>>, %arg9: memref<80x16xf32, #tpu.memory_space<vmem>>, %arg10: memref<80x16xf32, #tpu.memory_space<vmem>>, %arg11: memref<80x4xf32, #tpu.memory_space<vmem>>, %arg12: memref<80x16xf32, #tpu.memory_space<vmem>>, %arg13: memref<10000x16xf32, #tpu.memory_space<vmem_shared>>, %arg14: memref<!tpu.dma_semaphore, #tpu.memory_space<semaphore_mem>>) attributes {dimension_semantics = [#tpu.dimension_semantics<core_parallel>, #tpu.dimension_semantics<subcore_parallel>], iteration_bounds = array<i64: 2, 16>, scalar_prefetch = 0 : i64, scratch_operands = 8 : i64, tpu.core_type = #tpu.core_type<sc_vector_subcore>, window_params = [{transform_indices = #map}, {transform_indices = #map1}, {transform_indices = #map1}, {transform_indices = #map}, {transform_indices = #map2}]} {
    %mul3A = arith.constant 625 : i32
    %mul3A_0 = arith.muli %arg1, %mul3A : i32
    %broadcast_in_dim3A = arith.constant 0.000000e+00 : f32
    %broadcast_in_dim3A_1 = vector.broadcast %broadcast_in_dim3A : f32 to vector<16xf32>
    %swap3A = arith.constant 0 : i32
    %swap3A_2 = arith.index_cast %swap3A : i32 to index
    %swap3A_3 = arith.constant 0 : index
    %swap3A_4 = tpu.vector_load %arg12[%swap3A_2, %swap3A_3] {strides = array<i32>} : memref<80x16xf32, #tpu.memory_space<vmem>>, vector<16xf32>,
    tpu.vector_store %arg12[%swap3A_2, %swap3A_3], %broadcast_in_dim3A_1 {strides = array<i32>} : memref<80x16xf32, #tpu.memory_space<vmem>>, vector<16xf32>,
    %broadcast_in_dim3A_5 = arith.constant 0.000000e+00 : f32
    %broadcast_in_dim3A_6 = vector.broadcast %broadcast_in_dim3A_5 : f32 to vector<16xf32>
    %swap3A_7 = arith.constant 1 : i32
    %swap3A_8 = arith.index_cast %swap3A_7 : i32 to index
    %swap3A_9 = arith.constant 0 : index
    %swap3A_10 = tpu.vector_load %arg12[%swap3A_8, %swap3A_9] {strides = array<i32>} : memref<80x16xf32, #tpu.memory_space<vmem>>, vector<16xf32>,
    tpu.vector_store %arg12[%swap3A_8, %swap3A_9], %broadcast_in_dim3A_6 {strides = array<i32>} : memref<80x16xf32, #tpu.memory_space<vmem>>, vector<16xf32>,
    %broadcast_in_dim3A_11 = arith.constant 0.000000e+00 : f32
    %broadcast_in_dim3A_12 = vector.broadcast %broadcast_in_dim3A_11 : f32 to vector<16xf32>
    %swap3A_13 = arith.constant 2 : i32
    %swap3A_14 = arith.index_cast %swap3A_13 : i32 to index
    %swap3A_15 = arith.constant 0 : index
    %swap3A_16 = tpu.vector_load %arg12[%swap3A_14, %swap3A_15] {strides = array<i32>} : memref<80x16xf32, #tpu.memory_space<vmem>>, vector<16xf32>,
    tpu.vector_store %arg12[%swap3A_14, %swap3A_15], %broadcast_in_dim3A_12 {strides = array<i32>} : memref<80x16xf32, #tpu.memory_space<vmem>>, vector<16xf32>,
    %broadcast_in_dim3A_17 = arith.constant 0.000000e+00 : f32
    %broadcast_in_dim3A_18 = vector.broadcast %broadcast_in_dim3A_17 : f32 to vector<16xf32>
    %swap3A_19 = arith.constant 3 : i32
    %swap3A_20 = arith.index_cast %swap3A_19 : i32 to index
    %swap3A_21 = arith.constant 0 : index
    %swap3A_22 = tpu.vector_load %arg12[%swap3A_20, %swap3A_21] {strides = array<i32>} : memref<80x16xf32, #tpu.memory_space<vmem>>, vector<16xf32>,
    tpu.vector_store %arg12[%swap3A_20, %swap3A_21], %broadcast_in_dim3A_18 {strides = array<i32>} : memref<80x16xf32, #tpu.memory_space<vmem>>, vector<16xf32>,
    %broadcast_in_dim3A_23 = arith.constant 0.000000e+00 : f32
    %broadcast_in_dim3A_24 = vector.broadcast %broadcast_in_dim3A_23 : f32 to vector<16xf32>
    %swap3A_25 = arith.constant 4 : i32
    %swap3A_26 = arith.index_cast %swap3A_25 : i32 to index
    %swap3A_27 = arith.constant 0 : index
    %swap3A_28 = tpu.vector_load %arg12[%swap3A_26, %swap3A_27] {strides = array<i32>} : memref<80x16xf32, #tpu.memory_space<vmem>>, vector<16xf32>,
    tpu.vector_store %arg12[%swap3A_26, %swap3A_27], %broadcast_in_dim3A_24 {strides = array<i32>} : memref<80x16xf32, #tpu.memory_space<vmem>>, vector<16xf32>,
    %broadcast_in_dim3A_29 = arith.constant 0.000000e+00 : f32
    %broadcast_in_dim3A_30 = vector.broadcast %broadcast_in_dim3A_29 : f32 to vector<16xf32>
    %swap3A_31 = arith.constant 5 : i32
    %swap3A_32 = arith.index_cast %swap3A_31 : i32 to index
    %swap3A_33 = arith.constant 0 : index
    %swap3A_34 = tpu.vector_load %arg12[%swap3A_32, %swap3A_33] {strides = array<i32>} : memref<80x16xf32, #tpu.memory_space<vmem>>, vector<16xf32>,
    tpu.vector_store %arg12[%swap3A_32, %swap3A_33], %broadcast_in_dim3A_30 {strides = array<i32>} : memref<80x16xf32, #tpu.memory_space<vmem>>, vector<16xf32>,
    %broadcast_in_dim3A_35 = arith.constant 0.000000e+00 : f32
    %broadcast_in_dim3A_36 = vector.broadcast %broadcast_in_dim3A_35 : f32 to vector<16xf32>
    %swap3A_37 = arith.constant 6 : i32
    %swap3A_38 = arith.index_cast %swap3A_37 : i32 to index
    %swap3A_39 = arith.constant 0 : index
    %swap3A_40 = tpu.vector_load %arg12[%swap3A_38, %swap3A_39] {strides = array<i32>} : memref<80x16xf32, #tpu.memory_space<vmem>>, vector<16xf32>,
    tpu.vector_store %arg12[%swap3A_38, %swap3A_39], %broadcast_in_dim3A_36 {strides = array<i32>} : memref<80x16xf32, #tpu.memory_space<vmem>>, vector<16xf32>,
    %broadcast_in_dim3A_41 = arith.constant 0.000000e+00 : f32
    %broadcast_in_dim3A_42 = vector.broadcast %broadcast_in_dim3A_41 : f32 to vector<16xf32>
    %swap3A_43 = arith.constant 7 : i32
    %swap3A_44 = arith.index_cast %swap3A_43 : i32 to index
    %swap3A_45 = arith.constant 0 : index
    %swap3A_46 = tpu.vector_load %arg12[%swap3A_44, %swap3A_45] {strides = array<i32>} : memref<80x16xf32, #tpu.memory_space<vmem>>, vector<16xf32>,
    tpu.vector_store %arg12[%swap3A_44, %swap3A_45], %broadcast_in_dim3A_42 {strides = array<i32>} : memref<80x16xf32, #tpu.memory_space<vmem>>, vector<16xf32>,
    %broadcast_in_dim3A_47 = arith.constant 0.000000e+00 : f32
    %broadcast_in_dim3A_48 = vector.broadcast %broadcast_in_dim3A_47 : f32 to vector<16xf32>
    %swap3A_49 = arith.constant 8 : i32
    %swap3A_50 = arith.index_cast %swap3A_49 : i32 to index
    %swap3A_51 = arith.constant 0 : index
    %swap3A_52 = tpu.vector_load %arg12[%swap3A_50, %swap3A_51] {strides = array<i32>} : memref<80x16xf32, #tpu.memory_space<vmem>>, vector<16xf32>,
    tpu.vector_store %arg12[%swap3A_50, %swap3A_51], %broadcast_in_dim3A_48 {strides = array<i32>} : memref<80x16xf32, #tpu.memory_space<vmem>>, vector<16xf32>,
    %broadcast_in_dim3A_53 = arith.constant 0.000000e+00 : f32
    %broadcast_in_dim3A_54 = vector.broadcast %broadcast_in_dim3A_53 : f32 to vector<16xf32>
    %swap3A_55 = arith.constant 9 : i32
    %swap3A_56 = arith.index_cast %swap3A_55 : i32 to index
    %swap3A_57 = arith.constant 0 : index
    %swap3A_58 = tpu.vector_load %arg12[%swap3A_56, %swap3A_57] {strides = array<i32>} : memref<80x16xf32, #tpu.memory_space<vmem>>, vector<16xf32>,
    tpu.vector_store %arg12[%swap3A_56, %swap3A_57], %broadcast_in_dim3A_54 {strides = array<i32>} : memref<80x16xf32, #tpu.memory_space<vmem>>, vector<16xf32>,
    %broadcast_in_dim3A_59 = arith.constant 0.000000e+00 : f32
    %broadcast_in_dim3A_60 = vector.broadcast %broadcast_in_dim3A_59 : f32 to vector<16xf32>
    %swap3A_61 = arith.constant 10 : i32
    %swap3A_62 = arith.index_cast %swap3A_61 : i32 to index
    %swap3A_63 = arith.constant 0 : index
    %swap3A_64 = tpu.vector_load %arg12[%swap3A_62, %swap3A_63] {strides = array<i32>} : memref<80x16xf32, #tpu.memory_space<vmem>>, vector<16xf32>,
    tpu.vector_store %arg12[%swap3A_62, %swap3A_63], %broadcast_in_dim3A_60 {strides = array<i32>} : memref<80x16xf32, #tpu.memory_space<vmem>>, vector<16xf32>,
    %broadcast_in_dim3A_65 = arith.constant 0.000000e+00 : f32
    %broadcast_in_dim3A_66 = vector.broadcast %broadcast_in_dim3A_65 : f32 to vector<16xf32>
    %swap3A_67 = arith.constant 11 : i32
    %swap3A_68 = arith.index_cast %swap3A_67 : i32 to index
    %swap3A_69 = arith.constant 0 : index
    %swap3A_70 = tpu.vector_load %arg12[%swap3A_68, %swap3A_69] {strides = array<i32>} : memref<80x16xf32, #tpu.memory_space<vmem>>, vector<16xf32>,
    tpu.vector_store %arg12[%swap3A_68, %swap3A_69], %broadcast_in_dim3A_66 {strides = array<i32>} : memref<80x16xf32, #tpu.memory_space<vmem>>, vector<16xf32>,
    %broadcast_in_dim3A_71 = arith.constant 0.000000e+00 : f32
    %broadcast_in_dim3A_72 = vector.broadcast %broadcast_in_dim3A_71 : f32 to vector<16xf32>
    %swap3A_73 = arith.constant 12 : i32
    %swap3A_74 = arith.index_cast %swap3A_73 : i32 to index
    %swap3A_75 = arith.constant 0 : index
    %swap3A_76 = tpu.vector_load %arg12[%swap3A_74, %swap3A_75] {strides = array<i32>} : memref<80x16xf32, #tpu.memory_space<vmem>>, vector<16xf32>,
    tpu.vector_store %arg12[%swap3A_74, %swap3A_75], %broadcast_in_dim3A_72 {strides = array<i32>} : memref<80x16xf32, #tpu.memory_space<vmem>>, vector<16xf32>,
    %broadcast_in_dim3A_77 = arith.constant 0.000000e+00 : f32
    %broadcast_in_dim3A_78 = vector.broadcast %broadcast_in_dim3A_77 : f32 to vector<16xf32>
    %swap3A_79 = arith.constant 13 : i32
    %swap3A_80 = arith.index_cast %swap3A_79 : i32 to index
    %swap3A_81 = arith.constant 0 : index
    %swap3A_82 = tpu.vector_load %arg12[%swap3A_80, %swap3A_81] {strides = array<i32>} : memref<80x16xf32, #tpu.memory_space<vmem>>, vector<16xf32>,
    tpu.vector_store %arg12[%swap3A_80, %swap3A_81], %broadcast_in_dim3A_78 {strides = array<i32>} : memref<80x16xf32, #tpu.memory_space<vmem>>, vector<16xf32>,
    %broadcast_in_dim3A_83 = arith.constant 0.000000e+00 : f32
    %broadcast_in_dim3A_84 = vector.broadcast %broadcast_in_dim3A_83 : f32 to vector<16xf32>
    %swap3A_85 = arith.constant 14 : i32
    %swap3A_86 = arith.index_cast %swap3A_85 : i32 to index
    %swap3A_87 = arith.constant 0 : index
    %swap3A_88 = tpu.vector_load %arg12[%swap3A_86, %swap3A_87] {strides = array<i32>} : memref<80x16xf32, #tpu.memory_space<vmem>>, vector<16xf32>,
    tpu.vector_store %arg12[%swap3A_86, %swap3A_87], %broadcast_in_dim3A_84 {strides = array<i32>} : memref<80x16xf32, #tpu.memory_space<vmem>>, vector<16xf32>,
    %broadcast_in_dim3A_89 = arith.constant 0.000000e+00 : f32
    %broadcast_in_dim3A_90 = vector.broadcast %broadcast_in_dim3A_89 : f32 to vector<16xf32>
    %swap3A_91 = arith.constant 15 : i32
    %swap3A_92 = arith.index_cast %swap3A_91 : i32 to index
    %swap3A_93 = arith.constant 0 : index
    %swap3A_94 = tpu.vector_load %arg12[%swap3A_92, %swap3A_93] {strides = array<i32>} : memref<80x16xf32, #tpu.memory_space<vmem>>, vector<16xf32>,
    tpu.vector_store %arg12[%swap3A_92, %swap3A_93], %broadcast_in_dim3A_90 {strides = array<i32>} : memref<80x16xf32, #tpu.memory_space<vmem>>, vector<16xf32>,
    %broadcast_in_dim3A_95 = arith.constant 0.000000e+00 : f32
    %broadcast_in_dim3A_96 = vector.broadcast %broadcast_in_dim3A_95 : f32 to vector<16xf32>
    %swap3A_97 = arith.constant 16 : i32
    %swap3A_98 = arith.index_cast %swap3A_97 : i32 to index
    %swap3A_99 = arith.constant 0 : index
    %swap3A_100 = tpu.vector_load %arg12[%swap3A_98, %swap3A_99] {strides = array<i32>} : memref<80x16xf32, #tpu.memory_space<vmem>>, vector<16xf32>,
    tpu.vector_store %arg12[%swap3A_98, %swap3A_99], %broadcast_in_dim3A_96 {strides = array<i32>} : memref<80x16xf32, #tpu.memory_space<vmem>>, vector<16xf32>,
    %broadcast_in_dim3A_101 = arith.constant 0.000000e+00 : f32
    %broadcast_in_dim3A_102 = vector.broadcast %broadcast_in_dim3A_101 : f32 to vector<16xf32>
    %swap3A_103 = arith.constant 17 : i32
    %swap3A_104 = arith.index_cast %swap3A_103 : i32 to index
    %swap3A_105 = arith.constant 0 : index
    %swap3A_106 = tpu.vector_load %arg12[%swap3A_104, %swap3A_105] {strides = array<i32>} : memref<80x16xf32, #tpu.memory_space<vmem>>, vector<16xf32>,
    tpu.vector_store %arg12[%swap3A_104, %swap3A_105], %broadcast_in_dim3A_102 {strides = array<i32>} : memref<80x16xf32, #tpu.memory_space<vmem>>, vector<16xf32>,
    %broadcast_in_dim3A_107 = arith.constant 0.000000e+00 : f32
    %broadcast_in_dim3A_108 = vector.broadcast %broadcast_in_dim3A_107 : f32 to vector<16xf32>
    %swap3A_109 = arith.constant 18 : i32
    %swap3A_110 = arith.index_cast %swap3A_109 : i32 to index
    %swap3A_111 = arith.constant 0 : index
    %swap3A_112 = tpu.vector_load %arg12[%swap3A_110, %swap3A_111] {strides = array<i32>} : memref<80x16xf32, #tpu.memory_space<vmem>>, vector<16xf32>,
    tpu.vector_store %arg12[%swap3A_110, %swap3A_111], %broadcast_in_dim3A_108 {strides = array<i32>} : memref<80x16xf32, #tpu.memory_space<vmem>>, vector<16xf32>,
    %broadcast_in_dim3A_113 = arith.constant 0.000000e+00 : f32
    %broadcast_in_dim3A_114 = vector.broadcast %broadcast_in_dim3A_113 : f32 to vector<16xf32>
    %swap3A_115 = arith.constant 19 : i32
    %swap3A_116 = arith.index_cast %swap3A_115 : i32 to index
    %swap3A_117 = arith.constant 0 : index
    %swap3A_118 = tpu.vector_load %arg12[%swap3A_116, %swap3A_117] {strides = array<i32>} : memref<80x16xf32, #tpu.memory_space<vmem>>, vector<16xf32>,
    tpu.vector_store %arg12[%swap3A_116, %swap3A_117], %broadcast_in_dim3A_114 {strides = array<i32>} : memref<80x16xf32, #tpu.memory_space<vmem>>, vector<16xf32>,
    %broadcast_in_dim3A_119 = arith.constant 0.000000e+00 : f32
    %broadcast_in_dim3A_120 = vector.broadcast %broadcast_in_dim3A_119 : f32 to vector<16xf32>
    %swap3A_121 = arith.constant 20 : i32
    %swap3A_122 = arith.index_cast %swap3A_121 : i32 to index
    %swap3A_123 = arith.constant 0 : index
    %swap3A_124 = tpu.vector_load %arg12[%swap3A_122, %swap3A_123] {strides = array<i32>} : memref<80x16xf32, #tpu.memory_space<vmem>>, vector<16xf32>,
    tpu.vector_store %arg12[%swap3A_122, %swap3A_123], %broadcast_in_dim3A_120 {strides = array<i32>} : memref<80x16xf32, #tpu.memory_space<vmem>>, vector<16xf32>,
    %broadcast_in_dim3A_125 = arith.constant 0.000000e+00 : f32
    %broadcast_in_dim3A_126 = vector.broadcast %broadcast_in_dim3A_125 : f32 to vector<16xf32>
    %swap3A_127 = arith.constant 21 : i32
    %swap3A_128 = arith.index_cast %swap3A_127 : i32 to index
    %swap3A_129 = arith.constant 0 : index
    %swap3A_130 = tpu.vector_load %arg12[%swap3A_128, %swap3A_129] {strides = array<i32>} : memref<80x16xf32, #tpu.memory_space<vmem>>, vector<16xf32>,
    tpu.vector_store %arg12[%swap3A_128, %swap3A_129], %broadcast_in_dim3A_126 {strides = array<i32>} : memref<80x16xf32, #tpu.memory_space<vmem>>, vector<16xf32>,
    %broadcast_in_dim3A_131 = arith.constant 0.000000e+00 : f32
    %broadcast_in_dim3A_132 = vector.broadcast %broadcast_in_dim3A_131 : f32 to vector<16xf32>
    %swap3A_133 = arith.constant 22 : i32
    %swap3A_134 = arith.index_cast %swap3A_133 : i32 to index
    %swap3A_135 = arith.constant 0 : index
    %swap3A_136 = tpu.vector_load %arg12[%swap3A_134, %swap3A_135] {strides = array<i32>} : memref<80x16xf32, #tpu.memory_space<vmem>>, vector<16xf32>,
    tpu.vector_store %arg12[%swap3A_134, %swap3A_135], %broadcast_in_dim3A_132 {strides = array<i32>} : memref<80x16xf32, #tpu.memory_space<vmem>>, vector<16xf32>,
    %broadcast_in_dim3A_137 = arith.constant 0.000000e+00 : f32
    %broadcast_in_dim3A_138 = vector.broadcast %broadcast_in_dim3A_137 : f32 to vector<16xf32>
    %swap3A_139 = arith.constant 23 : i32
    %swap3A_140 = arith.index_cast %swap3A_139 : i32 to index
    %swap3A_141 = arith.constant 0 : index
    %swap3A_142 = tpu.vector_load %arg12[%swap3A_140, %swap3A_141] {strides = array<i32>} : memref<80x16xf32, #tpu.memory_space<vmem>>, vector<16xf32>,
    tpu.vector_store %arg12[%swap3A_140, %swap3A_141], %broadcast_in_dim3A_138 {strides = array<i32>} : memref<80x16xf32, #tpu.memory_space<vmem>>, vector<16xf32>,
    %broadcast_in_dim3A_143 = arith.constant 0.000000e+00 : f32
    %broadcast_in_dim3A_144 = vector.broadcast %broadcast_in_dim3A_143 : f32 to vector<16xf32>
    %swap3A_145 = arith.constant 24 : i32
    %swap3A_146 = arith.index_cast %swap3A_145 : i32 to index
    %swap3A_147 = arith.constant 0 : index
    %swap3A_148 = tpu.vector_load %arg12[%swap3A_146, %swap3A_147] {strides = array<i32>} : memref<80x16xf32, #tpu.memory_space<vmem>>, vector<16xf32>,
    tpu.vector_store %arg12[%swap3A_146, %swap3A_147], %broadcast_in_dim3A_144 {strides = array<i32>} : memref<80x16xf32, #tpu.memory_space<vmem>>, vector<16xf32>,
    %broadcast_in_dim3A_149 = arith.constant 0.000000e+00 : f32
    %broadcast_in_dim3A_150 = vector.broadcast %broadcast_in_dim3A_149 : f32 to vector<16xf32>
    %swap3A_151 = arith.constant 25 : i32
    %swap3A_152 = arith.index_cast %swap3A_151 : i32 to index
    %swap3A_153 = arith.constant 0 : index
    %swap3A_154 = tpu.vector_load %arg12[%swap3A_152, %swap3A_153] {strides = array<i32>} : memref<80x16xf32, #tpu.memory_space<vmem>>, vector<16xf32>,
    tpu.vector_store %arg12[%swap3A_152, %swap3A_153], %broadcast_in_dim3A_150 {strides = array<i32>} : memref<80x16xf32, #tpu.memory_space<vmem>>, vector<16xf32>,
    %broadcast_in_dim3A_155 = arith.constant 0.000000e+00 : f32
    %broadcast_in_dim3A_156 = vector.broadcast %broadcast_in_dim3A_155 : f32 to vector<16xf32>
    %swap3A_157 = arith.constant 26 : i32
    %swap3A_158 = arith.index_cast %swap3A_157 : i32 to index
    %swap3A_159 = arith.constant 0 : index
    %swap3A_160 = tpu.vector_load %arg12[%swap3A_158, %swap3A_159] {strides = array<i32>} : memref<80x16xf32, #tpu.memory_space<vmem>>, vector<16xf32>,
    tpu.vector_store %arg12[%swap3A_158, %swap3A_159], %broadcast_in_dim3A_156 {strides = array<i32>} : memref<80x16xf32, #tpu.memory_space<vmem>>, vector<16xf32>,
    %broadcast_in_dim3A_161 = arith.constant 0.000000e+00 : f32
    %broadcast_in_dim3A_162 = vector.broadcast %broadcast_in_dim3A_161 : f32 to vector<16xf32>
    %swap3A_163 = arith.constant 27 : i32
    %swap3A_164 = arith.index_cast %swap3A_163 : i32 to index
    %swap3A_165 = arith.constant 0 : index
    %swap3A_166 = tpu.vector_load %arg12[%swap3A_164, %swap3A_165] {strides = array<i32>} : memref<80x16xf32, #tpu.memory_space<vmem>>, vector<16xf32>,
    tpu.vector_store %arg12[%swap3A_164, %swap3A_165], %broadcast_in_dim3A_162 {strides = array<i32>} : memref<80x16xf32, #tpu.memory_space<vmem>>, vector<16xf32>,
    %broadcast_in_dim3A_167 = arith.constant 0.000000e+00 : f32
    %broadcast_in_dim3A_168 = vector.broadcast %broadcast_in_dim3A_167 : f32 to vector<16xf32>
    %swap3A_169 = arith.constant 28 : i32
    %swap3A_170 = arith.index_cast %swap3A_169 : i32 to index
    %swap3A_171 = arith.constant 0 : index
    %swap3A_172 = tpu.vector_load %arg12[%swap3A_170, %swap3A_171] {strides = array<i32>} : memref<80x16xf32, #tpu.memory_space<vmem>>, vector<16xf32>,
    tpu.vector_store %arg12[%swap3A_170, %swap3A_171], %broadcast_in_dim3A_168 {strides = array<i32>} : memref<80x16xf32, #tpu.memory_space<vmem>>, vector<16xf32>,
    %broadcast_in_dim3A_173 = arith.constant 0.000000e+00 : f32
    %broadcast_in_dim3A_174 = vector.broadcast %broadcast_in_dim3A_173 : f32 to vector<16xf32>
    %swap3A_175 = arith.constant 29 : i32
    %swap3A_176 = arith.index_cast %swap3A_175 : i32 to index
    %swap3A_177 = arith.constant 0 : index
    %swap3A_178 = tpu.vector_load %arg12[%swap3A_176, %swap3A_177] {strides = array<i32>} : memref<80x16xf32, #tpu.memory_space<vmem>>, vector<16xf32>,
    tpu.vector_store %arg12[%swap3A_176, %swap3A_177], %broadcast_in_dim3A_174 {strides = array<i32>} : memref<80x16xf32, #tpu.memory_space<vmem>>, vector<16xf32>,
    %broadcast_in_dim3A_179 = arith.constant 0.000000e+00 : f32
    %broadcast_in_dim3A_180 = vector.broadcast %broadcast_in_dim3A_179 : f32 to vector<16xf32>
    %swap3A_181 = arith.constant 30 : i32
    %swap3A_182 = arith.index_cast %swap3A_181 : i32 to index
    %swap3A_183 = arith.constant 0 : index
    %swap3A_184 = tpu.vector_load %arg12[%swap3A_182, %swap3A_183] {strides = array<i32>} : memref<80x16xf32, #tpu.memory_space<vmem>>, vector<16xf32>,
    tpu.vector_store %arg12[%swap3A_182, %swap3A_183], %broadcast_in_dim3A_180 {strides = array<i32>} : memref<80x16xf32, #tpu.memory_space<vmem>>, vector<16xf32>,
    %broadcast_in_dim3A_185 = arith.constant 0.000000e+00 : f32
    %broadcast_in_dim3A_186 = vector.broadcast %broadcast_in_dim3A_185 : f32 to vector<16xf32>
    %swap3A_187 = arith.constant 31 : i32
    %swap3A_188 = arith.index_cast %swap3A_187 : i32 to index
    %swap3A_189 = arith.constant 0 : index
    %swap3A_190 = tpu.vector_load %arg12[%swap3A_188, %swap3A_189] {strides = array<i32>} : memref<80x16xf32, #tpu.memory_space<vmem>>, vector<16xf32>,
    tpu.vector_store %arg12[%swap3A_188, %swap3A_189], %broadcast_in_dim3A_186 {strides = array<i32>} : memref<80x16xf32, #tpu.memory_space<vmem>>, vector<16xf32>,
    %broadcast_in_dim3A_191 = arith.constant 0.000000e+00 : f32
    %broadcast_in_dim3A_192 = vector.broadcast %broadcast_in_dim3A_191 : f32 to vector<16xf32>
    %swap3A_193 = arith.constant 32 : i32
    %swap3A_194 = arith.index_cast %swap3A_193 : i32 to index
    %swap3A_195 = arith.constant 0 : index
    %swap3A_196 = tpu.vector_load %arg12[%swap3A_194, %swap3A_195] {strides = array<i32>} : memref<80x16xf32, #tpu.memory_space<vmem>>, vector<16xf32>,
    tpu.vector_store %arg12[%swap3A_194, %swap3A_195], %broadcast_in_dim3A_192 {strides = array<i32>} : memref<80x16xf32, #tpu.memory_space<vmem>>, vector<16xf32>,
    %broadcast_in_dim3A_197 = arith.constant 0.000000e+00 : f32
    %broadcast_in_dim3A_198 = vector.broadcast %broadcast_in_dim3A_197 : f32 to vector<16xf32>
    %swap3A_199 = arith.constant 33 : i32
    %swap3A_200 = arith.index_cast %swap3A_199 : i32 to index
    %swap3A_201 = arith.constant 0 : index
    %swap3A_202 = tpu.vector_load %arg12[%swap3A_200, %swap3A_201] {strides = array<i32>} : memref<80x16xf32, #tpu.memory_space<vmem>>, vector<16xf32>,
    tpu.vector_store %arg12[%swap3A_200, %swap3A_201], %broadcast_in_dim3A_198 {strides = array<i32>} : memref<80x16xf32, #tpu.memory_space<vmem>>, vector<16xf32>,
    %broadcast_in_dim3A_203 = arith.constant 0.000000e+00 : f32
    %broadcast_in_dim3A_204 = vector.broadcast %broadcast_in_dim3A_203 : f32 to vector<16xf32>
    %swap3A_205 = arith.constant 34 : i32
    %swap3A_206 = arith.index_cast %swap3A_205 : i32 to index
    %swap3A_207 = arith.constant 0 : index
    %swap3A_208 = tpu.vector_load %arg12[%swap3A_206, %swap3A_207] {strides = array<i32>} : memref<80x16xf32, #tpu.memory_space<vmem>>, vector<16xf32>,
    tpu.vector_store %arg12[%swap3A_206, %swap3A_207], %broadcast_in_dim3A_204 {strides = array<i32>} : memref<80x16xf32, #tpu.memory_space<vmem>>, vector<16xf32>,
    %broadcast_in_dim3A_209 = arith.constant 0.000000e+00 : f32
    %broadcast_in_dim3A_210 = vector.broadcast %broadcast_in_dim3A_209 : f32 to vector<16xf32>
    %swap3A_211 = arith.constant 35 : i32
    %swap3A_212 = arith.index_cast %swap3A_211 : i32 to index
    %swap3A_213 = arith.constant 0 : index
    %swap3A_214 = tpu.vector_load %arg12[%swap3A_212, %swap3A_213] {strides = array<i32>} : memref<80x16xf32, #tpu.memory_space<vmem>>, vector<16xf32>,
    tpu.vector_store %arg12[%swap3A_212, %swap3A_213], %broadcast_in_dim3A_210 {strides = array<i32>} : memref<80x16xf32, #tpu.memory_space<vmem>>, vector<16xf32>,
    %broadcast_in_dim3A_215 = arith.constant 0.000000e+00 : f32
    %broadcast_in_dim3A_216 = vector.broadcast %broadcast_in_dim3A_215 : f32 to vector<16xf32>
    %swap3A_217 = arith.constant 36 : i32
    %swap3A_218 = arith.index_cast %swap3A_217 : i32 to index
    %swap3A_219 = arith.constant 0 : index
    %swap3A_220 = tpu.vector_load %arg12[%swap3A_218, %swap3A_219] {strides = array<i32>} : memref<80x16xf32, #tpu.memory_space<vmem>>, vector<16xf32>,
    tpu.vector_store %arg12[%swap3A_218, %swap3A_219], %broadcast_in_dim3A_216 {strides = array<i32>} : memref<80x16xf32, #tpu.memory_space<vmem>>, vector<16xf32>,
    %broadcast_in_dim3A_221 = arith.constant 0.000000e+00 : f32
    %broadcast_in_dim3A_222 = vector.broadcast %broadcast_in_dim3A_221 : f32 to vector<16xf32>
    %swap3A_223 = arith.constant 37 : i32
    %swap3A_224 = arith.index_cast %swap3A_223 : i32 to index
    %swap3A_225 = arith.constant 0 : index
    %swap3A_226 = tpu.vector_load %arg12[%swap3A_224, %swap3A_225] {strides = array<i32>} : memref<80x16xf32, #tpu.memory_space<vmem>>, vector<16xf32>,
    tpu.vector_store %arg12[%swap3A_224, %swap3A_225], %broadcast_in_dim3A_222 {strides = array<i32>} : memref<80x16xf32, #tpu.memory_space<vmem>>, vector<16xf32>,
    %broadcast_in_dim3A_227 = arith.constant 0.000000e+00 : f32
    %broadcast_in_dim3A_228 = vector.broadcast %broadcast_in_dim3A_227 : f32 to vector<16xf32>
    %swap3A_229 = arith.constant 38 : i32
    %swap3A_230 = arith.index_cast %swap3A_229 : i32 to index
    %swap3A_231 = arith.constant 0 : index
    %swap3A_232 = tpu.vector_load %arg12[%swap3A_230, %swap3A_231] {strides = array<i32>} : memref<80x16xf32, #tpu.memory_space<vmem>>, vector<16xf32>,
    tpu.vector_store %arg12[%swap3A_230, %swap3A_231], %broadcast_in_dim3A_228 {strides = array<i32>} : memref<80x16xf32, #tpu.memory_space<vmem>>, vector<16xf32>,
    %broadcast_in_dim3A_233 = arith.constant 0.000000e+00 : f32
    %broadcast_in_dim3A_234 = vector.broadcast %broadcast_in_dim3A_233 : f32 to vector<16xf32>
    %swap3A_235 = arith.constant 39 : i32
    %swap3A_236 = arith.index_cast %swap3A_235 : i32 to index
    %swap3A_237 = arith.constant 0 : index
    %swap3A_238 = tpu.vector_load %arg12[%swap3A_236, %swap3A_237] {strides = array<i32>} : memref<80x16xf32, #tpu.memory_space<vmem>>, vector<16xf32>,
    tpu.vector_store %arg12[%swap3A_236, %swap3A_237], %broadcast_in_dim3A_234 {strides = array<i32>} : memref<80x16xf32, #tpu.memory_space<vmem>>, vector<16xf32>,
    %broadcast_in_dim3A_239 = arith.constant 0.000000e+00 : f32
    %broadcast_in_dim3A_240 = vector.broadcast %broadcast_in_dim3A_239 : f32 to vector<16xf32>
    %swap3A_241 = arith.constant 40 : i32
    %swap3A_242 = arith.index_cast %swap3A_241 : i32 to index
    %swap3A_243 = arith.constant 0 : index
    %swap3A_244 = tpu.vector_load %arg12[%swap3A_242, %swap3A_243] {strides = array<i32>} : memref<80x16xf32, #tpu.memory_space<vmem>>, vector<16xf32>,
    tpu.vector_store %arg12[%swap3A_242, %swap3A_243], %broadcast_in_dim3A_240 {strides = array<i32>} : memref<80x16xf32, #tpu.memory_space<vmem>>, vector<16xf32>,
    %broadcast_in_dim3A_245 = arith.constant 0.000000e+00 : f32
    %broadcast_in_dim3A_246 = vector.broadcast %broadcast_in_dim3A_245 : f32 to vector<16xf32>
    %swap3A_247 = arith.constant 41 : i32
    %swap3A_248 = arith.index_cast %swap3A_247 : i32 to index
    %swap3A_249 = arith.constant 0 : index
    %swap3A_250 = tpu.vector_load %arg12[%swap3A_248, %swap3A_249] {strides = array<i32>} : memref<80x16xf32, #tpu.memory_space<vmem>>, vector<16xf32>,
    tpu.vector_store %arg12[%swap3A_248, %swap3A_249], %broadcast_in_dim3A_246 {strides = array<i32>} : memref<80x16xf32, #tpu.memory_space<vmem>>, vector<16xf32>,
    %broadcast_in_dim3A_251 = arith.constant 0.000000e+00 : f32
    %broadcast_in_dim3A_252 = vector.broadcast %broadcast_in_dim3A_251 : f32 to vector<16xf32>
    %swap3A_253 = arith.constant 42 : i32
    %swap3A_254 = arith.index_cast %swap3A_253 : i32 to index
    %swap3A_255 = arith.constant 0 : index
    %swap3A_256 = tpu.vector_load %arg12[%swap3A_254, %swap3A_255] {strides = array<i32>} : memref<80x16xf32, #tpu.memory_space<vmem>>, vector<16xf32>,
    tpu.vector_store %arg12[%swap3A_254, %swap3A_255], %broadcast_in_dim3A_252 {strides = array<i32>} : memref<80x16xf32, #tpu.memory_space<vmem>>, vector<16xf32>,
    %broadcast_in_dim3A_257 = arith.constant 0.000000e+00 : f32
    %broadcast_in_dim3A_258 = vector.broadcast %broadcast_in_dim3A_257 : f32 to vector<16xf32>
    %swap3A_259 = arith.constant 43 : i32
    %swap3A_260 = arith.index_cast %swap3A_259 : i32 to index
    %swap3A_261 = arith.constant 0 : index
    %swap3A_262 = tpu.vector_load %arg12[%swap3A_260, %swap3A_261] {strides = array<i32>} : memref<80x16xf32, #tpu.memory_space<vmem>>, vector<16xf32>,
    tpu.vector_store %arg12[%swap3A_260, %swap3A_261], %broadcast_in_dim3A_258 {strides = array<i32>} : memref<80x16xf32, #tpu.memory_space<vmem>>, vector<16xf32>,
    %broadcast_in_dim3A_263 = arith.constant 0.000000e+00 : f32
    %broadcast_in_dim3A_264 = vector.broadcast %broadcast_in_dim3A_263 : f32 to vector<16xf32>
    %swap3A_265 = arith.constant 44 : i32
    %swap3A_266 = arith.index_cast %swap3A_265 : i32 to index
    %swap3A_267 = arith.constant 0 : index
    %swap3A_268 = tpu.vector_load %arg12[%swap3A_266, %swap3A_267] {strides = array<i32>} : memref<80x16xf32, #tpu.memory_space<vmem>>, vector<16xf32>,
    tpu.vector_store %arg12[%swap3A_266, %swap3A_267], %broadcast_in_dim3A_264 {strides = array<i32>} : memref<80x16xf32, #tpu.memory_space<vmem>>, vector<16xf32>,
    %broadcast_in_dim3A_269 = arith.constant 0.000000e+00 : f32
    %broadcast_in_dim3A_270 = vector.broadcast %broadcast_in_dim3A_269 : f32 to vector<16xf32>
    %swap3A_271 = arith.constant 45 : i32
    %swap3A_272 = arith.index_cast %swap3A_271 : i32 to index
    %swap3A_273 = arith.constant 0 : index
    %swap3A_274 = tpu.vector_load %arg12[%swap3A_272, %swap3A_273] {strides = array<i32>} : memref<80x16xf32, #tpu.memory_space<vmem>>, vector<16xf32>,
    tpu.vector_store %arg12[%swap3A_272, %swap3A_273], %broadcast_in_dim3A_270 {strides = array<i32>} : memref<80x16xf32, #tpu.memory_space<vmem>>, vector<16xf32>,
    %broadcast_in_dim3A_275 = arith.constant 0.000000e+00 : f32
    %broadcast_in_dim3A_276 = vector.broadcast %broadcast_in_dim3A_275 : f32 to vector<16xf32>
    %swap3A_277 = arith.constant 46 : i32
    %swap3A_278 = arith.index_cast %swap3A_277 : i32 to index
    %swap3A_279 = arith.constant 0 : index
    %swap3A_280 = tpu.vector_load %arg12[%swap3A_278, %swap3A_279] {strides = array<i32>} : memref<80x16xf32, #tpu.memory_space<vmem>>, vector<16xf32>,
    tpu.vector_store %arg12[%swap3A_278, %swap3A_279], %broadcast_in_dim3A_276 {strides = array<i32>} : memref<80x16xf32, #tpu.memory_space<vmem>>, vector<16xf32>,
    %broadcast_in_dim3A_281 = arith.constant 0.000000e+00 : f32
    %broadcast_in_dim3A_282 = vector.broadcast %broadcast_in_dim3A_281 : f32 to vector<16xf32>
    %swap3A_283 = arith.constant 47 : i32
    %swap3A_284 = arith.index_cast %swap3A_283 : i32 to index
    %swap3A_285 = arith.constant 0 : index
    %swap3A_286 = tpu.vector_load %arg12[%swap3A_284, %swap3A_285] {strides = array<i32>} : memref<80x16xf32, #tpu.memory_space<vmem>>, vector<16xf32>,
    tpu.vector_store %arg12[%swap3A_284, %swap3A_285], %broadcast_in_dim3A_282 {strides = array<i32>} : memref<80x16xf32, #tpu.memory_space<vmem>>, vector<16xf32>,
    %broadcast_in_dim3A_287 = arith.constant 0.000000e+00 : f32
    %broadcast_in_dim3A_288 = vector.broadcast %broadcast_in_dim3A_287 : f32 to vector<16xf32>
    %swap3A_289 = arith.constant 48 : i32
    %swap3A_290 = arith.index_cast %swap3A_289 : i32 to index
    %swap3A_291 = arith.constant 0 : index
    %swap3A_292 = tpu.vector_load %arg12[%swap3A_290, %swap3A_291] {strides = array<i32>} : memref<80x16xf32, #tpu.memory_space<vmem>>, vector<16xf32>,
    tpu.vector_store %arg12[%swap3A_290, %swap3A_291], %broadcast_in_dim3A_288 {strides = array<i32>} : memref<80x16xf32, #tpu.memory_space<vmem>>, vector<16xf32>,
    %broadcast_in_dim3A_293 = arith.constant 0.000000e+00 : f32
    %broadcast_in_dim3A_294 = vector.broadcast %broadcast_in_dim3A_293 : f32 to vector<16xf32>
    %swap3A_295 = arith.constant 49 : i32
    %swap3A_296 = arith.index_cast %swap3A_295 : i32 to index
    %swap3A_297 = arith.constant 0 : index
    %swap3A_298 = tpu.vector_load %arg12[%swap3A_296, %swap3A_297] {strides = array<i32>} : memref<80x16xf32, #tpu.memory_space<vmem>>, vector<16xf32>,
    tpu.vector_store %arg12[%swap3A_296, %swap3A_297], %broadcast_in_dim3A_294 {strides = array<i32>} : memref<80x16xf32, #tpu.memory_space<vmem>>, vector<16xf32>,
    %broadcast_in_dim3A_299 = arith.constant 0.000000e+00 : f32
    %broadcast_in_dim3A_300 = vector.broadcast %broadcast_in_dim3A_299 : f32 to vector<16xf32>
    %swap3A_301 = arith.constant 50 : i32
    %swap3A_302 = arith.index_cast %swap3A_301 : i32 to index
    %swap3A_303 = arith.constant 0 : index
    %swap3A_304 = tpu.vector_load %arg12[%swap3A_302, %swap3A_303] {strides = array<i32>} : memref<80x16xf32, #tpu.memory_space<vmem>>, vector<16xf32>,
    tpu.vector_store %arg12[%swap3A_302, %swap3A_303], %broadcast_in_dim3A_300 {strides = array<i32>} : memref<80x16xf32, #tpu.memory_space<vmem>>, vector<16xf32>,
    %broadcast_in_dim3A_305 = arith.constant 0.000000e+00 : f32
    %broadcast_in_dim3A_306 = vector.broadcast %broadcast_in_dim3A_305 : f32 to vector<16xf32>
    %swap3A_307 = arith.constant 51 : i32
    %swap3A_308 = arith.index_cast %swap3A_307 : i32 to index
    %swap3A_309 = arith.constant 0 : index
    %swap3A_310 = tpu.vector_load %arg12[%swap3A_308, %swap3A_309] {strides = array<i32>} : memref<80x16xf32, #tpu.memory_space<vmem>>, vector<16xf32>,
    tpu.vector_store %arg12[%swap3A_308, %swap3A_309], %broadcast_in_dim3A_306 {strides = array<i32>} : memref<80x16xf32, #tpu.memory_space<vmem>>, vector<16xf32>,
    %broadcast_in_dim3A_311 = arith.constant 0.000000e+00 : f32
    %broadcast_in_dim3A_312 = vector.broadcast %broadcast_in_dim3A_311 : f32 to vector<16xf32>
    %swap3A_313 = arith.constant 52 : i32
    %swap3A_314 = arith.index_cast %swap3A_313 : i32 to index
    %swap3A_315 = arith.constant 0 : index
    %swap3A_316 = tpu.vector_load %arg12[%swap3A_314, %swap3A_315] {strides = array<i32>} : memref<80x16xf32, #tpu.memory_space<vmem>>, vector<16xf32>,
    tpu.vector_store %arg12[%swap3A_314, %swap3A_315], %broadcast_in_dim3A_312 {strides = array<i32>} : memref<80x16xf32, #tpu.memory_space<vmem>>, vector<16xf32>,
    %broadcast_in_dim3A_317 = arith.constant 0.000000e+00 : f32
    %broadcast_in_dim3A_318 = vector.broadcast %broadcast_in_dim3A_317 : f32 to vector<16xf32>
    %swap3A_319 = arith.constant 53 : i32
    %swap3A_320 = arith.index_cast %swap3A_319 : i32 to index
    %swap3A_321 = arith.constant 0 : index
    %swap3A_322 = tpu.vector_load %arg12[%swap3A_320, %swap3A_321] {strides = array<i32>} : memref<80x16xf32, #tpu.memory_space<vmem>>, vector<16xf32>,
    tpu.vector_store %arg12[%swap3A_320, %swap3A_321], %broadcast_in_dim3A_318 {strides = array<i32>} : memref<80x16xf32, #tpu.memory_space<vmem>>, vector<16xf32>,
    %broadcast_in_dim3A_323 = arith.constant 0.000000e+00 : f32
    %broadcast_in_dim3A_324 = vector.broadcast %broadcast_in_dim3A_323 : f32 to vector<16xf32>
    %swap3A_325 = arith.constant 54 : i32
    %swap3A_326 = arith.index_cast %swap3A_325 : i32 to index
    %swap3A_327 = arith.constant 0 : index
    %swap3A_328 = tpu.vector_load %arg12[%swap3A_326, %swap3A_327] {strides = array<i32>} : memref<80x16xf32, #tpu.memory_space<vmem>>, vector<16xf32>,
    tpu.vector_store %arg12[%swap3A_326, %swap3A_327], %broadcast_in_dim3A_324 {strides = array<i32>} : memref<80x16xf32, #tpu.memory_space<vmem>>, vector<16xf32>,
    %broadcast_in_dim3A_329 = arith.constant 0.000000e+00 : f32
    %broadcast_in_dim3A_330 = vector.broadcast %broadcast_in_dim3A_329 : f32 to vector<16xf32>
    %swap3A_331 = arith.constant 55 : i32
    %swap3A_332 = arith.index_cast %swap3A_331 : i32 to index
    %swap3A_333 = arith.constant 0 : index
    %swap3A_334 = tpu.vector_load %arg12[%swap3A_332, %swap3A_333] {strides = array<i32>} : memref<80x16xf32, #tpu.memory_space<vmem>>, vector<16xf32>,
    tpu.vector_store %arg12[%swap3A_332, %swap3A_333], %broadcast_in_dim3A_330 {strides = array<i32>} : memref<80x16xf32, #tpu.memory_space<vmem>>, vector<16xf32>,
    %broadcast_in_dim3A_335 = arith.constant 0.000000e+00 : f32
    %broadcast_in_dim3A_336 = vector.broadcast %broadcast_in_dim3A_335 : f32 to vector<16xf32>
    %swap3A_337 = arith.constant 56 : i32
    %swap3A_338 = arith.index_cast %swap3A_337 : i32 to index
    %swap3A_339 = arith.constant 0 : index
    %swap3A_340 = tpu.vector_load %arg12[%swap3A_338, %swap3A_339] {strides = array<i32>} : memref<80x16xf32, #tpu.memory_space<vmem>>, vector<16xf32>,
    tpu.vector_store %arg12[%swap3A_338, %swap3A_339], %broadcast_in_dim3A_336 {strides = array<i32>} : memref<80x16xf32, #tpu.memory_space<vmem>>, vector<16xf32>,
    %broadcast_in_dim3A_341 = arith.constant 0.000000e+00 : f32
    %broadcast_in_dim3A_342 = vector.broadcast %broadcast_in_dim3A_341 : f32 to vector<16xf32>
    %swap3A_343 = arith.constant 57 : i32
    %swap3A_344 = arith.index_cast %swap3A_343 : i32 to index
    %swap3A_345 = arith.constant 0 : index
    %swap3A_346 = tpu.vector_load %arg12[%swap3A_344, %swap3A_345] {strides = array<i32>} : memref<80x16xf32, #tpu.memory_space<vmem>>, vector<16xf32>,
    tpu.vector_store %arg12[%swap3A_344, %swap3A_345], %broadcast_in_dim3A_342 {strides = array<i32>} : memref<80x16xf32, #tpu.memory_space<vmem>>, vector<16xf32>,
    %broadcast_in_dim3A_347 = arith.constant 0.000000e+00 : f32
    %broadcast_in_dim3A_348 = vector.broadcast %broadcast_in_dim3A_347 : f32 to vector<16xf32>
    %swap3A_349 = arith.constant 58 : i32
    %swap3A_350 = arith.index_cast %swap3A_349 : i32 to index
    %swap3A_351 = arith.constant 0 : index
    %swap3A_352 = tpu.vector_load %arg12[%swap3A_350, %swap3A_351] {strides = array<i32>} : memref<80x16xf32, #tpu.memory_space<vmem>>, vector<16xf32>,
    tpu.vector_store %arg12[%swap3A_350, %swap3A_351], %broadcast_in_dim3A_348 {strides = array<i32>} : memref<80x16xf32, #tpu.memory_space<vmem>>, vector<16xf32>,
    %broadcast_in_dim3A_353 = arith.constant 0.000000e+00 : f32
    %broadcast_in_dim3A_354 = vector.broadcast %broadcast_in_dim3A_353 : f32 to vector<16xf32>
    %swap3A_355 = arith.constant 59 : i32
    %swap3A_356 = arith.index_cast %swap3A_355 : i32 to index
    %swap3A_357 = arith.constant 0 : index
    %swap3A_358 = tpu.vector_load %arg12[%swap3A_356, %swap3A_357] {strides = array<i32>} : memref<80x16xf32, #tpu.memory_space<vmem>>, vector<16xf32>,
    tpu.vector_store %arg12[%swap3A_356, %swap3A_357], %broadcast_in_dim3A_354 {strides = array<i32>} : memref<80x16xf32, #tpu.memory_space<vmem>>, vector<16xf32>,
    %broadcast_in_dim3A_359 = arith.constant 0.000000e+00 : f32
    %broadcast_in_dim3A_360 = vector.broadcast %broadcast_in_dim3A_359 : f32 to vector<16xf32>
    %swap3A_361 = arith.constant 60 : i32
    %swap3A_362 = arith.index_cast %swap3A_361 : i32 to index
    %swap3A_363 = arith.constant 0 : index
    %swap3A_364 = tpu.vector_load %arg12[%swap3A_362, %swap3A_363] {strides = array<i32>} : memref<80x16xf32, #tpu.memory_space<vmem>>, vector<16xf32>,
    tpu.vector_store %arg12[%swap3A_362, %swap3A_363], %broadcast_in_dim3A_360 {strides = array<i32>} : memref<80x16xf32, #tpu.memory_space<vmem>>, vector<16xf32>,
    %broadcast_in_dim3A_365 = arith.constant 0.000000e+00 : f32
    %broadcast_in_dim3A_366 = vector.broadcast %broadcast_in_dim3A_365 : f32 to vector<16xf32>
    %swap3A_367 = arith.constant 61 : i32
    %swap3A_368 = arith.index_cast %swap3A_367 : i32 to index
    %swap3A_369 = arith.constant 0 : index
    %swap3A_370 = tpu.vector_load %arg12[%swap3A_368, %swap3A_369] {strides = array<i32>} : memref<80x16xf32, #tpu.memory_space<vmem>>, vector<16xf32>,
    tpu.vector_store %arg12[%swap3A_368, %swap3A_369], %broadcast_in_dim3A_366 {strides = array<i32>} : memref<80x16xf32, #tpu.memory_space<vmem>>, vector<16xf32>,
    %broadcast_in_dim3A_371 = arith.constant 0.000000e+00 : f32
    %broadcast_in_dim3A_372 = vector.broadcast %broadcast_in_dim3A_371 : f32 to vector<16xf32>
    %swap3A_373 = arith.constant 62 : i32
    %swap3A_374 = arith.index_cast %swap3A_373 : i32 to index
    %swap3A_375 = arith.constant 0 : index
    %swap3A_376 = tpu.vector_load %arg12[%swap3A_374, %swap3A_375] {strides = array<i32>} : memref<80x16xf32, #tpu.memory_space<vmem>>, vector<16xf32>,
    tpu.vector_store %arg12[%swap3A_374, %swap3A_375], %broadcast_in_dim3A_372 {strides = array<i32>} : memref<80x16xf32, #tpu.memory_space<vmem>>, vector<16xf32>,
    %broadcast_in_dim3A_377 = arith.constant 0.000000e+00 : f32
    %broadcast_in_dim3A_378 = vector.broadcast %broadcast_in_dim3A_377 : f32 to vector<16xf32>
    %swap3A_379 = arith.constant 63 : i32
    %swap3A_380 = arith.index_cast %swap3A_379 : i32 to index
    %swap3A_381 = arith.constant 0 : index
    %swap3A_382 = tpu.vector_load %arg12[%swap3A_380, %swap3A_381] {strides = array<i32>} : memref<80x16xf32, #tpu.memory_space<vmem>>, vector<16xf32>,
    tpu.vector_store %arg12[%swap3A_380, %swap3A_381], %broadcast_in_dim3A_378 {strides = array<i32>} : memref<80x16xf32, #tpu.memory_space<vmem>>, vector<16xf32>,
    %broadcast_in_dim3A_383 = arith.constant 0.000000e+00 : f32
    %broadcast_in_dim3A_384 = vector.broadcast %broadcast_in_dim3A_383 : f32 to vector<16xf32>
    %swap3A_385 = arith.constant 64 : i32
    %swap3A_386 = arith.index_cast %swap3A_385 : i32 to index
    %swap3A_387 = arith.constant 0 : index
    %swap3A_388 = tpu.vector_load %arg12[%swap3A_386, %swap3A_387] {strides = array<i32>} : memref<80x16xf32, #tpu.memory_space<vmem>>, vector<16xf32>,
    tpu.vector_store %arg12[%swap3A_386, %swap3A_387], %broadcast_in_dim3A_384 {strides = array<i32>} : memref<80x16xf32, #tpu.memory_space<vmem>>, vector<16xf32>,
    %broadcast_in_dim3A_389 = arith.constant 0.000000e+00 : f32
    %broadcast_in_dim3A_390 = vector.broadcast %broadcast_in_dim3A_389 : f32 to vector<16xf32>
    %swap3A_391 = arith.constant 65 : i32
    %swap3A_392 = arith.index_cast %swap3A_391 : i32 to index
    %swap3A_393 = arith.constant 0 : index
    %swap3A_394 = tpu.vector_load %arg12[%swap3A_392, %swap3A_393] {strides = array<i32>} : memref<80x16xf32, #tpu.memory_space<vmem>>, vector<16xf32>,
    tpu.vector_store %arg12[%swap3A_392, %swap3A_393], %broadcast_in_dim3A_390 {strides = array<i32>} : memref<80x16xf32, #tpu.memory_space<vmem>>, vector<16xf32>,
    %broadcast_in_dim3A_395 = arith.constant 0.000000e+00 : f32
    %broadcast_in_dim3A_396 = vector.broadcast %broadcast_in_dim3A_395 : f32 to vector<16xf32>
    %swap3A_397 = arith.constant 66 : i32
    %swap3A_398 = arith.index_cast %swap3A_397 : i32 to index
    %swap3A_399 = arith.constant 0 : index
    %swap3A_400 = tpu.vector_load %arg12[%swap3A_398, %swap3A_399] {strides = array<i32>} : memref<80x16xf32, #tpu.memory_space<vmem>>, vector<16xf32>,
    tpu.vector_store %arg12[%swap3A_398, %swap3A_399], %broadcast_in_dim3A_396 {strides = array<i32>} : memref<80x16xf32, #tpu.memory_space<vmem>>, vector<16xf32>,
    %broadcast_in_dim3A_401 = arith.constant 0.000000e+00 : f32
    %broadcast_in_dim3A_402 = vector.broadcast %broadcast_in_dim3A_401 : f32 to vector<16xf32>
    %swap3A_403 = arith.constant 67 : i32
    %swap3A_404 = arith.index_cast %swap3A_403 : i32 to index
    %swap3A_405 = arith.constant 0 : index
    %swap3A_406 = tpu.vector_load %arg12[%swap3A_404, %swap3A_405] {strides = array<i32>} : memref<80x16xf32, #tpu.memory_space<vmem>>, vector<16xf32>,
    tpu.vector_store %arg12[%swap3A_404, %swap3A_405], %broadcast_in_dim3A_402 {strides = array<i32>} : memref<80x16xf32, #tpu.memory_space<vmem>>, vector<16xf32>,
    %broadcast_in_dim3A_407 = arith.constant 0.000000e+00 : f32
    %broadcast_in_dim3A_408 = vector.broadcast %broadcast_in_dim3A_407 : f32 to vector<16xf32>
    %swap3A_409 = arith.constant 68 : i32
    %swap3A_410 = arith.index_cast %swap3A_409 : i32 to index
    %swap3A_411 = arith.constant 0 : index
    %swap3A_412 = tpu.vector_load %arg12[%swap3A_410, %swap3A_411] {strides = array<i32>} : memref<80x16xf32, #tpu.memory_space<vmem>>, vector<16xf32>,
    tpu.vector_store %arg12[%swap3A_410, %swap3A_411], %broadcast_in_dim3A_408 {strides = array<i32>} : memref<80x16xf32, #tpu.memory_space<vmem>>, vector<16xf32>,
    %broadcast_in_dim3A_413 = arith.constant 0.000000e+00 : f32
    %broadcast_in_dim3A_414 = vector.broadcast %broadcast_in_dim3A_413 : f32 to vector<16xf32>
    %swap3A_415 = arith.constant 69 : i32
    %swap3A_416 = arith.index_cast %swap3A_415 : i32 to index
    %swap3A_417 = arith.constant 0 : index
    %swap3A_418 = tpu.vector_load %arg12[%swap3A_416, %swap3A_417] {strides = array<i32>} : memref<80x16xf32, #tpu.memory_space<vmem>>, vector<16xf32>,
    tpu.vector_store %arg12[%swap3A_416, %swap3A_417], %broadcast_in_dim3A_414 {strides = array<i32>} : memref<80x16xf32, #tpu.memory_space<vmem>>, vector<16xf32>,
    %broadcast_in_dim3A_419 = arith.constant 0.000000e+00 : f32
    %broadcast_in_dim3A_420 = vector.broadcast %broadcast_in_dim3A_419 : f32 to vector<16xf32>
    %swap3A_421 = arith.constant 70 : i32
    %swap3A_422 = arith.index_cast %swap3A_421 : i32 to index
    %swap3A_423 = arith.constant 0 : index
    %swap3A_424 = tpu.vector_load %arg12[%swap3A_422, %swap3A_423] {strides = array<i32>} : memref<80x16xf32, #tpu.memory_space<vmem>>, vector<16xf32>,
    tpu.vector_store %arg12[%swap3A_422, %swap3A_423], %broadcast_in_dim3A_420 {strides = array<i32>} : memref<80x16xf32, #tpu.memory_space<vmem>>, vector<16xf32>,
    %broadcast_in_dim3A_425 = arith.constant 0.000000e+00 : f32
    %broadcast_in_dim3A_426 = vector.broadcast %broadcast_in_dim3A_425 : f32 to vector<16xf32>
    %swap3A_427 = arith.constant 71 : i32
    %swap3A_428 = arith.index_cast %swap3A_427 : i32 to index
    %swap3A_429 = arith.constant 0 : index
    %swap3A_430 = tpu.vector_load %arg12[%swap3A_428, %swap3A_429] {strides = array<i32>} : memref<80x16xf32, #tpu.memory_space<vmem>>, vector<16xf32>,
    tpu.vector_store %arg12[%swap3A_428, %swap3A_429], %broadcast_in_dim3A_426 {strides = array<i32>} : memref<80x16xf32, #tpu.memory_space<vmem>>, vector<16xf32>,
    %broadcast_in_dim3A_431 = arith.constant 0.000000e+00 : f32
    %broadcast_in_dim3A_432 = vector.broadcast %broadcast_in_dim3A_431 : f32 to vector<16xf32>
    %swap3A_433 = arith.constant 72 : i32
    %swap3A_434 = arith.index_cast %swap3A_433 : i32 to index
    %swap3A_435 = arith.constant 0 : index
    %swap3A_436 = tpu.vector_load %arg12[%swap3A_434, %swap3A_435] {strides = array<i32>} : memref<80x16xf32, #tpu.memory_space<vmem>>, vector<16xf32>,
    tpu.vector_store %arg12[%swap3A_434, %swap3A_435], %broadcast_in_dim3A_432 {strides = array<i32>} : memref<80x16xf32, #tpu.memory_space<vmem>>, vector<16xf32>,
    %broadcast_in_dim3A_437 = arith.constant 0.000000e+00 : f32
    %broadcast_in_dim3A_438 = vector.broadcast %broadcast_in_dim3A_437 : f32 to vector<16xf32>
    %swap3A_439 = arith.constant 73 : i32
    %swap3A_440 = arith.index_cast %swap3A_439 : i32 to index
    %swap3A_441 = arith.constant 0 : index
    %swap3A_442 = tpu.vector_load %arg12[%swap3A_440, %swap3A_441] {strides = array<i32>} : memref<80x16xf32, #tpu.memory_space<vmem>>, vector<16xf32>,
    tpu.vector_store %arg12[%swap3A_440, %swap3A_441], %broadcast_in_dim3A_438 {strides = array<i32>} : memref<80x16xf32, #tpu.memory_space<vmem>>, vector<16xf32>,
    %broadcast_in_dim3A_443 = arith.constant 0.000000e+00 : f32
    %broadcast_in_dim3A_444 = vector.broadcast %broadcast_in_dim3A_443 : f32 to vector<16xf32>
    %swap3A_445 = arith.constant 74 : i32
    %swap3A_446 = arith.index_cast %swap3A_445 : i32 to index
    %swap3A_447 = arith.constant 0 : index
    %swap3A_448 = tpu.vector_load %arg12[%swap3A_446, %swap3A_447] {strides = array<i32>} : memref<80x16xf32, #tpu.memory_space<vmem>>, vector<16xf32>,
    tpu.vector_store %arg12[%swap3A_446, %swap3A_447], %broadcast_in_dim3A_444 {strides = array<i32>} : memref<80x16xf32, #tpu.memory_space<vmem>>, vector<16xf32>,
    %broadcast_in_dim3A_449 = arith.constant 0.000000e+00 : f32
    %broadcast_in_dim3A_450 = vector.broadcast %broadcast_in_dim3A_449 : f32 to vector<16xf32>
    %swap3A_451 = arith.constant 75 : i32
    %swap3A_452 = arith.index_cast %swap3A_451 : i32 to index
    %swap3A_453 = arith.constant 0 : index
    %swap3A_454 = tpu.vector_load %arg12[%swap3A_452, %swap3A_453] {strides = array<i32>} : memref<80x16xf32, #tpu.memory_space<vmem>>, vector<16xf32>,
    tpu.vector_store %arg12[%swap3A_452, %swap3A_453], %broadcast_in_dim3A_450 {strides = array<i32>} : memref<80x16xf32, #tpu.memory_space<vmem>>, vector<16xf32>,
    %broadcast_in_dim3A_455 = arith.constant 0.000000e+00 : f32
    %broadcast_in_dim3A_456 = vector.broadcast %broadcast_in_dim3A_455 : f32 to vector<16xf32>
    %swap3A_457 = arith.constant 76 : i32
    %swap3A_458 = arith.index_cast %swap3A_457 : i32 to index
    %swap3A_459 = arith.constant 0 : index
    %swap3A_460 = tpu.vector_load %arg12[%swap3A_458, %swap3A_459] {strides = array<i32>} : memref<80x16xf32, #tpu.memory_space<vmem>>, vector<16xf32>,
    tpu.vector_store %arg12[%swap3A_458, %swap3A_459], %broadcast_in_dim3A_456 {strides = array<i32>} : memref<80x16xf32, #tpu.memory_space<vmem>>, vector<16xf32>,
    %broadcast_in_dim3A_461 = arith.constant 0.000000e+00 : f32
    %broadcast_in_dim3A_462 = vector.broadcast %broadcast_in_dim3A_461 : f32 to vector<16xf32>
    %swap3A_463 = arith.constant 77 : i32
    %swap3A_464 = arith.index_cast %swap3A_463 : i32 to index
    %swap3A_465 = arith.constant 0 : index
    %swap3A_466 = tpu.vector_load %arg12[%swap3A_464, %swap3A_465] {strides = array<i32>} : memref<80x16xf32, #tpu.memory_space<vmem>>, vector<16xf32>,
    tpu.vector_store %arg12[%swap3A_464, %swap3A_465], %broadcast_in_dim3A_462 {strides = array<i32>} : memref<80x16xf32, #tpu.memory_space<vmem>>, vector<16xf32>,
    %broadcast_in_dim3A_467 = arith.constant 0.000000e+00 : f32
    %broadcast_in_dim3A_468 = vector.broadcast %broadcast_in_dim3A_467 : f32 to vector<16xf32>
    %swap3A_469 = arith.constant 78 : i32
    %swap3A_470 = arith.index_cast %swap3A_469 : i32 to index
    %swap3A_471 = arith.constant 0 : index
    %swap3A_472 = tpu.vector_load %arg12[%swap3A_470, %swap3A_471] {strides = array<i32>} : memref<80x16xf32, #tpu.memory_space<vmem>>, vector<16xf32>,
    tpu.vector_store %arg12[%swap3A_470, %swap3A_471], %broadcast_in_dim3A_468 {strides = array<i32>} : memref<80x16xf32, #tpu.memory_space<vmem>>, vector<16xf32>,
    %broadcast_in_dim3A_473 = arith.constant 0.000000e+00 : f32
    %broadcast_in_dim3A_474 = vector.broadcast %broadcast_in_dim3A_473 : f32 to vector<16xf32>
    %swap3A_475 = arith.constant 79 : i32
    %swap3A_476 = arith.index_cast %swap3A_475 : i32 to index
    %swap3A_477 = arith.constant 0 : index
    %swap3A_478 = tpu.vector_load %arg12[%swap3A_476, %swap3A_477] {strides = array<i32>} : memref<80x16xf32, #tpu.memory_space<vmem>>, vector<16xf32>,
    tpu.vector_store %arg12[%swap3A_476, %swap3A_477], %broadcast_in_dim3A_474 {strides = array<i32>} : memref<80x16xf32, #tpu.memory_space<vmem>>, vector<16xf32>,
    %scan3A = arith.constant 0 : i32
    %scan3A_479 = arith.constant 0 : i32
    %scan3A_480 = arith.constant 25 : i32
    %scan3A_481 = arith.addi %scan3A_479, %scan3A_480 : i32
    %scan3A_482 = arith.constant 1 : i32
    %scan3A_483 = scf.for %scan3A_499 = %scan3A_479 to %scan3A_481 step %scan3A_482 iter_args(%scan3A_500 = %scan3A) -> (i32)  : i32 {
      %mul3A_501 = arith.constant 25 : i32
      %mul3A_502 = arith.muli %scan3A_499, %mul3A_501 : i32
      %add3A_503 = arith.addi %mul3A_0, %mul3A_502 : i32
      "tpu.region"() ({
        %run_scoped3A = tpu.sem_alloc : memref<!tpu.dma_semaphore, #tpu.memory_space<semaphore_mem>>
        %dma_start3A = arith.constant 0 : i32
        %dma_start3A_505 = arith.constant 0 : i32
        %dma_start3A_506 = tpu.memref_slice %arg12[%dma_start3A, %dma_start3A_505] : memref<80x16xf32, #tpu.memory_space<vmem>> -> memref<25x16xf32, #tpu.memory_space<vmem>>
        %dma_start3A_507 = arith.constant 0 : i32
        %dma_start3A_508 = tpu.memref_slice %arg13[%add3A_503, %dma_start3A_507] : memref<10000x16xf32, #tpu.memory_space<vmem_shared>> -> memref<25x16xf32, #tpu.memory_space<vmem_shared>>
        %dma_start3A_509 = arith.constant 0 : i32
        %dma_start3A_510 = tpu.memref_slice %arg13[%add3A_503, %dma_start3A_509] : memref<10000x16xf32, #tpu.memory_space<vmem_shared>> -> memref<25x16xf32, #tpu.memory_space<vmem_shared>>
        %dma_start3A_511 = arith.constant 0 : i32
        %dma_start3A_512 = arith.constant 0 : i32
        %dma_start3A_513 = tpu.memref_slice %arg12[%dma_start3A_511, %dma_start3A_512] : memref<80x16xf32, #tpu.memory_space<vmem>> -> memref<25x16xf32, #tpu.memory_space<vmem>>
        tpu.enqueue_dma source(%dma_start3A_513 : memref<25x16xf32, #tpu.memory_space<vmem>>) target(%dma_start3A_510 : memref<25x16xf32, #tpu.memory_space<vmem_shared>>) target_semaphore(%run_scoped3A : memref<!tpu.dma_semaphore, #tpu.memory_space<semaphore_mem>>)
        %dma_wait3A = arith.constant 0 : i32
        %dma_wait3A_514 = arith.constant 0 : i32
        %dma_wait3A_515 = tpu.memref_slice %arg12[%dma_wait3A, %dma_wait3A_514] : memref<80x16xf32, #tpu.memory_space<vmem>> -> memref<25x16xf32, #tpu.memory_space<vmem>>
        %dma_wait3A_516 = arith.constant 0 : i32
        %dma_wait3A_517 = tpu.memref_slice %arg13[%add3A_503, %dma_wait3A_516] : memref<10000x16xf32, #tpu.memory_space<vmem_shared>> -> memref<25x16xf32, #tpu.memory_space<vmem_shared>>
        %dma_wait3A_518 = arith.constant 0 : i32
        %dma_wait3A_519 = tpu.memref_slice %arg13[%add3A_503, %dma_wait3A_518] : memref<10000x16xf32, #tpu.memory_space<vmem_shared>> -> memref<25x16xf32, #tpu.memory_space<vmem_shared>>
        %dma_wait3A_520 = arith.constant 0 : i32
        %dma_wait3A_521 = arith.constant 0 : i32
        %dma_wait3A_522 = tpu.memref_slice %arg12[%dma_wait3A_520, %dma_wait3A_521] : memref<80x16xf32, #tpu.memory_space<vmem>> -> memref<25x16xf32, #tpu.memory_space<vmem>>
        tpu.wait_dma2 semaphore(%run_scoped3A : memref<!tpu.dma_semaphore, #tpu.memory_space<semaphore_mem>>) src(%dma_wait3A_522 : memref<25x16xf32, #tpu.memory_space<vmem>>) dst(%dma_wait3A_519 : memref<25x16xf32, #tpu.memory_space<vmem_shared>>)
        tpu.yield
      }) : () -> ()
      %scan3A_504 = arith.constant 0 : i32
      scf.yield %scan3A_504 : i32
    }
    %scan3A_484 = arith.constant 25 : i32
    %barrier3A = arith.constant 0 : index
    tpu.barrier barrier_id(%barrier3A)
    %mul3A_485 = arith.constant 160000 : i32
    %mul3A_486 = arith.muli %arg0, %mul3A_485 : i32
    %mul3A_487 = arith.constant 10000 : i32
    %mul3A_488 = arith.muli %arg1, %mul3A_487 : i32
    %add3A = arith.addi %mul3A_486, %mul3A_488 : i32
    %iota3A = tpu.iota {dimensions = array<i32: 0>} : vector<16xi32>
    %broadcast_in_dim3A_489 = arith.constant 0 : i32
    %broadcast_in_dim3A_490 = vector.broadcast %broadcast_in_dim3A_489 : i32 to vector<16xi32>
    %scan3A_491 = arith.constant 0 : i32
    %scan3A_492 = arith.constant 0 : i32
    %scan3A_493 = arith.constant 125 : i32
    %scan3A_494 = arith.addi %scan3A_492, %scan3A_493 : i32
    %scan3A_495 = arith.constant 1 : i32
    %scan3A_496 = scf.for %scan3A_499 = %scan3A_492 to %scan3A_494 step %scan3A_495 iter_args(%scan3A_500 = %scan3A_491) -> (i32)  : i32 {
      %mul3A_501 = arith.constant 80 : i32
      %mul3A_502 = arith.muli %scan3A_499, %mul3A_501 : i32
      %add3A_503 = arith.addi %add3A, %mul3A_502 : i32
      "tpu.region"() ({
        %run_scoped3A = tpu.sem_alloc : memref<!tpu.dma_semaphore, #tpu.memory_space<semaphore_mem>>
        %dma_start3A_880 = tpu.memref_slice %arg3[%add3A_503] : memref<320000xi32, #tpu.memory_space<hbm>> -> memref<80xi32, #tpu.memory_space<hbm>>
        %dma_start3A_881 = tpu.memref_slice %arg3[%add3A_503] : memref<320000xi32, #tpu.memory_space<hbm>> -> memref<80xi32, #tpu.memory_space<hbm>>
        tpu.enqueue_dma source(%dma_start3A_881 : memref<80xi32, #tpu.memory_space<hbm>>) target(%arg7 : memref<80xi32, #tpu.memory_space<vmem>>) target_semaphore(%run_scoped3A : memref<!tpu.dma_semaphore, #tpu.memory_space<semaphore_mem>>)
        %dma_wait3A_882 = tpu.memref_slice %arg3[%add3A_503] : memref<320000xi32, #tpu.memory_space<hbm>> -> memref<80xi32, #tpu.memory_space<hbm>>
        %dma_wait3A_883 = tpu.memref_slice %arg3[%add3A_503] : memref<320000xi32, #tpu.memory_space<hbm>> -> memref<80xi32, #tpu.memory_space<hbm>>
        tpu.wait_dma2 semaphore(%run_scoped3A : memref<!tpu.dma_semaphore, #tpu.memory_space<semaphore_mem>>) src(%dma_wait3A_883 : memref<80xi32, #tpu.memory_space<hbm>>) dst(%arg7 : memref<80xi32, #tpu.memory_space<vmem>>)
        tpu.yield
      }) : () -> ()
      "tpu.region"() ({
        %run_scoped3A = tpu.sem_alloc : memref<!tpu.dma_semaphore, #tpu.memory_space<semaphore_mem>>
        %dma_start3A_880 = tpu.memref_slice %arg4[%add3A_503] : memref<320000xi32, #tpu.memory_space<hbm>> -> memref<80xi32, #tpu.memory_space<hbm>>
        %dma_start3A_881 = tpu.memref_slice %arg4[%add3A_503] : memref<320000xi32, #tpu.memory_space<hbm>> -> memref<80xi32, #tpu.memory_space<hbm>>
        tpu.enqueue_dma source(%dma_start3A_881 : memref<80xi32, #tpu.memory_space<hbm>>) target(%arg8 : memref<80xi32, #tpu.memory_space<vmem>>) target_semaphore(%run_scoped3A : memref<!tpu.dma_semaphore, #tpu.memory_space<semaphore_mem>>)
        %dma_wait3A_882 = tpu.memref_slice %arg4[%add3A_503] : memref<320000xi32, #tpu.memory_space<hbm>> -> memref<80xi32, #tpu.memory_space<hbm>>
        %dma_wait3A_883 = tpu.memref_slice %arg4[%add3A_503] : memref<320000xi32, #tpu.memory_space<hbm>> -> memref<80xi32, #tpu.memory_space<hbm>>
        tpu.wait_dma2 semaphore(%run_scoped3A : memref<!tpu.dma_semaphore, #tpu.memory_space<semaphore_mem>>) src(%dma_wait3A_883 : memref<80xi32, #tpu.memory_space<hbm>>) dst(%arg8 : memref<80xi32, #tpu.memory_space<vmem>>)
        tpu.yield
      }) : () -> ()
      %dma_start3A = arith.constant 0 : i32
      %dma_start3A_504 = arith.constant 0 : i32
      %dma_start3A_505 = tpu.memref_slice %arg2[%dma_start3A, %dma_start3A_504] : memref<10000x16xf32, #tpu.memory_space<hbm>> -> memref<10000x16xf32, #tpu.memory_space<hbm>>
      tpu.enqueue_indirect_dma source(%dma_start3A_505 : memref<10000x16xf32, #tpu.memory_space<hbm>>) target(%arg9 : memref<80x16xf32, #tpu.memory_space<vmem>>) offsets(%arg7 : memref<80xi32, #tpu.memory_space<vmem>>) semaphore(%arg14 : memref<!tpu.dma_semaphore, #tpu.memory_space<semaphore_mem>>)
      %dma_wait3A = arith.constant 0 : i32
      %dma_wait3A_506 = arith.constant 0 : i32
      %dma_wait3A_507 = tpu.memref_slice %arg2[%dma_wait3A, %dma_wait3A_506] : memref<10000x16xf32, #tpu.memory_space<hbm>> -> memref<10000x16xf32, #tpu.memory_space<hbm>>
      tpu.wait_indirect_dma semaphore(%arg14 : memref<!tpu.dma_semaphore, #tpu.memory_space<semaphore_mem>>) src(%dma_wait3A_507 : memref<10000x16xf32, #tpu.memory_space<hbm>>) dst(%arg9 : memref<80x16xf32, #tpu.memory_space<vmem>>)
      %dma_start3A_508 = arith.constant 0 : i32
      %dma_start3A_509 = arith.constant 0 : i32
      %dma_start3A_510 = tpu.memref_slice %arg2[%dma_start3A_508, %dma_start3A_509] : memref<10000x16xf32, #tpu.memory_space<hbm>> -> memref<10000x16xf32, #tpu.memory_space<hbm>>
      tpu.enqueue_indirect_dma source(%dma_start3A_510 : memref<10000x16xf32, #tpu.memory_space<hbm>>) target(%arg10 : memref<80x16xf32, #tpu.memory_space<vmem>>) offsets(%arg8 : memref<80xi32, #tpu.memory_space<vmem>>) semaphore(%arg14 : memref<!tpu.dma_semaphore, #tpu.memory_space<semaphore_mem>>)
      %dma_wait3A_511 = arith.constant 0 : i32
      %dma_wait3A_512 = arith.constant 0 : i32
      %dma_wait3A_513 = tpu.memref_slice %arg2[%dma_wait3A_511, %dma_wait3A_512] : memref<10000x16xf32, #tpu.memory_space<hbm>> -> memref<10000x16xf32, #tpu.memory_space<hbm>>
      tpu.wait_indirect_dma semaphore(%arg14 : memref<!tpu.dma_semaphore, #tpu.memory_space<semaphore_mem>>) src(%dma_wait3A_513 : memref<10000x16xf32, #tpu.memory_space<hbm>>) dst(%arg10 : memref<80x16xf32, #tpu.memory_space<vmem>>)
      %add3A_514 = arith.constant 0 : i32
      %add3A_515 = vector.broadcast %add3A_514 : i32 to vector<16xi32>
      %add3A_516 = arith.addi %iota3A, %add3A_515 : vector<16xi32>
      %add3A_517 = arith.constant 0 : i32
      %add3A_518 = vector.broadcast %add3A_517 : i32 to vector<16xi32>
      %add3A_519 = arith.addi %broadcast_in_dim3A_490, %add3A_518 : vector<16xi32>
      %gather3A = tpu.vector_load_idx %arg9[%add3A_516, %add3A_519] : memref<80x16xf32, #tpu.memory_space<vmem>>[vector<16xi32>, vector<16xi32>], vector<16xf32>,
      %add3A_520 = arith.constant 3 : i32
      %add3A_521 = vector.broadcast %add3A_520 : i32 to vector<16xi32>
      %add3A_522 = arith.addi %broadcast_in_dim3A_490, %add3A_521 : vector<16xi32>
      %gather3A_523 = tpu.vector_load_idx %arg10[%add3A_516, %add3A_522] : memref<80x16xf32, #tpu.memory_space<vmem>>[vector<16xi32>, vector<16xi32>], vector<16xf32>,
      %add3A_524 = arith.addf %gather3A, %gather3A_523 : vector<16xf32>
      %ge3A = arith.constant 0.000000e+00 : f32
      %ge3A_525 = vector.broadcast %ge3A : f32 to vector<16xf32>
      %ge3A_526 = arith.cmpf oge, %add3A_524, %ge3A_525 : vector<16xf32>
      %mul3A_527 = arith.constant 2.000000e-01 : f32
      %mul3A_528 = vector.broadcast %mul3A_527 : f32 to vector<16xf32>
      %mul3A_529 = arith.mulf %add3A_524, %mul3A_528 : vector<16xf32>
      %select_n3A = arith.select %ge3A_526, %add3A_524, %mul3A_529 : vector<16xi1>, vector<16xf32>
      %exp3A = math.exp %select_n3A : vector<16xf32>
      %add3A_530 = arith.constant 0 : i32
      %add3A_531 = vector.broadcast %add3A_530 : i32 to vector<16xi32>
      %add3A_532 = arith.addi %broadcast_in_dim3A_490, %add3A_531 : vector<16xi32>
      tpu.vector_store_idx %arg11[%add3A_516, %add3A_532], %exp3A : memref<80x4xf32, #tpu.memory_space<vmem>>[vector<16xi32>, vector<16xi32>], vector<16xf32>,
      %add3A_533 = arith.constant 0 : i32
      %add3A_534 = vector.broadcast %add3A_533 : i32 to vector<16xi32>
      %add3A_535 = arith.addi %broadcast_in_dim3A_490, %add3A_534 : vector<16xi32>
      tpu.vector_store_idx %arg12[%add3A_516, %add3A_535], %exp3A : memref<80x16xf32, #tpu.memory_space<vmem>>[vector<16xi32>, vector<16xi32>], vector<16xf32>,
      %add3A_536 = arith.constant 1 : i32
      %add3A_537 = vector.broadcast %add3A_536 : i32 to vector<16xi32>
      %add3A_538 = arith.addi %broadcast_in_dim3A_490, %add3A_537 : vector<16xi32>
      %gather3A_539 = tpu.vector_load_idx %arg9[%add3A_516, %add3A_538] : memref<80x16xf32, #tpu.memory_space<vmem>>[vector<16xi32>, vector<16xi32>], vector<16xf32>,
      %add3A_540 = arith.constant 4 : i32
      %add3A_541 = vector.broadcast %add3A_540 : i32 to vector<16xi32>
      %add3A_542 = arith.addi %broadcast_in_dim3A_490, %add3A_541 : vector<16xi32>
      %gather3A_543 = tpu.vector_load_idx %arg10[%add3A_516, %add3A_542] : memref<80x16xf32, #tpu.memory_space<vmem>>[vector<16xi32>, vector<16xi32>], vector<16xf32>,
      %add3A_544 = arith.addf %gather3A_539, %gather3A_543 : vector<16xf32>
      %ge3A_545 = arith.constant 0.000000e+00 : f32
      %ge3A_546 = vector.broadcast %ge3A_545 : f32 to vector<16xf32>
      %ge3A_547 = arith.cmpf oge, %add3A_544, %ge3A_546 : vector<16xf32>
      %mul3A_548 = arith.constant 2.000000e-01 : f32
      %mul3A_549 = vector.broadcast %mul3A_548 : f32 to vector<16xf32>
      %mul3A_550 = arith.mulf %add3A_544, %mul3A_549 : vector<16xf32>
      %select_n3A_551 = arith.select %ge3A_547, %add3A_544, %mul3A_550 : vector<16xi1>, vector<16xf32>
      %exp3A_552 = math.exp %select_n3A_551 : vector<16xf32>
      %add3A_553 = arith.constant 1 : i32
      %add3A_554 = vector.broadcast %add3A_553 : i32 to vector<16xi32>
      %add3A_555 = arith.addi %broadcast_in_dim3A_490, %add3A_554 : vector<16xi32>
      tpu.vector_store_idx %arg11[%add3A_516, %add3A_555], %exp3A_552 : memref<80x4xf32, #tpu.memory_space<vmem>>[vector<16xi32>, vector<16xi32>], vector<16xf32>,
      %add3A_556 = arith.constant 1 : i32
      %add3A_557 = vector.broadcast %add3A_556 : i32 to vector<16xi32>
      %add3A_558 = arith.addi %broadcast_in_dim3A_490, %add3A_557 : vector<16xi32>
      tpu.vector_store_idx %arg12[%add3A_516, %add3A_558], %exp3A_552 : memref<80x16xf32, #tpu.memory_space<vmem>>[vector<16xi32>, vector<16xi32>], vector<16xf32>,
      %add3A_559 = arith.constant 2 : i32
      %add3A_560 = vector.broadcast %add3A_559 : i32 to vector<16xi32>
      %add3A_561 = arith.addi %broadcast_in_dim3A_490, %add3A_560 : vector<16xi32>
      %gather3A_562 = tpu.vector_load_idx %arg9[%add3A_516, %add3A_561] : memref<80x16xf32, #tpu.memory_space<vmem>>[vector<16xi32>, vector<16xi32>], vector<16xf32>,
      %add3A_563 = arith.constant 5 : i32
      %add3A_564 = vector.broadcast %add3A_563 : i32 to vector<16xi32>
      %add3A_565 = arith.addi %broadcast_in_dim3A_490, %add3A_564 : vector<16xi32>
      %gather3A_566 = tpu.vector_load_idx %arg10[%add3A_516, %add3A_565] : memref<80x16xf32, #tpu.memory_space<vmem>>[vector<16xi32>, vector<16xi32>], vector<16xf32>,
      %add3A_567 = arith.addf %gather3A_562, %gather3A_566 : vector<16xf32>
      %ge3A_568 = arith.constant 0.000000e+00 : f32
      %ge3A_569 = vector.broadcast %ge3A_568 : f32 to vector<16xf32>
      %ge3A_570 = arith.cmpf oge, %add3A_567, %ge3A_569 : vector<16xf32>
      %mul3A_571 = arith.constant 2.000000e-01 : f32
      %mul3A_572 = vector.broadcast %mul3A_571 : f32 to vector<16xf32>
      %mul3A_573 = arith.mulf %add3A_567, %mul3A_572 : vector<16xf32>
      %select_n3A_574 = arith.select %ge3A_570, %add3A_567, %mul3A_573 : vector<16xi1>, vector<16xf32>
      %exp3A_575 = math.exp %select_n3A_574 : vector<16xf32>
      %add3A_576 = arith.constant 2 : i32
      %add3A_577 = vector.broadcast %add3A_576 : i32 to vector<16xi32>
      %add3A_578 = arith.addi %broadcast_in_dim3A_490, %add3A_577 : vector<16xi32>
      tpu.vector_store_idx %arg11[%add3A_516, %add3A_578], %exp3A_575 : memref<80x4xf32, #tpu.memory_space<vmem>>[vector<16xi32>, vector<16xi32>], vector<16xf32>,
      %add3A_579 = arith.constant 2 : i32
      %add3A_580 = vector.broadcast %add3A_579 : i32 to vector<16xi32>
      %add3A_581 = arith.addi %broadcast_in_dim3A_490, %add3A_580 : vector<16xi32>
      tpu.vector_store_idx %arg12[%add3A_516, %add3A_581], %exp3A_575 : memref<80x16xf32, #tpu.memory_space<vmem>>[vector<16xi32>, vector<16xi32>], vector<16xf32>,
      %add3A_582 = arith.constant 16 : i32
      %add3A_583 = vector.broadcast %add3A_582 : i32 to vector<16xi32>
      %add3A_584 = arith.addi %iota3A, %add3A_583 : vector<16xi32>
      %add3A_585 = arith.constant 0 : i32
      %add3A_586 = vector.broadcast %add3A_585 : i32 to vector<16xi32>
      %add3A_587 = arith.addi %broadcast_in_dim3A_490, %add3A_586 : vector<16xi32>
      %gather3A_588 = tpu.vector_load_idx %arg9[%add3A_584, %add3A_587] : memref<80x16xf32, #tpu.memory_space<vmem>>[vector<16xi32>, vector<16xi32>], vector<16xf32>,
      %add3A_589 = arith.constant 3 : i32
      %add3A_590 = vector.broadcast %add3A_589 : i32 to vector<16xi32>
      %add3A_591 = arith.addi %broadcast_in_dim3A_490, %add3A_590 : vector<16xi32>
      %gather3A_592 = tpu.vector_load_idx %arg10[%add3A_584, %add3A_591] : memref<80x16xf32, #tpu.memory_space<vmem>>[vector<16xi32>, vector<16xi32>], vector<16xf32>,
      %add3A_593 = arith.addf %gather3A_588, %gather3A_592 : vector<16xf32>
      %ge3A_594 = arith.constant 0.000000e+00 : f32
      %ge3A_595 = vector.broadcast %ge3A_594 : f32 to vector<16xf32>
      %ge3A_596 = arith.cmpf oge, %add3A_593, %ge3A_595 : vector<16xf32>
      %mul3A_597 = arith.constant 2.000000e-01 : f32
      %mul3A_598 = vector.broadcast %mul3A_597 : f32 to vector<16xf32>
      %mul3A_599 = arith.mulf %add3A_593, %mul3A_598 : vector<16xf32>
      %select_n3A_600 = arith.select %ge3A_596, %add3A_593, %mul3A_599 : vector<16xi1>, vector<16xf32>
      %exp3A_601 = math.exp %select_n3A_600 : vector<16xf32>
      %add3A_602 = arith.constant 0 : i32
      %add3A_603 = vector.broadcast %add3A_602 : i32 to vector<16xi32>
      %add3A_604 = arith.addi %broadcast_in_dim3A_490, %add3A_603 : vector<16xi32>
      tpu.vector_store_idx %arg11[%add3A_584, %add3A_604], %exp3A_601 : memref<80x4xf32, #tpu.memory_space<vmem>>[vector<16xi32>, vector<16xi32>], vector<16xf32>,
      %add3A_605 = arith.constant 0 : i32
      %add3A_606 = vector.broadcast %add3A_605 : i32 to vector<16xi32>
      %add3A_607 = arith.addi %broadcast_in_dim3A_490, %add3A_606 : vector<16xi32>
      tpu.vector_store_idx %arg12[%add3A_584, %add3A_607], %exp3A_601 : memref<80x16xf32, #tpu.memory_space<vmem>>[vector<16xi32>, vector<16xi32>], vector<16xf32>,
      %add3A_608 = arith.constant 1 : i32
      %add3A_609 = vector.broadcast %add3A_608 : i32 to vector<16xi32>
      %add3A_610 = arith.addi %broadcast_in_dim3A_490, %add3A_609 : vector<16xi32>
      %gather3A_611 = tpu.vector_load_idx %arg9[%add3A_584, %add3A_610] : memref<80x16xf32, #tpu.memory_space<vmem>>[vector<16xi32>, vector<16xi32>], vector<16xf32>,
      %add3A_612 = arith.constant 4 : i32
      %add3A_613 = vector.broadcast %add3A_612 : i32 to vector<16xi32>
      %add3A_614 = arith.addi %broadcast_in_dim3A_490, %add3A_613 : vector<16xi32>
      %gather3A_615 = tpu.vector_load_idx %arg10[%add3A_584, %add3A_614] : memref<80x16xf32, #tpu.memory_space<vmem>>[vector<16xi32>, vector<16xi32>], vector<16xf32>,
      %add3A_616 = arith.addf %gather3A_611, %gather3A_615 : vector<16xf32>
      %ge3A_617 = arith.constant 0.000000e+00 : f32
      %ge3A_618 = vector.broadcast %ge3A_617 : f32 to vector<16xf32>
      %ge3A_619 = arith.cmpf oge, %add3A_616, %ge3A_618 : vector<16xf32>
      %mul3A_620 = arith.constant 2.000000e-01 : f32
      %mul3A_621 = vector.broadcast %mul3A_620 : f32 to vector<16xf32>
      %mul3A_622 = arith.mulf %add3A_616, %mul3A_621 : vector<16xf32>
      %select_n3A_623 = arith.select %ge3A_619, %add3A_616, %mul3A_622 : vector<16xi1>, vector<16xf32>
      %exp3A_624 = math.exp %select_n3A_623 : vector<16xf32>
      %add3A_625 = arith.constant 1 : i32
      %add3A_626 = vector.broadcast %add3A_625 : i32 to vector<16xi32>
      %add3A_627 = arith.addi %broadcast_in_dim3A_490, %add3A_626 : vector<16xi32>
      tpu.vector_store_idx %arg11[%add3A_584, %add3A_627], %exp3A_624 : memref<80x4xf32, #tpu.memory_space<vmem>>[vector<16xi32>, vector<16xi32>], vector<16xf32>,
      %add3A_628 = arith.constant 1 : i32
      %add3A_629 = vector.broadcast %add3A_628 : i32 to vector<16xi32>
      %add3A_630 = arith.addi %broadcast_in_dim3A_490, %add3A_629 : vector<16xi32>
      tpu.vector_store_idx %arg12[%add3A_584, %add3A_630], %exp3A_624 : memref<80x16xf32, #tpu.memory_space<vmem>>[vector<16xi32>, vector<16xi32>], vector<16xf32>,
      %add3A_631 = arith.constant 2 : i32
      %add3A_632 = vector.broadcast %add3A_631 : i32 to vector<16xi32>
      %add3A_633 = arith.addi %broadcast_in_dim3A_490, %add3A_632 : vector<16xi32>
      %gather3A_634 = tpu.vector_load_idx %arg9[%add3A_584, %add3A_633] : memref<80x16xf32, #tpu.memory_space<vmem>>[vector<16xi32>, vector<16xi32>], vector<16xf32>,
      %add3A_635 = arith.constant 5 : i32
      %add3A_636 = vector.broadcast %add3A_635 : i32 to vector<16xi32>
      %add3A_637 = arith.addi %broadcast_in_dim3A_490, %add3A_636 : vector<16xi32>
      %gather3A_638 = tpu.vector_load_idx %arg10[%add3A_584, %add3A_637] : memref<80x16xf32, #tpu.memory_space<vmem>>[vector<16xi32>, vector<16xi32>], vector<16xf32>,
      %add3A_639 = arith.addf %gather3A_634, %gather3A_638 : vector<16xf32>
      %ge3A_640 = arith.constant 0.000000e+00 : f32
      %ge3A_641 = vector.broadcast %ge3A_640 : f32 to vector<16xf32>
      %ge3A_642 = arith.cmpf oge, %add3A_639, %ge3A_641 : vector<16xf32>
      %mul3A_643 = arith.constant 2.000000e-01 : f32
      %mul3A_644 = vector.broadcast %mul3A_643 : f32 to vector<16xf32>
      %mul3A_645 = arith.mulf %add3A_639, %mul3A_644 : vector<16xf32>
      %select_n3A_646 = arith.select %ge3A_642, %add3A_639, %mul3A_645 : vector<16xi1>, vector<16xf32>
      %exp3A_647 = math.exp %select_n3A_646 : vector<16xf32>
      %add3A_648 = arith.constant 2 : i32
      %add3A_649 = vector.broadcast %add3A_648 : i32 to vector<16xi32>
      %add3A_650 = arith.addi %broadcast_in_dim3A_490, %add3A_649 : vector<16xi32>
      tpu.vector_store_idx %arg11[%add3A_584, %add3A_650], %exp3A_647 : memref<80x4xf32, #tpu.memory_space<vmem>>[vector<16xi32>, vector<16xi32>], vector<16xf32>,
      %add3A_651 = arith.constant 2 : i32
      %add3A_652 = vector.broadcast %add3A_651 : i32 to vector<16xi32>
      %add3A_653 = arith.addi %broadcast_in_dim3A_490, %add3A_652 : vector<16xi32>
      tpu.vector_store_idx %arg12[%add3A_584, %add3A_653], %exp3A_647 : memref<80x16xf32, #tpu.memory_space<vmem>>[vector<16xi32>, vector<16xi32>], vector<16xf32>,
      %add3A_654 = arith.constant 32 : i32
      %add3A_655 = vector.broadcast %add3A_654 : i32 to vector<16xi32>
      %add3A_656 = arith.addi %iota3A, %add3A_655 : vector<16xi32>
      %add3A_657 = arith.constant 0 : i32
      %add3A_658 = vector.broadcast %add3A_657 : i32 to vector<16xi32>
      %add3A_659 = arith.addi %broadcast_in_dim3A_490, %add3A_658 : vector<16xi32>
      %gather3A_660 = tpu.vector_load_idx %arg9[%add3A_656, %add3A_659] : memref<80x16xf32, #tpu.memory_space<vmem>>[vector<16xi32>, vector<16xi32>], vector<16xf32>,
      %add3A_661 = arith.constant 3 : i32
      %add3A_662 = vector.broadcast %add3A_661 : i32 to vector<16xi32>
      %add3A_663 = arith.addi %broadcast_in_dim3A_490, %add3A_662 : vector<16xi32>
      %gather3A_664 = tpu.vector_load_idx %arg10[%add3A_656, %add3A_663] : memref<80x16xf32, #tpu.memory_space<vmem>>[vector<16xi32>, vector<16xi32>], vector<16xf32>,
      %add3A_665 = arith.addf %gather3A_660, %gather3A_664 : vector<16xf32>
      %ge3A_666 = arith.constant 0.000000e+00 : f32
      %ge3A_667 = vector.broadcast %ge3A_666 : f32 to vector<16xf32>
      %ge3A_668 = arith.cmpf oge, %add3A_665, %ge3A_667 : vector<16xf32>
      %mul3A_669 = arith.constant 2.000000e-01 : f32
      %mul3A_670 = vector.broadcast %mul3A_669 : f32 to vector<16xf32>
      %mul3A_671 = arith.mulf %add3A_665, %mul3A_670 : vector<16xf32>
      %select_n3A_672 = arith.select %ge3A_668, %add3A_665, %mul3A_671 : vector<16xi1>, vector<16xf32>
      %exp3A_673 = math.exp %select_n3A_672 : vector<16xf32>
      %add3A_674 = arith.constant 0 : i32
      %add3A_675 = vector.broadcast %add3A_674 : i32 to vector<16xi32>
      %add3A_676 = arith.addi %broadcast_in_dim3A_490, %add3A_675 : vector<16xi32>
      tpu.vector_store_idx %arg11[%add3A_656, %add3A_676], %exp3A_673 : memref<80x4xf32, #tpu.memory_space<vmem>>[vector<16xi32>, vector<16xi32>], vector<16xf32>,
      %add3A_677 = arith.constant 0 : i32
      %add3A_678 = vector.broadcast %add3A_677 : i32 to vector<16xi32>
      %add3A_679 = arith.addi %broadcast_in_dim3A_490, %add3A_678 : vector<16xi32>
      tpu.vector_store_idx %arg12[%add3A_656, %add3A_679], %exp3A_673 : memref<80x16xf32, #tpu.memory_space<vmem>>[vector<16xi32>, vector<16xi32>], vector<16xf32>,
      %add3A_680 = arith.constant 1 : i32
      %add3A_681 = vector.broadcast %add3A_680 : i32 to vector<16xi32>
      %add3A_682 = arith.addi %broadcast_in_dim3A_490, %add3A_681 : vector<16xi32>
      %gather3A_683 = tpu.vector_load_idx %arg9[%add3A_656, %add3A_682] : memref<80x16xf32, #tpu.memory_space<vmem>>[vector<16xi32>, vector<16xi32>], vector<16xf32>,
      %add3A_684 = arith.constant 4 : i32
      %add3A_685 = vector.broadcast %add3A_684 : i32 to vector<16xi32>
      %add3A_686 = arith.addi %broadcast_in_dim3A_490, %add3A_685 : vector<16xi32>
      %gather3A_687 = tpu.vector_load_idx %arg10[%add3A_656, %add3A_686] : memref<80x16xf32, #tpu.memory_space<vmem>>[vector<16xi32>, vector<16xi32>], vector<16xf32>,
      %add3A_688 = arith.addf %gather3A_683, %gather3A_687 : vector<16xf32>
      %ge3A_689 = arith.constant 0.000000e+00 : f32
      %ge3A_690 = vector.broadcast %ge3A_689 : f32 to vector<16xf32>
      %ge3A_691 = arith.cmpf oge, %add3A_688, %ge3A_690 : vector<16xf32>
      %mul3A_692 = arith.constant 2.000000e-01 : f32
      %mul3A_693 = vector.broadcast %mul3A_692 : f32 to vector<16xf32>
      %mul3A_694 = arith.mulf %add3A_688, %mul3A_693 : vector<16xf32>
      %select_n3A_695 = arith.select %ge3A_691, %add3A_688, %mul3A_694 : vector<16xi1>, vector<16xf32>
      %exp3A_696 = math.exp %select_n3A_695 : vector<16xf32>
      %add3A_697 = arith.constant 1 : i32
      %add3A_698 = vector.broadcast %add3A_697 : i32 to vector<16xi32>
      %add3A_699 = arith.addi %broadcast_in_dim3A_490, %add3A_698 : vector<16xi32>
      tpu.vector_store_idx %arg11[%add3A_656, %add3A_699], %exp3A_696 : memref<80x4xf32, #tpu.memory_space<vmem>>[vector<16xi32>, vector<16xi32>], vector<16xf32>,
      %add3A_700 = arith.constant 1 : i32
      %add3A_701 = vector.broadcast %add3A_700 : i32 to vector<16xi32>
      %add3A_702 = arith.addi %broadcast_in_dim3A_490, %add3A_701 : vector<16xi32>
      tpu.vector_store_idx %arg12[%add3A_656, %add3A_702], %exp3A_696 : memref<80x16xf32, #tpu.memory_space<vmem>>[vector<16xi32>, vector<16xi32>], vector<16xf32>,
      %add3A_703 = arith.constant 2 : i32
      %add3A_704 = vector.broadcast %add3A_703 : i32 to vector<16xi32>
      %add3A_705 = arith.addi %broadcast_in_dim3A_490, %add3A_704 : vector<16xi32>
      %gather3A_706 = tpu.vector_load_idx %arg9[%add3A_656, %add3A_705] : memref<80x16xf32, #tpu.memory_space<vmem>>[vector<16xi32>, vector<16xi32>], vector<16xf32>,
      %add3A_707 = arith.constant 5 : i32
      %add3A_708 = vector.broadcast %add3A_707 : i32 to vector<16xi32>
      %add3A_709 = arith.addi %broadcast_in_dim3A_490, %add3A_708 : vector<16xi32>
      %gather3A_710 = tpu.vector_load_idx %arg10[%add3A_656, %add3A_709] : memref<80x16xf32, #tpu.memory_space<vmem>>[vector<16xi32>, vector<16xi32>], vector<16xf32>,
      %add3A_711 = arith.addf %gather3A_706, %gather3A_710 : vector<16xf32>
      %ge3A_712 = arith.constant 0.000000e+00 : f32
      %ge3A_713 = vector.broadcast %ge3A_712 : f32 to vector<16xf32>
      %ge3A_714 = arith.cmpf oge, %add3A_711, %ge3A_713 : vector<16xf32>
      %mul3A_715 = arith.constant 2.000000e-01 : f32
      %mul3A_716 = vector.broadcast %mul3A_715 : f32 to vector<16xf32>
      %mul3A_717 = arith.mulf %add3A_711, %mul3A_716 : vector<16xf32>
      %select_n3A_718 = arith.select %ge3A_714, %add3A_711, %mul3A_717 : vector<16xi1>, vector<16xf32>
      %exp3A_719 = math.exp %select_n3A_718 : vector<16xf32>
      %add3A_720 = arith.constant 2 : i32
      %add3A_721 = vector.broadcast %add3A_720 : i32 to vector<16xi32>
      %add3A_722 = arith.addi %broadcast_in_dim3A_490, %add3A_721 : vector<16xi32>
      tpu.vector_store_idx %arg11[%add3A_656, %add3A_722], %exp3A_719 : memref<80x4xf32, #tpu.memory_space<vmem>>[vector<16xi32>, vector<16xi32>], vector<16xf32>,
      %add3A_723 = arith.constant 2 : i32
      %add3A_724 = vector.broadcast %add3A_723 : i32 to vector<16xi32>
      %add3A_725 = arith.addi %broadcast_in_dim3A_490, %add3A_724 : vector<16xi32>
      tpu.vector_store_idx %arg12[%add3A_656, %add3A_725], %exp3A_719 : memref<80x16xf32, #tpu.memory_space<vmem>>[vector<16xi32>, vector<16xi32>], vector<16xf32>,
      %add3A_726 = arith.constant 48 : i32
      %add3A_727 = vector.broadcast %add3A_726 : i32 to vector<16xi32>
      %add3A_728 = arith.addi %iota3A, %add3A_727 : vector<16xi32>
      %add3A_729 = arith.constant 0 : i32
      %add3A_730 = vector.broadcast %add3A_729 : i32 to vector<16xi32>
      %add3A_731 = arith.addi %broadcast_in_dim3A_490, %add3A_730 : vector<16xi32>
      %gather3A_732 = tpu.vector_load_idx %arg9[%add3A_728, %add3A_731] : memref<80x16xf32, #tpu.memory_space<vmem>>[vector<16xi32>, vector<16xi32>], vector<16xf32>,
      %add3A_733 = arith.constant 3 : i32
      %add3A_734 = vector.broadcast %add3A_733 : i32 to vector<16xi32>
      %add3A_735 = arith.addi %broadcast_in_dim3A_490, %add3A_734 : vector<16xi32>
      %gather3A_736 = tpu.vector_load_idx %arg10[%add3A_728, %add3A_735] : memref<80x16xf32, #tpu.memory_space<vmem>>[vector<16xi32>, vector<16xi32>], vector<16xf32>,
      %add3A_737 = arith.addf %gather3A_732, %gather3A_736 : vector<16xf32>
      %ge3A_738 = arith.constant 0.000000e+00 : f32
      %ge3A_739 = vector.broadcast %ge3A_738 : f32 to vector<16xf32>
      %ge3A_740 = arith.cmpf oge, %add3A_737, %ge3A_739 : vector<16xf32>
      %mul3A_741 = arith.constant 2.000000e-01 : f32
      %mul3A_742 = vector.broadcast %mul3A_741 : f32 to vector<16xf32>
      %mul3A_743 = arith.mulf %add3A_737, %mul3A_742 : vector<16xf32>
      %select_n3A_744 = arith.select %ge3A_740, %add3A_737, %mul3A_743 : vector<16xi1>, vector<16xf32>
      %exp3A_745 = math.exp %select_n3A_744 : vector<16xf32>
      %add3A_746 = arith.constant 0 : i32
      %add3A_747 = vector.broadcast %add3A_746 : i32 to vector<16xi32>
      %add3A_748 = arith.addi %broadcast_in_dim3A_490, %add3A_747 : vector<16xi32>
      tpu.vector_store_idx %arg11[%add3A_728, %add3A_748], %exp3A_745 : memref<80x4xf32, #tpu.memory_space<vmem>>[vector<16xi32>, vector<16xi32>], vector<16xf32>,
      %add3A_749 = arith.constant 0 : i32
      %add3A_750 = vector.broadcast %add3A_749 : i32 to vector<16xi32>
      %add3A_751 = arith.addi %broadcast_in_dim3A_490, %add3A_750 : vector<16xi32>
      tpu.vector_store_idx %arg12[%add3A_728, %add3A_751], %exp3A_745 : memref<80x16xf32, #tpu.memory_space<vmem>>[vector<16xi32>, vector<16xi32>], vector<16xf32>,
      %add3A_752 = arith.constant 1 : i32
      %add3A_753 = vector.broadcast %add3A_752 : i32 to vector<16xi32>
      %add3A_754 = arith.addi %broadcast_in_dim3A_490, %add3A_753 : vector<16xi32>
      %gather3A_755 = tpu.vector_load_idx %arg9[%add3A_728, %add3A_754] : memref<80x16xf32, #tpu.memory_space<vmem>>[vector<16xi32>, vector<16xi32>], vector<16xf32>,
      %add3A_756 = arith.constant 4 : i32
      %add3A_757 = vector.broadcast %add3A_756 : i32 to vector<16xi32>
      %add3A_758 = arith.addi %broadcast_in_dim3A_490, %add3A_757 : vector<16xi32>
      %gather3A_759 = tpu.vector_load_idx %arg10[%add3A_728, %add3A_758] : memref<80x16xf32, #tpu.memory_space<vmem>>[vector<16xi32>, vector<16xi32>], vector<16xf32>,
      %add3A_760 = arith.addf %gather3A_755, %gather3A_759 : vector<16xf32>
      %ge3A_761 = arith.constant 0.000000e+00 : f32
      %ge3A_762 = vector.broadcast %ge3A_761 : f32 to vector<16xf32>
      %ge3A_763 = arith.cmpf oge, %add3A_760, %ge3A_762 : vector<16xf32>
      %mul3A_764 = arith.constant 2.000000e-01 : f32
      %mul3A_765 = vector.broadcast %mul3A_764 : f32 to vector<16xf32>
      %mul3A_766 = arith.mulf %add3A_760, %mul3A_765 : vector<16xf32>
      %select_n3A_767 = arith.select %ge3A_763, %add3A_760, %mul3A_766 : vector<16xi1>, vector<16xf32>
      %exp3A_768 = math.exp %select_n3A_767 : vector<16xf32>
      %add3A_769 = arith.constant 1 : i32
      %add3A_770 = vector.broadcast %add3A_769 : i32 to vector<16xi32>
      %add3A_771 = arith.addi %broadcast_in_dim3A_490, %add3A_770 : vector<16xi32>
      tpu.vector_store_idx %arg11[%add3A_728, %add3A_771], %exp3A_768 : memref<80x4xf32, #tpu.memory_space<vmem>>[vector<16xi32>, vector<16xi32>], vector<16xf32>,
      %add3A_772 = arith.constant 1 : i32
      %add3A_773 = vector.broadcast %add3A_772 : i32 to vector<16xi32>
      %add3A_774 = arith.addi %broadcast_in_dim3A_490, %add3A_773 : vector<16xi32>
      tpu.vector_store_idx %arg12[%add3A_728, %add3A_774], %exp3A_768 : memref<80x16xf32, #tpu.memory_space<vmem>>[vector<16xi32>, vector<16xi32>], vector<16xf32>,
      %add3A_775 = arith.constant 2 : i32
      %add3A_776 = vector.broadcast %add3A_775 : i32 to vector<16xi32>
      %add3A_777 = arith.addi %broadcast_in_dim3A_490, %add3A_776 : vector<16xi32>
      %gather3A_778 = tpu.vector_load_idx %arg9[%add3A_728, %add3A_777] : memref<80x16xf32, #tpu.memory_space<vmem>>[vector<16xi32>, vector<16xi32>], vector<16xf32>,
      %add3A_779 = arith.constant 5 : i32
      %add3A_780 = vector.broadcast %add3A_779 : i32 to vector<16xi32>
      %add3A_781 = arith.addi %broadcast_in_dim3A_490, %add3A_780 : vector<16xi32>
      %gather3A_782 = tpu.vector_load_idx %arg10[%add3A_728, %add3A_781] : memref<80x16xf32, #tpu.memory_space<vmem>>[vector<16xi32>, vector<16xi32>], vector<16xf32>,
      %add3A_783 = arith.addf %gather3A_778, %gather3A_782 : vector<16xf32>
      %ge3A_784 = arith.constant 0.000000e+00 : f32
      %ge3A_785 = vector.broadcast %ge3A_784 : f32 to vector<16xf32>
      %ge3A_786 = arith.cmpf oge, %add3A_783, %ge3A_785 : vector<16xf32>
      %mul3A_787 = arith.constant 2.000000e-01 : f32
      %mul3A_788 = vector.broadcast %mul3A_787 : f32 to vector<16xf32>
      %mul3A_789 = arith.mulf %add3A_783, %mul3A_788 : vector<16xf32>
      %select_n3A_790 = arith.select %ge3A_786, %add3A_783, %mul3A_789 : vector<16xi1>, vector<16xf32>
      %exp3A_791 = math.exp %select_n3A_790 : vector<16xf32>
      %add3A_792 = arith.constant 2 : i32
      %add3A_793 = vector.broadcast %add3A_792 : i32 to vector<16xi32>
      %add3A_794 = arith.addi %broadcast_in_dim3A_490, %add3A_793 : vector<16xi32>
      tpu.vector_store_idx %arg11[%add3A_728, %add3A_794], %exp3A_791 : memref<80x4xf32, #tpu.memory_space<vmem>>[vector<16xi32>, vector<16xi32>], vector<16xf32>,
      %add3A_795 = arith.constant 2 : i32
      %add3A_796 = vector.broadcast %add3A_795 : i32 to vector<16xi32>
      %add3A_797 = arith.addi %broadcast_in_dim3A_490, %add3A_796 : vector<16xi32>
      tpu.vector_store_idx %arg12[%add3A_728, %add3A_797], %exp3A_791 : memref<80x16xf32, #tpu.memory_space<vmem>>[vector<16xi32>, vector<16xi32>], vector<16xf32>,
      %add3A_798 = arith.constant 64 : i32
      %add3A_799 = vector.broadcast %add3A_798 : i32 to vector<16xi32>
      %add3A_800 = arith.addi %iota3A, %add3A_799 : vector<16xi32>
      %add3A_801 = arith.constant 0 : i32
      %add3A_802 = vector.broadcast %add3A_801 : i32 to vector<16xi32>
      %add3A_803 = arith.addi %broadcast_in_dim3A_490, %add3A_802 : vector<16xi32>
      %gather3A_804 = tpu.vector_load_idx %arg9[%add3A_800, %add3A_803] : memref<80x16xf32, #tpu.memory_space<vmem>>[vector<16xi32>, vector<16xi32>], vector<16xf32>,
      %add3A_805 = arith.constant 3 : i32
      %add3A_806 = vector.broadcast %add3A_805 : i32 to vector<16xi32>
      %add3A_807 = arith.addi %broadcast_in_dim3A_490, %add3A_806 : vector<16xi32>
      %gather3A_808 = tpu.vector_load_idx %arg10[%add3A_800, %add3A_807] : memref<80x16xf32, #tpu.memory_space<vmem>>[vector<16xi32>, vector<16xi32>], vector<16xf32>,
      %add3A_809 = arith.addf %gather3A_804, %gather3A_808 : vector<16xf32>
      %ge3A_810 = arith.constant 0.000000e+00 : f32
      %ge3A_811 = vector.broadcast %ge3A_810 : f32 to vector<16xf32>
      %ge3A_812 = arith.cmpf oge, %add3A_809, %ge3A_811 : vector<16xf32>
      %mul3A_813 = arith.constant 2.000000e-01 : f32
      %mul3A_814 = vector.broadcast %mul3A_813 : f32 to vector<16xf32>
      %mul3A_815 = arith.mulf %add3A_809, %mul3A_814 : vector<16xf32>
      %select_n3A_816 = arith.select %ge3A_812, %add3A_809, %mul3A_815 : vector<16xi1>, vector<16xf32>
      %exp3A_817 = math.exp %select_n3A_816 : vector<16xf32>
      %add3A_818 = arith.constant 0 : i32
      %add3A_819 = vector.broadcast %add3A_818 : i32 to vector<16xi32>
      %add3A_820 = arith.addi %broadcast_in_dim3A_490, %add3A_819 : vector<16xi32>
      tpu.vector_store_idx %arg11[%add3A_800, %add3A_820], %exp3A_817 : memref<80x4xf32, #tpu.memory_space<vmem>>[vector<16xi32>, vector<16xi32>], vector<16xf32>,
      %add3A_821 = arith.constant 0 : i32
      %add3A_822 = vector.broadcast %add3A_821 : i32 to vector<16xi32>
      %add3A_823 = arith.addi %broadcast_in_dim3A_490, %add3A_822 : vector<16xi32>
      tpu.vector_store_idx %arg12[%add3A_800, %add3A_823], %exp3A_817 : memref<80x16xf32, #tpu.memory_space<vmem>>[vector<16xi32>, vector<16xi32>], vector<16xf32>,
      %add3A_824 = arith.constant 1 : i32
      %add3A_825 = vector.broadcast %add3A_824 : i32 to vector<16xi32>
      %add3A_826 = arith.addi %broadcast_in_dim3A_490, %add3A_825 : vector<16xi32>
      %gather3A_827 = tpu.vector_load_idx %arg9[%add3A_800, %add3A_826] : memref<80x16xf32, #tpu.memory_space<vmem>>[vector<16xi32>, vector<16xi32>], vector<16xf32>,
      %add3A_828 = arith.constant 4 : i32
      %add3A_829 = vector.broadcast %add3A_828 : i32 to vector<16xi32>
      %add3A_830 = arith.addi %broadcast_in_dim3A_490, %add3A_829 : vector<16xi32>
      %gather3A_831 = tpu.vector_load_idx %arg10[%add3A_800, %add3A_830] : memref<80x16xf32, #tpu.memory_space<vmem>>[vector<16xi32>, vector<16xi32>], vector<16xf32>,
      %add3A_832 = arith.addf %gather3A_827, %gather3A_831 : vector<16xf32>
      %ge3A_833 = arith.constant 0.000000e+00 : f32
      %ge3A_834 = vector.broadcast %ge3A_833 : f32 to vector<16xf32>
      %ge3A_835 = arith.cmpf oge, %add3A_832, %ge3A_834 : vector<16xf32>
      %mul3A_836 = arith.constant 2.000000e-01 : f32
      %mul3A_837 = vector.broadcast %mul3A_836 : f32 to vector<16xf32>
      %mul3A_838 = arith.mulf %add3A_832, %mul3A_837 : vector<16xf32>
      %select_n3A_839 = arith.select %ge3A_835, %add3A_832, %mul3A_838 : vector<16xi1>, vector<16xf32>
      %exp3A_840 = math.exp %select_n3A_839 : vector<16xf32>
      %add3A_841 = arith.constant 1 : i32
      %add3A_842 = vector.broadcast %add3A_841 : i32 to vector<16xi32>
      %add3A_843 = arith.addi %broadcast_in_dim3A_490, %add3A_842 : vector<16xi32>
      tpu.vector_store_idx %arg11[%add3A_800, %add3A_843], %exp3A_840 : memref<80x4xf32, #tpu.memory_space<vmem>>[vector<16xi32>, vector<16xi32>], vector<16xf32>,
      %add3A_844 = arith.constant 1 : i32
      %add3A_845 = vector.broadcast %add3A_844 : i32 to vector<16xi32>
      %add3A_846 = arith.addi %broadcast_in_dim3A_490, %add3A_845 : vector<16xi32>
      tpu.vector_store_idx %arg12[%add3A_800, %add3A_846], %exp3A_840 : memref<80x16xf32, #tpu.memory_space<vmem>>[vector<16xi32>, vector<16xi32>], vector<16xf32>,
      %add3A_847 = arith.constant 2 : i32
      %add3A_848 = vector.broadcast %add3A_847 : i32 to vector<16xi32>
      %add3A_849 = arith.addi %broadcast_in_dim3A_490, %add3A_848 : vector<16xi32>
      %gather3A_850 = tpu.vector_load_idx %arg9[%add3A_800, %add3A_849] : memref<80x16xf32, #tpu.memory_space<vmem>>[vector<16xi32>, vector<16xi32>], vector<16xf32>,
      %add3A_851 = arith.constant 5 : i32
      %add3A_852 = vector.broadcast %add3A_851 : i32 to vector<16xi32>
      %add3A_853 = arith.addi %broadcast_in_dim3A_490, %add3A_852 : vector<16xi32>
      %gather3A_854 = tpu.vector_load_idx %arg10[%add3A_800, %add3A_853] : memref<80x16xf32, #tpu.memory_space<vmem>>[vector<16xi32>, vector<16xi32>], vector<16xf32>,
      %add3A_855 = arith.addf %gather3A_850, %gather3A_854 : vector<16xf32>
      %ge3A_856 = arith.constant 0.000000e+00 : f32
      %ge3A_857 = vector.broadcast %ge3A_856 : f32 to vector<16xf32>
      %ge3A_858 = arith.cmpf oge, %add3A_855, %ge3A_857 : vector<16xf32>
      %mul3A_859 = arith.constant 2.000000e-01 : f32
      %mul3A_860 = vector.broadcast %mul3A_859 : f32 to vector<16xf32>
      %mul3A_861 = arith.mulf %add3A_855, %mul3A_860 : vector<16xf32>
      %select_n3A_862 = arith.select %ge3A_858, %add3A_855, %mul3A_861 : vector<16xi1>, vector<16xf32>
      %exp3A_863 = math.exp %select_n3A_862 : vector<16xf32>
      %add3A_864 = arith.constant 2 : i32
      %add3A_865 = vector.broadcast %add3A_864 : i32 to vector<16xi32>
      %add3A_866 = arith.addi %broadcast_in_dim3A_490, %add3A_865 : vector<16xi32>
      tpu.vector_store_idx %arg11[%add3A_800, %add3A_866], %exp3A_863 : memref<80x4xf32, #tpu.memory_space<vmem>>[vector<16xi32>, vector<16xi32>], vector<16xf32>,
      %add3A_867 = arith.constant 2 : i32
      %add3A_868 = vector.broadcast %add3A_867 : i32 to vector<16xi32>
      %add3A_869 = arith.addi %broadcast_in_dim3A_490, %add3A_868 : vector<16xi32>
      tpu.vector_store_idx %arg12[%add3A_800, %add3A_869], %exp3A_863 : memref<80x16xf32, #tpu.memory_space<vmem>>[vector<16xi32>, vector<16xi32>], vector<16xf32>,
      "tpu.region"() ({
        %run_scoped3A = tpu.sem_alloc : memref<!tpu.dma_semaphore, #tpu.memory_space<semaphore_mem>>
        %dma_start3A_880 = arith.constant 0 : i32
        %dma_start3A_881 = tpu.memref_slice %arg5[%add3A_503, %dma_start3A_880] : memref<320000x4xf32, #tpu.memory_space<hbm>> -> memref<80x4xf32, #tpu.memory_space<hbm>>
        %dma_start3A_882 = arith.constant 0 : i32
        %dma_start3A_883 = tpu.memref_slice %arg5[%add3A_503, %dma_start3A_882] : memref<320000x4xf32, #tpu.memory_space<hbm>> -> memref<80x4xf32, #tpu.memory_space<hbm>>
        tpu.enqueue_dma source(%arg11 : memref<80x4xf32, #tpu.memory_space<vmem>>) target(%dma_start3A_883 : memref<80x4xf32, #tpu.memory_space<hbm>>) target_semaphore(%run_scoped3A : memref<!tpu.dma_semaphore, #tpu.memory_space<semaphore_mem>>)
        %dma_wait3A_884 = arith.constant 0 : i32
        %dma_wait3A_885 = tpu.memref_slice %arg5[%add3A_503, %dma_wait3A_884] : memref<320000x4xf32, #tpu.memory_space<hbm>> -> memref<80x4xf32, #tpu.memory_space<hbm>>
        %dma_wait3A_886 = arith.constant 0 : i32
        %dma_wait3A_887 = tpu.memref_slice %arg5[%add3A_503, %dma_wait3A_886] : memref<320000x4xf32, #tpu.memory_space<hbm>> -> memref<80x4xf32, #tpu.memory_space<hbm>>
        tpu.wait_dma2 semaphore(%run_scoped3A : memref<!tpu.dma_semaphore, #tpu.memory_space<semaphore_mem>>) src(%arg11 : memref<80x4xf32, #tpu.memory_space<vmem>>) dst(%dma_wait3A_887 : memref<80x4xf32, #tpu.memory_space<hbm>>)
        tpu.yield
      }) : () -> ()
      %get3A = arith.constant 0 : index
      %get3A_870 = tpu.vector_load %arg8[%get3A] {strides = array<i32>} : memref<80xi32, #tpu.memory_space<vmem>>, vector<16xi32>,
      "tpu.region"() ({
        %run_scoped3A = tpu.sem_alloc : memref<!tpu.dma_semaphore, #tpu.memory_space<semaphore_mem>>
        %dma_start3A_880 = arith.constant 0 : i32
        %dma_start3A_881 = arith.constant 0 : i32
        %dma_start3A_882 = tpu.memref_slice %arg12[%dma_start3A_880, %dma_start3A_881] : memref<80x16xf32, #tpu.memory_space<vmem>> -> memref<16x16xf32, #tpu.memory_space<vmem>>
        %dma_start3A_883 = arith.constant 0 : i32
        %dma_start3A_884 = arith.constant 0 : i32
        %dma_start3A_885 = tpu.memref_slice %arg13[%dma_start3A_883, %dma_start3A_884] : memref<10000x16xf32, #tpu.memory_space<vmem_shared>> -> memref<10000x16xf32, #tpu.memory_space<vmem_shared>>
        tpu.enqueue_indirect_dma source(%dma_start3A_882 : memref<16x16xf32, #tpu.memory_space<vmem>>) target(%dma_start3A_885 : memref<10000x16xf32, #tpu.memory_space<vmem_shared>>) offsets(%get3A_870 : vector<16xi32>) semaphore(%run_scoped3A : memref<!tpu.dma_semaphore, #tpu.memory_space<semaphore_mem>>) {add = true}
        %dma_wait3A_886 = arith.constant 0 : i32
        %dma_wait3A_887 = arith.constant 0 : i32
        %dma_wait3A_888 = tpu.memref_slice %arg12[%dma_wait3A_886, %dma_wait3A_887] : memref<80x16xf32, #tpu.memory_space<vmem>> -> memref<16x16xf32, #tpu.memory_space<vmem>>
        %dma_wait3A_889 = arith.constant 0 : i32
        %dma_wait3A_890 = arith.constant 0 : i32
        %dma_wait3A_891 = tpu.memref_slice %arg13[%dma_wait3A_889, %dma_wait3A_890] : memref<10000x16xf32, #tpu.memory_space<vmem_shared>> -> memref<10000x16xf32, #tpu.memory_space<vmem_shared>>
        tpu.wait_indirect_dma semaphore(%run_scoped3A : memref<!tpu.dma_semaphore, #tpu.memory_space<semaphore_mem>>) src(%dma_wait3A_888 : memref<16x16xf32, #tpu.memory_space<vmem>>) dst(%dma_wait3A_891 : memref<10000x16xf32, #tpu.memory_space<vmem_shared>>)
        tpu.yield
      }) : () -> ()
      %get3A_871 = arith.constant 16 : index
      %get3A_872 = tpu.vector_load %arg8[%get3A_871] {strides = array<i32>} : memref<80xi32, #tpu.memory_space<vmem>>, vector<16xi32>,
      "tpu.region"() ({
        %run_scoped3A = tpu.sem_alloc : memref<!tpu.dma_semaphore, #tpu.memory_space<semaphore_mem>>
        %dma_start3A_880 = arith.constant 16 : i32
        %dma_start3A_881 = arith.constant 0 : i32
        %dma_start3A_882 = tpu.memref_slice %arg12[%dma_start3A_880, %dma_start3A_881] : memref<80x16xf32, #tpu.memory_space<vmem>> -> memref<16x16xf32, #tpu.memory_space<vmem>>
        %dma_start3A_883 = arith.constant 0 : i32
        %dma_start3A_884 = arith.constant 0 : i32
        %dma_start3A_885 = tpu.memref_slice %arg13[%dma_start3A_883, %dma_start3A_884] : memref<10000x16xf32, #tpu.memory_space<vmem_shared>> -> memref<10000x16xf32, #tpu.memory_space<vmem_shared>>
        tpu.enqueue_indirect_dma source(%dma_start3A_882 : memref<16x16xf32, #tpu.memory_space<vmem>>) target(%dma_start3A_885 : memref<10000x16xf32, #tpu.memory_space<vmem_shared>>) offsets(%get3A_872 : vector<16xi32>) semaphore(%run_scoped3A : memref<!tpu.dma_semaphore, #tpu.memory_space<semaphore_mem>>) {add = true}
        %dma_wait3A_886 = arith.constant 16 : i32
        %dma_wait3A_887 = arith.constant 0 : i32
        %dma_wait3A_888 = tpu.memref_slice %arg12[%dma_wait3A_886, %dma_wait3A_887] : memref<80x16xf32, #tpu.memory_space<vmem>> -> memref<16x16xf32, #tpu.memory_space<vmem>>
        %dma_wait3A_889 = arith.constant 0 : i32
        %dma_wait3A_890 = arith.constant 0 : i32
        %dma_wait3A_891 = tpu.memref_slice %arg13[%dma_wait3A_889, %dma_wait3A_890] : memref<10000x16xf32, #tpu.memory_space<vmem_shared>> -> memref<10000x16xf32, #tpu.memory_space<vmem_shared>>
        tpu.wait_indirect_dma semaphore(%run_scoped3A : memref<!tpu.dma_semaphore, #tpu.memory_space<semaphore_mem>>) src(%dma_wait3A_888 : memref<16x16xf32, #tpu.memory_space<vmem>>) dst(%dma_wait3A_891 : memref<10000x16xf32, #tpu.memory_space<vmem_shared>>)
        tpu.yield
      }) : () -> ()
      %get3A_873 = arith.constant 32 : index
      %get3A_874 = tpu.vector_load %arg8[%get3A_873] {strides = array<i32>} : memref<80xi32, #tpu.memory_space<vmem>>, vector<16xi32>,
      "tpu.region"() ({
        %run_scoped3A = tpu.sem_alloc : memref<!tpu.dma_semaphore, #tpu.memory_space<semaphore_mem>>
        %dma_start3A_880 = arith.constant 32 : i32
        %dma_start3A_881 = arith.constant 0 : i32
        %dma_start3A_882 = tpu.memref_slice %arg12[%dma_start3A_880, %dma_start3A_881] : memref<80x16xf32, #tpu.memory_space<vmem>> -> memref<16x16xf32, #tpu.memory_space<vmem>>
        %dma_start3A_883 = arith.constant 0 : i32
        %dma_start3A_884 = arith.constant 0 : i32
        %dma_start3A_885 = tpu.memref_slice %arg13[%dma_start3A_883, %dma_start3A_884] : memref<10000x16xf32, #tpu.memory_space<vmem_shared>> -> memref<10000x16xf32, #tpu.memory_space<vmem_shared>>
        tpu.enqueue_indirect_dma source(%dma_start3A_882 : memref<16x16xf32, #tpu.memory_space<vmem>>) target(%dma_start3A_885 : memref<10000x16xf32, #tpu.memory_space<vmem_shared>>) offsets(%get3A_874 : vector<16xi32>) semaphore(%run_scoped3A : memref<!tpu.dma_semaphore, #tpu.memory_space<semaphore_mem>>) {add = true}
        %dma_wait3A_886 = arith.constant 32 : i32
        %dma_wait3A_887 = arith.constant 0 : i32
        %dma_wait3A_888 = tpu.memref_slice %arg12[%dma_wait3A_886, %dma_wait3A_887] : memref<80x16xf32, #tpu.memory_space<vmem>> -> memref<16x16xf32, #tpu.memory_space<vmem>>
        %dma_wait3A_889 = arith.constant 0 : i32
        %dma_wait3A_890 = arith.constant 0 : i32
        %dma_wait3A_891 = tpu.memref_slice %arg13[%dma_wait3A_889, %dma_wait3A_890] : memref<10000x16xf32, #tpu.memory_space<vmem_shared>> -> memref<10000x16xf32, #tpu.memory_space<vmem_shared>>
        tpu.wait_indirect_dma semaphore(%run_scoped3A : memref<!tpu.dma_semaphore, #tpu.memory_space<semaphore_mem>>) src(%dma_wait3A_888 : memref<16x16xf32, #tpu.memory_space<vmem>>) dst(%dma_wait3A_891 : memref<10000x16xf32, #tpu.memory_space<vmem_shared>>)
        tpu.yield
      }) : () -> ()
      %get3A_875 = arith.constant 48 : index
      %get3A_876 = tpu.vector_load %arg8[%get3A_875] {strides = array<i32>} : memref<80xi32, #tpu.memory_space<vmem>>, vector<16xi32>,
      "tpu.region"() ({
        %run_scoped3A = tpu.sem_alloc : memref<!tpu.dma_semaphore, #tpu.memory_space<semaphore_mem>>
        %dma_start3A_880 = arith.constant 48 : i32
        %dma_start3A_881 = arith.constant 0 : i32
        %dma_start3A_882 = tpu.memref_slice %arg12[%dma_start3A_880, %dma_start3A_881] : memref<80x16xf32, #tpu.memory_space<vmem>> -> memref<16x16xf32, #tpu.memory_space<vmem>>
        %dma_start3A_883 = arith.constant 0 : i32
        %dma_start3A_884 = arith.constant 0 : i32
        %dma_start3A_885 = tpu.memref_slice %arg13[%dma_start3A_883, %dma_start3A_884] : memref<10000x16xf32, #tpu.memory_space<vmem_shared>> -> memref<10000x16xf32, #tpu.memory_space<vmem_shared>>
        tpu.enqueue_indirect_dma source(%dma_start3A_882 : memref<16x16xf32, #tpu.memory_space<vmem>>) target(%dma_start3A_885 : memref<10000x16xf32, #tpu.memory_space<vmem_shared>>) offsets(%get3A_876 : vector<16xi32>) semaphore(%run_scoped3A : memref<!tpu.dma_semaphore, #tpu.memory_space<semaphore_mem>>) {add = true}
        %dma_wait3A_886 = arith.constant 48 : i32
        %dma_wait3A_887 = arith.constant 0 : i32
        %dma_wait3A_888 = tpu.memref_slice %arg12[%dma_wait3A_886, %dma_wait3A_887] : memref<80x16xf32, #tpu.memory_space<vmem>> -> memref<16x16xf32, #tpu.memory_space<vmem>>
        %dma_wait3A_889 = arith.constant 0 : i32
        %dma_wait3A_890 = arith.constant 0 : i32
        %dma_wait3A_891 = tpu.memref_slice %arg13[%dma_wait3A_889, %dma_wait3A_890] : memref<10000x16xf32, #tpu.memory_space<vmem_shared>> -> memref<10000x16xf32, #tpu.memory_space<vmem_shared>>
        tpu.wait_indirect_dma semaphore(%run_scoped3A : memref<!tpu.dma_semaphore, #tpu.memory_space<semaphore_mem>>) src(%dma_wait3A_888 : memref<16x16xf32, #tpu.memory_space<vmem>>) dst(%dma_wait3A_891 : memref<10000x16xf32, #tpu.memory_space<vmem_shared>>)
        tpu.yield
      }) : () -> ()
      %get3A_877 = arith.constant 64 : index
      %get3A_878 = tpu.vector_load %arg8[%get3A_877] {strides = array<i32>} : memref<80xi32, #tpu.memory_space<vmem>>, vector<16xi32>,
      "tpu.region"() ({
        %run_scoped3A = tpu.sem_alloc : memref<!tpu.dma_semaphore, #tpu.memory_space<semaphore_mem>>
        %dma_start3A_880 = arith.constant 64 : i32
        %dma_start3A_881 = arith.constant 0 : i32
        %dma_start3A_882 = tpu.memref_slice %arg12[%dma_start3A_880, %dma_start3A_881] : memref<80x16xf32, #tpu.memory_space<vmem>> -> memref<16x16xf32, #tpu.memory_space<vmem>>
        %dma_start3A_883 = arith.constant 0 : i32
        %dma_start3A_884 = arith.constant 0 : i32
        %dma_start3A_885 = tpu.memref_slice %arg13[%dma_start3A_883, %dma_start3A_884] : memref<10000x16xf32, #tpu.memory_space<vmem_shared>> -> memref<10000x16xf32, #tpu.memory_space<vmem_shared>>
        tpu.enqueue_indirect_dma source(%dma_start3A_882 : memref<16x16xf32, #tpu.memory_space<vmem>>) target(%dma_start3A_885 : memref<10000x16xf32, #tpu.memory_space<vmem_shared>>) offsets(%get3A_878 : vector<16xi32>) semaphore(%run_scoped3A : memref<!tpu.dma_semaphore, #tpu.memory_space<semaphore_mem>>) {add = true}
        %dma_wait3A_886 = arith.constant 64 : i32
        %dma_wait3A_887 = arith.constant 0 : i32
        %dma_wait3A_888 = tpu.memref_slice %arg12[%dma_wait3A_886, %dma_wait3A_887] : memref<80x16xf32, #tpu.memory_space<vmem>> -> memref<16x16xf32, #tpu.memory_space<vmem>>
        %dma_wait3A_889 = arith.constant 0 : i32
        %dma_wait3A_890 = arith.constant 0 : i32
        %dma_wait3A_891 = tpu.memref_slice %arg13[%dma_wait3A_889, %dma_wait3A_890] : memref<10000x16xf32, #tpu.memory_space<vmem_shared>> -> memref<10000x16xf32, #tpu.memory_space<vmem_shared>>
        tpu.wait_indirect_dma semaphore(%run_scoped3A : memref<!tpu.dma_semaphore, #tpu.memory_space<semaphore_mem>>) src(%dma_wait3A_888 : memref<16x16xf32, #tpu.memory_space<vmem>>) dst(%dma_wait3A_891 : memref<10000x16xf32, #tpu.memory_space<vmem_shared>>)
        tpu.yield
      }) : () -> ()
      %scan3A_879 = arith.constant 0 : i32
      scf.yield %scan3A_879 : i32
    }
    %scan3A_497 = arith.constant 125 : i32
    %barrier3A_498 = arith.constant 0 : index
    tpu.barrier barrier_id(%barrier3A_498)
    "tpu.region"() ({
      %run_scoped3A = tpu.sem_alloc : memref<!tpu.dma_semaphore, #tpu.memory_space<semaphore_mem>>
      %dma_start3A = arith.constant 0 : i32
      %dma_start3A_499 = tpu.memref_slice %arg6[%arg0, %mul3A_0, %dma_start3A] : memref<2x10000x16xf32, #tpu.memory_space<hbm>> -> memref<1x625x16xf32, #tpu.memory_space<hbm>>
      %dma_start3A_500 = tpu.memref_squeeze %dma_start3A_499 : memref<1x625x16xf32, #tpu.memory_space<hbm>> -> memref<625x16xf32, #tpu.memory_space<hbm>>
      %dma_start3A_501 = arith.constant 0 : i32
      %dma_start3A_502 = tpu.memref_slice %arg13[%mul3A_0, %dma_start3A_501] : memref<10000x16xf32, #tpu.memory_space<vmem_shared>> -> memref<625x16xf32, #tpu.memory_space<vmem_shared>>
      tpu.enqueue_dma source(%dma_start3A_502 : memref<625x16xf32, #tpu.memory_space<vmem_shared>>) target(%dma_start3A_500 : memref<625x16xf32, #tpu.memory_space<hbm>>) target_semaphore(%run_scoped3A : memref<!tpu.dma_semaphore, #tpu.memory_space<semaphore_mem>>)
      %dma_wait3A = arith.constant 0 : i32
      %dma_wait3A_503 = tpu.memref_slice %arg6[%arg0, %mul3A_0, %dma_wait3A] : memref<2x10000x16xf32, #tpu.memory_space<hbm>> -> memref<1x625x16xf32, #tpu.memory_space<hbm>>
      %dma_wait3A_504 = tpu.memref_squeeze %dma_wait3A_503 : memref<1x625x16xf32, #tpu.memory_space<hbm>> -> memref<625x16xf32, #tpu.memory_space<hbm>>
      %dma_wait3A_505 = arith.constant 0 : i32
      %dma_wait3A_506 = tpu.memref_slice %arg13[%mul3A_0, %dma_wait3A_505] : memref<10000x16xf32, #tpu.memory_space<vmem_shared>> -> memref<625x16xf32, #tpu.memory_space<vmem_shared>>
      tpu.wait_dma2 semaphore(%run_scoped3A : memref<!tpu.dma_semaphore, #tpu.memory_space<semaphore_mem>>) src(%dma_wait3A_506 : memref<625x16xf32, #tpu.memory_space<vmem_shared>>) dst(%dma_wait3A_504 : memref<625x16xf32, #tpu.memory_space<hbm>>)
      tpu.yield
    }) : () -> ()
    return
  }
}

module attributes {stable_mosaic.version = 14 : i64} {
  func.func @_tc1_body(%arg0: i32, %arg1: memref<1000x128xf32, #tpu.memory_space<vmem>>, %arg2: memref<128x384xf32, #tpu.memory_space<vmem>>, %arg3: memref<384x16xf32, #tpu.memory_space<vmem>>, %arg4: memref<1000x384xf32, #tpu.memory_space<vmem>>, %arg5: memref<1000x16xf32, #tpu.memory_space<vmem>>) attributes {dimension_semantics = [#tpu.dimension_semantics<arbitrary>], iteration_bounds = array<i64: 10>, scalar_prefetch = 0 : i64, scratch_operands = 0 : i64, tpu.core_type = #tpu.core_type<tc>, window_params = [{transform_indices = @transform_0, window_bounds = array<i64: 1000, 128>}, {pipeline_mode = #tpu.pipeline_mode<synchronous>, transform_indices = @transform_1, window_bounds = array<i64: 128, 384>}, {pipeline_mode = #tpu.pipeline_mode<synchronous>, transform_indices = @transform_2, window_bounds = array<i64: 384, 16>}, {transform_indices = @transform_3, window_bounds = array<i64: 1000, 384>}, {transform_indices = @transform_4, window_bounds = array<i64: 1000, 16>}]} {
    %get3A = arith.constant 0 : index
    %get3A_0 = arith.constant 0 : index
    %get3A_1 = vector.load %arg1[%get3A, %get3A_0] : memref<1000x128xf32, #tpu.memory_space<vmem>>, vector<1000x128xf32>
    %get3A_2 = arith.constant 0 : index
    %get3A_3 = arith.constant 0 : index
    %get3A_4 = vector.load %arg2[%get3A_2, %get3A_3] : memref<128x384xf32, #tpu.memory_space<vmem>>, vector<128x384xf32>
    %dot_general3A = arith.constant dense<0.000000e+00> : vector<1000x384xf32>
    %dot_general3A_5 = tpu.matmul %get3A_1, %get3A_4, %dot_general3A {dimension_numbers = #tpu.dot_dimension_numbers<[1], [0], [0], [1], [0, 0, 1, 1], [], []>, precision = #tpu.contract_precision<fp32>, transpose_lhs_hint = false} : vector<1000x128xf32>, vector<128x384xf32>, vector<1000x384xf32> -> vector<1000x384xf32>
    %swap3A = arith.constant 0 : index
    %swap3A_6 = arith.constant 0 : index
    %swap3A_7 = vector.load %arg4[%swap3A, %swap3A_6] : memref<1000x384xf32, #tpu.memory_space<vmem>>, vector<1000x384xf32>
    tpu.vector_store %arg4[%swap3A, %swap3A_6], %dot_general3A_5 {strides = array<i32>} : memref<1000x384xf32, #tpu.memory_space<vmem>>, vector<1000x384xf32>,
    %get3A_8 = arith.constant 0 : index
    %get3A_9 = arith.constant 0 : index
    %get3A_10 = vector.load %arg3[%get3A_8, %get3A_9] : memref<384x16xf32, #tpu.memory_space<vmem>>, vector<384x16xf32>
    %dot_general3A_11 = arith.constant dense<0.000000e+00> : vector<1000x16xf32>
    %dot_general3A_12 = tpu.matmul %dot_general3A_5, %get3A_10, %dot_general3A_11 {dimension_numbers = #tpu.dot_dimension_numbers<[1], [0], [0], [1], [0, 0, 1, 1], [], []>, precision = #tpu.contract_precision<fp32>, transpose_lhs_hint = false} : vector<1000x384xf32>, vector<384x16xf32>, vector<1000x16xf32> -> vector<1000x16xf32>
    %swap3A_13 = arith.constant 0 : index
    %swap3A_14 = arith.constant 0 : index
    %swap3A_15 = vector.load %arg5[%swap3A_13, %swap3A_14] : memref<1000x16xf32, #tpu.memory_space<vmem>>, vector<1000x16xf32>
    tpu.vector_store %arg5[%swap3A_13, %swap3A_14], %dot_general3A_12 {strides = array<i32>} : memref<1000x16xf32, #tpu.memory_space<vmem>>, vector<1000x16xf32>,
    return
  }
  func.func @transform_0(%arg0: i32) -> (i32, i32) {
    %c0_i32 = arith.constant 0 : i32
    %c0_i32_0 = arith.constant 0 : i32
    return %arg0, %c0_i32 : i32, i32
  }
  func.func @transform_1(%arg0: i32) -> (i32, i32) {
    %c0_i32 = arith.constant 0 : i32
    %c0_i32_0 = arith.constant 0 : i32
    %c0_i32_1 = arith.constant 0 : i32
    return %c0_i32, %c0_i32_0 : i32, i32
  }
  func.func @transform_2(%arg0: i32) -> (i32, i32) {
    %c0_i32 = arith.constant 0 : i32
    %c0_i32_0 = arith.constant 0 : i32
    %c0_i32_1 = arith.constant 0 : i32
    return %c0_i32, %c0_i32_0 : i32, i32
  }
  func.func @transform_3(%arg0: i32) -> (i32, i32) {
    %c0_i32 = arith.constant 0 : i32
    %c0_i32_0 = arith.constant 0 : i32
    return %arg0, %c0_i32 : i32, i32
  }
  func.func @transform_4(%arg0: i32) -> (i32, i32) {
    %c0_i32 = arith.constant 0 : i32
    %c0_i32_0 = arith.constant 0 : i32
    return %arg0, %c0_i32 : i32, i32
  }
}

module attributes {stable_mosaic.version = 14 : i64} {
  func.func @_tc2_body(%arg0: i32, %arg1: memref<1000x192xf32, #tpu.memory_space<vmem>>, %arg2: memref<1000x192xf32, #tpu.memory_space<vmem>>, %arg3: memref<1000x16xf32, #tpu.memory_space<vmem>>, %arg4: memref<1000x16xf32, #tpu.memory_space<vmem>>, %arg5: memref<384x128xf32, #tpu.memory_space<vmem>>, %arg6: memref<1x128xf32, #tpu.memory_space<vmem>>, %arg7: memref<1000x128xf32, #tpu.memory_space<vmem>>) attributes {dimension_semantics = [#tpu.dimension_semantics<arbitrary>], iteration_bounds = array<i64: 10>, scalar_prefetch = 0 : i64, scratch_operands = 0 : i64, tpu.core_type = #tpu.core_type<tc>, window_params = [{transform_indices = @transform_0, window_bounds = array<i64: 1000, 192>}, {transform_indices = @transform_1, window_bounds = array<i64: 1000, 192>}, {transform_indices = @transform_2, window_bounds = array<i64: 1000, 16>}, {transform_indices = @transform_3, window_bounds = array<i64: 1000, 16>}, {pipeline_mode = #tpu.pipeline_mode<synchronous>, transform_indices = @transform_4, window_bounds = array<i64: 384, 128>}, {pipeline_mode = #tpu.pipeline_mode<synchronous>, transform_indices = @transform_5, window_bounds = array<i64: 1, 128>}, {transform_indices = @transform_6, window_bounds = array<i64: 1000, 128>}]} {
    %get3A = arith.constant 0 : index
    %get3A_0 = arith.constant 0 : index
    %get3A_1 = vector.load %arg1[%get3A, %get3A_0] : memref<1000x192xf32, #tpu.memory_space<vmem>>, vector<1000x192xf32>
    %get3A_2 = arith.constant 0 : index
    %get3A_3 = arith.constant 0 : index
    %get3A_4 = vector.load %arg2[%get3A_2, %get3A_3] : memref<1000x192xf32, #tpu.memory_space<vmem>>, vector<1000x192xf32>
    %get3A_5 = arith.constant 0 : index
    %get3A_6 = arith.constant 0 : index
    %get3A_7 = vector.load %arg3[%get3A_5, %get3A_6] : memref<1000x16xf32, #tpu.memory_space<vmem>>, vector<1000x3xf32>
    %get3A_8 = arith.constant 0 : index
    %get3A_9 = arith.constant 0 : index
    %get3A_10 = vector.load %arg4[%get3A_8, %get3A_9] : memref<1000x16xf32, #tpu.memory_space<vmem>>, vector<1000x3xf32>
    %add3A = arith.addf %get3A_7, %get3A_10 : vector<1000x3xf32>
    %add3A_11 = arith.constant 9.99999971E-10 : f32
    %add3A_12 = vector.broadcast %add3A_11 : f32 to vector<1000x3xf32>
    %add3A_13 = arith.addf %add3A, %add3A_12 : vector<1000x3xf32>
    %div3A = arith.constant 1.000000e+00 : f32
    %div3A_14 = vector.broadcast %div3A : f32 to vector<1000x3xf32>
    %div3A_15 = arith.divf %div3A_14, %add3A_13 : vector<1000x3xf32>
    %slice3A = vector.extract_strided_slice %get3A_1 {offsets = [0, 0], sizes = [1000, 128], strides = [1, 1]} : vector<1000x192xf32> to vector<1000x128xf32>
    %slice3A_16 = vector.extract_strided_slice %div3A_15 {offsets = [0, 0], sizes = [1000, 1], strides = [1, 1]} : vector<1000x3xf32> to vector<1000x1xf32>
    %mul3A = vector.broadcast %slice3A_16 : vector<1000x1xf32> to vector<1000x128xf32>
    %mul3A_17 = arith.mulf %slice3A, %mul3A : vector<1000x128xf32>
    %ge3A = arith.constant 0.000000e+00 : f32
    %ge3A_18 = vector.broadcast %ge3A : f32 to vector<1000x128xf32>
    %ge3A_19 = arith.cmpf oge, %mul3A_17, %ge3A_18 : vector<1000x128xf32>
    %mul3A_20 = arith.constant 0.00999999977 : f32
    %mul3A_21 = vector.broadcast %mul3A_20 : f32 to vector<1000x128xf32>
    %mul3A_22 = arith.mulf %mul3A_17, %mul3A_21 : vector<1000x128xf32>
    %select_n3A = arith.select %ge3A_19, %mul3A_17, %mul3A_22 : vector<1000x128xi1>, vector<1000x128xf32>
    %slice3A_23 = vector.extract_strided_slice %get3A_1 {offsets = [0, 128], sizes = [1000, 64], strides = [1, 1]} : vector<1000x192xf32> to vector<1000x64xf32>
    %slice3A_24 = vector.extract_strided_slice %div3A_15 {offsets = [0, 1], sizes = [1000, 1], strides = [1, 1]} : vector<1000x3xf32> to vector<1000x1xf32>
    %mul3A_25 = vector.broadcast %slice3A_24 : vector<1000x1xf32> to vector<1000x64xf32>
    %mul3A_26 = arith.mulf %slice3A_23, %mul3A_25 : vector<1000x64xf32>
    %ge3A_27 = arith.constant 0.000000e+00 : f32
    %ge3A_28 = vector.broadcast %ge3A_27 : f32 to vector<1000x64xf32>
    %ge3A_29 = arith.cmpf oge, %mul3A_26, %ge3A_28 : vector<1000x64xf32>
    %mul3A_30 = arith.constant 0.00999999977 : f32
    %mul3A_31 = vector.broadcast %mul3A_30 : f32 to vector<1000x64xf32>
    %mul3A_32 = arith.mulf %mul3A_26, %mul3A_31 : vector<1000x64xf32>
    %select_n3A_33 = arith.select %ge3A_29, %mul3A_26, %mul3A_32 : vector<1000x64xi1>, vector<1000x64xf32>
    %slice3A_34 = vector.extract_strided_slice %get3A_4 {offsets = [0, 0], sizes = [1000, 64], strides = [1, 1]} : vector<1000x192xf32> to vector<1000x64xf32>
    %slice3A_35 = vector.extract_strided_slice %div3A_15 {offsets = [0, 1], sizes = [1000, 1], strides = [1, 1]} : vector<1000x3xf32> to vector<1000x1xf32>
    %mul3A_36 = vector.broadcast %slice3A_35 : vector<1000x1xf32> to vector<1000x64xf32>
    %mul3A_37 = arith.mulf %slice3A_34, %mul3A_36 : vector<1000x64xf32>
    %ge3A_38 = arith.constant 0.000000e+00 : f32
    %ge3A_39 = vector.broadcast %ge3A_38 : f32 to vector<1000x64xf32>
    %ge3A_40 = arith.cmpf oge, %mul3A_37, %ge3A_39 : vector<1000x64xf32>
    %mul3A_41 = arith.constant 0.00999999977 : f32
    %mul3A_42 = vector.broadcast %mul3A_41 : f32 to vector<1000x64xf32>
    %mul3A_43 = arith.mulf %mul3A_37, %mul3A_42 : vector<1000x64xf32>
    %select_n3A_44 = arith.select %ge3A_40, %mul3A_37, %mul3A_43 : vector<1000x64xi1>, vector<1000x64xf32>
    %slice3A_45 = vector.extract_strided_slice %get3A_4 {offsets = [0, 64], sizes = [1000, 128], strides = [1, 1]} : vector<1000x192xf32> to vector<1000x128xf32>
    %slice3A_46 = vector.extract_strided_slice %div3A_15 {offsets = [0, 2], sizes = [1000, 1], strides = [1, 1]} : vector<1000x3xf32> to vector<1000x1xf32>
    %mul3A_47 = vector.broadcast %slice3A_46 : vector<1000x1xf32> to vector<1000x128xf32>
    %mul3A_48 = arith.mulf %slice3A_45, %mul3A_47 : vector<1000x128xf32>
    %ge3A_49 = arith.constant 0.000000e+00 : f32
    %ge3A_50 = vector.broadcast %ge3A_49 : f32 to vector<1000x128xf32>
    %ge3A_51 = arith.cmpf oge, %mul3A_48, %ge3A_50 : vector<1000x128xf32>
    %mul3A_52 = arith.constant 0.00999999977 : f32
    %mul3A_53 = vector.broadcast %mul3A_52 : f32 to vector<1000x128xf32>
    %mul3A_54 = arith.mulf %mul3A_48, %mul3A_53 : vector<1000x128xf32>
    %select_n3A_55 = arith.select %ge3A_51, %mul3A_48, %mul3A_54 : vector<1000x128xi1>, vector<1000x128xf32>
    %get3A_56 = arith.constant 0 : index
    %get3A_57 = arith.constant 0 : index
    %get3A_58 = vector.load %arg5[%get3A_56, %get3A_57] : memref<384x128xf32, #tpu.memory_space<vmem>>, vector<128x128xf32>
    %dot_general3A = arith.constant dense<0.000000e+00> : vector<1000x128xf32>
    %dot_general3A_59 = tpu.matmul %select_n3A, %get3A_58, %dot_general3A {dimension_numbers = #tpu.dot_dimension_numbers<[1], [0], [0], [1], [0, 0, 1, 1], [], []>, precision = #tpu.contract_precision<fp32>, transpose_lhs_hint = false} : vector<1000x128xf32>, vector<128x128xf32>, vector<1000x128xf32> -> vector<1000x128xf32>
    %get3A_60 = arith.constant 128 : index
    %get3A_61 = arith.constant 0 : index
    %get3A_62 = vector.load %arg5[%get3A_60, %get3A_61] : memref<384x128xf32, #tpu.memory_space<vmem>>, vector<64x128xf32>
    %dot_general3A_63 = arith.constant dense<0.000000e+00> : vector<1000x128xf32>
    %dot_general3A_64 = tpu.matmul %select_n3A_33, %get3A_62, %dot_general3A_63 {dimension_numbers = #tpu.dot_dimension_numbers<[1], [0], [0], [1], [0, 0, 1, 1], [], []>, precision = #tpu.contract_precision<fp32>, transpose_lhs_hint = false} : vector<1000x64xf32>, vector<64x128xf32>, vector<1000x128xf32> -> vector<1000x128xf32>
    %add3A_65 = arith.addf %dot_general3A_59, %dot_general3A_64 : vector<1000x128xf32>
    %get3A_66 = arith.constant 192 : index
    %get3A_67 = arith.constant 0 : index
    %get3A_68 = vector.load %arg5[%get3A_66, %get3A_67] : memref<384x128xf32, #tpu.memory_space<vmem>>, vector<64x128xf32>
    %dot_general3A_69 = arith.constant dense<0.000000e+00> : vector<1000x128xf32>
    %dot_general3A_70 = tpu.matmul %select_n3A_44, %get3A_68, %dot_general3A_69 {dimension_numbers = #tpu.dot_dimension_numbers<[1], [0], [0], [1], [0, 0, 1, 1], [], []>, precision = #tpu.contract_precision<fp32>, transpose_lhs_hint = false} : vector<1000x64xf32>, vector<64x128xf32>, vector<1000x128xf32> -> vector<1000x128xf32>
    %add3A_71 = arith.addf %add3A_65, %dot_general3A_70 : vector<1000x128xf32>
    %get3A_72 = arith.constant 256 : index
    %get3A_73 = arith.constant 0 : index
    %get3A_74 = vector.load %arg5[%get3A_72, %get3A_73] : memref<384x128xf32, #tpu.memory_space<vmem>>, vector<128x128xf32>
    %dot_general3A_75 = arith.constant dense<0.000000e+00> : vector<1000x128xf32>
    %dot_general3A_76 = tpu.matmul %select_n3A_55, %get3A_74, %dot_general3A_75 {dimension_numbers = #tpu.dot_dimension_numbers<[1], [0], [0], [1], [0, 0, 1, 1], [], []>, precision = #tpu.contract_precision<fp32>, transpose_lhs_hint = false} : vector<1000x128xf32>, vector<128x128xf32>, vector<1000x128xf32> -> vector<1000x128xf32>
    %add3A_77 = arith.addf %add3A_71, %dot_general3A_76 : vector<1000x128xf32>
    %get3A_78 = arith.constant 0 : index
    %get3A_79 = arith.constant 0 : index
    %get3A_80 = vector.load %arg6[%get3A_78, %get3A_79] : memref<1x128xf32, #tpu.memory_space<vmem>>, vector<1x128xf32>
    %add3A_81 = vector.broadcast %get3A_80 : vector<1x128xf32> to vector<1000x128xf32>
    %add3A_82 = arith.addf %add3A_77, %add3A_81 : vector<1000x128xf32>
    %swap3A = arith.constant 0 : index
    %swap3A_83 = arith.constant 0 : index
    %swap3A_84 = vector.load %arg7[%swap3A, %swap3A_83] : memref<1000x128xf32, #tpu.memory_space<vmem>>, vector<1000x128xf32>
    tpu.vector_store %arg7[%swap3A, %swap3A_83], %add3A_82 {strides = array<i32>} : memref<1000x128xf32, #tpu.memory_space<vmem>>, vector<1000x128xf32>,
    return
  }
  func.func @transform_0(%arg0: i32) -> (i32, i32) {
    %c0_i32 = arith.constant 0 : i32
    %c0_i32_0 = arith.constant 0 : i32
    return %arg0, %c0_i32 : i32, i32
  }
  func.func @transform_1(%arg0: i32) -> (i32, i32) {
    %c0_i32 = arith.constant 0 : i32
    %c0_i32_0 = arith.constant 0 : i32
    return %arg0, %c0_i32 : i32, i32
  }
  func.func @transform_2(%arg0: i32) -> (i32, i32) {
    %c0_i32 = arith.constant 0 : i32
    %c0_i32_0 = arith.constant 0 : i32
    return %arg0, %c0_i32 : i32, i32
  }
  func.func @transform_3(%arg0: i32) -> (i32, i32) {
    %c0_i32 = arith.constant 0 : i32
    %c0_i32_0 = arith.constant 0 : i32
    return %arg0, %c0_i32 : i32, i32
  }
  func.func @transform_4(%arg0: i32) -> (i32, i32) {
    %c0_i32 = arith.constant 0 : i32
    %c0_i32_0 = arith.constant 0 : i32
    %c0_i32_1 = arith.constant 0 : i32
    return %c0_i32, %c0_i32_0 : i32, i32
  }
  func.func @transform_5(%arg0: i32) -> (i32, i32) {
    %c0_i32 = arith.constant 0 : i32
    %c0_i32_0 = arith.constant 0 : i32
    %c0_i32_1 = arith.constant 0 : i32
    return %c0_i32, %c0_i32_0 : i32, i32
  }
  func.func @transform_6(%arg0: i32) -> (i32, i32) {
    %c0_i32 = arith.constant 0 : i32
    %c0_i32_0 = arith.constant 0 : i32
    return %arg0, %c0_i32 : i32, i32
  }
}

</mosaic_0001>

<sc_bundles>
// kernel: kernel.6.cloned.1.call-start
scs
__scs_entry_jumppad:
0x0: {  	(pc) =	sbr.rel $0x88, $3  }
0x1: {  	(tag) =	ssettag $0x0;
	lr =	simm.s32 $0x1  }
0x2: {  	[smem:$0x3F9A] =	sst lr;
	_ =	strace $0xD0000000  }
0x3: {  	_ = 	snop  }
0x4: {  	_ = 	snop  }
0x5: {  	_ = 	snop  }
0x6: {  	_ = 	snop  }
0x7: {  	_ = 	snop  }
__scs_overlays_trampoline_lowered:
0x8: {  	[smem:$0x3FA9] =	sst s0  }
0x9: {  	[smem:$0x3FAA] =	sst s1  }
0xa: {  	[smem:$0x3FAB] =	sst s2  }
0xb: {  	[smem:$0x3FAC] =	sst s3  }
0xc: {  	[smem:$0x3FAD] =	sst s4  }
0xd: {  	[smem:$0x3FAE] =	sst s5  }
0xe: {  	[smem:$0x3FAF] =	sst s6  }
0xf: {  	[smem:$0x3FB0] =	sst s7  }
0x10: {  	[smem:$0x3FB1] =	sst s8  }
0x11: {  	[smem:$0x3FB2] =	sst s9;
	s0 =	simm.s32 @!p0 $0x0  }
0x12: {  	s1 =	sld [smem:$0x3F98];
	s0 =	simm.s32 @p0 $0x1  }
0x13: {  	[smem:$0x3FB3] =	sst s0;
	s0 =	simm.s32 @!p1 $0x0  }
0x14: {  	s2 =	sld [smem:$0x3F97];
	s0 =	simm.s32 @p1 $0x1  }
0x15: {  	[smem:$0x3FB4] =	sst s0;
	s0 =	simm.s32 @!p2 $0x0  }
0x16: {  	s3 =	sld [smem:$0x3FDB];
	s0 =	simm.s32 @p2 $0x1  }
0x17: {  	s4 =	simm.s32 $0x1BF5;
	[smem:$0x3FB6] =	sst s0  }
0x18: {  	s0 =	sld [smem:$0x3F99];
	_ =	swait.ge [sflag:s4], $0x0  }
0x19: {  	s7 =	sld [smem:$0x3F9A]  }
0x1a: {  	s8 =	sadd.s32 $0xFFFFE003, lr  }
0x1b: {  	s9 =	sadd.s32 $0xFFFFFEF7, lr;
	s5 =	simm.s32 $0xFFFFFFFF;
	p2 =	slt.u32 s8, $0xFFFFF086  }
0x1c: {  	p1 =	slt.u32 s9, $0xF7A;
	s5 =	simm.s32 @!p2 $0x0  }
0x1d: {  	s5 =	simm.s32 @p1 $0x1;
	p0 =	seq.s32 s7, s2  }
0x1e: {  	s7 =	smul.u32 @!p0 $0xF7A, s2;
	p2 =	seq.s32 @!p0 s5, $0x0  }
0x1f: {  	s9 =	smul.u32 $0xF7A, s1;
	s8 =	simm.s32 @!p0 $0x1BF5;
	p2 =	por !p2, p0  }
0x20: {  	[sflag:s8] =	ssyncset.s32 @!p0 $0xFFFFF086;
	s6 =	sadd.s32 @!p0 s3, s7;
	s7 =	simm.s32 @!p0 $0x108  }
0x21: {  	s3 =	sadd.s32 s3, s9;
	s6 =	sadd.s32 @!p0 $0x88, s6;
	s7 =	simm.s32 @p2 $0x1082  }
0x22: {  	[simem:s7], [sflag:s8] =	dma.local @!p0 [hbm:s6], $0xF7A  }
0x23: {  	s9 =	sor.u32 $0xD0000000, s2;
	s6 =	simm.s32 $0x108;
	_ =	swait.ge @!p0 [sflag:s8], $0x0  }
0x24: {  	s3 =	sadd.s32 $0x88, s3;
	s6 =	simm.s32 @!p1 $0x1082;
	[sflag:s4] =	ssyncset.s32 $0xFFFFF086  }
0x25: {  	[simem:s6], [sflag:s4] =	dma.local [hbm:s3], $0xF7A  }
0x26: {  	[smem:$0x3F9A] =	sst s1;
	(tag) =	ssettag s2;
	_ =	strace s9  }
0x27: {  	s1 =	sld [smem:$0x3FAA]  }
0x28: {  	s2 =	sld [smem:$0x3FAB]  }
0x29: {  	s4 =	sld [smem:$0x3FAD]  }
0x2a: {  	p0 =	seq.s32 s5, $0x0;
	s5 =	sld [smem:$0x3FAE]  }
0x2b: {  	s6 =	sld [smem:$0x3FAF]  }
0x2c: {  	s7 =	sld [smem:$0x3FB0]  }
0x2d: {  	s3 =	simm.s32 $0x108;
	s8 =	sld [smem:$0x3FB1]  }
0x2e: {  	s3 =	simm.s32 @!p0 $0x1082;
	s9 =	sld [smem:$0x3FB2]  }
0x2f: {  	lr =	sadd.s32 s0, s3;
	s0 =	sld [smem:$0x3FA9]  }
0x30: {  	s3 =	sld [smem:$0x3FAC]  }
0x31: {  	[smem:$0x3FB5] =	sst s10  }
0x32: {  	s10 =	sld [smem:$0x3FB3];
	_ =	sdelay $0x3  }
0x33: {  	p0 =	seq.s32 s10, $0x1;
	s10 =	sld [smem:$0x3FB5];
	_ =	sdelay $0x3  }
0x34: {  	[smem:$0x3FB5] =	sst s10  }
0x35: {  	s10 =	sld [smem:$0x3FB4];
	_ =	sdelay $0x3  }
0x36: {  	p1 =	seq.s32 s10, $0x1;
	s10 =	sld [smem:$0x3FB5];
	_ =	sdelay $0x3  }
0x37: {  	[smem:$0x3FB5] =	sst s10  }
0x38: {  	s10 =	sld [smem:$0x3FB6]  }
0x39: {  	_ = 	snop;
	(pc) =	sbr.ind lr, $3  }
0x3a: {  	_ = 	snop  }
0x3b: {  	_ = 	snop  }
0x3c: {  	p2 =	seq.s32 s10, $0x1;
	s10 =	sld [smem:$0x3FB5]  }
0x3d: {  	_ =	shalt  }
0x3e: {  	_ =	shalt  }
0x3f: {  	_ =	shalt  }
0x40: {  	_ =	shalt  }
0x41: {  	_ =	shalt  }
0x42: {  	_ =	shalt  }
0x43: {  	_ =	shalt  }
0x44: {  	_ =	shalt  }
0x45: {  	_ =	shalt  }
0x46: {  	_ =	shalt  }
0x47: {  	_ =	shalt  }
0x48: {  	_ =	shalt  }
0x49: {  	_ =	shalt  }
0x4a: {  	_ =	shalt  }
0x4b: {  	_ =	shalt  }
0x4c: {  	_ =	shalt  }
0x4d: {  	_ =	shalt  }
0x4e: {  	_ =	shalt  }
0x4f: {  	_ =	shalt  }
0x50: {  	_ =	shalt  }
0x51: {  	_ =	shalt  }
0x52: {  	_ =	shalt  }
0x53: {  	_ =	shalt  }
0x54: {  	_ =	shalt  }
0x55: {  	_ =	shalt  }
0x56: {  	_ =	shalt  }
0x57: {  	_ =	shalt  }
0x58: {  	_ =	shalt  }
0x59: {  	_ =	shalt  }
0x5a: {  	_ =	shalt  }
0x5b: {  	_ =	shalt  }
0x5c: {  	_ =	shalt  }
0x5d: {  	_ =	shalt  }
0x5e: {  	_ =	shalt  }
0x5f: {  	_ =	shalt  }
0x60: {  	_ =	shalt  }
0x61: {  	_ =	shalt  }
0x62: {  	_ =	shalt  }
0x63: {  	_ =	shalt  }
0x64: {  	_ =	shalt  }
0x65: {  	_ =	shalt  }
0x66: {  	_ =	shalt  }
0x67: {  	_ =	shalt  }
0x68: {  	_ =	shalt  }
0x69: {  	_ =	shalt  }
0x6a: {  	_ =	shalt  }
0x6b: {  	_ =	shalt  }
0x6c: {  	_ =	shalt  }
0x6d: {  	_ =	shalt  }
0x6e: {  	_ =	shalt  }
0x6f: {  	_ =	shalt  }
0x70: {  	_ =	shalt  }
0x71: {  	_ =	shalt  }
0x72: {  	_ =	shalt  }
0x73: {  	_ =	shalt  }
0x74: {  	_ =	shalt  }
0x75: {  	_ =	shalt  }
0x76: {  	_ =	shalt  }
0x77: {  	_ =	shalt  }
0x78: {  	_ =	shalt  }
0x79: {  	_ =	shalt  }
0x7a: {  	_ =	shalt  }
0x7b: {  	_ =	shalt  }
0x7c: {  	_ =	shalt  }
0x7d: {  	_ =	shalt  }
0x7e: {  	_ =	shalt  }
0x7f: {  	_ =	shalt  }
0x80: {  	_ =	shalt  }
0x81: {  	_ =	shalt  }
0x82: {  	_ =	shalt  }
0x83: {  	_ =	shalt  }
0x84: {  	_ =	shalt  }
0x85: {  	_ =	shalt  }
0x86: {  	_ =	shalt  }
0x87: {  	_ =	shalt  }
.Lfunc_end0:
.L_simem_size_0:
called_computation_lowered:
.L_overlay_start_0:
0x88: {  	s2 =	sld [smem:$0x3FD9]  }
0x89: {  	s3 =	sld [smem:$0x3FFE];
	_ =	sdelay $0x1  }
0x8a: {  	s1 =	srdreg.scid  }
0x8b: {  	s0 =	sand.u32 $0x1, s1  }
0x8c: {  	s17 =	sshll.u32 s0, $0xA;
	s2 =	sadd.s32 s3, s2  }
0x8d: {  	s2 =	sadd.s32 s2, s17  }
0x8e: {  	[smem:$0x3FC1] =	sst s2  }
0x8f: {  	_ = 	snop  }
0x90: {  	s2 =	sld [smem:$0x3FD0];
	(tm) =	ssettm $0x1  }
0x91: {  	s18 =	sld [smem:$0x3FFB];
	_ =	sdelay $0x3  }
0x92: {  	_ =	strace s18  }
0x93: {  	s3 =	sld [smem:$0x3FFC];
	_ =	sdelay $0x3  }
0x94: {  	_ =	strace s3  }
0x95: {  	s3 =	sld [smem:$0x3FFD];
	_ =	sdelay $0x3  }
0x96: {  	_ =	strace s3  }
0x97: {  	_ =	strace $0x8FFFFFFF  }
0x98: {  	s19 =	sld [smem:$0x3FDB];
	_ =	sdelay $0x1  }
0x99: {  	s4 =	simm.s32 $_scs_section_size  }
0x9a: {  	s5 =	simm.s32 $_size__tile_overlayer_lowered;
	s6 =	simm.s32 $_tile_overlayer_lowered  }
0x9b: {  	s22 =	simm.s32 $0x1BFF;
	s21 =	sshll.u32 s6, $0x1;
	s3 =	sadd.s32 s4, s19  }
0x9c: {  	s7 =	simm.s32 $0x0;
	s20 =	sshll.u32 s5, $0x1;
	s5 =	sadd.s32 s21, s3  }
0x9d: {  	[timem:s7], [sflag:s22] =	dma.local [hbm:s5], s20  }
0x9e: {  	_ =	swait.ge [sflag:s22], s20  }
0x9f: {  	s4 =	ssub.s32 $0x0, s20;
	[sflag:s22] =	ssyncset.done $0x0  }
0xa0: {  	[sflag:s22] =	ssyncadd.s32 s4;
	_ =	sdelay $0x1  }
0xa1: {  	s23 =	simm.s32 $0x1B8B  }
0xa2: {  	_ =	swait.ge [sflag:s23], $0x1  }
0xa3: {  	[sflag:s23] =	ssyncset.done $0x0  }
0xa4: {  	s25 =	simm.s32 $0x1B8E;
	s24 =	sld [smem:$0x3FFE];
	[sflag:s23] =	ssyncadd.s32 $0xFFFFFFFF  }
0xa5: {  	s26 =	simm.s32 $execute0_lowered;
	[smem:$0x3FD2] =	sst s25  }
0xa6: {  	s5 =	sshll.u32 s26, $0x1;
	_ =	strace $0x80000046;
	[dreg:$0x1] =	wrdreg $0xFFFFFFFF  }
0xa7: {  	s28 =	simm.s32 $_size_execute0_lowered;
	s3 =	sadd.s32 s3, s5;
	[dreg:$0x0] =	wrdreg $0x0  }
0xa8: {  	s5 =	sshll.u32 s28, $0x1;
	[dreg:$0x2] =	wrdreg s3  }
0xa9: {  	[dreg:$0x3] =	wrdreg s5  }
0xaa: {  	[dreg:$0x4] =	wrdreg $0xC0  }
0xab: {  	_ =	task [dreg:s7], $0x5FFFF  }
0xac: {  	[dreg:$0x1] =	wrdreg $0xFFFFFFFF  }
0xad: {  	[dreg:$0x0] =	wrdreg $0x60  }
0xae: {  	[dreg:$0x2] =	wrdreg s24  }
0xaf: {  	[dreg:$0x3] =	wrdreg s2  }
0xb0: {  	[dreg:$0x4] =	wrdreg $0x12200  }
0xb1: {  	[dreg:$0x5] =	wrdreg $0x9  }
0xb2: {  	_ =	task.clear_ibuf [dreg:s7], $0x6FFFF;
	_ =	strace $0x90000046  }
0xb3: {  	s29 =	simm.s32 $0x9;
	_ =	strace $0x80000048  }
0xb4: {  	_ =	swait.ge [sflag:s29], $0x1  }
0xb5: {  	[sflag:s29] =	ssyncadd.s32 $0xFFFFFFFF  }
0xb6: {  	_ =	strace $0x90000048  }
0xb7: {  	_ =	sfence  }
0xb8: {  	s30 =	sld [smem:$0x0];
	_ =	sdelay $0x2  }
0xb9: {  	s31 =	sshll.u32 s1, $0xD;
	s1 =	sshrl.u32 s1, $0x2  }
0xba: {  	s3 =	sand.u32 $0x4000, s31;
	s1 =	sadd.s32 s1, s30  }
0xbb: {  	s0 =	sor.u32 s3, s0;
	s1 =	sshll.u32 s1, $0x11  }
0xbc: {  	s0 =	sor.u32 s1, s0  }
0xbd: {  	s0 =	sadd.s32 $0x8F2B, s0  }
0xbe: {  	[sflag:s0] =	ssyncadd.remote.s32 $0x1  }
0xbf: {  	_ =	sfence.sel $0xFFFF  }
0xc0: {  	[dreg:$0x0] =	wrdreg $0xFFFFFFFF;
	(pc) =	sbr.abs _section_cstart, $3  }
0xc1: {  	[dreg:$0x1] =	wrdreg $0xFFFFFFFF  }
0xc2: {  	_ =	task.clear_ibuf [dreg:s7], $0x2FFFF;
	_ =	strace $0x9FFFFFFF  }
0xc3: {  	(tm) =	ssettm $0x7FFFFFFF  }
tec
execute0_lowered:
.L_overlay_start_1:
0x0: {  	(tag) =	ssettag $0x1  }
0x1: {  	v1 =	vlaneseq.u32  }
0x2: {  	v0 =	vmul.u32 $0x10, v1  }
0x3: {  	s5 =	rddreg [dreg:$0x0];
	v1 =	vmul.u32 $0x8, v1  }
0x4: {  	s9 =	rddreg [dreg:$0x1];
	v2 =	vimm.f32 $0.0e+00;
	vm0 =	vmmov $0xffff;
	v3 =	vor.u32 $0x3, v0  }
0x5: {  	s1 =	rddreg [dreg:$0x2];
	v4 =	vor.u32 $0x1, v0;
	v5 =	vor.u32 $0x4, v0;
	v6 =	vor.u32 $0x1, v1  }
0x6: {  	s2 =	srdreg.scid;
	s0 =	rddreg [dreg:$0x3];
	s3 =	simm.s32 $0x0;
	v7 =	vor.u32 $0x2, v0;
	v8 =	vor.u32 $0x5, v0;
	v9 =	vor.u32 $0x2, v1  }
0x7: {  	s15 =	simm.s32 $0x1;
	s16 =	simm.s32 $0x5A0;
	s17 =	simm.s32 $0xAA0;
	v10 =	vor.u32 $0x100, v0;
	v11 =	vor.u32 $0x103, v0;
	v12 =	vor.u32 $0x80, v1  }
0x8: {  	s18 =	simm.s32 $0xE20;
	s19 =	simm.s32 $0xF20;
	s20 =	simm.s32 $0x1020;
	v13 =	vor.u32 $0x101, v0;
	v14 =	vor.u32 $0x104, v0;
	v15 =	vor.u32 $0x81, v1  }
0x9: {  	s21 =	simm.s32 $0x1120;
	s6 =	sand.u32 $0x1, s2;
	s2 =	stileid.u32;
	v16 =	vor.u32 $0x102, v0;
	v17 =	vor.u32 $0x105, v0;
	v18 =	vor.u32 $0x82, v1  }
0xa: {  	s23 =	simm.s32 $0x0;
	[smem:$0x7FF] =	sst s3;
	s7 =	smul.u32 $0x27100, s6;
	v19 =	vor.u32 $0x200, v0;
	v20 =	vor.u32 $0x203, v0;
	v21 =	vor.u32 $0x100, v1  }
0xb: {  	s4 =	sadd.s32 $0x76C00, s5;
	s8 =	smul.u32 $0x2710, s2;
	s6 =	ssub.s32 $0x2, s6;
	v22 =	vor.u32 $0x201, v0;
	v23 =	vor.u32 $0x204, v0;
	v24 =	vor.u32 $0x101, v1  }
0xc: {  	_ =	strace $0x80000047;
	s12 =	smul.u32 $0x9C40, s2;
	s11 =	sshrl.u32 s6, $0x1;
	v25 =	vor.u32 $0x202, v0;
	v26 =	vor.u32 $0x205, v0;
	v27 =	vor.u32 $0x102, v1  }
0xd: {  	v28 =	vor.u32 $0x300, v0;
	v29 =	vor.u32 $0x303, v0;
	v30 =	vor.u32 $0x180, v1;
	s7 =	sadd.s32 s8, s7;
	s6 =	ssub.s32 s6, s11;
	s22 =	sadd.s32 s8, s1  }
0xe: {  	v31 =	vor.u32 $0x301, v0;
	v32 =	vor.u32 $0x304, v0;
	v33 =	vor.u32 $0x181, v1;
	s31 =	sshrl.u32 s12, $0x2;
	s11 =	simm.s32 $0xD20;
	s12 =	simm.s32 $0x2  }
0xf: {  	v34 =	vor.u32 $0x302, v0;
	v35 =	vor.u32 $0x305, v0;
	v36 =	vor.u32 $0x182, v1;
	s10 =	sshrl.u32 s7, $0x3;
	s14 =	sadd.s32 s7, s5;
	s6 =	smax.u32 s6, $0x1  }
0x10: {  	v37 =	vor.u32 $0x400, v0;
	v38 =	vor.u32 $0x403, v0;
	v39 =	vor.u32 $0x200, v1;
	s7 =	sadd.s32 s31, s1;
	s22 =	sshrl.u32 s22, $0x3;
	s13 =	sadd.s32 s10, s5  }
0x11: {  	v40 =	vor.u32 $0x401, v0;
	v41 =	vor.u32 $0x404, v0;
	v42 =	vor.u32 $0x201, v1;
	s8 =	sadd.s32 $0x8F800, s14;
	s9 =	sadd.s32 s10, s9;
	s14 =	simm.s32 $0xA0  }
0x12: {  	v43 =	vor.u32 $0x402, v0;
	v44 =	vor.u32 $0x405, v0;
	v45 =	vor.u32 $0x202, v1;
	s5 =	sadd.s32 $0x85A00, s13;
	s10 =	sadd.s32 $0x7BC00, s13;
	s13 =	simm.s32 $0x50  }
.LBB2_1:
0x13: {  	[tilespmem:$0xD20] =	vst v2  }
0x14: {  	[tilespmem:$0xD30] =	vst v2  }
0x15: {  	[tilespmem:$0xD40] =	vst v2  }
0x16: {  	[tilespmem:$0xD50] =	vst v2  }
0x17: {  	[tilespmem:$0xD60] =	vst v2  }
0x18: {  	[tilespmem:$0xD70] =	vst v2  }
0x19: {  	[tilespmem:$0xD80] =	vst v2  }
0x1a: {  	[tilespmem:$0xD90] =	vst v2  }
0x1b: {  	[tilespmem:$0xDA0] =	vst v2  }
0x1c: {  	[tilespmem:$0xDB0] =	vst v2  }
0x1d: {  	[tilespmem:$0xDC0] =	vst v2  }
0x1e: {  	[tilespmem:$0xDD0] =	vst v2  }
0x1f: {  	[tilespmem:$0xDE0] =	vst v2  }
0x20: {  	[tilespmem:$0xDF0] =	vst v2  }
0x21: {  	[tilespmem:$0xE00] =	vst v2  }
0x22: {  	[tilespmem:$0xE10] =	vst v2  }
0x23: {  	[tilespmem:$0xE20] =	vst v2  }
0x24: {  	[tilespmem:$0xE30] =	vst v2  }
0x25: {  	[tilespmem:$0xE40] =	vst v2  }
0x26: {  	[tilespmem:$0xE50] =	vst v2  }
0x27: {  	[tilespmem:$0xE60] =	vst v2  }
0x28: {  	[tilespmem:$0xE70] =	vst v2  }
0x29: {  	[tilespmem:$0xE80] =	vst v2  }
0x2a: {  	[tilespmem:$0xE90] =	vst v2  }
0x2b: {  	[tilespmem:$0xEA0] =	vst v2  }
0x2c: {  	[tilespmem:$0xEB0] =	vst v2  }
0x2d: {  	[tilespmem:$0xEC0] =	vst v2  }
0x2e: {  	[tilespmem:$0xED0] =	vst v2  }
0x2f: {  	[tilespmem:$0xEE0] =	vst v2  }
0x30: {  	[tilespmem:$0xEF0] =	vst v2  }
0x31: {  	[tilespmem:$0xF00] =	vst v2  }
0x32: {  	[tilespmem:$0xF10] =	vst v2  }
0x33: {  	[tilespmem:$0xF20] =	vst v2  }
0x34: {  	[tilespmem:$0xF30] =	vst v2  }
0x35: {  	[tilespmem:$0xF40] =	vst v2  }
0x36: {  	[tilespmem:$0xF50] =	vst v2  }
0x37: {  	[tilespmem:$0xF60] =	vst v2  }
0x38: {  	[tilespmem:$0xF70] =	vst v2  }
0x39: {  	[tilespmem:$0xF80] =	vst v2  }
0x3a: {  	[tilespmem:$0xF90] =	vst v2  }
0x3b: {  	[tilespmem:$0xFA0] =	vst v2  }
0x3c: {  	[tilespmem:$0xFB0] =	vst v2  }
0x3d: {  	[tilespmem:$0xFC0] =	vst v2  }
0x3e: {  	[tilespmem:$0xFD0] =	vst v2  }
0x3f: {  	[tilespmem:$0xFE0] =	vst v2  }
0x40: {  	[tilespmem:$0xFF0] =	vst v2  }
0x41: {  	[tilespmem:$0x1000] =	vst v2  }
0x42: {  	[tilespmem:$0x1010] =	vst v2  }
0x43: {  	[tilespmem:$0x1020] =	vst v2  }
0x44: {  	[tilespmem:$0x1030] =	vst v2  }
0x45: {  	[tilespmem:$0x1040] =	vst v2  }
0x46: {  	[tilespmem:$0x1050] =	vst v2  }
0x47: {  	[tilespmem:$0x1060] =	vst v2  }
0x48: {  	[tilespmem:$0x1070] =	vst v2  }
0x49: {  	[tilespmem:$0x1080] =	vst v2  }
0x4a: {  	[tilespmem:$0x1090] =	vst v2  }
0x4b: {  	[tilespmem:$0x10A0] =	vst v2  }
0x4c: {  	[tilespmem:$0x10B0] =	vst v2  }
0x4d: {  	[tilespmem:$0x10C0] =	vst v2  }
0x4e: {  	[tilespmem:$0x10D0] =	vst v2  }
0x4f: {  	[tilespmem:$0x10E0] =	vst v2  }
0x50: {  	[tilespmem:$0x10F0] =	vst v2  }
0x51: {  	[tilespmem:$0x1100] =	vst v2  }
0x52: {  	[tilespmem:$0x1110] =	vst v2  }
0x53: {  	[tilespmem:$0x1120] =	vst v2  }
0x54: {  	[tilespmem:$0x1130] =	vst v2  }
0x55: {  	[tilespmem:$0x1140] =	vst v2  }
0x56: {  	[tilespmem:$0x1150] =	vst v2  }
0x57: {  	[tilespmem:$0x1160] =	vst v2  }
0x58: {  	[tilespmem:$0x1170] =	vst v2  }
0x59: {  	[tilespmem:$0x1180] =	vst v2  }
0x5a: {  	[tilespmem:$0x1190] =	vst v2  }
0x5b: {  	[tilespmem:$0x11A0] =	vst v2  }
0x5c: {  	[tilespmem:$0x11B0] =	vst v2  }
0x5d: {  	[tilespmem:$0x11C0] =	vst v2  }
0x5e: {  	[tilespmem:$0x11D0] =	vst v2  }
0x5f: {  	[tilespmem:$0x11E0] =	vst v2  }
0x60: {  	[tilespmem:$0x11F0] =	vst v2  }
0x61: {  	[tilespmem:$0x1200] =	vst v2  }
0x62: {  	[tilespmem:$0x1210] =	vst v2;
	s24 =	sadd.s32 $0x0, s7  }
0x63: {  	[spmem:s24] =	stream.linear.scatter [tilespmem:s11], [sflag:$0x2], $0x190, $0x38;
	[tilespmem:$0x3930] =	vst v63  }
0x64: {  	s24 =	simm.s32 $0x640;
	_ =	swait.ge [sflag:s12], $0x190  }
.LBB2_2:
0x65: {  	s25 =	sshra.s32 s24, $0x2;
	[sflag:s12] =	ssyncset.done $0x0;
	p0 =	sne.s32 s24, $0x9600  }
.Ltmp0:
0x66: {  	s25 =	sadd.s32 s25, s7;
	[sflag:s12] =	ssyncadd.s32 $0xFFFFFE70;
	(pc) =	sbr.rel @p0 .LBB2_2-.Ltmp0, $3  }
0x67: {  	[spmem:s25] =	stream.linear.scatter [tilespmem:s11], [sflag:$0x2], $0x190, $0x38;
	[tilespmem:$0x3930] =	vst v63  }
0x68: {  	s24 =	sadd.s32 $0x640, s24;
	_ =	sdelay $0x1  }
0x69: {  	_ =	swait.ge [sflag:s12], $0x190  }
0x6a: {  	[sflag:s12] =	ssyncset.done $0x0  }
0x6b: {  	[sflag:s12] =	ssyncadd.s32 $0xFFFFFE70  }
0x6c: {  	s24 =	simm.s32 $0x0;
	s25 =	smov.u32 s8;
	[bflag:$0x0] =	sbarrier.arrive $0xFFFF  }
.LBB2_4:
0x6d: {  	s26 =	sadd.s32 s24, s10  }
0x6e: {  	[tilespmem:s3], [sflag:$0x2] =	stream.linear.gather [hbm4b:s26+s3], $0x50, $0x38;
	[tilespmem:$0x3930] =	vst v63  }
0x6f: {  	_ =	swait.ge [sflag:s12], $0x50  }
0x70: {  	[sflag:s12] =	ssyncset.done $0x0  }
0x71: {  	s31 =	sadd.s32 s24, s9;
	[sflag:s12] =	ssyncadd.s32 $0xFFFFFFB0  }
0x72: {  	[tilespmem:s13], [sflag:$0x2] =	stream.linear.gather [hbm4b:s31+s3], $0x50, $0x38;
	[tilespmem:$0x3930] =	vst v63  }
0x73: {  	_ =	swait.ge [sflag:s12], $0x50  }
0x74: {  	[sflag:s12] =	ssyncset.done $0x0  }
0x75: {  	[sflag:s12] =	ssyncadd.s32 $0xFFFFFFB0  }
0x76: {  	[tilespmem:s14], [sflag:$0x1] =	stream.indirect.gather [hbm4b:s4+s13], $0x10, s3, s13, $0xb8;
	[tilespmem:$0x3930] =	vst v63  }
0x77: {  	_ =	swait.ge [sflag:s15], $0x500  }
0x78: {  	[sflag:s15] =	ssyncset.done $0x0  }
0x79: {  	[sflag:s15] =	ssyncadd.s32 $0xFFFFFB00  }
0x7a: {  	[tilespmem:s16], [sflag:$0x1] =	stream.indirect.gather [hbm4b:s4+s13], $0x10, s13, s13, $0xb8;
	[tilespmem:$0x3930] =	vst v63  }
0x7b: {  	_ =	swait.ge [sflag:s15], $0x500  }
0x7c: {  	[sflag:s15] =	ssyncset.done $0x0  }
0x7d: {  	[sflag:s15] =	ssyncadd.s32 $0xFFFFFB00  }
0x7e: {  	v46 =	vld.idx.msk [tilespmem:v0+s14+$0x0], $0xffff  }
0x7f: {  	v47 =	vld.idx.msk [tilespmem:v3+s16+$0x0], $0xffff;
	_ =	sdelay $0x4  }
0x80: {  	v46 =	vadd.f32 v47, v46;
	_ =	sdelay $0x1  }
0x81: {  	v47 =	vmul.f32 $2.000000030e-01, v46  }
0x82: {  	vm1 =	vge.f32 v46, $0.0e+00  }
0x83: {  	v46 =	vsel vm1, v46, v47  }
0x84: {  	v46 =	vmul.f32 $1.442695020e+00, v46;
	_ =	sdelay $0x1  }
0x85: {  	(erf) = vpow2.f32 v46;
	_ =	sdelay $0x8  }
0x86: {  	v46 =	vpop (erf)  }
0x87: {  	[tilespmem:v1+s17+$0x0] =	vst.idx.msk $0xffff, v46  }
0x88: {  	[tilespmem:v0+s11+$0x0] =	vst.idx.msk $0xffff, v46  }
0x89: {  	v46 =	vld.idx.msk [tilespmem:v4+s14+$0x0], $0xffff  }
0x8a: {  	v61 =	vld.idx.msk [tilespmem:v5+s16+$0x0], $0xffff;
	_ =	sdelay $0x4  }
0x8b: {  	v46 =	vadd.f32 v61, v46;
	_ =	sdelay $0x1  }
0x8c: {  	v47 =	vmul.f32 $2.000000030e-01, v46  }
0x8d: {  	vm1 =	vge.f32 v46, $0.0e+00  }
0x8e: {  	v46 =	vsel vm1, v46, v47  }
0x8f: {  	v46 =	vmul.f32 $1.442695020e+00, v46;
	_ =	sdelay $0x1  }
0x90: {  	(erf) = vpow2.f32 v46;
	_ =	sdelay $0x8  }
0x91: {  	v46 =	vpop (erf)  }
0x92: {  	[tilespmem:v6+s17+$0x0] =	vst.idx.msk $0xffff, v46  }
0x93: {  	[tilespmem:v4+s11+$0x0] =	vst.idx.msk $0xffff, v46  }
0x94: {  	v46 =	vld.idx.msk [tilespmem:v7+s14+$0x0], $0xffff  }
0x95: {  	v62 =	vld.idx.msk [tilespmem:v8+s16+$0x0], $0xffff;
	_ =	sdelay $0x4  }
0x96: {  	v46 =	vadd.f32 v62, v46;
	_ =	sdelay $0x1  }
0x97: {  	v47 =	vmul.f32 $2.000000030e-01, v46  }
0x98: {  	vm1 =	vge.f32 v46, $0.0e+00  }
0x99: {  	v46 =	vsel vm1, v46, v47  }
0x9a: {  	v46 =	vmul.f32 $1.442695020e+00, v46;
	_ =	sdelay $0x1  }
0x9b: {  	(erf) = vpow2.f32 v46;
	_ =	sdelay $0x8  }
0x9c: {  	v46 =	vpop (erf)  }
0x9d: {  	[tilespmem:v9+s17+$0x0] =	vst.idx.msk $0xffff, v46  }
0x9e: {  	[tilespmem:v7+s11+$0x0] =	vst.idx.msk $0xffff, v46  }
0x9f: {  	v46 =	vld.idx.msk [tilespmem:v10+s14+$0x0], $0xffff  }
0xa0: {  	v63 =	vld.idx.msk [tilespmem:v11+s16+$0x0], $0xffff;
	_ =	sdelay $0x4  }
0xa1: {  	v46 =	vadd.f32 v63, v46;
	_ =	sdelay $0x1  }
0xa2: {  	v47 =	vmul.f32 $2.000000030e-01, v46  }
0xa3: {  	vm1 =	vge.f32 v46, $0.0e+00  }
0xa4: {  	v46 =	vsel vm1, v46, v47  }
0xa5: {  	v46 =	vmul.f32 $1.442695020e+00, v46;
	_ =	sdelay $0x1  }
0xa6: {  	(erf) = vpow2.f32 v46;
	_ =	sdelay $0x8  }
0xa7: {  	v46 =	vpop (erf)  }
0xa8: {  	[tilespmem:v12+s17+$0x0] =	vst.idx.msk $0xffff, v46  }
0xa9: {  	[tilespmem:v10+s11+$0x0] =	vst.idx.msk $0xffff, v46  }
0xaa: {  	v46 =	vld.idx.msk [tilespmem:v13+s14+$0x0], $0xffff  }
0xab: {  	v48 =	vld.idx.msk [tilespmem:v14+s16+$0x0], $0xffff;
	_ =	sdelay $0x4  }
0xac: {  	v46 =	vadd.f32 v48, v46;
	_ =	sdelay $0x1  }
0xad: {  	v47 =	vmul.f32 $2.000000030e-01, v46  }
0xae: {  	vm1 =	vge.f32 v46, $0.0e+00  }
0xaf: {  	v46 =	vsel vm1, v46, v47  }
0xb0: {  	v46 =	vmul.f32 $1.442695020e+00, v46;
	_ =	sdelay $0x1  }
0xb1: {  	(erf) = vpow2.f32 v46;
	_ =	sdelay $0x8  }
0xb2: {  	v46 =	vpop (erf)  }
0xb3: {  	[tilespmem:v15+s17+$0x0] =	vst.idx.msk $0xffff, v46  }
0xb4: {  	[tilespmem:v13+s11+$0x0] =	vst.idx.msk $0xffff, v46  }
0xb5: {  	v46 =	vld.idx.msk [tilespmem:v16+s14+$0x0], $0xffff  }
0xb6: {  	v49 =	vld.idx.msk [tilespmem:v17+s16+$0x0], $0xffff;
	_ =	sdelay $0x4  }
0xb7: {  	v46 =	vadd.f32 v49, v46;
	_ =	sdelay $0x1  }
0xb8: {  	v47 =	vmul.f32 $2.000000030e-01, v46  }
0xb9: {  	vm1 =	vge.f32 v46, $0.0e+00  }
0xba: {  	v46 =	vsel vm1, v46, v47  }
0xbb: {  	v46 =	vmul.f32 $1.442695020e+00, v46;
	_ =	sdelay $0x1  }
0xbc: {  	(erf) = vpow2.f32 v46;
	_ =	sdelay $0x8  }
0xbd: {  	v46 =	vpop (erf)  }
0xbe: {  	[tilespmem:v18+s17+$0x0] =	vst.idx.msk $0xffff, v46  }
0xbf: {  	[tilespmem:v16+s11+$0x0] =	vst.idx.msk $0xffff, v46  }
0xc0: {  	v46 =	vld.idx.msk [tilespmem:v19+s14+$0x0], $0xffff  }
0xc1: {  	v50 =	vld.idx.msk [tilespmem:v20+s16+$0x0], $0xffff;
	_ =	sdelay $0x4  }
0xc2: {  	v46 =	vadd.f32 v50, v46;
	_ =	sdelay $0x1  }
0xc3: {  	v47 =	vmul.f32 $2.000000030e-01, v46  }
0xc4: {  	vm1 =	vge.f32 v46, $0.0e+00  }
0xc5: {  	v46 =	vsel vm1, v46, v47  }
0xc6: {  	v46 =	vmul.f32 $1.442695020e+00, v46;
	_ =	sdelay $0x1  }
0xc7: {  	(erf) = vpow2.f32 v46;
	_ =	sdelay $0x8  }
0xc8: {  	v46 =	vpop (erf)  }
0xc9: {  	[tilespmem:v21+s17+$0x0] =	vst.idx.msk $0xffff, v46  }
0xca: {  	[tilespmem:v19+s11+$0x0] =	vst.idx.msk $0xffff, v46  }
0xcb: {  	v46 =	vld.idx.msk [tilespmem:v22+s14+$0x0], $0xffff  }
0xcc: {  	v51 =	vld.idx.msk [tilespmem:v23+s16+$0x0], $0xffff;
	_ =	sdelay $0x4  }
0xcd: {  	v46 =	vadd.f32 v51, v46;
	_ =	sdelay $0x1  }
0xce: {  	v47 =	vmul.f32 $2.000000030e-01, v46  }
0xcf: {  	vm1 =	vge.f32 v46, $0.0e+00  }
0xd0: {  	v46 =	vsel vm1, v46, v47  }
0xd1: {  	v46 =	vmul.f32 $1.442695020e+00, v46;
	_ =	sdelay $0x1  }
0xd2: {  	(erf) = vpow2.f32 v46;
	_ =	sdelay $0x8  }
0xd3: {  	v46 =	vpop (erf)  }
0xd4: {  	[tilespmem:v24+s17+$0x0] =	vst.idx.msk $0xffff, v46  }
0xd5: {  	[tilespmem:v22+s11+$0x0] =	vst.idx.msk $0xffff, v46  }
0xd6: {  	v46 =	vld.idx.msk [tilespmem:v25+s14+$0x0], $0xffff  }
0xd7: {  	v52 =	vld.idx.msk [tilespmem:v26+s16+$0x0], $0xffff;
	_ =	sdelay $0x4  }
0xd8: {  	v46 =	vadd.f32 v52, v46;
	_ =	sdelay $0x1  }
0xd9: {  	v47 =	vmul.f32 $2.000000030e-01, v46  }
0xda: {  	vm1 =	vge.f32 v46, $0.0e+00  }
0xdb: {  	v46 =	vsel vm1, v46, v47  }
0xdc: {  	v46 =	vmul.f32 $1.442695020e+00, v46;
	_ =	sdelay $0x1  }
0xdd: {  	(erf) = vpow2.f32 v46;
	_ =	sdelay $0x8  }
0xde: {  	v46 =	vpop (erf)  }
0xdf: {  	[tilespmem:v27+s17+$0x0] =	vst.idx.msk $0xffff, v46  }
0xe0: {  	[tilespmem:v25+s11+$0x0] =	vst.idx.msk $0xffff, v46  }
0xe1: {  	v46 =	vld.idx.msk [tilespmem:v28+s14+$0x0], $0xffff  }
0xe2: {  	v53 =	vld.idx.msk [tilespmem:v29+s16+$0x0], $0xffff;
	_ =	sdelay $0x4  }
0xe3: {  	v46 =	vadd.f32 v53, v46;
	_ =	sdelay $0x1  }
0xe4: {  	v47 =	vmul.f32 $2.000000030e-01, v46  }
0xe5: {  	vm1 =	vge.f32 v46, $0.0e+00  }
0xe6: {  	v46 =	vsel vm1, v46, v47  }
0xe7: {  	v46 =	vmul.f32 $1.442695020e+00, v46;
	_ =	sdelay $0x1  }
0xe8: {  	(erf) = vpow2.f32 v46;
	_ =	sdelay $0x8  }
0xe9: {  	v46 =	vpop (erf)  }
0xea: {  	[tilespmem:v30+s17+$0x0] =	vst.idx.msk $0xffff, v46  }
0xeb: {  	[tilespmem:v28+s11+$0x0] =	vst.idx.msk $0xffff, v46  }
0xec: {  	v46 =	vld.idx.msk [tilespmem:v31+s14+$0x0], $0xffff  }
0xed: {  	v54 =	vld.idx.msk [tilespmem:v32+s16+$0x0], $0xffff;
	_ =	sdelay $0x4  }
0xee: {  	v46 =	vadd.f32 v54, v46;
	_ =	sdelay $0x1  }
0xef: {  	v47 =	vmul.f32 $2.000000030e-01, v46  }
0xf0: {  	vm1 =	vge.f32 v46, $0.0e+00  }
0xf1: {  	v46 =	vsel vm1, v46, v47  }
0xf2: {  	v46 =	vmul.f32 $1.442695020e+00, v46;
	_ =	sdelay $0x1  }
0xf3: {  	(erf) = vpow2.f32 v46;
	_ =	sdelay $0x8  }
0xf4: {  	v46 =	vpop (erf)  }
0xf5: {  	[tilespmem:v33+s17+$0x0] =	vst.idx.msk $0xffff, v46  }
0xf6: {  	[tilespmem:v31+s11+$0x0] =	vst.idx.msk $0xffff, v46  }
0xf7: {  	v46 =	vld.idx.msk [tilespmem:v34+s14+$0x0], $0xffff  }
0xf8: {  	v55 =	vld.idx.msk [tilespmem:v35+s16+$0x0], $0xffff;
	_ =	sdelay $0x4  }
0xf9: {  	v46 =	vadd.f32 v55, v46;
	_ =	sdelay $0x1  }
0xfa: {  	v47 =	vmul.f32 $2.000000030e-01, v46  }
0xfb: {  	vm1 =	vge.f32 v46, $0.0e+00  }
0xfc: {  	v46 =	vsel vm1, v46, v47  }
0xfd: {  	v46 =	vmul.f32 $1.442695020e+00, v46;
	_ =	sdelay $0x1  }
0xfe: {  	(erf) = vpow2.f32 v46;
	_ =	sdelay $0x8  }
0xff: {  	v46 =	vpop (erf)  }
0x100: {  	[tilespmem:v36+s17+$0x0] =	vst.idx.msk $0xffff, v46  }
0x101: {  	[tilespmem:v34+s11+$0x0] =	vst.idx.msk $0xffff, v46  }
0x102: {  	v46 =	vld.idx.msk [tilespmem:v37+s14+$0x0], $0xffff  }
0x103: {  	v56 =	vld.idx.msk [tilespmem:v38+s16+$0x0], $0xffff;
	_ =	sdelay $0x4  }
0x104: {  	v46 =	vadd.f32 v56, v46;
	_ =	sdelay $0x1  }
0x105: {  	v47 =	vmul.f32 $2.000000030e-01, v46  }
0x106: {  	vm1 =	vge.f32 v46, $0.0e+00  }
0x107: {  	v46 =	vsel vm1, v46, v47  }
0x108: {  	v46 =	vmul.f32 $1.442695020e+00, v46;
	_ =	sdelay $0x1  }
0x109: {  	(erf) = vpow2.f32 v46;
	_ =	sdelay $0x8  }
0x10a: {  	v46 =	vpop (erf)  }
0x10b: {  	[tilespmem:v39+s17+$0x0] =	vst.idx.msk $0xffff, v46  }
0x10c: {  	[tilespmem:v37+s11+$0x0] =	vst.idx.msk $0xffff, v46  }
0x10d: {  	v46 =	vld.idx.msk [tilespmem:v40+s14+$0x0], $0xffff  }
0x10e: {  	v57 =	vld.idx.msk [tilespmem:v41+s16+$0x0], $0xffff;
	_ =	sdelay $0x4  }
0x10f: {  	v46 =	vadd.f32 v57, v46;
	_ =	sdelay $0x1  }
0x110: {  	v47 =	vmul.f32 $2.000000030e-01, v46  }
0x111: {  	vm1 =	vge.f32 v46, $0.0e+00  }
0x112: {  	v46 =	vsel vm1, v46, v47  }
0x113: {  	v46 =	vmul.f32 $1.442695020e+00, v46;
	_ =	sdelay $0x1  }
0x114: {  	(erf) = vpow2.f32 v46;
	_ =	sdelay $0x8  }
0x115: {  	v46 =	vpop (erf)  }
0x116: {  	[tilespmem:v42+s17+$0x0] =	vst.idx.msk $0xffff, v46  }
0x117: {  	[tilespmem:v40+s11+$0x0] =	vst.idx.msk $0xffff, v46  }
0x118: {  	v46 =	vld.idx.msk [tilespmem:v43+s14+$0x0], $0xffff  }
0x119: {  	v58 =	vld.idx.msk [tilespmem:v44+s16+$0x0], $0xffff;
	_ =	sdelay $0x4  }
0x11a: {  	v46 =	vadd.f32 v58, v46;
	_ =	sdelay $0x1  }
0x11b: {  	v47 =	vmul.f32 $2.000000030e-01, v46  }
0x11c: {  	vm1 =	vge.f32 v46, $0.0e+00  }
0x11d: {  	v46 =	vsel vm1, v46, v47  }
0x11e: {  	v46 =	vmul.f32 $1.442695020e+00, v46;
	_ =	sdelay $0x1  }
0x11f: {  	(erf) = vpow2.f32 v46;
	_ =	sdelay $0x8  }
0x120: {  	v46 =	vpop (erf)  }
0x121: {  	[tilespmem:v45+s17+$0x0] =	vst.idx.msk $0xffff, v46  }
0x122: {  	[tilespmem:v43+s11+$0x0] =	vst.idx.msk $0xffff, v46  }
0x123: {  	[hbm4b:s25+s3] =	stream.linear.scatter [tilespmem:s17], [sflag:$0x2], $0x280, $0x38;
	[tilespmem:$0x3930] =	vst v63  }
0x124: {  	_ =	swait.ge [sflag:s12], $0x280  }
0x125: {  	[sflag:s12] =	ssyncset.done $0x0  }
0x126: {  	[sflag:s12] =	ssyncadd.s32 $0xFFFFFD80  }
0x127: {  	v59 =	vld [tilespmem:$0x50];
	_ =	sdelay $0x7  }
0x128: {  	[spmem:s1] =	stream.indirect_vreg.scatter.add.f32 [tilespmem:s11], [sflag:$0x2], $0x10, v59, vm0, $0xb8;
	[tilespmem:$0x3930] =	vst v63  }
0x129: {  	_ =	swait.ge [sflag:s12], $0x100  }
0x12a: {  	[sflag:s12] =	ssyncset.done $0x0  }
0x12b: {  	[sflag:s12] =	ssyncadd.s32 $0xFFFFFF00  }
0x12c: {  	v60 =	vld [tilespmem:$0x60];
	_ =	sdelay $0x7  }
0x12d: {  	[spmem:s1] =	stream.indirect_vreg.scatter.add.f32 [tilespmem:s18], [sflag:$0x2], $0x10, v60, vm0, $0xb8;
	[tilespmem:$0x3930] =	vst v63  }
0x12e: {  	_ =	swait.ge [sflag:s12], $0x100  }
0x12f: {  	[sflag:s12] =	ssyncset.done $0x0  }
0x130: {  	[sflag:s12] =	ssyncadd.s32 $0xFFFFFF00  }
0x131: {  	v61 =	vld [tilespmem:$0x70];
	_ =	sdelay $0x7  }
0x132: {  	[spmem:s1] =	stream.indirect_vreg.scatter.add.f32 [tilespmem:s19], [sflag:$0x2], $0x10, v61, vm0, $0xb8;
	[tilespmem:$0x3930] =	vst v63  }
0x133: {  	_ =	swait.ge [sflag:s12], $0x100  }
0x134: {  	[sflag:s12] =	ssyncset.done $0x0  }
0x135: {  	[sflag:s12] =	ssyncadd.s32 $0xFFFFFF00  }
0x136: {  	v62 =	vld [tilespmem:$0x80];
	_ =	sdelay $0x7  }
0x137: {  	[spmem:s1] =	stream.indirect_vreg.scatter.add.f32 [tilespmem:s20], [sflag:$0x2], $0x10, v62, vm0, $0xb8;
	[tilespmem:$0x3930] =	vst v63  }
0x138: {  	_ =	swait.ge [sflag:s12], $0x100  }
0x139: {  	[sflag:s12] =	ssyncset.done $0x0  }
0x13a: {  	[sflag:s12] =	ssyncadd.s32 $0xFFFFFF00  }
0x13b: {  	v63 =	vld [tilespmem:$0x90];
	_ =	sdelay $0x5  }
0x13c: {  	p0 =	sne.s32 s24, $0x4D8  }
.Ltmp1:
0x13d: {  	_ = 	snop;
	(pc) =	sbr.rel @p0 .LBB2_4-.Ltmp1, $4  }
0x13e: {  	[spmem:s1] =	stream.indirect_vreg.scatter.add.f32 [tilespmem:s21], [sflag:$0x2], $0x10, v63, vm0, $0xb8;
	[tilespmem:$0x3930] =	vst v63  }
0x13f: {  	_ =	swait.ge [sflag:s12], $0x100  }
0x140: {  	[sflag:s12] =	ssyncset.done $0x0  }
0x141: {  	s24 =	sadd.s32 $0xA, s24;
	s25 =	sadd.s32 $0x50, s25;
	[sflag:s12] =	ssyncadd.s32 $0xFFFFFF00  }
0x142: {  	s23 =	sadd.s32 $0x1, s23  }
0x143: {  	s24 =	sshll.u32 s2, $0x6;
	p0 =	sne.s32 s23, s6  }
.Ltmp2:
0x144: {  	[bflag:$0x0] =	sbarrier.arrive $0xFFFF;
	s24 =	sor.u32 $0x1C02, s24;
	(pc) =	sbr.rel @p0 .LBB2_1-.Ltmp2, $4  }
0x145: {  	[hbm:s5], [sflag:s24] =	dma.local [spmem:s22], $0x4E2  }
0x146: {  	_ =	swait.ge [sflag:s12], $0x4E2  }
0x147: {  	[sflag:s12] =	ssyncset.done $0x0  }
0x148: {  	[sflag:s12] =	ssyncadd.s32 $0xFFFFFB1E  }
0x149: {  	_ =	sfence.sel $0x180000  }
0x14a: {  	[bflag:$0x0] =	sbarrier.arrive $0xFFFF  }
0x14b: {  	p0 =	sne.s32 s2, $0x0;
	_ =	strace $0x90000047  }
0x14c: {  	s0 =	sadd.s32 @!p0 $0x100000, s0;
	[bflag:$0x2] =	sbarrier.arrive $0xFFFF  }
0x14d: {  	[sflag:s0] =	ssyncadd.tile.s32 @!p0 $0x1;
	_ =	shalt  }
.Lfunc_end2:
_tile_overlayer_lowered:
.L_overlay_start_2:
0x14e: {  	(tag) =	ssettag $0x2  }
0x14f: {  	s0 =	rddreg [dreg:$0x0];
	s2 =	stileid.u32  }
0x150: {  	s1 =	rddreg [dreg:$0x1];
	p0 =	sne.s32 s2, $0x0  }
0x151: {  	s3 =	rddreg [dreg:$0x2];
	[bflag:$0x3] =	sbarrier.arrive $0xFFFF;
	s2 =	simm.s32 @!p0 $0x1C02  }
0x152: {  	[timem:s3], [sflag:s2] =	dma.local @!p0 [hbm:s0], s1  }
0x153: {  	s0 =	simm.s32 @!p0 $0x2  }
0x154: {  	_ =	swait.ge @!p0 [sflag:s0], s1  }
0x155: {  	s1 =	ssub.s32 @!p0 $0x0, s1;
	[sflag:s0] =	ssyncset.done @!p0 $0x0  }
0x156: {  	[sflag:s0] =	ssyncadd.s32 @!p0 s1  }
0x157: {  	[bflag:$0x3] =	sbarrier.arrive $0xFFFF  }
0x158: {  	_ =	shalt  }

// kernel: kernel.9.cloned.1.call-start
scs
__scs_entry_jumppad:
0x0: {  	(pc) =	sbr.rel $0x88, $3  }
0x1: {  	(tag) =	ssettag $0x0;
	lr =	simm.s32 $0x1  }
0x2: {  	[smem:$0x3F9A] =	sst lr;
	_ =	strace $0xD0000000  }
0x3: {  	_ = 	snop  }
0x4: {  	_ = 	snop  }
0x5: {  	_ = 	snop  }
0x6: {  	_ = 	snop  }
0x7: {  	_ = 	snop  }
__scs_overlays_trampoline_lowered:
0x8: {  	[smem:$0x3FA9] =	sst s0  }
0x9: {  	[smem:$0x3FAA] =	sst s1  }
0xa: {  	[smem:$0x3FAB] =	sst s2  }
0xb: {  	[smem:$0x3FAC] =	sst s3  }
0xc: {  	[smem:$0x3FAD] =	sst s4  }
0xd: {  	[smem:$0x3FAE] =	sst s5  }
0xe: {  	[smem:$0x3FAF] =	sst s6  }
0xf: {  	[smem:$0x3FB0] =	sst s7  }
0x10: {  	[smem:$0x3FB1] =	sst s8  }
0x11: {  	[smem:$0x3FB2] =	sst s9;
	s0 =	simm.s32 @!p0 $0x0  }
0x12: {  	s1 =	sld [smem:$0x3F98];
	s0 =	simm.s32 @p0 $0x1  }
0x13: {  	[smem:$0x3FB3] =	sst s0;
	s0 =	simm.s32 @!p1 $0x0  }
0x14: {  	s2 =	sld [smem:$0x3F97];
	s0 =	simm.s32 @p1 $0x1  }
0x15: {  	[smem:$0x3FB4] =	sst s0;
	s0 =	simm.s32 @!p2 $0x0  }
0x16: {  	s3 =	sld [smem:$0x3FDB];
	s0 =	simm.s32 @p2 $0x1  }
0x17: {  	s4 =	simm.s32 $0x1BF5;
	[smem:$0x3FB6] =	sst s0  }
0x18: {  	s0 =	sld [smem:$0x3F99];
	_ =	swait.ge [sflag:s4], $0x0  }
0x19: {  	s7 =	sld [smem:$0x3F9A]  }
0x1a: {  	s8 =	sadd.s32 $0xFFFFE003, lr  }
0x1b: {  	s9 =	sadd.s32 $0xFFFFFEF7, lr;
	s5 =	simm.s32 $0xFFFFFFFF;
	p2 =	slt.u32 s8, $0xFFFFF086  }
0x1c: {  	p1 =	slt.u32 s9, $0xF7A;
	s5 =	simm.s32 @!p2 $0x0  }
0x1d: {  	s5 =	simm.s32 @p1 $0x1;
	p0 =	seq.s32 s7, s2  }
0x1e: {  	s7 =	smul.u32 @!p0 $0xF7A, s2;
	p2 =	seq.s32 @!p0 s5, $0x0  }
0x1f: {  	s9 =	smul.u32 $0xF7A, s1;
	s8 =	simm.s32 @!p0 $0x1BF5;
	p2 =	por !p2, p0  }
0x20: {  	[sflag:s8] =	ssyncset.s32 @!p0 $0xFFFFF086;
	s6 =	sadd.s32 @!p0 s3, s7;
	s7 =	simm.s32 @!p0 $0x108  }
0x21: {  	s3 =	sadd.s32 s3, s9;
	s6 =	sadd.s32 @!p0 $0x88, s6;
	s7 =	simm.s32 @p2 $0x1082  }
0x22: {  	[simem:s7], [sflag:s8] =	dma.local @!p0 [hbm:s6], $0xF7A  }
0x23: {  	s9 =	sor.u32 $0xD0000000, s2;
	s6 =	simm.s32 $0x108;
	_ =	swait.ge @!p0 [sflag:s8], $0x0  }
0x24: {  	s3 =	sadd.s32 $0x88, s3;
	s6 =	simm.s32 @!p1 $0x1082;
	[sflag:s4] =	ssyncset.s32 $0xFFFFF086  }
0x25: {  	[simem:s6], [sflag:s4] =	dma.local [hbm:s3], $0xF7A  }
0x26: {  	[smem:$0x3F9A] =	sst s1;
	(tag) =	ssettag s2;
	_ =	strace s9  }
0x27: {  	s1 =	sld [smem:$0x3FAA]  }
0x28: {  	s2 =	sld [smem:$0x3FAB]  }
0x29: {  	s4 =	sld [smem:$0x3FAD]  }
0x2a: {  	p0 =	seq.s32 s5, $0x0;
	s5 =	sld [smem:$0x3FAE]  }
0x2b: {  	s6 =	sld [smem:$0x3FAF]  }
0x2c: {  	s7 =	sld [smem:$0x3FB0]  }
0x2d: {  	s3 =	simm.s32 $0x108;
	s8 =	sld [smem:$0x3FB1]  }
0x2e: {  	s3 =	simm.s32 @!p0 $0x1082;
	s9 =	sld [smem:$0x3FB2]  }
0x2f: {  	lr =	sadd.s32 s0, s3;
	s0 =	sld [smem:$0x3FA9]  }
0x30: {  	s3 =	sld [smem:$0x3FAC]  }
0x31: {  	[smem:$0x3FB5] =	sst s10  }
0x32: {  	s10 =	sld [smem:$0x3FB3];
	_ =	sdelay $0x3  }
0x33: {  	p0 =	seq.s32 s10, $0x1;
	s10 =	sld [smem:$0x3FB5];
	_ =	sdelay $0x3  }
0x34: {  	[smem:$0x3FB5] =	sst s10  }
0x35: {  	s10 =	sld [smem:$0x3FB4];
	_ =	sdelay $0x3  }
0x36: {  	p1 =	seq.s32 s10, $0x1;
	s10 =	sld [smem:$0x3FB5];
	_ =	sdelay $0x3  }
0x37: {  	[smem:$0x3FB5] =	sst s10  }
0x38: {  	s10 =	sld [smem:$0x3FB6]  }
0x39: {  	_ = 	snop;
	(pc) =	sbr.ind lr, $3  }
0x3a: {  	_ = 	snop  }
0x3b: {  	_ = 	snop  }
0x3c: {  	p2 =	seq.s32 s10, $0x1;
	s10 =	sld [smem:$0x3FB5]  }
0x3d: {  	_ =	shalt  }
0x3e: {  	_ =	shalt  }
0x3f: {  	_ =	shalt  }
0x40: {  	_ =	shalt  }
0x41: {  	_ =	shalt  }
0x42: {  	_ =	shalt  }
0x43: {  	_ =	shalt  }
0x44: {  	_ =	shalt  }
0x45: {  	_ =	shalt  }
0x46: {  	_ =	shalt  }
0x47: {  	_ =	shalt  }
0x48: {  	_ =	shalt  }
0x49: {  	_ =	shalt  }
0x4a: {  	_ =	shalt  }
0x4b: {  	_ =	shalt  }
0x4c: {  	_ =	shalt  }
0x4d: {  	_ =	shalt  }
0x4e: {  	_ =	shalt  }
0x4f: {  	_ =	shalt  }
0x50: {  	_ =	shalt  }
0x51: {  	_ =	shalt  }
0x52: {  	_ =	shalt  }
0x53: {  	_ =	shalt  }
0x54: {  	_ =	shalt  }
0x55: {  	_ =	shalt  }
0x56: {  	_ =	shalt  }
0x57: {  	_ =	shalt  }
0x58: {  	_ =	shalt  }
0x59: {  	_ =	shalt  }
0x5a: {  	_ =	shalt  }
0x5b: {  	_ =	shalt  }
0x5c: {  	_ =	shalt  }
0x5d: {  	_ =	shalt  }
0x5e: {  	_ =	shalt  }
0x5f: {  	_ =	shalt  }
0x60: {  	_ =	shalt  }
0x61: {  	_ =	shalt  }
0x62: {  	_ =	shalt  }
0x63: {  	_ =	shalt  }
0x64: {  	_ =	shalt  }
0x65: {  	_ =	shalt  }
0x66: {  	_ =	shalt  }
0x67: {  	_ =	shalt  }
0x68: {  	_ =	shalt  }
0x69: {  	_ =	shalt  }
0x6a: {  	_ =	shalt  }
0x6b: {  	_ =	shalt  }
0x6c: {  	_ =	shalt  }
0x6d: {  	_ =	shalt  }
0x6e: {  	_ =	shalt  }
0x6f: {  	_ =	shalt  }
0x70: {  	_ =	shalt  }
0x71: {  	_ =	shalt  }
0x72: {  	_ =	shalt  }
0x73: {  	_ =	shalt  }
0x74: {  	_ =	shalt  }
0x75: {  	_ =	shalt  }
0x76: {  	_ =	shalt  }
0x77: {  	_ =	shalt  }
0x78: {  	_ =	shalt  }
0x79: {  	_ =	shalt  }
0x7a: {  	_ =	shalt  }
0x7b: {  	_ =	shalt  }
0x7c: {  	_ =	shalt  }
0x7d: {  	_ =	shalt  }
0x7e: {  	_ =	shalt  }
0x7f: {  	_ =	shalt  }
0x80: {  	_ =	shalt  }
0x81: {  	_ =	shalt  }
0x82: {  	_ =	shalt  }
0x83: {  	_ =	shalt  }
0x84: {  	_ =	shalt  }
0x85: {  	_ =	shalt  }
0x86: {  	_ =	shalt  }
0x87: {  	_ =	shalt  }
.Lfunc_end0:
.L_simem_size_0:
called_computation.1_lowered:
.L_overlay_start_0:
0x88: {  	s2 =	sld [smem:$0x3FD9]  }
0x89: {  	s3 =	sld [smem:$0x3FFE];
	_ =	sdelay $0x1  }
0x8a: {  	s1 =	srdreg.scid  }
0x8b: {  	s0 =	sand.u32 $0x1, s1  }
0x8c: {  	s17 =	sshll.u32 s0, $0xA;
	s2 =	sadd.s32 s3, s2  }
0x8d: {  	s2 =	sadd.s32 s2, s17  }
0x8e: {  	[smem:$0x3FC1] =	sst s2  }
0x8f: {  	_ = 	snop  }
0x90: {  	s2 =	sld [smem:$0x3FD0];
	(tm) =	ssettm $0x1  }
0x91: {  	s18 =	sld [smem:$0x3FFB];
	_ =	sdelay $0x3  }
0x92: {  	_ =	strace s18  }
0x93: {  	s3 =	sld [smem:$0x3FFC];
	_ =	sdelay $0x3  }
0x94: {  	_ =	strace s3  }
0x95: {  	s3 =	sld [smem:$0x3FFD];
	_ =	sdelay $0x3  }
0x96: {  	_ =	strace s3  }
0x97: {  	_ =	strace $0x8FFFFFFF  }
0x98: {  	s19 =	sld [smem:$0x3FDB];
	_ =	sdelay $0x1  }
0x99: {  	s4 =	simm.s32 $_scs_section_size  }
0x9a: {  	s5 =	simm.s32 $_size__tile_overlayer_lowered;
	s6 =	simm.s32 $_tile_overlayer_lowered  }
0x9b: {  	s22 =	simm.s32 $0x1BFF;
	s21 =	sshll.u32 s6, $0x1;
	s3 =	sadd.s32 s4, s19  }
0x9c: {  	s7 =	simm.s32 $0x0;
	s20 =	sshll.u32 s5, $0x1;
	s5 =	sadd.s32 s21, s3  }
0x9d: {  	[timem:s7], [sflag:s22] =	dma.local [hbm:s5], s20  }
0x9e: {  	_ =	swait.ge [sflag:s22], s20  }
0x9f: {  	s4 =	ssub.s32 $0x0, s20;
	[sflag:s22] =	ssyncset.done $0x0  }
0xa0: {  	[sflag:s22] =	ssyncadd.s32 s4;
	_ =	sdelay $0x1  }
0xa1: {  	s23 =	simm.s32 $0x1B8B  }
0xa2: {  	_ =	swait.ge [sflag:s23], $0x1  }
0xa3: {  	[sflag:s23] =	ssyncset.done $0x0  }
0xa4: {  	s25 =	simm.s32 $0x1B8E;
	s24 =	sld [smem:$0x3FFE];
	[sflag:s23] =	ssyncadd.s32 $0xFFFFFFFF  }
0xa5: {  	s26 =	simm.s32 $execute0_lowered;
	[smem:$0x3FD2] =	sst s25  }
0xa6: {  	s5 =	sshll.u32 s26, $0x1;
	_ =	strace $0x80000049;
	[dreg:$0x1] =	wrdreg $0xFFFFFFFF  }
0xa7: {  	s28 =	simm.s32 $_size_execute0_lowered;
	s3 =	sadd.s32 s3, s5;
	[dreg:$0x0] =	wrdreg $0x0  }
0xa8: {  	s5 =	sshll.u32 s28, $0x1;
	[dreg:$0x2] =	wrdreg s3  }
0xa9: {  	[dreg:$0x3] =	wrdreg s5  }
0xaa: {  	[dreg:$0x4] =	wrdreg $0xC0  }
0xab: {  	_ =	task [dreg:s7], $0x5FFFF  }
0xac: {  	[dreg:$0x1] =	wrdreg $0xFFFFFFFF  }
0xad: {  	[dreg:$0x0] =	wrdreg $0x60  }
0xae: {  	[dreg:$0x2] =	wrdreg s24  }
0xaf: {  	[dreg:$0x3] =	wrdreg s2  }
0xb0: {  	[dreg:$0x4] =	wrdreg $0x2AE00  }
0xb1: {  	[dreg:$0x5] =	wrdreg $0x9  }
0xb2: {  	_ =	task.clear_ibuf [dreg:s7], $0x6FFFF;
	_ =	strace $0x90000049  }
0xb3: {  	s29 =	simm.s32 $0x9;
	_ =	strace $0x8000004B  }
0xb4: {  	_ =	swait.ge [sflag:s29], $0x1  }
0xb5: {  	[sflag:s29] =	ssyncadd.s32 $0xFFFFFFFF  }
0xb6: {  	_ =	strace $0x9000004B  }
0xb7: {  	_ =	sfence  }
0xb8: {  	s30 =	sld [smem:$0x0];
	_ =	sdelay $0x2  }
0xb9: {  	s31 =	sshll.u32 s1, $0xD;
	s1 =	sshrl.u32 s1, $0x2  }
0xba: {  	s3 =	sand.u32 $0x4000, s31;
	s1 =	sadd.s32 s1, s30  }
0xbb: {  	s0 =	sor.u32 s3, s0;
	s1 =	sshll.u32 s1, $0x11  }
0xbc: {  	s0 =	sor.u32 s1, s0  }
0xbd: {  	s0 =	sadd.s32 $0x8F2B, s0  }
0xbe: {  	[sflag:s0] =	ssyncadd.remote.s32 $0x1  }
0xbf: {  	_ =	sfence.sel $0xFFFF  }
0xc0: {  	[dreg:$0x0] =	wrdreg $0xFFFFFFFF;
	(pc) =	sbr.abs _section_cstart, $3  }
0xc1: {  	[dreg:$0x1] =	wrdreg $0xFFFFFFFF  }
0xc2: {  	_ =	task.clear_ibuf [dreg:s7], $0x2FFFF;
	_ =	strace $0x9FFFFFFF  }
0xc3: {  	(tm) =	ssettm $0x7FFFFFFF  }
tec
execute0_lowered:
.L_overlay_start_1:
0x0: {  	(tag) =	ssettag $0x1  }
0x1: {  	s0 =	rddreg [dreg:$0x0]  }
0x2: {  	s1 =	rddreg [dreg:$0x1]  }
0x3: {  	s2 =	rddreg [dreg:$0x2];
	s3 =	srdreg.scid;
	s5 =	simm.s32 $0x0  }
0x4: {  	s12 =	stileid.u32;
	s13 =	simm.s32 $0x2720;
	s14 =	simm.s32 $0x4  }
0x5: {  	s15 =	simm.s32 $0x1B20;
	s16 =	simm.s32 $0x50;
	s17 =	simm.s32 $0xA0  }
0x6: {  	s18 =	simm.s32 $0x10;
	s19 =	simm.s32 $0x320;
	s20 =	simm.s32 $0xF20  }
0x7: {  	s21 =	simm.s32 $0x1;
	s22 =	simm.s32 $0x3;
	s24 =	simm.s32 $0x2  }
0x8: {  	s28 =	simm.s32 $0x40;
	s29 =	simm.s32 $0x0;
	s4 =	sand.u32 $0x1, s3  }
0x9: {  	[smem:$0x7FF] =	sst s5;
	s10 =	smul.u32 $0x1D4C0, s12;
	s6 =	sadd.s32 $0x1800, s0  }
0xa: {  	s7 =	sadd.s32 $0x7BC00, s0;
	s8 =	sadd.s32 $0x8F800, s0;
	s3 =	smul.u32 $0x1D4C00, s4  }
0xb: {  	s11 =	smul.u32 $0x75300, s12;
	_ =	strace $0x8000004A;
	s9 =	ssub.s32 $0x2, s4  }
0xc: {  	s23 =	sadd.s32 $0x1, s4;
	p0 =	seq.s32 s4, $0x0;
	s3 =	sadd.s32 s10, s3  }
0xd: {  	s26 =	sshrl.u32 s9, $0x1;
	s30 =	sadd.s32 s10, s2;
	s3 =	sshrl.u32 s3, $0x3  }
0xe: {  	s31 =	sshrl.u32 s11, $0x2;
	v1 =	vmov s23;
	s23 =	simm.s32 $0x20;
	s0 =	sadd.s32 s3, s0  }
0xf: {  	s25 =	sshrl.u32 s30, $0x3;
	s3 =	ssub.s32 s9, s26;
	s0 =	sadd.s32 $0xDDA00, s0  }
0x10: {  	v2 =	vimm.f32 $0.0e+00;
	s9 =	smul.u32 $0x4E20, s12;
	s3 =	smax.u32 s3, $0x1;
	[dreg:$0x4] =	wrdreg s0  }
0x11: {  	vm0 =	vmmov $0xffff;
	v3 =	vimm.s32 $0x0;
	v0 =	vmov s4;
	s12 =	sadd.s32 s31, s2;
	s26 =	simm.s32 $0x30;
	[dreg:$0x5] =	wrdreg s3  }
.LBB2_1:
0x12: {  	[tilespmem:$0x2720] =	vst v2  }
0x13: {  	[tilespmem:$0x2730] =	vst v2  }
0x14: {  	[tilespmem:$0x2740] =	vst v2  }
0x15: {  	[tilespmem:$0x2750] =	vst v2  }
0x16: {  	[tilespmem:$0x2760] =	vst v2  }
0x17: {  	[tilespmem:$0x2770] =	vst v2  }
0x18: {  	[tilespmem:$0x2780] =	vst v2  }
0x19: {  	[tilespmem:$0x2790] =	vst v2  }
0x1a: {  	[tilespmem:$0x27A0] =	vst v2  }
0x1b: {  	[tilespmem:$0x27B0] =	vst v2  }
0x1c: {  	[tilespmem:$0x27C0] =	vst v2  }
0x1d: {  	[tilespmem:$0x27D0] =	vst v2  }
0x1e: {  	[tilespmem:$0x27E0] =	vst v2  }
0x1f: {  	[tilespmem:$0x27F0] =	vst v2  }
0x20: {  	[tilespmem:$0x2800] =	vst v2  }
0x21: {  	[tilespmem:$0x2810] =	vst v2  }
0x22: {  	[tilespmem:$0x2820] =	vst v2  }
0x23: {  	[tilespmem:$0x2830] =	vst v2  }
0x24: {  	[tilespmem:$0x2840] =	vst v2  }
0x25: {  	[tilespmem:$0x2850] =	vst v2  }
0x26: {  	[tilespmem:$0x2860] =	vst v2  }
0x27: {  	[tilespmem:$0x2870] =	vst v2  }
0x28: {  	[tilespmem:$0x2880] =	vst v2  }
0x29: {  	[tilespmem:$0x2890] =	vst v2  }
0x2a: {  	[tilespmem:$0x28A0] =	vst v2  }
0x2b: {  	[tilespmem:$0x28B0] =	vst v2  }
0x2c: {  	[tilespmem:$0x28C0] =	vst v2  }
0x2d: {  	[tilespmem:$0x28D0] =	vst v2  }
0x2e: {  	[tilespmem:$0x28E0] =	vst v2  }
0x2f: {  	[tilespmem:$0x28F0] =	vst v2  }
0x30: {  	[tilespmem:$0x2900] =	vst v2  }
0x31: {  	[tilespmem:$0x2910] =	vst v2  }
0x32: {  	[tilespmem:$0x2920] =	vst v2  }
0x33: {  	[tilespmem:$0x2930] =	vst v2  }
0x34: {  	[tilespmem:$0x2940] =	vst v2  }
0x35: {  	[tilespmem:$0x2950] =	vst v2  }
0x36: {  	[tilespmem:$0x2960] =	vst v2  }
0x37: {  	[tilespmem:$0x2970] =	vst v2  }
0x38: {  	[tilespmem:$0x2980] =	vst v2  }
0x39: {  	[tilespmem:$0x2990] =	vst v2  }
0x3a: {  	[tilespmem:$0x29A0] =	vst v2  }
0x3b: {  	[tilespmem:$0x29B0] =	vst v2  }
0x3c: {  	[tilespmem:$0x29C0] =	vst v2  }
0x3d: {  	[tilespmem:$0x29D0] =	vst v2  }
0x3e: {  	[tilespmem:$0x29E0] =	vst v2  }
0x3f: {  	[tilespmem:$0x29F0] =	vst v2  }
0x40: {  	[tilespmem:$0x2A00] =	vst v2  }
0x41: {  	[tilespmem:$0x2A10] =	vst v2  }
0x42: {  	[tilespmem:$0x2A20] =	vst v2  }
0x43: {  	[tilespmem:$0x2A30] =	vst v2  }
0x44: {  	[tilespmem:$0x2A40] =	vst v2  }
0x45: {  	[tilespmem:$0x2A50] =	vst v2  }
0x46: {  	[tilespmem:$0x2A60] =	vst v2  }
0x47: {  	[tilespmem:$0x2A70] =	vst v2  }
0x48: {  	[tilespmem:$0x2A80] =	vst v2  }
0x49: {  	[tilespmem:$0x2A90] =	vst v2  }
0x4a: {  	[tilespmem:$0x2AA0] =	vst v2  }
0x4b: {  	[tilespmem:$0x2AB0] =	vst v2  }
0x4c: {  	[tilespmem:$0x2AC0] =	vst v2  }
0x4d: {  	[tilespmem:$0x2AD0] =	vst v2;
	s0 =	sadd.s32 $0x0, s12  }
0x4e: {  	[spmem:s0] =	stream.linear.scatter [tilespmem:s13], [sflag:$0x4], $0x3C0, $0x38;
	[tilespmem:$0x1FFA0] =	vst v63  }
0x4f: {  	s0 =	simm.s32 $0xF00;
	_ =	swait.ge [sflag:s14], $0x3C0  }
.LBB2_2:
0x50: {  	s3 =	sshra.s32 s0, $0x2;
	[sflag:s14] =	ssyncset.done $0x0;
	p1 =	sne.s32 s0, $0x74400  }
.Ltmp0:
0x51: {  	s3 =	sadd.s32 s3, s12;
	[sflag:s14] =	ssyncadd.s32 $0xFFFFFC40;
	(pc) =	sbr.rel @p1 .LBB2_2-.Ltmp0, $3  }
0x52: {  	[spmem:s3] =	stream.linear.scatter [tilespmem:s13], [sflag:$0x4], $0x3C0, $0x38;
	[tilespmem:$0x1FFA0] =	vst v63  }
0x53: {  	s0 =	sadd.s32 $0xF00, s0;
	_ =	sdelay $0x1  }
0x54: {  	_ =	swait.ge [sflag:s14], $0x3C0  }
0x55: {  	[sflag:s14] =	ssyncset.done $0x0  }
0x56: {  	[sflag:s14] =	ssyncadd.s32 $0xFFFFFC40  }
0x57: {  	s0 =	simm.s32 $0x0;
	s3 =	simm.s32 $0x300;
	[bflag:$0x0] =	sbarrier.arrive $0xFFFF  }
.LBB2_4:
0x58: {  	p1 =	sne.s32 s3, $0x2D00;
	[tilespmem:s0+$0x1BD0] =	vst v2  }
0x59: {  	[tilespmem:s0+$0x1B20] =	vst v2  }
0x5a: {  	[tilespmem:s0+$0x1B30] =	vst v2  }
0x5b: {  	[tilespmem:s0+$0x1B40] =	vst v2  }
0x5c: {  	[tilespmem:s0+$0x1B50] =	vst v2  }
0x5d: {  	[tilespmem:s0+$0x1B60] =	vst v2  }
0x5e: {  	[tilespmem:s0+$0x1B70] =	vst v2  }
.Ltmp1:
0x5f: {  	[tilespmem:s0+$0x1B80] =	vst v2;
	(pc) =	sbr.rel @p1 .LBB2_4-.Ltmp1, $4  }
0x60: {  	[tilespmem:s0+$0x1B90] =	vst v2  }
0x61: {  	[tilespmem:s0+$0x1BA0] =	vst v2  }
0x62: {  	[tilespmem:s0+$0x1BB0] =	vst v2  }
0x63: {  	[tilespmem:s0+$0x1BC0] =	vst v2;
	s0 =	sshra.s32 s3, $0x2;
	s3 =	sadd.s32 $0x300, s3  }
0x64: {  	[tilespmem:s0+$0x1BD0] =	vst v2  }
0x65: {  	[tilespmem:s0+$0x1B20] =	vst v2  }
0x66: {  	[tilespmem:s0+$0x1B30] =	vst v2  }
0x67: {  	[tilespmem:s0+$0x1B40] =	vst v2  }
0x68: {  	[tilespmem:s0+$0x1B50] =	vst v2  }
0x69: {  	[tilespmem:s0+$0x1B60] =	vst v2  }
0x6a: {  	[tilespmem:s0+$0x1B70] =	vst v2  }
0x6b: {  	[tilespmem:s0+$0x1B80] =	vst v2  }
0x6c: {  	[tilespmem:s0+$0x1B90] =	vst v2  }
0x6d: {  	[tilespmem:s0+$0x1BA0] =	vst v2  }
0x6e: {  	[tilespmem:s0+$0x1BB0] =	vst v2  }
0x6f: {  	[tilespmem:s0+$0x1BC0] =	vst v2;
	s30 =	simm.s32 $0x0  }
0x70: {  	[spmem:s2] =	stream.indirect_vreg.scatter.add.f32 [tilespmem:s15], [sflag:$0x3], $0xC0, v3, vm0, $0xb8;
	[tilespmem:$0x1FFA0] =	vst v63  }
.LBB2_6:
0x71: {  	s0 =	smul.u32 $0x50, s30;
	_ =	sdelay $0x1  }
0x72: {  	s0 =	sadd.s32 s9, s0  }
0x73: {  	s3 =	sshrl.u32 s0, $0x3  }
0x74: {  	s10 =	sadd.s32 s7, s3  }
0x75: {  	[tilespmem:s29], [sflag:$0x4] =	stream.linear.gather [hbm4b:s10+s29], $0x50, $0x38;
	[tilespmem:$0x1FFA0] =	vst v63  }
0x76: {  	_ =	swait.ge [sflag:s14], $0x50  }
0x77: {  	[sflag:s14] =	ssyncset.done $0x0  }
0x78: {  	s3 =	sadd.s32 s1, s3;
	[sflag:s14] =	ssyncadd.s32 $0xFFFFFFB0  }
0x79: {  	[tilespmem:s16], [sflag:$0x4] =	stream.linear.gather [hbm4b:s3+s29], $0x50, $0x38;
	[tilespmem:$0x1FFA0] =	vst v63  }
0x7a: {  	_ =	swait.ge [sflag:s14], $0x50  }
0x7b: {  	[sflag:s14] =	ssyncset.done $0x0  }
0x7c: {  	s0 =	sadd.s32 s8, s0;
	[sflag:s14] =	ssyncadd.s32 $0xFFFFFFB0  }
0x7d: {  	[tilespmem:s17], [sflag:$0x4] =	stream.linear.gather [hbm4b:s0+s29], $0x280, $0x38;
	[tilespmem:$0x1FFA0] =	vst v63  }
0x7e: {  	_ =	swait.ge [sflag:s14], $0x280  }
0x7f: {  	[sflag:s14] =	ssyncset.done $0x0  }
0x80: {  	[sflag:s14] =	ssyncadd.s32 $0xFFFFFD80  }
0x81: {  	v4 =	vld [tilespmem:$0x0]  }
0x82: {  	v5 =	vld [tilespmem:$0x10]  }
0x83: {  	v6 =	vld [tilespmem:$0x20]  }
0x84: {  	v7 =	vld [tilespmem:$0x30]  }
0x85: {  	v8 =	vld [tilespmem:$0x40]  }
0x86: {  	v4 =	vshll.u32 v4, $0x1  }
0x87: {  	v5 =	vshll.u32 v5, $0x1;
	v4 =	vor.u32 v0, v4  }
0x88: {  	[tilespmem:$0x0] =	vst v4;
	v4 =	vor.u32 v0, v5;
	v5 =	vshll.u32 v6, $0x1  }
0x89: {  	[tilespmem:$0x10] =	vst v4;
	v4 =	vor.u32 v0, v5;
	v5 =	vshll.u32 v7, $0x1  }
0x8a: {  	[tilespmem:$0x20] =	vst v4;
	v4 =	vor.u32 v0, v5;
	v5 =	vshll.u32 v8, $0x1  }
0x8b: {  	[tilespmem:$0x30] =	vst v4;
	v4 =	vor.u32 v0, v5  }
0x8c: {  	[tilespmem:$0x40] =	vst v4  }
0x8d: {  	[tilespmem:s19], [sflag:$0x1] =	stream.indirect.gather [hbm4b:s6+s18], $0xC0, s29, s18, $0xb8;
	[tilespmem:$0x1FFA0] =	vst v63  }
0x8e: {  	s10 =	simm.s32 $0x0  }
0x8f: {  	[tilespmem:s20], [sflag:$0x2] =	stream.indirect.gather [hbm4b:s6+s18], $0xC0, s18, s18, $0xb8;
	[tilespmem:$0x1FFA0] =	vst v63  }
0x90: {  	s11 =	sor.u32 s4, s10;
	_ =	swait.ge [sflag:s21], $0xC00  }
0x91: {  	v5 =	vmov s11;
	[sflag:s21] =	ssyncset.done $0x0  }
0x92: {  	[sflag:s21] =	ssyncadd.s32 $0xFFFFF400  }
0x93: {  	v4 =	vld [tilespmem:$0x50];
	_ =	swait.ge [sflag:s22], $0xC00  }
0x94: {  	[sflag:s22] =	ssyncset.done $0x0  }
0x95: {  	[sflag:s22] =	ssyncadd.s32 $0xFFFFF400  }
0x96: {  	s31 =	simm.s32 $0x380;
	v5 =	vld.idx.msk [tilespmem:v5+s17+$0x0], $0xffff  }
0x97: {  	v6 =	vor.u32 s10, v1;
	v7 =	vld [tilespmem:s31+$0xFFFFFFA0]  }
0x98: {  	v6 =	vbroadcast v6, $0x0;
	_ =	sdelay $0x3  }
0x99: {  	v7 =	vmul.f32 v7, v5  }
0x9a: {  	s0 =	simm.s32 $0x1B80  }
0x9b: {  	v8 =	vld.idx.msk [tilespmem:v6+s17+$0x0], $0xffff;
	[tilespmem:s0+$0xFFFFFFA0] =	vst v7  }
0x9c: {  	v6 =	vld [tilespmem:s31+$0xFFFFFFB0];
	_ =	sdelay $0x4  }
0x9d: {  	v6 =	vmul.f32 v6, v5;
	_ =	sdelay $0x1  }
0x9e: {  	[tilespmem:s0+$0xFFFFFFB0] =	vst v6  }
0x9f: {  	v6 =	vld [tilespmem:s31+$0xFFFFFFC0];
	_ =	sdelay $0x4  }
0xa0: {  	v6 =	vmul.f32 v6, v5;
	_ =	sdelay $0x1  }
0xa1: {  	[tilespmem:s0+$0xFFFFFFC0] =	vst v6  }
0xa2: {  	v6 =	vld [tilespmem:s31+$0xFFFFFFD0];
	_ =	sdelay $0x4  }
0xa3: {  	v6 =	vmul.f32 v6, v5;
	_ =	sdelay $0x1  }
0xa4: {  	[tilespmem:s0+$0xFFFFFFD0] =	vst v6  }
0xa5: {  	v6 =	vld [tilespmem:s31+$0xFFFFFFE0];
	_ =	sdelay $0x3  }
0xa6: {  	v5 =	vpsel p0, v5, v8  }
0xa7: {  	v6 =	vmul.f32 v6, v5;
	_ =	sdelay $0x1  }
0xa8: {  	[tilespmem:s0+$0xFFFFFFE0] =	vst v6  }
0xa9: {  	v6 =	vld [tilespmem:s31+$0xFFFFFFF0];
	_ =	sdelay $0x4  }
0xaa: {  	v6 =	vmul.f32 v6, v5;
	_ =	sdelay $0x1  }
0xab: {  	[tilespmem:s0+$0xFFFFFFF0] =	vst v6  }
0xac: {  	v6 =	vld [tilespmem:s31+$0x0];
	_ =	sdelay $0x4  }
0xad: {  	v6 =	vmul.f32 v6, v5;
	_ =	sdelay $0x1  }
0xae: {  	[tilespmem:s0+$0x0] =	vst v6  }
0xaf: {  	v6 =	vld [tilespmem:s31+$0x10];
	_ =	sdelay $0x4  }
0xb0: {  	v5 =	vmul.f32 v6, v5;
	_ =	sdelay $0x1  }
0xb1: {  	[tilespmem:s0+$0x10] =	vst v5  }
0xb2: {  	v5 =	vld [tilespmem:s31+$0x20];
	_ =	sdelay $0x4  }
0xb3: {  	v5 =	vmul.f32 v5, v8;
	_ =	sdelay $0x1  }
0xb4: {  	[tilespmem:s0+$0x20] =	vst v5  }
0xb5: {  	v5 =	vld [tilespmem:s31+$0x30];
	_ =	sdelay $0x4  }
0xb6: {  	v5 =	vmul.f32 v5, v8;
	_ =	sdelay $0x1  }
0xb7: {  	[tilespmem:s0+$0x30] =	vst v5  }
0xb8: {  	v5 =	vld [tilespmem:s31+$0x40];
	_ =	sdelay $0x4  }
0xb9: {  	v5 =	vmul.f32 v5, v8;
	_ =	sdelay $0x1  }
0xba: {  	[tilespmem:s0+$0x40] =	vst v5  }
0xbb: {  	v7 =	vld [tilespmem:s31+$0x50]  }
0xbc: {  	s10 =	simm.s32 $0x8  }
0xbd: {  	s11 =	sor.u32 s4, s10  }
0xbe: {  	v6 =	vmov s11  }
0xbf: {  	v5 =	vor.u32 s10, v1  }
0xc0: {  	s3 =	simm.s32 $0x2;
	v5 =	vbroadcast v5, $0x0;
	v7 =	vmul.f32 v7, v8  }
.LBB2_7:
0xc1: {  	s31 =	sadd.s32 $0xC0, s31  }
0xc2: {  	s10 =	smov.u32 s3;
	s11 =	sadd.s32 $0x1, s3;
	[tilespmem:s0+$0x50] =	vst v7;
	s0 =	sadd.s32 $0xC0, s0  }
0xc3: {  	p1 =	sne.s32 s3, $0xF;
	v6 =	vld.idx.msk [tilespmem:v6+s17+$0x0], $0xffff  }
0xc4: {  	v7 =	vld [tilespmem:s31+$0xFFFFFFA0];
	_ =	sdelay $0x4  }
0xc5: {  	v7 =	vmul.f32 v7, v6  }
0xc6: {  	v8 =	vld.idx.msk [tilespmem:v5+s17+$0x0], $0xffff  }
0xc7: {  	[tilespmem:s0+$0xFFFFFFA0] =	vst v7  }
0xc8: {  	v5 =	vld [tilespmem:s31+$0xFFFFFFB0];
	_ =	sdelay $0x4  }
0xc9: {  	v5 =	vmul.f32 v5, v6;
	_ =	sdelay $0x1  }
0xca: {  	[tilespmem:s0+$0xFFFFFFB0] =	vst v5  }
0xcb: {  	v5 =	vld [tilespmem:s31+$0xFFFFFFC0];
	_ =	sdelay $0x4  }
0xcc: {  	v5 =	vmul.f32 v5, v6;
	_ =	sdelay $0x1  }
0xcd: {  	[tilespmem:s0+$0xFFFFFFC0] =	vst v5  }
0xce: {  	v5 =	vld [tilespmem:s31+$0xFFFFFFD0];
	_ =	sdelay $0x4  }
0xcf: {  	v5 =	vmul.f32 v5, v6;
	_ =	sdelay $0x1  }
0xd0: {  	[tilespmem:s0+$0xFFFFFFD0] =	vst v5  }
0xd1: {  	v5 =	vld [tilespmem:s31+$0xFFFFFFE0];
	_ =	sdelay $0x3  }
0xd2: {  	v6 =	vpsel p0, v6, v8  }
0xd3: {  	v5 =	vmul.f32 v5, v6;
	_ =	sdelay $0x1  }
0xd4: {  	[tilespmem:s0+$0xFFFFFFE0] =	vst v5  }
0xd5: {  	v5 =	vld [tilespmem:s31+$0xFFFFFFF0];
	_ =	sdelay $0x4  }
0xd6: {  	v5 =	vmul.f32 v5, v6;
	_ =	sdelay $0x1  }
0xd7: {  	[tilespmem:s0+$0xFFFFFFF0] =	vst v5  }
0xd8: {  	v5 =	vld [tilespmem:s31+$0x0];
	_ =	sdelay $0x4  }
0xd9: {  	v5 =	vmul.f32 v5, v6;
	_ =	sdelay $0x1  }
0xda: {  	[tilespmem:s0+$0x0] =	vst v5  }
0xdb: {  	v5 =	vld [tilespmem:s31+$0x10];
	_ =	sdelay $0x4  }
0xdc: {  	v5 =	vmul.f32 v5, v6;
	_ =	sdelay $0x1  }
0xdd: {  	[tilespmem:s0+$0x10] =	vst v5  }
0xde: {  	v5 =	vld [tilespmem:s31+$0x20];
	_ =	sdelay $0x4  }
0xdf: {  	v5 =	vmul.f32 v5, v8;
	_ =	sdelay $0x1  }
0xe0: {  	[tilespmem:s0+$0x20] =	vst v5  }
0xe1: {  	v5 =	vld [tilespmem:s31+$0x30];
	_ =	sdelay $0x4  }
0xe2: {  	v5 =	vmul.f32 v5, v8;
	_ =	sdelay $0x1  }
0xe3: {  	[tilespmem:s0+$0x30] =	vst v5  }
0xe4: {  	v5 =	vld [tilespmem:s31+$0x40];
	_ =	sdelay $0x4  }
0xe5: {  	v5 =	vmul.f32 v5, v8;
	_ =	sdelay $0x1  }
0xe6: {  	[tilespmem:s0+$0x40] =	vst v5  }
0xe7: {  	v7 =	vld [tilespmem:s31+$0x50]  }
.Ltmp2:
0xe8: {  	s3 =	sshll.u32 s10, $0x3;
	(pc) =	sbr.rel @p1 .LBB2_7-.Ltmp2, $3  }
0xe9: {  	s10 =	sor.u32 s4, s3;
	v5 =	vor.u32 s3, v1  }
0xea: {  	v6 =	vmov s10;
	v5 =	vbroadcast v5, $0x0;
	_ =	sdelay $0x1  }
0xeb: {  	s3 =	smov.u32 s11;
	v7 =	vmul.f32 v7, v8  }
0xec: {  	_ =	sdelay $0x2  }
0xed: {  	[tilespmem:s0+$0x50] =	vst v7  }
0xee: {  	s3 =	sadd.s32 $0xC0, s31;
	v6 =	vld.idx.msk [tilespmem:v6+s17+$0x0], $0xffff  }
0xef: {  	v7 =	vld [tilespmem:s3+$0xFFFFFFA0];
	_ =	sdelay $0x4  }
0xf0: {  	v7 =	vmul.f32 v7, v6  }
0xf1: {  	s11 =	sadd.s32 $0xC0, s0  }
0xf2: {  	v5 =	vld.idx.msk [tilespmem:v5+s17+$0x0], $0xffff;
	[tilespmem:s11+$0xFFFFFFA0] =	vst v7  }
0xf3: {  	v7 =	vld [tilespmem:s3+$0xFFFFFFB0];
	_ =	sdelay $0x4  }
0xf4: {  	v7 =	vmul.f32 v7, v6;
	_ =	sdelay $0x1  }
0xf5: {  	[tilespmem:s11+$0xFFFFFFB0] =	vst v7  }
0xf6: {  	v7 =	vld [tilespmem:s3+$0xFFFFFFC0];
	_ =	sdelay $0x4  }
0xf7: {  	v7 =	vmul.f32 v7, v6;
	_ =	sdelay $0x1  }
0xf8: {  	[tilespmem:s11+$0xFFFFFFC0] =	vst v7  }
0xf9: {  	v7 =	vld [tilespmem:s3+$0xFFFFFFD0];
	_ =	sdelay $0x4  }
0xfa: {  	v7 =	vmul.f32 v7, v6;
	_ =	sdelay $0x1  }
0xfb: {  	[tilespmem:s11+$0xFFFFFFD0] =	vst v7  }
0xfc: {  	v7 =	vld [tilespmem:s3+$0xFFFFFFE0];
	_ =	sdelay $0x3  }
0xfd: {  	v6 =	vpsel p0, v6, v5  }
0xfe: {  	v7 =	vmul.f32 v7, v6;
	_ =	sdelay $0x1  }
0xff: {  	[tilespmem:s11+$0xFFFFFFE0] =	vst v7  }
0x100: {  	v7 =	vld [tilespmem:s3+$0xFFFFFFF0];
	_ =	sdelay $0x4  }
0x101: {  	v7 =	vmul.f32 v7, v6;
	_ =	sdelay $0x1  }
0x102: {  	[tilespmem:s11+$0xFFFFFFF0] =	vst v7  }
0x103: {  	v7 =	vld [tilespmem:s3+$0x0];
	_ =	sdelay $0x4  }
0x104: {  	v7 =	vmul.f32 v7, v6;
	_ =	sdelay $0x1  }
0x105: {  	[tilespmem:s11+$0x0] =	vst v7  }
0x106: {  	v7 =	vld [tilespmem:s3+$0x10];
	_ =	sdelay $0x4  }
0x107: {  	v6 =	vmul.f32 v7, v6;
	_ =	sdelay $0x1  }
0x108: {  	[tilespmem:s11+$0x10] =	vst v6  }
0x109: {  	v6 =	vld [tilespmem:s3+$0x20];
	_ =	sdelay $0x4  }
0x10a: {  	v6 =	vmul.f32 v6, v5;
	_ =	sdelay $0x1  }
0x10b: {  	[tilespmem:s11+$0x20] =	vst v6  }
0x10c: {  	v6 =	vld [tilespmem:s3+$0x30];
	_ =	sdelay $0x4  }
0x10d: {  	v6 =	vmul.f32 v6, v5;
	_ =	sdelay $0x1  }
0x10e: {  	[tilespmem:s11+$0x30] =	vst v6  }
0x10f: {  	v6 =	vld [tilespmem:s3+$0x40];
	_ =	sdelay $0x4  }
0x110: {  	v6 =	vmul.f32 v6, v5;
	_ =	sdelay $0x1  }
0x111: {  	[tilespmem:s11+$0x40] =	vst v6  }
0x112: {  	v6 =	vld [tilespmem:s3+$0x50];
	_ =	sdelay $0x4  }
0x113: {  	v5 =	vmul.f32 v6, v5;
	_ =	sdelay $0x1  }
0x114: {  	[tilespmem:s11+$0x50] =	vst v5  }
0x115: {  	[spmem:s2] =	stream.indirect_vreg.scatter.add.f32 [tilespmem:s15], [sflag:$0x3], $0xC0, v4, vm0, $0xb8;
	[tilespmem:$0x1FFA0] =	vst v63  }
0x116: {  	s10 =	simm.s32 $0x10;
	s11 =	simm.s32 $0x80  }
0x117: {  	[tilespmem:s19], [sflag:$0x1] =	stream.indirect.gather [hbm4b:s6+s10], $0xC0, s23, s10, $0xb8;
	[tilespmem:$0x1FFA0] =	vst v63  }
0x118: {  	s10 =	sor.u32 s4, s11;
	_ =	swait.ge [sflag:s24], $0xC00  }
0x119: {  	v5 =	vmov s10;
	[sflag:s24] =	ssyncset.done $0x0  }
0x11a: {  	[sflag:s24] =	ssyncadd.s32 $0xFFFFF400  }
0x11b: {  	v4 =	vld [tilespmem:$0x60];
	_ =	swait.ge [sflag:s22], $0xC00  }
0x11c: {  	[sflag:s22] =	ssyncset.done $0x0  }
0x11d: {  	[sflag:s22] =	ssyncadd.s32 $0xFFFFF400  }
0x11e: {  	s31 =	simm.s32 $0xFD0;
	v5 =	vld.idx.msk [tilespmem:v5+s17+$0x0], $0xffff  }
0x11f: {  	v6 =	vor.u32 s11, v1;
	v7 =	vld [tilespmem:s31+$0xFFFFFF50]  }
0x120: {  	v6 =	vbroadcast v6, $0x0;
	_ =	sdelay $0x3  }
0x121: {  	v7 =	vmul.f32 v7, v5  }
0x122: {  	s0 =	simm.s32 $0x1B80  }
0x123: {  	v8 =	vld.idx.msk [tilespmem:v6+s17+$0x0], $0xffff;
	[tilespmem:s0+$0xFFFFFFA0] =	vst v7  }
0x124: {  	v6 =	vld [tilespmem:s31+$0xFFFFFF60];
	_ =	sdelay $0x4  }
0x125: {  	v6 =	vmul.f32 v6, v5;
	_ =	sdelay $0x1  }
0x126: {  	[tilespmem:s0+$0xFFFFFFB0] =	vst v6  }
0x127: {  	v6 =	vld [tilespmem:s31+$0xFFFFFF70];
	_ =	sdelay $0x4  }
0x128: {  	v6 =	vmul.f32 v6, v5;
	_ =	sdelay $0x1  }
0x129: {  	[tilespmem:s0+$0xFFFFFFC0] =	vst v6  }
0x12a: {  	v6 =	vld [tilespmem:s31+$0xFFFFFF80];
	_ =	sdelay $0x4  }
0x12b: {  	v6 =	vmul.f32 v6, v5;
	_ =	sdelay $0x1  }
0x12c: {  	[tilespmem:s0+$0xFFFFFFD0] =	vst v6  }
0x12d: {  	v6 =	vld [tilespmem:s31+$0xFFFFFF90];
	_ =	sdelay $0x3  }
0x12e: {  	v5 =	vpsel p0, v5, v8  }
0x12f: {  	v6 =	vmul.f32 v6, v5;
	_ =	sdelay $0x1  }
0x130: {  	[tilespmem:s0+$0xFFFFFFE0] =	vst v6  }
0x131: {  	v6 =	vld [tilespmem:s31+$0xFFFFFFA0];
	_ =	sdelay $0x4  }
0x132: {  	v6 =	vmul.f32 v6, v5;
	_ =	sdelay $0x1  }
0x133: {  	[tilespmem:s0+$0xFFFFFFF0] =	vst v6  }
0x134: {  	v6 =	vld [tilespmem:s31+$0xFFFFFFB0];
	_ =	sdelay $0x4  }
0x135: {  	v6 =	vmul.f32 v6, v5;
	_ =	sdelay $0x1  }
0x136: {  	[tilespmem:s0+$0x0] =	vst v6  }
0x137: {  	v6 =	vld [tilespmem:s31+$0xFFFFFFC0];
	_ =	sdelay $0x4  }
0x138: {  	v5 =	vmul.f32 v6, v5;
	_ =	sdelay $0x1  }
0x139: {  	[tilespmem:s0+$0x10] =	vst v5  }
0x13a: {  	v5 =	vld [tilespmem:s31+$0xFFFFFFD0];
	_ =	sdelay $0x4  }
0x13b: {  	v5 =	vmul.f32 v5, v8;
	_ =	sdelay $0x1  }
0x13c: {  	[tilespmem:s0+$0x20] =	vst v5  }
0x13d: {  	v5 =	vld [tilespmem:s31+$0xFFFFFFE0];
	_ =	sdelay $0x4  }
0x13e: {  	v5 =	vmul.f32 v5, v8;
	_ =	sdelay $0x1  }
0x13f: {  	[tilespmem:s0+$0x30] =	vst v5  }
0x140: {  	v5 =	vld [tilespmem:s31+$0xFFFFFFF0];
	_ =	sdelay $0x4  }
0x141: {  	v5 =	vmul.f32 v5, v8;
	_ =	sdelay $0x1  }
0x142: {  	[tilespmem:s0+$0x40] =	vst v5  }
0x143: {  	v7 =	vld [tilespmem:s31+$0x0]  }
0x144: {  	s11 =	simm.s32 $0x88  }
0x145: {  	s10 =	sor.u32 s4, s11  }
0x146: {  	v6 =	vmov s10  }
0x147: {  	v5 =	vor.u32 s11, v1  }
0x148: {  	s11 =	simm.s32 $0x12;
	v5 =	vbroadcast v5, $0x0;
	v7 =	vmul.f32 v7, v8  }
.LBB2_9:
0x149: {  	s31 =	sadd.s32 $0xC0, s31  }
0x14a: {  	s10 =	smov.u32 s11;
	s3 =	sadd.s32 $0x1, s11;
	[tilespmem:s0+$0x50] =	vst v7;
	s0 =	sadd.s32 $0xC0, s0  }
0x14b: {  	p1 =	sne.s32 s11, $0x1F;
	v6 =	vld.idx.msk [tilespmem:v6+s17+$0x0], $0xffff  }
0x14c: {  	v7 =	vld [tilespmem:s31+$0xFFFFFF50];
	_ =	sdelay $0x4  }
0x14d: {  	v7 =	vmul.f32 v7, v6  }
0x14e: {  	v8 =	vld.idx.msk [tilespmem:v5+s17+$0x0], $0xffff  }
0x14f: {  	[tilespmem:s0+$0xFFFFFFA0] =	vst v7  }
0x150: {  	v5 =	vld [tilespmem:s31+$0xFFFFFF60];
	_ =	sdelay $0x4  }
0x151: {  	v5 =	vmul.f32 v5, v6;
	_ =	sdelay $0x1  }
0x152: {  	[tilespmem:s0+$0xFFFFFFB0] =	vst v5  }
0x153: {  	v5 =	vld [tilespmem:s31+$0xFFFFFF70];
	_ =	sdelay $0x4  }
0x154: {  	v5 =	vmul.f32 v5, v6;
	_ =	sdelay $0x1  }
0x155: {  	[tilespmem:s0+$0xFFFFFFC0] =	vst v5  }
0x156: {  	v5 =	vld [tilespmem:s31+$0xFFFFFF80];
	_ =	sdelay $0x4  }
0x157: {  	v5 =	vmul.f32 v5, v6;
	_ =	sdelay $0x1  }
0x158: {  	[tilespmem:s0+$0xFFFFFFD0] =	vst v5  }
0x159: {  	v5 =	vld [tilespmem:s31+$0xFFFFFF90];
	_ =	sdelay $0x3  }
0x15a: {  	v6 =	vpsel p0, v6, v8  }
0x15b: {  	v5 =	vmul.f32 v5, v6;
	_ =	sdelay $0x1  }
0x15c: {  	[tilespmem:s0+$0xFFFFFFE0] =	vst v5  }
0x15d: {  	v5 =	vld [tilespmem:s31+$0xFFFFFFA0];
	_ =	sdelay $0x4  }
0x15e: {  	v5 =	vmul.f32 v5, v6;
	_ =	sdelay $0x1  }
0x15f: {  	[tilespmem:s0+$0xFFFFFFF0] =	vst v5  }
0x160: {  	v5 =	vld [tilespmem:s31+$0xFFFFFFB0];
	_ =	sdelay $0x4  }
0x161: {  	v5 =	vmul.f32 v5, v6;
	_ =	sdelay $0x1  }
0x162: {  	[tilespmem:s0+$0x0] =	vst v5  }
0x163: {  	v5 =	vld [tilespmem:s31+$0xFFFFFFC0];
	_ =	sdelay $0x4  }
0x164: {  	v5 =	vmul.f32 v5, v6;
	_ =	sdelay $0x1  }
0x165: {  	[tilespmem:s0+$0x10] =	vst v5  }
0x166: {  	v5 =	vld [tilespmem:s31+$0xFFFFFFD0];
	_ =	sdelay $0x4  }
0x167: {  	v5 =	vmul.f32 v5, v8;
	_ =	sdelay $0x1  }
0x168: {  	[tilespmem:s0+$0x20] =	vst v5  }
0x169: {  	v5 =	vld [tilespmem:s31+$0xFFFFFFE0];
	_ =	sdelay $0x4  }
0x16a: {  	v5 =	vmul.f32 v5, v8;
	_ =	sdelay $0x1  }
0x16b: {  	[tilespmem:s0+$0x30] =	vst v5  }
0x16c: {  	v5 =	vld [tilespmem:s31+$0xFFFFFFF0];
	_ =	sdelay $0x4  }
0x16d: {  	v5 =	vmul.f32 v5, v8;
	_ =	sdelay $0x1  }
0x16e: {  	[tilespmem:s0+$0x40] =	vst v5  }
0x16f: {  	v7 =	vld [tilespmem:s31+$0x0]  }
.Ltmp3:
0x170: {  	s10 =	sshll.u32 s10, $0x3;
	(pc) =	sbr.rel @p1 .LBB2_9-.Ltmp3, $3  }
0x171: {  	s11 =	sor.u32 s4, s10;
	v5 =	vor.u32 s10, v1  }
0x172: {  	v6 =	vmov s11;
	v5 =	vbroadcast v5, $0x0;
	_ =	sdelay $0x1  }
0x173: {  	s11 =	smov.u32 s3;
	v7 =	vmul.f32 v7, v8  }
0x174: {  	_ =	sdelay $0x2  }
0x175: {  	[tilespmem:s0+$0x50] =	vst v7  }
0x176: {  	s3 =	sadd.s32 $0xC0, s31;
	v6 =	vld.idx.msk [tilespmem:v6+s17+$0x0], $0xffff  }
0x177: {  	v7 =	vld [tilespmem:s3+$0xFFFFFF50];
	_ =	sdelay $0x4  }
0x178: {  	v7 =	vmul.f32 v7, v6  }
0x179: {  	s10 =	sadd.s32 $0xC0, s0  }
0x17a: {  	v5 =	vld.idx.msk [tilespmem:v5+s17+$0x0], $0xffff;
	[tilespmem:s10+$0xFFFFFFA0] =	vst v7  }
0x17b: {  	v7 =	vld [tilespmem:s3+$0xFFFFFF60];
	_ =	sdelay $0x4  }
0x17c: {  	v7 =	vmul.f32 v7, v6;
	_ =	sdelay $0x1  }
0x17d: {  	[tilespmem:s10+$0xFFFFFFB0] =	vst v7  }
0x17e: {  	v7 =	vld [tilespmem:s3+$0xFFFFFF70];
	_ =	sdelay $0x4  }
0x17f: {  	v7 =	vmul.f32 v7, v6;
	_ =	sdelay $0x1  }
0x180: {  	[tilespmem:s10+$0xFFFFFFC0] =	vst v7  }
0x181: {  	v7 =	vld [tilespmem:s3+$0xFFFFFF80];
	_ =	sdelay $0x4  }
0x182: {  	v7 =	vmul.f32 v7, v6;
	_ =	sdelay $0x1  }
0x183: {  	[tilespmem:s10+$0xFFFFFFD0] =	vst v7  }
0x184: {  	v7 =	vld [tilespmem:s3+$0xFFFFFF90];
	_ =	sdelay $0x3  }
0x185: {  	v6 =	vpsel p0, v6, v5  }
0x186: {  	v7 =	vmul.f32 v7, v6;
	_ =	sdelay $0x1  }
0x187: {  	[tilespmem:s10+$0xFFFFFFE0] =	vst v7  }
0x188: {  	v7 =	vld [tilespmem:s3+$0xFFFFFFA0];
	_ =	sdelay $0x4  }
0x189: {  	v7 =	vmul.f32 v7, v6;
	_ =	sdelay $0x1  }
0x18a: {  	[tilespmem:s10+$0xFFFFFFF0] =	vst v7  }
0x18b: {  	v7 =	vld [tilespmem:s3+$0xFFFFFFB0];
	_ =	sdelay $0x4  }
0x18c: {  	v7 =	vmul.f32 v7, v6;
	_ =	sdelay $0x1  }
0x18d: {  	[tilespmem:s10+$0x0] =	vst v7  }
0x18e: {  	v7 =	vld [tilespmem:s3+$0xFFFFFFC0];
	_ =	sdelay $0x4  }
0x18f: {  	v6 =	vmul.f32 v7, v6;
	_ =	sdelay $0x1  }
0x190: {  	[tilespmem:s10+$0x10] =	vst v6  }
0x191: {  	v6 =	vld [tilespmem:s3+$0xFFFFFFD0];
	_ =	sdelay $0x4  }
0x192: {  	v6 =	vmul.f32 v6, v5;
	_ =	sdelay $0x1  }
0x193: {  	[tilespmem:s10+$0x20] =	vst v6  }
0x194: {  	v6 =	vld [tilespmem:s3+$0xFFFFFFE0];
	_ =	sdelay $0x4  }
0x195: {  	v6 =	vmul.f32 v6, v5;
	_ =	sdelay $0x1  }
0x196: {  	[tilespmem:s10+$0x30] =	vst v6  }
0x197: {  	v6 =	vld [tilespmem:s3+$0xFFFFFFF0];
	_ =	sdelay $0x4  }
0x198: {  	v6 =	vmul.f32 v6, v5;
	_ =	sdelay $0x1  }
0x199: {  	[tilespmem:s10+$0x40] =	vst v6  }
0x19a: {  	v6 =	vld [tilespmem:s3+$0x0];
	_ =	sdelay $0x4  }
0x19b: {  	v5 =	vmul.f32 v6, v5;
	_ =	sdelay $0x1  }
0x19c: {  	[tilespmem:s10+$0x50] =	vst v5  }
0x19d: {  	[spmem:s2] =	stream.indirect_vreg.scatter.add.f32 [tilespmem:s15], [sflag:$0x3], $0xC0, v4, vm0, $0xb8;
	[tilespmem:$0x1FFA0] =	vst v63  }
0x19e: {  	s11 =	simm.s32 $0x100  }
0x19f: {  	[tilespmem:s20], [sflag:$0x2] =	stream.indirect.gather [hbm4b:s6+s18], $0xC0, s26, s18, $0xb8;
	[tilespmem:$0x1FFA0] =	vst v63  }
0x1a0: {  	s10 =	sor.u32 s4, s11;
	_ =	swait.ge [sflag:s21], $0xC00  }
0x1a1: {  	v5 =	vmov s10;
	[sflag:s21] =	ssyncset.done $0x0  }
0x1a2: {  	[sflag:s21] =	ssyncadd.s32 $0xFFFFF400  }
0x1a3: {  	v4 =	vld [tilespmem:$0x70];
	_ =	swait.ge [sflag:s22], $0xC00  }
0x1a4: {  	[sflag:s22] =	ssyncset.done $0x0  }
0x1a5: {  	[sflag:s22] =	ssyncadd.s32 $0xFFFFF400  }
0x1a6: {  	s31 =	simm.s32 $0x380;
	v5 =	vld.idx.msk [tilespmem:v5+s17+$0x0], $0xffff  }
0x1a7: {  	v6 =	vor.u32 s11, v1;
	v7 =	vld [tilespmem:s31+$0xFFFFFFA0]  }
0x1a8: {  	v6 =	vbroadcast v6, $0x0;
	_ =	sdelay $0x3  }
0x1a9: {  	v7 =	vmul.f32 v7, v5  }
0x1aa: {  	s0 =	simm.s32 $0x1B80  }
0x1ab: {  	v8 =	vld.idx.msk [tilespmem:v6+s17+$0x0], $0xffff;
	[tilespmem:s0+$0xFFFFFFA0] =	vst v7  }
0x1ac: {  	v6 =	vld [tilespmem:s31+$0xFFFFFFB0];
	_ =	sdelay $0x4  }
0x1ad: {  	v6 =	vmul.f32 v6, v5;
	_ =	sdelay $0x1  }
0x1ae: {  	[tilespmem:s0+$0xFFFFFFB0] =	vst v6  }
0x1af: {  	v6 =	vld [tilespmem:s31+$0xFFFFFFC0];
	_ =	sdelay $0x4  }
0x1b0: {  	v6 =	vmul.f32 v6, v5;
	_ =	sdelay $0x1  }
0x1b1: {  	[tilespmem:s0+$0xFFFFFFC0] =	vst v6  }
0x1b2: {  	v6 =	vld [tilespmem:s31+$0xFFFFFFD0];
	_ =	sdelay $0x4  }
0x1b3: {  	v6 =	vmul.f32 v6, v5;
	_ =	sdelay $0x1  }
0x1b4: {  	[tilespmem:s0+$0xFFFFFFD0] =	vst v6  }
0x1b5: {  	v6 =	vld [tilespmem:s31+$0xFFFFFFE0];
	_ =	sdelay $0x3  }
0x1b6: {  	v5 =	vpsel p0, v5, v8  }
0x1b7: {  	v6 =	vmul.f32 v6, v5;
	_ =	sdelay $0x1  }
0x1b8: {  	[tilespmem:s0+$0xFFFFFFE0] =	vst v6  }
0x1b9: {  	v6 =	vld [tilespmem:s31+$0xFFFFFFF0];
	_ =	sdelay $0x4  }
0x1ba: {  	v6 =	vmul.f32 v6, v5;
	_ =	sdelay $0x1  }
0x1bb: {  	[tilespmem:s0+$0xFFFFFFF0] =	vst v6  }
0x1bc: {  	v6 =	vld [tilespmem:s31+$0x0];
	_ =	sdelay $0x4  }
0x1bd: {  	v6 =	vmul.f32 v6, v5;
	_ =	sdelay $0x1  }
0x1be: {  	[tilespmem:s0+$0x0] =	vst v6  }
0x1bf: {  	v6 =	vld [tilespmem:s31+$0x10];
	_ =	sdelay $0x4  }
0x1c0: {  	v5 =	vmul.f32 v6, v5;
	_ =	sdelay $0x1  }
0x1c1: {  	[tilespmem:s0+$0x10] =	vst v5  }
0x1c2: {  	v5 =	vld [tilespmem:s31+$0x20];
	_ =	sdelay $0x4  }
0x1c3: {  	v5 =	vmul.f32 v5, v8;
	_ =	sdelay $0x1  }
0x1c4: {  	[tilespmem:s0+$0x20] =	vst v5  }
0x1c5: {  	v5 =	vld [tilespmem:s31+$0x30];
	_ =	sdelay $0x4  }
0x1c6: {  	v5 =	vmul.f32 v5, v8;
	_ =	sdelay $0x1  }
0x1c7: {  	[tilespmem:s0+$0x30] =	vst v5  }
0x1c8: {  	v5 =	vld [tilespmem:s31+$0x40];
	_ =	sdelay $0x4  }
0x1c9: {  	v5 =	vmul.f32 v5, v8;
	_ =	sdelay $0x1  }
0x1ca: {  	[tilespmem:s0+$0x40] =	vst v5  }
0x1cb: {  	v7 =	vld [tilespmem:s31+$0x50]  }
0x1cc: {  	s11 =	simm.s32 $0x108  }
0x1cd: {  	s10 =	sor.u32 s4, s11  }
0x1ce: {  	v6 =	vmov s10  }
0x1cf: {  	v5 =	vor.u32 s11, v1  }
0x1d0: {  	s11 =	simm.s32 $0x22;
	v5 =	vbroadcast v5, $0x0;
	v7 =	vmul.f32 v7, v8  }
.LBB2_11:
0x1d1: {  	s31 =	sadd.s32 $0xC0, s31  }
0x1d2: {  	s10 =	smov.u32 s11;
	s3 =	sadd.s32 $0x1, s11;
	[tilespmem:s0+$0x50] =	vst v7;
	s0 =	sadd.s32 $0xC0, s0  }
0x1d3: {  	p1 =	sne.s32 s11, $0x2F;
	v6 =	vld.idx.msk [tilespmem:v6+s17+$0x0], $0xffff  }
0x1d4: {  	v7 =	vld [tilespmem:s31+$0xFFFFFFA0];
	_ =	sdelay $0x4  }
0x1d5: {  	v7 =	vmul.f32 v7, v6  }
0x1d6: {  	v8 =	vld.idx.msk [tilespmem:v5+s17+$0x0], $0xffff  }
0x1d7: {  	[tilespmem:s0+$0xFFFFFFA0] =	vst v7  }
0x1d8: {  	v5 =	vld [tilespmem:s31+$0xFFFFFFB0];
	_ =	sdelay $0x4  }
0x1d9: {  	v5 =	vmul.f32 v5, v6;
	_ =	sdelay $0x1  }
0x1da: {  	[tilespmem:s0+$0xFFFFFFB0] =	vst v5  }
0x1db: {  	v5 =	vld [tilespmem:s31+$0xFFFFFFC0];
	_ =	sdelay $0x4  }
0x1dc: {  	v5 =	vmul.f32 v5, v6;
	_ =	sdelay $0x1  }
0x1dd: {  	[tilespmem:s0+$0xFFFFFFC0] =	vst v5  }
0x1de: {  	v5 =	vld [tilespmem:s31+$0xFFFFFFD0];
	_ =	sdelay $0x4  }
0x1df: {  	v5 =	vmul.f32 v5, v6;
	_ =	sdelay $0x1  }
0x1e0: {  	[tilespmem:s0+$0xFFFFFFD0] =	vst v5  }
0x1e1: {  	v5 =	vld [tilespmem:s31+$0xFFFFFFE0];
	_ =	sdelay $0x3  }
0x1e2: {  	v6 =	vpsel p0, v6, v8  }
0x1e3: {  	v5 =	vmul.f32 v5, v6;
	_ =	sdelay $0x1  }
0x1e4: {  	[tilespmem:s0+$0xFFFFFFE0] =	vst v5  }
0x1e5: {  	v5 =	vld [tilespmem:s31+$0xFFFFFFF0];
	_ =	sdelay $0x4  }
0x1e6: {  	v5 =	vmul.f32 v5, v6;
	_ =	sdelay $0x1  }
0x1e7: {  	[tilespmem:s0+$0xFFFFFFF0] =	vst v5  }
0x1e8: {  	v5 =	vld [tilespmem:s31+$0x0];
	_ =	sdelay $0x4  }
0x1e9: {  	v5 =	vmul.f32 v5, v6;
	_ =	sdelay $0x1  }
0x1ea: {  	[tilespmem:s0+$0x0] =	vst v5  }
0x1eb: {  	v5 =	vld [tilespmem:s31+$0x10];
	_ =	sdelay $0x4  }
0x1ec: {  	v5 =	vmul.f32 v5, v6;
	_ =	sdelay $0x1  }
0x1ed: {  	[tilespmem:s0+$0x10] =	vst v5  }
0x1ee: {  	v5 =	vld [tilespmem:s31+$0x20];
	_ =	sdelay $0x4  }
0x1ef: {  	v5 =	vmul.f32 v5, v8;
	_ =	sdelay $0x1  }
0x1f0: {  	[tilespmem:s0+$0x20] =	vst v5  }
0x1f1: {  	v5 =	vld [tilespmem:s31+$0x30];
	_ =	sdelay $0x4  }
0x1f2: {  	v5 =	vmul.f32 v5, v8;
	_ =	sdelay $0x1  }
0x1f3: {  	[tilespmem:s0+$0x30] =	vst v5  }
0x1f4: {  	v5 =	vld [tilespmem:s31+$0x40];
	_ =	sdelay $0x4  }
0x1f5: {  	v5 =	vmul.f32 v5, v8;
	_ =	sdelay $0x1  }
0x1f6: {  	[tilespmem:s0+$0x40] =	vst v5  }
0x1f7: {  	v7 =	vld [tilespmem:s31+$0x50]  }
.Ltmp4:
0x1f8: {  	s10 =	sshll.u32 s10, $0x3;
	(pc) =	sbr.rel @p1 .LBB2_11-.Ltmp4, $3  }
0x1f9: {  	s11 =	sor.u32 s4, s10;
	v5 =	vor.u32 s10, v1  }
0x1fa: {  	v6 =	vmov s11;
	v5 =	vbroadcast v5, $0x0;
	_ =	sdelay $0x1  }
0x1fb: {  	s11 =	smov.u32 s3;
	v7 =	vmul.f32 v7, v8  }
0x1fc: {  	_ =	sdelay $0x2  }
0x1fd: {  	[tilespmem:s0+$0x50] =	vst v7  }
0x1fe: {  	s3 =	sadd.s32 $0xC0, s31;
	v6 =	vld.idx.msk [tilespmem:v6+s17+$0x0], $0xffff  }
0x1ff: {  	v7 =	vld [tilespmem:s3+$0xFFFFFFA0];
	_ =	sdelay $0x4  }
0x200: {  	v7 =	vmul.f32 v7, v6  }
0x201: {  	s10 =	sadd.s32 $0xC0, s0  }
0x202: {  	v5 =	vld.idx.msk [tilespmem:v5+s17+$0x0], $0xffff;
	[tilespmem:s10+$0xFFFFFFA0] =	vst v7  }
0x203: {  	v7 =	vld [tilespmem:s3+$0xFFFFFFB0];
	_ =	sdelay $0x4  }
0x204: {  	v7 =	vmul.f32 v7, v6;
	_ =	sdelay $0x1  }
0x205: {  	[tilespmem:s10+$0xFFFFFFB0] =	vst v7  }
0x206: {  	v7 =	vld [tilespmem:s3+$0xFFFFFFC0];
	_ =	sdelay $0x4  }
0x207: {  	v7 =	vmul.f32 v7, v6;
	_ =	sdelay $0x1  }
0x208: {  	[tilespmem:s10+$0xFFFFFFC0] =	vst v7  }
0x209: {  	v7 =	vld [tilespmem:s3+$0xFFFFFFD0];
	_ =	sdelay $0x4  }
0x20a: {  	v7 =	vmul.f32 v7, v6;
	_ =	sdelay $0x1  }
0x20b: {  	[tilespmem:s10+$0xFFFFFFD0] =	vst v7  }
0x20c: {  	v7 =	vld [tilespmem:s3+$0xFFFFFFE0];
	_ =	sdelay $0x3  }
0x20d: {  	v6 =	vpsel p0, v6, v5  }
0x20e: {  	v7 =	vmul.f32 v7, v6;
	_ =	sdelay $0x1  }
0x20f: {  	[tilespmem:s10+$0xFFFFFFE0] =	vst v7  }
0x210: {  	v7 =	vld [tilespmem:s3+$0xFFFFFFF0];
	_ =	sdelay $0x4  }
0x211: {  	v7 =	vmul.f32 v7, v6;
	_ =	sdelay $0x1  }
0x212: {  	[tilespmem:s10+$0xFFFFFFF0] =	vst v7  }
0x213: {  	v7 =	vld [tilespmem:s3+$0x0];
	_ =	sdelay $0x4  }
0x214: {  	v7 =	vmul.f32 v7, v6;
	_ =	sdelay $0x1  }
0x215: {  	[tilespmem:s10+$0x0] =	vst v7  }
0x216: {  	v7 =	vld [tilespmem:s3+$0x10];
	_ =	sdelay $0x4  }
0x217: {  	v6 =	vmul.f32 v7, v6;
	_ =	sdelay $0x1  }
0x218: {  	[tilespmem:s10+$0x10] =	vst v6  }
0x219: {  	v6 =	vld [tilespmem:s3+$0x20];
	_ =	sdelay $0x4  }
0x21a: {  	v6 =	vmul.f32 v6, v5;
	_ =	sdelay $0x1  }
0x21b: {  	[tilespmem:s10+$0x20] =	vst v6  }
0x21c: {  	v6 =	vld [tilespmem:s3+$0x30];
	_ =	sdelay $0x4  }
0x21d: {  	v6 =	vmul.f32 v6, v5;
	_ =	sdelay $0x1  }
0x21e: {  	[tilespmem:s10+$0x30] =	vst v6  }
0x21f: {  	v6 =	vld [tilespmem:s3+$0x40];
	_ =	sdelay $0x4  }
0x220: {  	v6 =	vmul.f32 v6, v5;
	_ =	sdelay $0x1  }
0x221: {  	[tilespmem:s10+$0x40] =	vst v6  }
0x222: {  	v6 =	vld [tilespmem:s3+$0x50];
	_ =	sdelay $0x4  }
0x223: {  	v5 =	vmul.f32 v6, v5;
	_ =	sdelay $0x1  }
0x224: {  	[tilespmem:s10+$0x50] =	vst v5  }
0x225: {  	[spmem:s2] =	stream.indirect_vreg.scatter.add.f32 [tilespmem:s15], [sflag:$0x3], $0xC0, v4, vm0, $0xb8;
	[tilespmem:$0x1FFA0] =	vst v63  }
0x226: {  	s11 =	simm.s32 $0x180  }
0x227: {  	[tilespmem:s19], [sflag:$0x1] =	stream.indirect.gather [hbm4b:s6+s18], $0xC0, s28, s18, $0xb8;
	[tilespmem:$0x1FFA0] =	vst v63  }
0x228: {  	s10 =	sor.u32 s4, s11;
	_ =	swait.ge [sflag:s24], $0xC00  }
0x229: {  	v5 =	vmov s10;
	[sflag:s24] =	ssyncset.done $0x0  }
0x22a: {  	[sflag:s24] =	ssyncadd.s32 $0xFFFFF400  }
0x22b: {  	v4 =	vld [tilespmem:$0x80];
	_ =	swait.ge [sflag:s22], $0xC00  }
0x22c: {  	[sflag:s22] =	ssyncset.done $0x0  }
0x22d: {  	[sflag:s22] =	ssyncadd.s32 $0xFFFFF400  }
0x22e: {  	s31 =	simm.s32 $0xFD0;
	v5 =	vld.idx.msk [tilespmem:v5+s17+$0x0], $0xffff  }
0x22f: {  	v6 =	vor.u32 s11, v1;
	v7 =	vld [tilespmem:s31+$0xFFFFFF50]  }
0x230: {  	v6 =	vbroadcast v6, $0x0;
	_ =	sdelay $0x3  }
0x231: {  	v7 =	vmul.f32 v7, v5  }
0x232: {  	s0 =	simm.s32 $0x1B80  }
0x233: {  	v8 =	vld.idx.msk [tilespmem:v6+s17+$0x0], $0xffff;
	[tilespmem:s0+$0xFFFFFFA0] =	vst v7  }
0x234: {  	v6 =	vld [tilespmem:s31+$0xFFFFFF60];
	_ =	sdelay $0x4  }
0x235: {  	v6 =	vmul.f32 v6, v5;
	_ =	sdelay $0x1  }
0x236: {  	[tilespmem:s0+$0xFFFFFFB0] =	vst v6  }
0x237: {  	v6 =	vld [tilespmem:s31+$0xFFFFFF70];
	_ =	sdelay $0x4  }
0x238: {  	v6 =	vmul.f32 v6, v5;
	_ =	sdelay $0x1  }
0x239: {  	[tilespmem:s0+$0xFFFFFFC0] =	vst v6  }
0x23a: {  	v6 =	vld [tilespmem:s31+$0xFFFFFF80];
	_ =	sdelay $0x4  }
0x23b: {  	v6 =	vmul.f32 v6, v5;
	_ =	sdelay $0x1  }
0x23c: {  	[tilespmem:s0+$0xFFFFFFD0] =	vst v6  }
0x23d: {  	v6 =	vld [tilespmem:s31+$0xFFFFFF90];
	_ =	sdelay $0x3  }
0x23e: {  	v5 =	vpsel p0, v5, v8  }
0x23f: {  	v6 =	vmul.f32 v6, v5;
	_ =	sdelay $0x1  }
0x240: {  	[tilespmem:s0+$0xFFFFFFE0] =	vst v6  }
0x241: {  	v6 =	vld [tilespmem:s31+$0xFFFFFFA0];
	_ =	sdelay $0x4  }
0x242: {  	v6 =	vmul.f32 v6, v5;
	_ =	sdelay $0x1  }
0x243: {  	[tilespmem:s0+$0xFFFFFFF0] =	vst v6  }
0x244: {  	v6 =	vld [tilespmem:s31+$0xFFFFFFB0];
	_ =	sdelay $0x4  }
0x245: {  	v6 =	vmul.f32 v6, v5;
	_ =	sdelay $0x1  }
0x246: {  	[tilespmem:s0+$0x0] =	vst v6  }
0x247: {  	v6 =	vld [tilespmem:s31+$0xFFFFFFC0];
	_ =	sdelay $0x4  }
0x248: {  	v5 =	vmul.f32 v6, v5;
	_ =	sdelay $0x1  }
0x249: {  	[tilespmem:s0+$0x10] =	vst v5  }
0x24a: {  	v5 =	vld [tilespmem:s31+$0xFFFFFFD0];
	_ =	sdelay $0x4  }
0x24b: {  	v5 =	vmul.f32 v5, v8;
	_ =	sdelay $0x1  }
0x24c: {  	[tilespmem:s0+$0x20] =	vst v5  }
0x24d: {  	v5 =	vld [tilespmem:s31+$0xFFFFFFE0];
	_ =	sdelay $0x4  }
0x24e: {  	v5 =	vmul.f32 v5, v8;
	_ =	sdelay $0x1  }
0x24f: {  	[tilespmem:s0+$0x30] =	vst v5  }
0x250: {  	v5 =	vld [tilespmem:s31+$0xFFFFFFF0];
	_ =	sdelay $0x4  }
0x251: {  	v5 =	vmul.f32 v5, v8;
	_ =	sdelay $0x1  }
0x252: {  	[tilespmem:s0+$0x40] =	vst v5  }
0x253: {  	v7 =	vld [tilespmem:s31+$0x0]  }
0x254: {  	s11 =	simm.s32 $0x188  }
0x255: {  	s10 =	sor.u32 s4, s11  }
0x256: {  	v6 =	vmov s10  }
0x257: {  	v5 =	vor.u32 s11, v1  }
0x258: {  	s11 =	simm.s32 $0x32;
	v5 =	vbroadcast v5, $0x0;
	v7 =	vmul.f32 v7, v8  }
.LBB2_13:
0x259: {  	s31 =	sadd.s32 $0xC0, s31  }
0x25a: {  	s10 =	smov.u32 s11;
	s3 =	sadd.s32 $0x1, s11;
	[tilespmem:s0+$0x50] =	vst v7;
	s0 =	sadd.s32 $0xC0, s0  }
0x25b: {  	p1 =	sne.s32 s11, $0x3F;
	v6 =	vld.idx.msk [tilespmem:v6+s17+$0x0], $0xffff  }
0x25c: {  	v7 =	vld [tilespmem:s31+$0xFFFFFF50];
	_ =	sdelay $0x4  }
0x25d: {  	v7 =	vmul.f32 v7, v6  }
0x25e: {  	v8 =	vld.idx.msk [tilespmem:v5+s17+$0x0], $0xffff  }
0x25f: {  	[tilespmem:s0+$0xFFFFFFA0] =	vst v7  }
0x260: {  	v5 =	vld [tilespmem:s31+$0xFFFFFF60];
	_ =	sdelay $0x4  }
0x261: {  	v5 =	vmul.f32 v5, v6;
	_ =	sdelay $0x1  }
0x262: {  	[tilespmem:s0+$0xFFFFFFB0] =	vst v5  }
0x263: {  	v5 =	vld [tilespmem:s31+$0xFFFFFF70];
	_ =	sdelay $0x4  }
0x264: {  	v5 =	vmul.f32 v5, v6;
	_ =	sdelay $0x1  }
0x265: {  	[tilespmem:s0+$0xFFFFFFC0] =	vst v5  }
0x266: {  	v5 =	vld [tilespmem:s31+$0xFFFFFF80];
	_ =	sdelay $0x4  }
0x267: {  	v5 =	vmul.f32 v5, v6;
	_ =	sdelay $0x1  }
0x268: {  	[tilespmem:s0+$0xFFFFFFD0] =	vst v5  }
0x269: {  	v5 =	vld [tilespmem:s31+$0xFFFFFF90];
	_ =	sdelay $0x3  }
0x26a: {  	v6 =	vpsel p0, v6, v8  }
0x26b: {  	v5 =	vmul.f32 v5, v6;
	_ =	sdelay $0x1  }
0x26c: {  	[tilespmem:s0+$0xFFFFFFE0] =	vst v5  }
0x26d: {  	v5 =	vld [tilespmem:s31+$0xFFFFFFA0];
	_ =	sdelay $0x4  }
0x26e: {  	v5 =	vmul.f32 v5, v6;
	_ =	sdelay $0x1  }
0x26f: {  	[tilespmem:s0+$0xFFFFFFF0] =	vst v5  }
0x270: {  	v5 =	vld [tilespmem:s31+$0xFFFFFFB0];
	_ =	sdelay $0x4  }
0x271: {  	v5 =	vmul.f32 v5, v6;
	_ =	sdelay $0x1  }
0x272: {  	[tilespmem:s0+$0x0] =	vst v5  }
0x273: {  	v5 =	vld [tilespmem:s31+$0xFFFFFFC0];
	_ =	sdelay $0x4  }
0x274: {  	v5 =	vmul.f32 v5, v6;
	_ =	sdelay $0x1  }
0x275: {  	[tilespmem:s0+$0x10] =	vst v5  }
0x276: {  	v5 =	vld [tilespmem:s31+$0xFFFFFFD0];
	_ =	sdelay $0x4  }
0x277: {  	v5 =	vmul.f32 v5, v8;
	_ =	sdelay $0x1  }
0x278: {  	[tilespmem:s0+$0x20] =	vst v5  }
0x279: {  	v5 =	vld [tilespmem:s31+$0xFFFFFFE0];
	_ =	sdelay $0x4  }
0x27a: {  	v5 =	vmul.f32 v5, v8;
	_ =	sdelay $0x1  }
0x27b: {  	[tilespmem:s0+$0x30] =	vst v5  }
0x27c: {  	v5 =	vld [tilespmem:s31+$0xFFFFFFF0];
	_ =	sdelay $0x4  }
0x27d: {  	v5 =	vmul.f32 v5, v8;
	_ =	sdelay $0x1  }
0x27e: {  	[tilespmem:s0+$0x40] =	vst v5  }
0x27f: {  	v7 =	vld [tilespmem:s31+$0x0]  }
.Ltmp5:
0x280: {  	s10 =	sshll.u32 s10, $0x3;
	(pc) =	sbr.rel @p1 .LBB2_13-.Ltmp5, $3  }
0x281: {  	s11 =	sor.u32 s4, s10;
	v5 =	vor.u32 s10, v1  }
0x282: {  	v6 =	vmov s11;
	v5 =	vbroadcast v5, $0x0;
	_ =	sdelay $0x1  }
0x283: {  	s11 =	smov.u32 s3;
	v7 =	vmul.f32 v7, v8  }
0x284: {  	_ =	sdelay $0x2  }
0x285: {  	[tilespmem:s0+$0x50] =	vst v7  }
0x286: {  	s3 =	sadd.s32 $0xC0, s31;
	v6 =	vld.idx.msk [tilespmem:v6+s17+$0x0], $0xffff  }
0x287: {  	v7 =	vld [tilespmem:s3+$0xFFFFFF50];
	_ =	sdelay $0x4  }
0x288: {  	v7 =	vmul.f32 v7, v6  }
0x289: {  	s10 =	sadd.s32 $0xC0, s0  }
0x28a: {  	v5 =	vld.idx.msk [tilespmem:v5+s17+$0x0], $0xffff;
	[tilespmem:s10+$0xFFFFFFA0] =	vst v7  }
0x28b: {  	v7 =	vld [tilespmem:s3+$0xFFFFFF60];
	_ =	sdelay $0x4  }
0x28c: {  	v7 =	vmul.f32 v7, v6;
	_ =	sdelay $0x1  }
0x28d: {  	[tilespmem:s10+$0xFFFFFFB0] =	vst v7  }
0x28e: {  	v7 =	vld [tilespmem:s3+$0xFFFFFF70];
	_ =	sdelay $0x4  }
0x28f: {  	v7 =	vmul.f32 v7, v6;
	_ =	sdelay $0x1  }
0x290: {  	[tilespmem:s10+$0xFFFFFFC0] =	vst v7  }
0x291: {  	v7 =	vld [tilespmem:s3+$0xFFFFFF80];
	_ =	sdelay $0x4  }
0x292: {  	v7 =	vmul.f32 v7, v6;
	_ =	sdelay $0x1  }
0x293: {  	[tilespmem:s10+$0xFFFFFFD0] =	vst v7  }
0x294: {  	v7 =	vld [tilespmem:s3+$0xFFFFFF90];
	_ =	sdelay $0x3  }
0x295: {  	v6 =	vpsel p0, v6, v5  }
0x296: {  	v7 =	vmul.f32 v7, v6;
	_ =	sdelay $0x1  }
0x297: {  	[tilespmem:s10+$0xFFFFFFE0] =	vst v7  }
0x298: {  	v7 =	vld [tilespmem:s3+$0xFFFFFFA0];
	_ =	sdelay $0x4  }
0x299: {  	v7 =	vmul.f32 v7, v6;
	_ =	sdelay $0x1  }
0x29a: {  	[tilespmem:s10+$0xFFFFFFF0] =	vst v7  }
0x29b: {  	v7 =	vld [tilespmem:s3+$0xFFFFFFB0];
	_ =	sdelay $0x4  }
0x29c: {  	v7 =	vmul.f32 v7, v6;
	_ =	sdelay $0x1  }
0x29d: {  	[tilespmem:s10+$0x0] =	vst v7  }
0x29e: {  	v7 =	vld [tilespmem:s3+$0xFFFFFFC0];
	_ =	sdelay $0x4  }
0x29f: {  	v6 =	vmul.f32 v7, v6;
	_ =	sdelay $0x1  }
0x2a0: {  	[tilespmem:s10+$0x10] =	vst v6  }
0x2a1: {  	v6 =	vld [tilespmem:s3+$0xFFFFFFD0];
	_ =	sdelay $0x4  }
0x2a2: {  	v6 =	vmul.f32 v6, v5;
	_ =	sdelay $0x1  }
0x2a3: {  	[tilespmem:s10+$0x20] =	vst v6  }
0x2a4: {  	v6 =	vld [tilespmem:s3+$0xFFFFFFE0];
	_ =	sdelay $0x4  }
0x2a5: {  	v6 =	vmul.f32 v6, v5;
	_ =	sdelay $0x1  }
0x2a6: {  	[tilespmem:s10+$0x30] =	vst v6  }
0x2a7: {  	v6 =	vld [tilespmem:s3+$0xFFFFFFF0];
	_ =	sdelay $0x4  }
0x2a8: {  	v6 =	vmul.f32 v6, v5;
	_ =	sdelay $0x1  }
0x2a9: {  	[tilespmem:s10+$0x40] =	vst v6  }
0x2aa: {  	v6 =	vld [tilespmem:s3+$0x0];
	_ =	sdelay $0x4  }
0x2ab: {  	v5 =	vmul.f32 v6, v5;
	_ =	sdelay $0x1  }
0x2ac: {  	s11 =	simm.s32 $0x200;
	[tilespmem:s10+$0x50] =	vst v5  }
0x2ad: {  	[spmem:s2] =	stream.indirect_vreg.scatter.add.f32 [tilespmem:s15], [sflag:$0x3], $0xC0, v4, vm0, $0xb8;
	[tilespmem:$0x1FFA0] =	vst v63  }
0x2ae: {  	s10 =	sor.u32 s4, s11;
	_ =	swait.ge [sflag:s21], $0xC00  }
0x2af: {  	v5 =	vmov s10;
	[sflag:s21] =	ssyncset.done $0x0  }
0x2b0: {  	[sflag:s21] =	ssyncadd.s32 $0xFFFFF400  }
0x2b1: {  	v4 =	vld [tilespmem:$0x90];
	_ =	swait.ge [sflag:s22], $0xC00  }
0x2b2: {  	[sflag:s22] =	ssyncset.done $0x0  }
0x2b3: {  	[sflag:s22] =	ssyncadd.s32 $0xFFFFF400  }
0x2b4: {  	s31 =	simm.s32 $0x380;
	v5 =	vld.idx.msk [tilespmem:v5+s17+$0x0], $0xffff  }
0x2b5: {  	v6 =	vor.u32 s11, v1;
	v7 =	vld [tilespmem:s31+$0xFFFFFFA0]  }
0x2b6: {  	v6 =	vbroadcast v6, $0x0;
	_ =	sdelay $0x3  }
0x2b7: {  	v7 =	vmul.f32 v7, v5  }
0x2b8: {  	s0 =	simm.s32 $0x1B80  }
0x2b9: {  	v8 =	vld.idx.msk [tilespmem:v6+s17+$0x0], $0xffff;
	[tilespmem:s0+$0xFFFFFFA0] =	vst v7  }
0x2ba: {  	v6 =	vld [tilespmem:s31+$0xFFFFFFB0];
	_ =	sdelay $0x4  }
0x2bb: {  	v6 =	vmul.f32 v6, v5;
	_ =	sdelay $0x1  }
0x2bc: {  	[tilespmem:s0+$0xFFFFFFB0] =	vst v6  }
0x2bd: {  	v6 =	vld [tilespmem:s31+$0xFFFFFFC0];
	_ =	sdelay $0x4  }
0x2be: {  	v6 =	vmul.f32 v6, v5;
	_ =	sdelay $0x1  }
0x2bf: {  	[tilespmem:s0+$0xFFFFFFC0] =	vst v6  }
0x2c0: {  	v6 =	vld [tilespmem:s31+$0xFFFFFFD0];
	_ =	sdelay $0x4  }
0x2c1: {  	v6 =	vmul.f32 v6, v5;
	_ =	sdelay $0x1  }
0x2c2: {  	[tilespmem:s0+$0xFFFFFFD0] =	vst v6  }
0x2c3: {  	v6 =	vld [tilespmem:s31+$0xFFFFFFE0];
	_ =	sdelay $0x3  }
0x2c4: {  	v5 =	vpsel p0, v5, v8  }
0x2c5: {  	v6 =	vmul.f32 v6, v5;
	_ =	sdelay $0x1  }
0x2c6: {  	[tilespmem:s0+$0xFFFFFFE0] =	vst v6  }
0x2c7: {  	v6 =	vld [tilespmem:s31+$0xFFFFFFF0];
	_ =	sdelay $0x4  }
0x2c8: {  	v6 =	vmul.f32 v6, v5;
	_ =	sdelay $0x1  }
0x2c9: {  	[tilespmem:s0+$0xFFFFFFF0] =	vst v6  }
0x2ca: {  	v6 =	vld [tilespmem:s31+$0x0];
	_ =	sdelay $0x4  }
0x2cb: {  	v6 =	vmul.f32 v6, v5;
	_ =	sdelay $0x1  }
0x2cc: {  	[tilespmem:s0+$0x0] =	vst v6  }
0x2cd: {  	v6 =	vld [tilespmem:s31+$0x10];
	_ =	sdelay $0x4  }
0x2ce: {  	v5 =	vmul.f32 v6, v5;
	_ =	sdelay $0x1  }
0x2cf: {  	[tilespmem:s0+$0x10] =	vst v5  }
0x2d0: {  	v5 =	vld [tilespmem:s31+$0x20];
	_ =	sdelay $0x4  }
0x2d1: {  	v5 =	vmul.f32 v5, v8;
	_ =	sdelay $0x1  }
0x2d2: {  	[tilespmem:s0+$0x20] =	vst v5  }
0x2d3: {  	v5 =	vld [tilespmem:s31+$0x30];
	_ =	sdelay $0x4  }
0x2d4: {  	v5 =	vmul.f32 v5, v8;
	_ =	sdelay $0x1  }
0x2d5: {  	[tilespmem:s0+$0x30] =	vst v5  }
0x2d6: {  	v5 =	vld [tilespmem:s31+$0x40];
	_ =	sdelay $0x4  }
0x2d7: {  	v5 =	vmul.f32 v5, v8;
	_ =	sdelay $0x1  }
0x2d8: {  	[tilespmem:s0+$0x40] =	vst v5  }
0x2d9: {  	v7 =	vld [tilespmem:s31+$0x50]  }
0x2da: {  	s11 =	simm.s32 $0x208  }
0x2db: {  	s10 =	sor.u32 s4, s11  }
0x2dc: {  	v6 =	vmov s10  }
0x2dd: {  	v5 =	vor.u32 s11, v1  }
0x2de: {  	s11 =	simm.s32 $0x42;
	v5 =	vbroadcast v5, $0x0;
	v7 =	vmul.f32 v7, v8  }
.LBB2_15:
0x2df: {  	s31 =	sadd.s32 $0xC0, s31  }
0x2e0: {  	s10 =	smov.u32 s11;
	s3 =	sadd.s32 $0x1, s11;
	[tilespmem:s0+$0x50] =	vst v7;
	s0 =	sadd.s32 $0xC0, s0  }
0x2e1: {  	p1 =	sne.s32 s11, $0x4F;
	v6 =	vld.idx.msk [tilespmem:v6+s17+$0x0], $0xffff  }
0x2e2: {  	v7 =	vld [tilespmem:s31+$0xFFFFFFA0];
	_ =	sdelay $0x4  }
0x2e3: {  	v7 =	vmul.f32 v7, v6  }
0x2e4: {  	v8 =	vld.idx.msk [tilespmem:v5+s17+$0x0], $0xffff  }
0x2e5: {  	[tilespmem:s0+$0xFFFFFFA0] =	vst v7  }
0x2e6: {  	v5 =	vld [tilespmem:s31+$0xFFFFFFB0];
	_ =	sdelay $0x4  }
0x2e7: {  	v5 =	vmul.f32 v5, v6;
	_ =	sdelay $0x1  }
0x2e8: {  	[tilespmem:s0+$0xFFFFFFB0] =	vst v5  }
0x2e9: {  	v5 =	vld [tilespmem:s31+$0xFFFFFFC0];
	_ =	sdelay $0x4  }
0x2ea: {  	v5 =	vmul.f32 v5, v6;
	_ =	sdelay $0x1  }
0x2eb: {  	[tilespmem:s0+$0xFFFFFFC0] =	vst v5  }
0x2ec: {  	v5 =	vld [tilespmem:s31+$0xFFFFFFD0];
	_ =	sdelay $0x4  }
0x2ed: {  	v5 =	vmul.f32 v5, v6;
	_ =	sdelay $0x1  }
0x2ee: {  	[tilespmem:s0+$0xFFFFFFD0] =	vst v5  }
0x2ef: {  	v5 =	vld [tilespmem:s31+$0xFFFFFFE0];
	_ =	sdelay $0x3  }
0x2f0: {  	v6 =	vpsel p0, v6, v8  }
0x2f1: {  	v5 =	vmul.f32 v5, v6;
	_ =	sdelay $0x1  }
0x2f2: {  	[tilespmem:s0+$0xFFFFFFE0] =	vst v5  }
0x2f3: {  	v5 =	vld [tilespmem:s31+$0xFFFFFFF0];
	_ =	sdelay $0x4  }
0x2f4: {  	v5 =	vmul.f32 v5, v6;
	_ =	sdelay $0x1  }
0x2f5: {  	[tilespmem:s0+$0xFFFFFFF0] =	vst v5  }
0x2f6: {  	v5 =	vld [tilespmem:s31+$0x0];
	_ =	sdelay $0x4  }
0x2f7: {  	v5 =	vmul.f32 v5, v6;
	_ =	sdelay $0x1  }
0x2f8: {  	[tilespmem:s0+$0x0] =	vst v5  }
0x2f9: {  	v5 =	vld [tilespmem:s31+$0x10];
	_ =	sdelay $0x4  }
0x2fa: {  	v5 =	vmul.f32 v5, v6;
	_ =	sdelay $0x1  }
0x2fb: {  	[tilespmem:s0+$0x10] =	vst v5  }
0x2fc: {  	v5 =	vld [tilespmem:s31+$0x20];
	_ =	sdelay $0x4  }
0x2fd: {  	v5 =	vmul.f32 v5, v8;
	_ =	sdelay $0x1  }
0x2fe: {  	[tilespmem:s0+$0x20] =	vst v5  }
0x2ff: {  	v5 =	vld [tilespmem:s31+$0x30];
	_ =	sdelay $0x4  }
0x300: {  	v5 =	vmul.f32 v5, v8;
	_ =	sdelay $0x1  }
0x301: {  	[tilespmem:s0+$0x30] =	vst v5  }
0x302: {  	v5 =	vld [tilespmem:s31+$0x40];
	_ =	sdelay $0x4  }
0x303: {  	v5 =	vmul.f32 v5, v8;
	_ =	sdelay $0x1  }
0x304: {  	[tilespmem:s0+$0x40] =	vst v5  }
0x305: {  	v7 =	vld [tilespmem:s31+$0x50]  }
.Ltmp6:
0x306: {  	s10 =	sshll.u32 s10, $0x3;
	(pc) =	sbr.rel @p1 .LBB2_15-.Ltmp6, $3  }
0x307: {  	s11 =	sor.u32 s4, s10;
	v5 =	vor.u32 s10, v1  }
0x308: {  	v6 =	vmov s11;
	v5 =	vbroadcast v5, $0x0;
	_ =	sdelay $0x1  }
0x309: {  	s11 =	smov.u32 s3;
	v7 =	vmul.f32 v7, v8  }
0x30a: {  	_ =	sdelay $0x2  }
0x30b: {  	[tilespmem:s0+$0x50] =	vst v7  }
0x30c: {  	s3 =	sadd.s32 $0xC0, s31;
	v6 =	vld.idx.msk [tilespmem:v6+s17+$0x0], $0xffff  }
0x30d: {  	v7 =	vld [tilespmem:s3+$0xFFFFFFA0];
	_ =	sdelay $0x4  }
0x30e: {  	v7 =	vmul.f32 v7, v6  }
0x30f: {  	s31 =	sadd.s32 $0xC0, s0  }
0x310: {  	v5 =	vld.idx.msk [tilespmem:v5+s17+$0x0], $0xffff;
	[tilespmem:s31+$0xFFFFFFA0] =	vst v7  }
0x311: {  	v7 =	vld [tilespmem:s3+$0xFFFFFFB0];
	_ =	sdelay $0x4  }
0x312: {  	v7 =	vmul.f32 v7, v6;
	_ =	sdelay $0x1  }
0x313: {  	[tilespmem:s31+$0xFFFFFFB0] =	vst v7  }
0x314: {  	v7 =	vld [tilespmem:s3+$0xFFFFFFC0];
	_ =	sdelay $0x4  }
0x315: {  	v7 =	vmul.f32 v7, v6;
	_ =	sdelay $0x1  }
0x316: {  	[tilespmem:s31+$0xFFFFFFC0] =	vst v7  }
0x317: {  	v7 =	vld [tilespmem:s3+$0xFFFFFFD0];
	_ =	sdelay $0x4  }
0x318: {  	v7 =	vmul.f32 v7, v6;
	_ =	sdelay $0x1  }
0x319: {  	[tilespmem:s31+$0xFFFFFFD0] =	vst v7  }
0x31a: {  	v7 =	vld [tilespmem:s3+$0xFFFFFFE0];
	_ =	sdelay $0x3  }
0x31b: {  	v6 =	vpsel p0, v6, v5  }
0x31c: {  	v7 =	vmul.f32 v7, v6;
	_ =	sdelay $0x1  }
0x31d: {  	[tilespmem:s31+$0xFFFFFFE0] =	vst v7  }
0x31e: {  	v7 =	vld [tilespmem:s3+$0xFFFFFFF0];
	_ =	sdelay $0x4  }
0x31f: {  	v7 =	vmul.f32 v7, v6;
	_ =	sdelay $0x1  }
0x320: {  	[tilespmem:s31+$0xFFFFFFF0] =	vst v7  }
0x321: {  	v7 =	vld [tilespmem:s3+$0x0];
	_ =	sdelay $0x4  }
0x322: {  	v7 =	vmul.f32 v7, v6;
	_ =	sdelay $0x1  }
0x323: {  	[tilespmem:s31+$0x0] =	vst v7  }
0x324: {  	v7 =	vld [tilespmem:s3+$0x10];
	_ =	sdelay $0x4  }
0x325: {  	v6 =	vmul.f32 v7, v6;
	_ =	sdelay $0x1  }
0x326: {  	[tilespmem:s31+$0x10] =	vst v6  }
0x327: {  	v6 =	vld [tilespmem:s3+$0x20];
	_ =	sdelay $0x4  }
0x328: {  	v6 =	vmul.f32 v6, v5;
	_ =	sdelay $0x1  }
0x329: {  	[tilespmem:s31+$0x20] =	vst v6  }
0x32a: {  	v6 =	vld [tilespmem:s3+$0x30];
	_ =	sdelay $0x4  }
0x32b: {  	v6 =	vmul.f32 v6, v5;
	_ =	sdelay $0x1  }
0x32c: {  	[tilespmem:s31+$0x30] =	vst v6  }
0x32d: {  	v6 =	vld [tilespmem:s3+$0x40];
	_ =	sdelay $0x4  }
0x32e: {  	v6 =	vmul.f32 v6, v5;
	_ =	sdelay $0x1  }
0x32f: {  	[tilespmem:s31+$0x40] =	vst v6  }
0x330: {  	v6 =	vld [tilespmem:s3+$0x50];
	_ =	sdelay $0x1  }
0x331: {  	s30 =	sadd.s32 $0x1, s30  }
0x332: {  	p1 =	sne.s32 s30, $0xFA  }
.Ltmp7:
0x333: {  	_ = 	snop;
	(pc) =	sbr.rel @p1 .LBB2_6-.Ltmp7, $3  }
0x334: {  	v5 =	vmul.f32 v6, v5;
	_ =	sdelay $0x1  }
0x335: {  	[tilespmem:s31+$0x50] =	vst v5  }
0x336: {  	[spmem:s2] =	stream.indirect_vreg.scatter.add.f32 [tilespmem:s15], [sflag:$0x3], $0xC0, v4, vm0, $0xb8;
	[tilespmem:$0x1FFA0] =	vst v63  }
0x337: {  	_ =	swait.ge [sflag:s22], $0xC00  }
0x338: {  	[sflag:s22] =	ssyncset.done $0x0  }
0x339: {  	s0 =	stileid.u32;
	[sflag:s22] =	ssyncadd.s32 $0xFFFFF400  }
0x33a: {  	s0 =	sshll.u32 s0, $0x6;
	[bflag:$0x0] =	sbarrier.arrive $0xFFFF  }
0x33b: {  	s0 =	sor.u32 $0x1C04, s0;
	s3 =	rddreg [dreg:$0x4]  }
0x33c: {  	[hbm:s3], [sflag:s0] =	dma.local [spmem:s25], $0x3A98  }
0x33d: {  	_ =	swait.ge [sflag:s14], $0x3A98  }
0x33e: {  	s5 =	sadd.s32 $0x1, s5;
	s31 =	rddreg [dreg:$0x5]  }
0x33f: {  	p1 =	sne.s32 s5, s31  }
.Ltmp8:
0x340: {  	_ = 	snop;
	(pc) =	sbr.rel @p1 .LBB2_1-.Ltmp8, $3  }
0x341: {  	_ =	sdelay $0x1  }
0x342: {  	[sflag:s14] =	ssyncset.done $0x0  }
0x343: {  	[sflag:s14] =	ssyncadd.s32 $0xFFFFC568  }
0x344: {  	_ =	sfence.sel $0x180000  }
0x345: {  	[bflag:$0x0] =	sbarrier.arrive $0xFFFF  }
0x346: {  	_ =	strace $0x9000004A  }
0x347: {  	s0 =	stileid.u32;
	[bflag:$0x2] =	sbarrier.arrive $0xFFFF  }
0x348: {  	p0 =	sne.s32 s0, $0x0;
	s0 =	rddreg [dreg:$0x3]  }
0x349: {  	s0 =	sadd.s32 @!p0 $0x100000, s0  }
0x34a: {  	[sflag:s0] =	ssyncadd.tile.s32 @!p0 $0x1;
	_ =	shalt  }
.Lfunc_end2:
_tile_overlayer_lowered:
.L_overlay_start_2:
0x34b: {  	(tag) =	ssettag $0x2  }
0x34c: {  	s0 =	rddreg [dreg:$0x0];
	s2 =	stileid.u32  }
0x34d: {  	s1 =	rddreg [dreg:$0x1];
	p0 =	sne.s32 s2, $0x0  }
0x34e: {  	s3 =	rddreg [dreg:$0x2];
	[bflag:$0x3] =	sbarrier.arrive $0xFFFF;
	s2 =	simm.s32 @!p0 $0x1C04  }
0x34f: {  	[timem:s3], [sflag:s2] =	dma.local @!p0 [hbm:s0], s1  }
0x350: {  	s0 =	simm.s32 @!p0 $0x4  }
0x351: {  	_ =	swait.ge @!p0 [sflag:s0], s1  }
0x352: {  	s1 =	ssub.s32 @!p0 $0x0, s1;
	[sflag:s0] =	ssyncset.done @!p0 $0x0  }
0x353: {  	[sflag:s0] =	ssyncadd.s32 @!p0 s1  }
0x354: {  	[bflag:$0x3] =	sbarrier.arrive $0xFFFF  }
0x355: {  	_ =	shalt  }

</sc_bundles>
